<compile_context>
chip_gen: v7x
topology: tpu7x:2x2x1
jax: 0.10.2.dev20260603
libtpu: 0.0.44.dev20260713+nightly
codegen_flags: <defaults>
</compile_context>

<pallas_src>
import jax
import jax.numpy as jnp
from jax import lax
from jax.experimental import pallas as pl
from jax.experimental.pallas import tpu as pltpu
from jax.experimental.pallas import tpu_sc as plsc

N = 10000
E = 320000
D = 128
H = 16
C = 3

NC = 2
NS = 16
NW = NC * NS
EPW = E // NW
CH = 1000
NCHUNK = EPW // CH
NBUF = 4
NP = 10240
ZR = NP // NS
G = 8
NG = N // G
NPG = NP // G


def _block_diag(w, rows, cols):
    tiled = jnp.tile(w, (G, G))
    r = lax.broadcasted_iota(jnp.int32, (G * rows, G * cols), 0) // rows
    c = lax.broadcasted_iota(jnp.int32, (G * rows, G * cols), 1) // cols
    return jnp.where(r == c, tiled, 0.0)


def _mm1_body(x_ref, w_ref, o_ref):
    w = _block_diag(w_ref[...], D, H)
    o_ref[...] = jnp.dot(x_ref[...], w, preferred_element_type=jnp.float32)


def _mid_body(p_ref, b_ref, o_ref):
    b = jnp.tile(b_ref[...], (1, G))
    o_ref[...] = jnp.maximum(p_ref[0] + p_ref[1] + b, 0.0)


def _fin_body(p_ref, w_ref, b_ref, o_ref):
    agg = p_ref[0, :NG] + p_ref[1, :NG]
    w = _block_diag(w_ref[...], H, C)
    b = jnp.tile(b_ref[...], (1, G))
    o_ref[...] = jnp.dot(agg, w, preferred_element_type=jnp.float32) + b


def _sc_body(y_hbm, ei_hbm, zeros_hbm, out_hbm,
             acc, src_all, dst_all, rows0, rows1, rows2, rows3,
             gsem, ssem0, ssem1, ssem2, ssem3, isem):
    c = lax.axis_index("c")
    s = lax.axis_index("s")
    wid = s * NC + c
    z0 = s * ZR
    base = wid * EPW
    idx_d = []
    for k in range(NCHUNK):
        off = base + k * CH
        idx_d.append(pltpu.async_copy(ei_hbm.at[0, pl.ds(off, CH)],
                                      src_all.at[k], isem))
        idx_d.append(pltpu.async_copy(ei_hbm.at[1, pl.ds(off, CH)],
                                      dst_all.at[k], isem))
    pltpu.sync_copy(zeros_hbm.at[pl.ds(z0, ZR)], acc.at[pl.ds(z0, ZR)])
    for d in idx_d:
        d.wait()
    plsc.subcore_barrier()
    rows = (rows0, rows1, rows2, rows3)[:NBUF]
    ssems = (ssem0, ssem1, ssem2, ssem3)[:NBUF]
    gd = [None] * NCHUNK
    sd = [None] * NCHUNK
    for k in range(min(NBUF - 1, NCHUNK)):
        gd[k] = pltpu.async_copy(y_hbm.at[src_all.at[k]], rows[k], gsem)
    for k in range(NCHUNK):
        gd[k].wait()
        sd[k] = pltpu.async_copy(rows[k % NBUF], acc.at[dst_all.at[k]],
                                 ssems[k % NBUF], add=True)
        nxt = k + NBUF - 1
        if nxt < NCHUNK:
            if k - 1 >= 0:
                sd[k - 1].wait()
            gd[nxt] = pltpu.async_copy(y_hbm.at[src_all.at[nxt]],
                                       rows[nxt % NBUF], gsem)
    for k in range(max(0, NCHUNK - NBUF), NCHUNK):
        sd[k].wait()
    plsc.subcore_barrier()
    pltpu.sync_copy(acc.at[pl.ds(z0, ZR)], out_hbm.at[c, pl.ds(z0, ZR)])


_segsum = pl.kernel(
    _sc_body,
    out_type=jax.ShapeDtypeStruct((NC, NP, H), jnp.float32),
    mesh=plsc.VectorSubcoreMesh(core_axis_name="c", subcore_axis_name="s"),
    scratch_types=[
        pltpu.VMEM_SHARED((NP, H), jnp.float32),
        pltpu.VMEM((NCHUNK, CH), jnp.int32),
        pltpu.VMEM((NCHUNK, CH), jnp.int32),
        pltpu.VMEM((CH, H), jnp.float32),
        pltpu.VMEM((CH, H), jnp.float32),
        pltpu.VMEM((CH, H), jnp.float32),
        pltpu.VMEM((CH, H), jnp.float32),
        pltpu.SemaphoreType.DMA,
        pltpu.SemaphoreType.DMA,
        pltpu.SemaphoreType.DMA,
        pltpu.SemaphoreType.DMA,
        pltpu.SemaphoreType.DMA,
        pltpu.SemaphoreType.DMA,
    ],
    compiler_params=pltpu.CompilerParams(use_tc_tiling_on_sc=False),
)


def kernel(x, edge_index, W1, b1, W2, b2):
    zeros = jnp.zeros((NP, H), jnp.float32)

    y8 = pl.pallas_call(
        _mm1_body,
        out_shape=jax.ShapeDtypeStruct((NG, G * H), jnp.float32),
    )(x.reshape(NG, G * D), W1)
    y = y8.reshape(N, H)

    p1 = _segsum(y, edge_index, zeros)

    h8 = pl.pallas_call(
        _mid_body,
        out_shape=jax.ShapeDtypeStruct((NPG, G * H), jnp.float32),
    )(p1.reshape(NC, NPG, G * H), b1.reshape(1, H))
    h = h8.reshape(NP, H)

    p2 = _segsum(h, edge_index, zeros)

    out8 = pl.pallas_call(
        _fin_body,
        out_shape=jax.ShapeDtypeStruct((NG, G * C), jnp.float32),
    )(p2.reshape(NC, NPG, G * H), W2, b2.reshape(1, C))
    return out8.reshape(N, C)

# --- scband reference (transcript-rebuilt; emitter-appended) ---
"""Pipeline reference for scband-net-57887569215769 (READ-ONLY COPY).

The authoritative reference and input builder live on the scoring server;
editing this copy changes nothing except your own understanding.
"""

import jax, jax.numpy as jnp
import numpy as np

N = 10000
E = 320000
D = 128
H = 16
C = 3


def setup_inputs(seed: int = 0) -> dict:
    key = jax.random.key(seed)
    ks = jax.random.split(key, 6)
    x = jax.random.normal(ks[0], (N, D), dtype=jnp.float32)
    edge_index = jax.random.randint(ks[1], (2, E), 0, N, dtype=jnp.int32)
    W1 = jax.random.normal(ks[2], (D, H), dtype=jnp.float32) * 0.05
    b1 = jnp.zeros((H,), dtype=jnp.float32)
    W2 = jax.random.normal(ks[3], (H, C), dtype=jnp.float32) * 0.05
    b2 = jnp.zeros((C,), dtype=jnp.float32)
    return {"x": x, "edge_index": edge_index, "W1": W1, "b1": b1, "W2": W2, "b2": b2}


def reference(x, edge_index, W1, b1, W2, b2):
    # 2-layer GCN (DGL-tutorial GCNLayer semantics):
    #   layer(g, feat): h = sum_{(u->v) in E} feat[u] aggregated at v, then Linear(h)
    # forward(): x = relu(layer1(g, feats)); x = layer2(g, x)
    src = edge_index[0]
    dst = edge_index[1]
    # layer 1: copy-src message + sum reduce, then linear
    agg1 = jax.ops.segment_sum(x[src], dst, num_segments=N)
    h = jax.nn.relu(agg1 @ W1 + b1)
    # layer 2
    agg2 = jax.ops.segment_sum(h[src], dst, num_segments=N)
    out = agg2 @ W2 + b2
    return out

if __name__ == "__main__":
    import jax
    _d = setup_inputs()
    print(jax.jit(kernel)(*tuple(_d.values())))

</pallas_src>

<mosaic_0001>
#map = affine_map<(d0, d1) -> (0, 0)>
#map1 = affine_map<(d0, d1) -> (0, 0, 0)>
module attributes {stable_mosaic.version = 14 : i64} {
  func.func @_sc_body(%arg0: i32, %arg1: i32, %arg2: memref<10000x16xf32, #tpu.memory_space<hbm>>, %arg3: memref<2x320000xi32, #tpu.memory_space<hbm>>, %arg4: memref<10240x16xf32, #tpu.memory_space<hbm>>, %arg5: memref<2x10240x16xf32, #tpu.memory_space<hbm>>, %arg6: memref<10240x16xf32, #tpu.memory_space<vmem_shared>>, %arg7: memref<10x1000xi32, #tpu.memory_space<vmem>>, %arg8: memref<10x1000xi32, #tpu.memory_space<vmem>>, %arg9: memref<1000x16xf32, #tpu.memory_space<vmem>>, %arg10: memref<1000x16xf32, #tpu.memory_space<vmem>>, %arg11: memref<1000x16xf32, #tpu.memory_space<vmem>>, %arg12: memref<1000x16xf32, #tpu.memory_space<vmem>>, %arg13: memref<!tpu.dma_semaphore, #tpu.memory_space<semaphore_mem>>, %arg14: memref<!tpu.dma_semaphore, #tpu.memory_space<semaphore_mem>>, %arg15: memref<!tpu.dma_semaphore, #tpu.memory_space<semaphore_mem>>, %arg16: memref<!tpu.dma_semaphore, #tpu.memory_space<semaphore_mem>>, %arg17: memref<!tpu.dma_semaphore, #tpu.memory_space<semaphore_mem>>, %arg18: memref<!tpu.dma_semaphore, #tpu.memory_space<semaphore_mem>>) attributes {dimension_semantics = [#tpu.dimension_semantics<core_parallel>, #tpu.dimension_semantics<subcore_parallel>], iteration_bounds = array<i64: 2, 16>, scalar_prefetch = 0 : i64, scratch_operands = 13 : i64, tpu.core_type = #tpu.core_type<sc_vector_subcore>, window_params = [{transform_indices = #map}, {transform_indices = #map}, {transform_indices = #map}, {transform_indices = #map1}]} {
    %mul3A = arith.constant 2 : i32
    %mul3A_0 = arith.muli %arg1, %mul3A : i32
    %add3A = arith.addi %mul3A_0, %arg0 : i32
    %mul3A_1 = arith.constant 640 : i32
    %mul3A_2 = arith.muli %arg1, %mul3A_1 : i32
    %mul3A_3 = arith.constant 10000 : i32
    %mul3A_4 = arith.muli %add3A, %mul3A_3 : i32
    %add3A_5 = arith.constant 0 : i32
    %add3A_6 = arith.addi %mul3A_4, %add3A_5 : i32
    %dma_start3A = arith.constant 0 : i32
    %dma_start3A_7 = arith.constant 0 : i32
    %dma_start3A_8 = arith.constant 0 : i32
    %dma_start3A_9 = tpu.memref_slice %arg7[%dma_start3A_7, %dma_start3A_8] : memref<10x1000xi32, #tpu.memory_space<vmem>> -> memref<1x1000xi32, #tpu.memory_space<vmem>>
    %dma_start3A_10 = tpu.memref_squeeze %dma_start3A_9 : memref<1x1000xi32, #tpu.memory_space<vmem>> -> memref<1000xi32, #tpu.memory_space<vmem>>
    %dma_start3A_11 = tpu.memref_slice %arg3[%dma_start3A, %add3A_6] : memref<2x320000xi32, #tpu.memory_space<hbm>> -> memref<1x1000xi32, #tpu.memory_space<hbm>>
    %dma_start3A_12 = tpu.memref_squeeze %dma_start3A_11 : memref<1x1000xi32, #tpu.memory_space<hbm>> -> memref<1000xi32, #tpu.memory_space<hbm>>
    %dma_start3A_13 = arith.constant 0 : i32
    %dma_start3A_14 = tpu.memref_slice %arg7[%dma_start3A_7, %dma_start3A_13] : memref<10x1000xi32, #tpu.memory_space<vmem>> -> memref<1x1000xi32, #tpu.memory_space<vmem>>
    %dma_start3A_15 = tpu.memref_squeeze %dma_start3A_14 : memref<1x1000xi32, #tpu.memory_space<vmem>> -> memref<1000xi32, #tpu.memory_space<vmem>>
    %dma_start3A_16 = tpu.memref_slice %arg3[%dma_start3A, %add3A_6] : memref<2x320000xi32, #tpu.memory_space<hbm>> -> memref<1x1000xi32, #tpu.memory_space<hbm>>
    %dma_start3A_17 = tpu.memref_squeeze %dma_start3A_16 : memref<1x1000xi32, #tpu.memory_space<hbm>> -> memref<1000xi32, #tpu.memory_space<hbm>>
    tpu.enqueue_dma source(%dma_start3A_17 : memref<1000xi32, #tpu.memory_space<hbm>>) target(%dma_start3A_15 : memref<1000xi32, #tpu.memory_space<vmem>>) target_semaphore(%arg18 : memref<!tpu.dma_semaphore, #tpu.memory_space<semaphore_mem>>)
    %dma_start3A_18 = arith.constant 1 : i32
    %dma_start3A_19 = arith.constant 0 : i32
    %dma_start3A_20 = arith.constant 0 : i32
    %dma_start3A_21 = tpu.memref_slice %arg8[%dma_start3A_19, %dma_start3A_20] : memref<10x1000xi32, #tpu.memory_space<vmem>> -> memref<1x1000xi32, #tpu.memory_space<vmem>>
    %dma_start3A_22 = tpu.memref_squeeze %dma_start3A_21 : memref<1x1000xi32, #tpu.memory_space<vmem>> -> memref<1000xi32, #tpu.memory_space<vmem>>
    %dma_start3A_23 = tpu.memref_slice %arg3[%dma_start3A_18, %add3A_6] : memref<2x320000xi32, #tpu.memory_space<hbm>> -> memref<1x1000xi32, #tpu.memory_space<hbm>>
    %dma_start3A_24 = tpu.memref_squeeze %dma_start3A_23 : memref<1x1000xi32, #tpu.memory_space<hbm>> -> memref<1000xi32, #tpu.memory_space<hbm>>
    %dma_start3A_25 = arith.constant 0 : i32
    %dma_start3A_26 = tpu.memref_slice %arg8[%dma_start3A_19, %dma_start3A_25] : memref<10x1000xi32, #tpu.memory_space<vmem>> -> memref<1x1000xi32, #tpu.memory_space<vmem>>
    %dma_start3A_27 = tpu.memref_squeeze %dma_start3A_26 : memref<1x1000xi32, #tpu.memory_space<vmem>> -> memref<1000xi32, #tpu.memory_space<vmem>>
    %dma_start3A_28 = tpu.memref_slice %arg3[%dma_start3A_18, %add3A_6] : memref<2x320000xi32, #tpu.memory_space<hbm>> -> memref<1x1000xi32, #tpu.memory_space<hbm>>
    %dma_start3A_29 = tpu.memref_squeeze %dma_start3A_28 : memref<1x1000xi32, #tpu.memory_space<hbm>> -> memref<1000xi32, #tpu.memory_space<hbm>>
    tpu.enqueue_dma source(%dma_start3A_29 : memref<1000xi32, #tpu.memory_space<hbm>>) target(%dma_start3A_27 : memref<1000xi32, #tpu.memory_space<vmem>>) target_semaphore(%arg18 : memref<!tpu.dma_semaphore, #tpu.memory_space<semaphore_mem>>)
    %add3A_30 = arith.constant 1000 : i32
    %add3A_31 = arith.addi %mul3A_4, %add3A_30 : i32
    %dma_start3A_32 = arith.constant 0 : i32
    %dma_start3A_33 = arith.constant 1 : i32
    %dma_start3A_34 = arith.constant 0 : i32
    %dma_start3A_35 = tpu.memref_slice %arg7[%dma_start3A_33, %dma_start3A_34] : memref<10x1000xi32, #tpu.memory_space<vmem>> -> memref<1x1000xi32, #tpu.memory_space<vmem>>
    %dma_start3A_36 = tpu.memref_squeeze %dma_start3A_35 : memref<1x1000xi32, #tpu.memory_space<vmem>> -> memref<1000xi32, #tpu.memory_space<vmem>>
    %dma_start3A_37 = tpu.memref_slice %arg3[%dma_start3A_32, %add3A_31] : memref<2x320000xi32, #tpu.memory_space<hbm>> -> memref<1x1000xi32, #tpu.memory_space<hbm>>
    %dma_start3A_38 = tpu.memref_squeeze %dma_start3A_37 : memref<1x1000xi32, #tpu.memory_space<hbm>> -> memref<1000xi32, #tpu.memory_space<hbm>>
    %dma_start3A_39 = arith.constant 0 : i32
    %dma_start3A_40 = tpu.memref_slice %arg7[%dma_start3A_33, %dma_start3A_39] : memref<10x1000xi32, #tpu.memory_space<vmem>> -> memref<1x1000xi32, #tpu.memory_space<vmem>>
    %dma_start3A_41 = tpu.memref_squeeze %dma_start3A_40 : memref<1x1000xi32, #tpu.memory_space<vmem>> -> memref<1000xi32, #tpu.memory_space<vmem>>
    %dma_start3A_42 = tpu.memref_slice %arg3[%dma_start3A_32, %add3A_31] : memref<2x320000xi32, #tpu.memory_space<hbm>> -> memref<1x1000xi32, #tpu.memory_space<hbm>>
    %dma_start3A_43 = tpu.memref_squeeze %dma_start3A_42 : memref<1x1000xi32, #tpu.memory_space<hbm>> -> memref<1000xi32, #tpu.memory_space<hbm>>
    tpu.enqueue_dma source(%dma_start3A_43 : memref<1000xi32, #tpu.memory_space<hbm>>) target(%dma_start3A_41 : memref<1000xi32, #tpu.memory_space<vmem>>) target_semaphore(%arg18 : memref<!tpu.dma_semaphore, #tpu.memory_space<semaphore_mem>>)
    %dma_start3A_44 = arith.constant 1 : i32
    %dma_start3A_45 = arith.constant 1 : i32
    %dma_start3A_46 = arith.constant 0 : i32
    %dma_start3A_47 = tpu.memref_slice %arg8[%dma_start3A_45, %dma_start3A_46] : memref<10x1000xi32, #tpu.memory_space<vmem>> -> memref<1x1000xi32, #tpu.memory_space<vmem>>
    %dma_start3A_48 = tpu.memref_squeeze %dma_start3A_47 : memref<1x1000xi32, #tpu.memory_space<vmem>> -> memref<1000xi32, #tpu.memory_space<vmem>>
    %dma_start3A_49 = tpu.memref_slice %arg3[%dma_start3A_44, %add3A_31] : memref<2x320000xi32, #tpu.memory_space<hbm>> -> memref<1x1000xi32, #tpu.memory_space<hbm>>
    %dma_start3A_50 = tpu.memref_squeeze %dma_start3A_49 : memref<1x1000xi32, #tpu.memory_space<hbm>> -> memref<1000xi32, #tpu.memory_space<hbm>>
    %dma_start3A_51 = arith.constant 0 : i32
    %dma_start3A_52 = tpu.memref_slice %arg8[%dma_start3A_45, %dma_start3A_51] : memref<10x1000xi32, #tpu.memory_space<vmem>> -> memref<1x1000xi32, #tpu.memory_space<vmem>>
    %dma_start3A_53 = tpu.memref_squeeze %dma_start3A_52 : memref<1x1000xi32, #tpu.memory_space<vmem>> -> memref<1000xi32, #tpu.memory_space<vmem>>
    %dma_start3A_54 = tpu.memref_slice %arg3[%dma_start3A_44, %add3A_31] : memref<2x320000xi32, #tpu.memory_space<hbm>> -> memref<1x1000xi32, #tpu.memory_space<hbm>>
    %dma_start3A_55 = tpu.memref_squeeze %dma_start3A_54 : memref<1x1000xi32, #tpu.memory_space<hbm>> -> memref<1000xi32, #tpu.memory_space<hbm>>
    tpu.enqueue_dma source(%dma_start3A_55 : memref<1000xi32, #tpu.memory_space<hbm>>) target(%dma_start3A_53 : memref<1000xi32, #tpu.memory_space<vmem>>) target_semaphore(%arg18 : memref<!tpu.dma_semaphore, #tpu.memory_space<semaphore_mem>>)
    %add3A_56 = arith.constant 2000 : i32
    %add3A_57 = arith.addi %mul3A_4, %add3A_56 : i32
    %dma_start3A_58 = arith.constant 0 : i32
    %dma_start3A_59 = arith.constant 2 : i32
    %dma_start3A_60 = arith.constant 0 : i32
    %dma_start3A_61 = tpu.memref_slice %arg7[%dma_start3A_59, %dma_start3A_60] : memref<10x1000xi32, #tpu.memory_space<vmem>> -> memref<1x1000xi32, #tpu.memory_space<vmem>>
    %dma_start3A_62 = tpu.memref_squeeze %dma_start3A_61 : memref<1x1000xi32, #tpu.memory_space<vmem>> -> memref<1000xi32, #tpu.memory_space<vmem>>
    %dma_start3A_63 = tpu.memref_slice %arg3[%dma_start3A_58, %add3A_57] : memref<2x320000xi32, #tpu.memory_space<hbm>> -> memref<1x1000xi32, #tpu.memory_space<hbm>>
    %dma_start3A_64 = tpu.memref_squeeze %dma_start3A_63 : memref<1x1000xi32, #tpu.memory_space<hbm>> -> memref<1000xi32, #tpu.memory_space<hbm>>
    %dma_start3A_65 = arith.constant 0 : i32
    %dma_start3A_66 = tpu.memref_slice %arg7[%dma_start3A_59, %dma_start3A_65] : memref<10x1000xi32, #tpu.memory_space<vmem>> -> memref<1x1000xi32, #tpu.memory_space<vmem>>
    %dma_start3A_67 = tpu.memref_squeeze %dma_start3A_66 : memref<1x1000xi32, #tpu.memory_space<vmem>> -> memref<1000xi32, #tpu.memory_space<vmem>>
    %dma_start3A_68 = tpu.memref_slice %arg3[%dma_start3A_58, %add3A_57] : memref<2x320000xi32, #tpu.memory_space<hbm>> -> memref<1x1000xi32, #tpu.memory_space<hbm>>
    %dma_start3A_69 = tpu.memref_squeeze %dma_start3A_68 : memref<1x1000xi32, #tpu.memory_space<hbm>> -> memref<1000xi32, #tpu.memory_space<hbm>>
    tpu.enqueue_dma source(%dma_start3A_69 : memref<1000xi32, #tpu.memory_space<hbm>>) target(%dma_start3A_67 : memref<1000xi32, #tpu.memory_space<vmem>>) target_semaphore(%arg18 : memref<!tpu.dma_semaphore, #tpu.memory_space<semaphore_mem>>)
    %dma_start3A_70 = arith.constant 1 : i32
    %dma_start3A_71 = arith.constant 2 : i32
    %dma_start3A_72 = arith.constant 0 : i32
    %dma_start3A_73 = tpu.memref_slice %arg8[%dma_start3A_71, %dma_start3A_72] : memref<10x1000xi32, #tpu.memory_space<vmem>> -> memref<1x1000xi32, #tpu.memory_space<vmem>>
    %dma_start3A_74 = tpu.memref_squeeze %dma_start3A_73 : memref<1x1000xi32, #tpu.memory_space<vmem>> -> memref<1000xi32, #tpu.memory_space<vmem>>
    %dma_start3A_75 = tpu.memref_slice %arg3[%dma_start3A_70, %add3A_57] : memref<2x320000xi32, #tpu.memory_space<hbm>> -> memref<1x1000xi32, #tpu.memory_space<hbm>>
    %dma_start3A_76 = tpu.memref_squeeze %dma_start3A_75 : memref<1x1000xi32, #tpu.memory_space<hbm>> -> memref<1000xi32, #tpu.memory_space<hbm>>
    %dma_start3A_77 = arith.constant 0 : i32
    %dma_start3A_78 = tpu.memref_slice %arg8[%dma_start3A_71, %dma_start3A_77] : memref<10x1000xi32, #tpu.memory_space<vmem>> -> memref<1x1000xi32, #tpu.memory_space<vmem>>
    %dma_start3A_79 = tpu.memref_squeeze %dma_start3A_78 : memref<1x1000xi32, #tpu.memory_space<vmem>> -> memref<1000xi32, #tpu.memory_space<vmem>>
    %dma_start3A_80 = tpu.memref_slice %arg3[%dma_start3A_70, %add3A_57] : memref<2x320000xi32, #tpu.memory_space<hbm>> -> memref<1x1000xi32, #tpu.memory_space<hbm>>
    %dma_start3A_81 = tpu.memref_squeeze %dma_start3A_80 : memref<1x1000xi32, #tpu.memory_space<hbm>> -> memref<1000xi32, #tpu.memory_space<hbm>>
    tpu.enqueue_dma source(%dma_start3A_81 : memref<1000xi32, #tpu.memory_space<hbm>>) target(%dma_start3A_79 : memref<1000xi32, #tpu.memory_space<vmem>>) target_semaphore(%arg18 : memref<!tpu.dma_semaphore, #tpu.memory_space<semaphore_mem>>)
    %add3A_82 = arith.constant 3000 : i32
    %add3A_83 = arith.addi %mul3A_4, %add3A_82 : i32
    %dma_start3A_84 = arith.constant 0 : i32
    %dma_start3A_85 = arith.constant 3 : i32
    %dma_start3A_86 = arith.constant 0 : i32
    %dma_start3A_87 = tpu.memref_slice %arg7[%dma_start3A_85, %dma_start3A_86] : memref<10x1000xi32, #tpu.memory_space<vmem>> -> memref<1x1000xi32, #tpu.memory_space<vmem>>
    %dma_start3A_88 = tpu.memref_squeeze %dma_start3A_87 : memref<1x1000xi32, #tpu.memory_space<vmem>> -> memref<1000xi32, #tpu.memory_space<vmem>>
    %dma_start3A_89 = tpu.memref_slice %arg3[%dma_start3A_84, %add3A_83] : memref<2x320000xi32, #tpu.memory_space<hbm>> -> memref<1x1000xi32, #tpu.memory_space<hbm>>
    %dma_start3A_90 = tpu.memref_squeeze %dma_start3A_89 : memref<1x1000xi32, #tpu.memory_space<hbm>> -> memref<1000xi32, #tpu.memory_space<hbm>>
    %dma_start3A_91 = arith.constant 0 : i32
    %dma_start3A_92 = tpu.memref_slice %arg7[%dma_start3A_85, %dma_start3A_91] : memref<10x1000xi32, #tpu.memory_space<vmem>> -> memref<1x1000xi32, #tpu.memory_space<vmem>>
    %dma_start3A_93 = tpu.memref_squeeze %dma_start3A_92 : memref<1x1000xi32, #tpu.memory_space<vmem>> -> memref<1000xi32, #tpu.memory_space<vmem>>
    %dma_start3A_94 = tpu.memref_slice %arg3[%dma_start3A_84, %add3A_83] : memref<2x320000xi32, #tpu.memory_space<hbm>> -> memref<1x1000xi32, #tpu.memory_space<hbm>>
    %dma_start3A_95 = tpu.memref_squeeze %dma_start3A_94 : memref<1x1000xi32, #tpu.memory_space<hbm>> -> memref<1000xi32, #tpu.memory_space<hbm>>
    tpu.enqueue_dma source(%dma_start3A_95 : memref<1000xi32, #tpu.memory_space<hbm>>) target(%dma_start3A_93 : memref<1000xi32, #tpu.memory_space<vmem>>) target_semaphore(%arg18 : memref<!tpu.dma_semaphore, #tpu.memory_space<semaphore_mem>>)
    %dma_start3A_96 = arith.constant 1 : i32
    %dma_start3A_97 = arith.constant 3 : i32
    %dma_start3A_98 = arith.constant 0 : i32
    %dma_start3A_99 = tpu.memref_slice %arg8[%dma_start3A_97, %dma_start3A_98] : memref<10x1000xi32, #tpu.memory_space<vmem>> -> memref<1x1000xi32, #tpu.memory_space<vmem>>
    %dma_start3A_100 = tpu.memref_squeeze %dma_start3A_99 : memref<1x1000xi32, #tpu.memory_space<vmem>> -> memref<1000xi32, #tpu.memory_space<vmem>>
    %dma_start3A_101 = tpu.memref_slice %arg3[%dma_start3A_96, %add3A_83] : memref<2x320000xi32, #tpu.memory_space<hbm>> -> memref<1x1000xi32, #tpu.memory_space<hbm>>
    %dma_start3A_102 = tpu.memref_squeeze %dma_start3A_101 : memref<1x1000xi32, #tpu.memory_space<hbm>> -> memref<1000xi32, #tpu.memory_space<hbm>>
    %dma_start3A_103 = arith.constant 0 : i32
    %dma_start3A_104 = tpu.memref_slice %arg8[%dma_start3A_97, %dma_start3A_103] : memref<10x1000xi32, #tpu.memory_space<vmem>> -> memref<1x1000xi32, #tpu.memory_space<vmem>>
    %dma_start3A_105 = tpu.memref_squeeze %dma_start3A_104 : memref<1x1000xi32, #tpu.memory_space<vmem>> -> memref<1000xi32, #tpu.memory_space<vmem>>
    %dma_start3A_106 = tpu.memref_slice %arg3[%dma_start3A_96, %add3A_83] : memref<2x320000xi32, #tpu.memory_space<hbm>> -> memref<1x1000xi32, #tpu.memory_space<hbm>>
    %dma_start3A_107 = tpu.memref_squeeze %dma_start3A_106 : memref<1x1000xi32, #tpu.memory_space<hbm>> -> memref<1000xi32, #tpu.memory_space<hbm>>
    tpu.enqueue_dma source(%dma_start3A_107 : memref<1000xi32, #tpu.memory_space<hbm>>) target(%dma_start3A_105 : memref<1000xi32, #tpu.memory_space<vmem>>) target_semaphore(%arg18 : memref<!tpu.dma_semaphore, #tpu.memory_space<semaphore_mem>>)
    %add3A_108 = arith.constant 4000 : i32
    %add3A_109 = arith.addi %mul3A_4, %add3A_108 : i32
    %dma_start3A_110 = arith.constant 0 : i32
    %dma_start3A_111 = arith.constant 4 : i32
    %dma_start3A_112 = arith.constant 0 : i32
    %dma_start3A_113 = tpu.memref_slice %arg7[%dma_start3A_111, %dma_start3A_112] : memref<10x1000xi32, #tpu.memory_space<vmem>> -> memref<1x1000xi32, #tpu.memory_space<vmem>>
    %dma_start3A_114 = tpu.memref_squeeze %dma_start3A_113 : memref<1x1000xi32, #tpu.memory_space<vmem>> -> memref<1000xi32, #tpu.memory_space<vmem>>
    %dma_start3A_115 = tpu.memref_slice %arg3[%dma_start3A_110, %add3A_109] : memref<2x320000xi32, #tpu.memory_space<hbm>> -> memref<1x1000xi32, #tpu.memory_space<hbm>>
    %dma_start3A_116 = tpu.memref_squeeze %dma_start3A_115 : memref<1x1000xi32, #tpu.memory_space<hbm>> -> memref<1000xi32, #tpu.memory_space<hbm>>
    %dma_start3A_117 = arith.constant 0 : i32
    %dma_start3A_118 = tpu.memref_slice %arg7[%dma_start3A_111, %dma_start3A_117] : memref<10x1000xi32, #tpu.memory_space<vmem>> -> memref<1x1000xi32, #tpu.memory_space<vmem>>
    %dma_start3A_119 = tpu.memref_squeeze %dma_start3A_118 : memref<1x1000xi32, #tpu.memory_space<vmem>> -> memref<1000xi32, #tpu.memory_space<vmem>>
    %dma_start3A_120 = tpu.memref_slice %arg3[%dma_start3A_110, %add3A_109] : memref<2x320000xi32, #tpu.memory_space<hbm>> -> memref<1x1000xi32, #tpu.memory_space<hbm>>
    %dma_start3A_121 = tpu.memref_squeeze %dma_start3A_120 : memref<1x1000xi32, #tpu.memory_space<hbm>> -> memref<1000xi32, #tpu.memory_space<hbm>>
    tpu.enqueue_dma source(%dma_start3A_121 : memref<1000xi32, #tpu.memory_space<hbm>>) target(%dma_start3A_119 : memref<1000xi32, #tpu.memory_space<vmem>>) target_semaphore(%arg18 : memref<!tpu.dma_semaphore, #tpu.memory_space<semaphore_mem>>)
    %dma_start3A_122 = arith.constant 1 : i32
    %dma_start3A_123 = arith.constant 4 : i32
    %dma_start3A_124 = arith.constant 0 : i32
    %dma_start3A_125 = tpu.memref_slice %arg8[%dma_start3A_123, %dma_start3A_124] : memref<10x1000xi32, #tpu.memory_space<vmem>> -> memref<1x1000xi32, #tpu.memory_space<vmem>>
    %dma_start3A_126 = tpu.memref_squeeze %dma_start3A_125 : memref<1x1000xi32, #tpu.memory_space<vmem>> -> memref<1000xi32, #tpu.memory_space<vmem>>
    %dma_start3A_127 = tpu.memref_slice %arg3[%dma_start3A_122, %add3A_109] : memref<2x320000xi32, #tpu.memory_space<hbm>> -> memref<1x1000xi32, #tpu.memory_space<hbm>>
    %dma_start3A_128 = tpu.memref_squeeze %dma_start3A_127 : memref<1x1000xi32, #tpu.memory_space<hbm>> -> memref<1000xi32, #tpu.memory_space<hbm>>
    %dma_start3A_129 = arith.constant 0 : i32
    %dma_start3A_130 = tpu.memref_slice %arg8[%dma_start3A_123, %dma_start3A_129] : memref<10x1000xi32, #tpu.memory_space<vmem>> -> memref<1x1000xi32, #tpu.memory_space<vmem>>
    %dma_start3A_131 = tpu.memref_squeeze %dma_start3A_130 : memref<1x1000xi32, #tpu.memory_space<vmem>> -> memref<1000xi32, #tpu.memory_space<vmem>>
    %dma_start3A_132 = tpu.memref_slice %arg3[%dma_start3A_122, %add3A_109] : memref<2x320000xi32, #tpu.memory_space<hbm>> -> memref<1x1000xi32, #tpu.memory_space<hbm>>
    %dma_start3A_133 = tpu.memref_squeeze %dma_start3A_132 : memref<1x1000xi32, #tpu.memory_space<hbm>> -> memref<1000xi32, #tpu.memory_space<hbm>>
    tpu.enqueue_dma source(%dma_start3A_133 : memref<1000xi32, #tpu.memory_space<hbm>>) target(%dma_start3A_131 : memref<1000xi32, #tpu.memory_space<vmem>>) target_semaphore(%arg18 : memref<!tpu.dma_semaphore, #tpu.memory_space<semaphore_mem>>)
    %add3A_134 = arith.constant 5000 : i32
    %add3A_135 = arith.addi %mul3A_4, %add3A_134 : i32
    %dma_start3A_136 = arith.constant 0 : i32
    %dma_start3A_137 = arith.constant 5 : i32
    %dma_start3A_138 = arith.constant 0 : i32
    %dma_start3A_139 = tpu.memref_slice %arg7[%dma_start3A_137, %dma_start3A_138] : memref<10x1000xi32, #tpu.memory_space<vmem>> -> memref<1x1000xi32, #tpu.memory_space<vmem>>
    %dma_start3A_140 = tpu.memref_squeeze %dma_start3A_139 : memref<1x1000xi32, #tpu.memory_space<vmem>> -> memref<1000xi32, #tpu.memory_space<vmem>>
    %dma_start3A_141 = tpu.memref_slice %arg3[%dma_start3A_136, %add3A_135] : memref<2x320000xi32, #tpu.memory_space<hbm>> -> memref<1x1000xi32, #tpu.memory_space<hbm>>
    %dma_start3A_142 = tpu.memref_squeeze %dma_start3A_141 : memref<1x1000xi32, #tpu.memory_space<hbm>> -> memref<1000xi32, #tpu.memory_space<hbm>>
    %dma_start3A_143 = arith.constant 0 : i32
    %dma_start3A_144 = tpu.memref_slice %arg7[%dma_start3A_137, %dma_start3A_143] : memref<10x1000xi32, #tpu.memory_space<vmem>> -> memref<1x1000xi32, #tpu.memory_space<vmem>>
    %dma_start3A_145 = tpu.memref_squeeze %dma_start3A_144 : memref<1x1000xi32, #tpu.memory_space<vmem>> -> memref<1000xi32, #tpu.memory_space<vmem>>
    %dma_start3A_146 = tpu.memref_slice %arg3[%dma_start3A_136, %add3A_135] : memref<2x320000xi32, #tpu.memory_space<hbm>> -> memref<1x1000xi32, #tpu.memory_space<hbm>>
    %dma_start3A_147 = tpu.memref_squeeze %dma_start3A_146 : memref<1x1000xi32, #tpu.memory_space<hbm>> -> memref<1000xi32, #tpu.memory_space<hbm>>
    tpu.enqueue_dma source(%dma_start3A_147 : memref<1000xi32, #tpu.memory_space<hbm>>) target(%dma_start3A_145 : memref<1000xi32, #tpu.memory_space<vmem>>) target_semaphore(%arg18 : memref<!tpu.dma_semaphore, #tpu.memory_space<semaphore_mem>>)
    %dma_start3A_148 = arith.constant 1 : i32
    %dma_start3A_149 = arith.constant 5 : i32
    %dma_start3A_150 = arith.constant 0 : i32
    %dma_start3A_151 = tpu.memref_slice %arg8[%dma_start3A_149, %dma_start3A_150] : memref<10x1000xi32, #tpu.memory_space<vmem>> -> memref<1x1000xi32, #tpu.memory_space<vmem>>
    %dma_start3A_152 = tpu.memref_squeeze %dma_start3A_151 : memref<1x1000xi32, #tpu.memory_space<vmem>> -> memref<1000xi32, #tpu.memory_space<vmem>>
    %dma_start3A_153 = tpu.memref_slice %arg3[%dma_start3A_148, %add3A_135] : memref<2x320000xi32, #tpu.memory_space<hbm>> -> memref<1x1000xi32, #tpu.memory_space<hbm>>
    %dma_start3A_154 = tpu.memref_squeeze %dma_start3A_153 : memref<1x1000xi32, #tpu.memory_space<hbm>> -> memref<1000xi32, #tpu.memory_space<hbm>>
    %dma_start3A_155 = arith.constant 0 : i32
    %dma_start3A_156 = tpu.memref_slice %arg8[%dma_start3A_149, %dma_start3A_155] : memref<10x1000xi32, #tpu.memory_space<vmem>> -> memref<1x1000xi32, #tpu.memory_space<vmem>>
    %dma_start3A_157 = tpu.memref_squeeze %dma_start3A_156 : memref<1x1000xi32, #tpu.memory_space<vmem>> -> memref<1000xi32, #tpu.memory_space<vmem>>
    %dma_start3A_158 = tpu.memref_slice %arg3[%dma_start3A_148, %add3A_135] : memref<2x320000xi32, #tpu.memory_space<hbm>> -> memref<1x1000xi32, #tpu.memory_space<hbm>>
    %dma_start3A_159 = tpu.memref_squeeze %dma_start3A_158 : memref<1x1000xi32, #tpu.memory_space<hbm>> -> memref<1000xi32, #tpu.memory_space<hbm>>
    tpu.enqueue_dma source(%dma_start3A_159 : memref<1000xi32, #tpu.memory_space<hbm>>) target(%dma_start3A_157 : memref<1000xi32, #tpu.memory_space<vmem>>) target_semaphore(%arg18 : memref<!tpu.dma_semaphore, #tpu.memory_space<semaphore_mem>>)
    %add3A_160 = arith.constant 6000 : i32
    %add3A_161 = arith.addi %mul3A_4, %add3A_160 : i32
    %dma_start3A_162 = arith.constant 0 : i32
    %dma_start3A_163 = arith.constant 6 : i32
    %dma_start3A_164 = arith.constant 0 : i32
    %dma_start3A_165 = tpu.memref_slice %arg7[%dma_start3A_163, %dma_start3A_164] : memref<10x1000xi32, #tpu.memory_space<vmem>> -> memref<1x1000xi32, #tpu.memory_space<vmem>>
    %dma_start3A_166 = tpu.memref_squeeze %dma_start3A_165 : memref<1x1000xi32, #tpu.memory_space<vmem>> -> memref<1000xi32, #tpu.memory_space<vmem>>
    %dma_start3A_167 = tpu.memref_slice %arg3[%dma_start3A_162, %add3A_161] : memref<2x320000xi32, #tpu.memory_space<hbm>> -> memref<1x1000xi32, #tpu.memory_space<hbm>>
    %dma_start3A_168 = tpu.memref_squeeze %dma_start3A_167 : memref<1x1000xi32, #tpu.memory_space<hbm>> -> memref<1000xi32, #tpu.memory_space<hbm>>
    %dma_start3A_169 = arith.constant 0 : i32
    %dma_start3A_170 = tpu.memref_slice %arg7[%dma_start3A_163, %dma_start3A_169] : memref<10x1000xi32, #tpu.memory_space<vmem>> -> memref<1x1000xi32, #tpu.memory_space<vmem>>
    %dma_start3A_171 = tpu.memref_squeeze %dma_start3A_170 : memref<1x1000xi32, #tpu.memory_space<vmem>> -> memref<1000xi32, #tpu.memory_space<vmem>>
    %dma_start3A_172 = tpu.memref_slice %arg3[%dma_start3A_162, %add3A_161] : memref<2x320000xi32, #tpu.memory_space<hbm>> -> memref<1x1000xi32, #tpu.memory_space<hbm>>
    %dma_start3A_173 = tpu.memref_squeeze %dma_start3A_172 : memref<1x1000xi32, #tpu.memory_space<hbm>> -> memref<1000xi32, #tpu.memory_space<hbm>>
    tpu.enqueue_dma source(%dma_start3A_173 : memref<1000xi32, #tpu.memory_space<hbm>>) target(%dma_start3A_171 : memref<1000xi32, #tpu.memory_space<vmem>>) target_semaphore(%arg18 : memref<!tpu.dma_semaphore, #tpu.memory_space<semaphore_mem>>)
    %dma_start3A_174 = arith.constant 1 : i32
    %dma_start3A_175 = arith.constant 6 : i32
    %dma_start3A_176 = arith.constant 0 : i32
    %dma_start3A_177 = tpu.memref_slice %arg8[%dma_start3A_175, %dma_start3A_176] : memref<10x1000xi32, #tpu.memory_space<vmem>> -> memref<1x1000xi32, #tpu.memory_space<vmem>>
    %dma_start3A_178 = tpu.memref_squeeze %dma_start3A_177 : memref<1x1000xi32, #tpu.memory_space<vmem>> -> memref<1000xi32, #tpu.memory_space<vmem>>
    %dma_start3A_179 = tpu.memref_slice %arg3[%dma_start3A_174, %add3A_161] : memref<2x320000xi32, #tpu.memory_space<hbm>> -> memref<1x1000xi32, #tpu.memory_space<hbm>>
    %dma_start3A_180 = tpu.memref_squeeze %dma_start3A_179 : memref<1x1000xi32, #tpu.memory_space<hbm>> -> memref<1000xi32, #tpu.memory_space<hbm>>
    %dma_start3A_181 = arith.constant 0 : i32
    %dma_start3A_182 = tpu.memref_slice %arg8[%dma_start3A_175, %dma_start3A_181] : memref<10x1000xi32, #tpu.memory_space<vmem>> -> memref<1x1000xi32, #tpu.memory_space<vmem>>
    %dma_start3A_183 = tpu.memref_squeeze %dma_start3A_182 : memref<1x1000xi32, #tpu.memory_space<vmem>> -> memref<1000xi32, #tpu.memory_space<vmem>>
    %dma_start3A_184 = tpu.memref_slice %arg3[%dma_start3A_174, %add3A_161] : memref<2x320000xi32, #tpu.memory_space<hbm>> -> memref<1x1000xi32, #tpu.memory_space<hbm>>
    %dma_start3A_185 = tpu.memref_squeeze %dma_start3A_184 : memref<1x1000xi32, #tpu.memory_space<hbm>> -> memref<1000xi32, #tpu.memory_space<hbm>>
    tpu.enqueue_dma source(%dma_start3A_185 : memref<1000xi32, #tpu.memory_space<hbm>>) target(%dma_start3A_183 : memref<1000xi32, #tpu.memory_space<vmem>>) target_semaphore(%arg18 : memref<!tpu.dma_semaphore, #tpu.memory_space<semaphore_mem>>)
    %add3A_186 = arith.constant 7000 : i32
    %add3A_187 = arith.addi %mul3A_4, %add3A_186 : i32
    %dma_start3A_188 = arith.constant 0 : i32
    %dma_start3A_189 = arith.constant 7 : i32
    %dma_start3A_190 = arith.constant 0 : i32
    %dma_start3A_191 = tpu.memref_slice %arg7[%dma_start3A_189, %dma_start3A_190] : memref<10x1000xi32, #tpu.memory_space<vmem>> -> memref<1x1000xi32, #tpu.memory_space<vmem>>
    %dma_start3A_192 = tpu.memref_squeeze %dma_start3A_191 : memref<1x1000xi32, #tpu.memory_space<vmem>> -> memref<1000xi32, #tpu.memory_space<vmem>>
    %dma_start3A_193 = tpu.memref_slice %arg3[%dma_start3A_188, %add3A_187] : memref<2x320000xi32, #tpu.memory_space<hbm>> -> memref<1x1000xi32, #tpu.memory_space<hbm>>
    %dma_start3A_194 = tpu.memref_squeeze %dma_start3A_193 : memref<1x1000xi32, #tpu.memory_space<hbm>> -> memref<1000xi32, #tpu.memory_space<hbm>>
    %dma_start3A_195 = arith.constant 0 : i32
    %dma_start3A_196 = tpu.memref_slice %arg7[%dma_start3A_189, %dma_start3A_195] : memref<10x1000xi32, #tpu.memory_space<vmem>> -> memref<1x1000xi32, #tpu.memory_space<vmem>>
    %dma_start3A_197 = tpu.memref_squeeze %dma_start3A_196 : memref<1x1000xi32, #tpu.memory_space<vmem>> -> memref<1000xi32, #tpu.memory_space<vmem>>
    %dma_start3A_198 = tpu.memref_slice %arg3[%dma_start3A_188, %add3A_187] : memref<2x320000xi32, #tpu.memory_space<hbm>> -> memref<1x1000xi32, #tpu.memory_space<hbm>>
    %dma_start3A_199 = tpu.memref_squeeze %dma_start3A_198 : memref<1x1000xi32, #tpu.memory_space<hbm>> -> memref<1000xi32, #tpu.memory_space<hbm>>
    tpu.enqueue_dma source(%dma_start3A_199 : memref<1000xi32, #tpu.memory_space<hbm>>) target(%dma_start3A_197 : memref<1000xi32, #tpu.memory_space<vmem>>) target_semaphore(%arg18 : memref<!tpu.dma_semaphore, #tpu.memory_space<semaphore_mem>>)
    %dma_start3A_200 = arith.constant 1 : i32
    %dma_start3A_201 = arith.constant 7 : i32
    %dma_start3A_202 = arith.constant 0 : i32
    %dma_start3A_203 = tpu.memref_slice %arg8[%dma_start3A_201, %dma_start3A_202] : memref<10x1000xi32, #tpu.memory_space<vmem>> -> memref<1x1000xi32, #tpu.memory_space<vmem>>
    %dma_start3A_204 = tpu.memref_squeeze %dma_start3A_203 : memref<1x1000xi32, #tpu.memory_space<vmem>> -> memref<1000xi32, #tpu.memory_space<vmem>>
    %dma_start3A_205 = tpu.memref_slice %arg3[%dma_start3A_200, %add3A_187] : memref<2x320000xi32, #tpu.memory_space<hbm>> -> memref<1x1000xi32, #tpu.memory_space<hbm>>
    %dma_start3A_206 = tpu.memref_squeeze %dma_start3A_205 : memref<1x1000xi32, #tpu.memory_space<hbm>> -> memref<1000xi32, #tpu.memory_space<hbm>>
    %dma_start3A_207 = arith.constant 0 : i32
    %dma_start3A_208 = tpu.memref_slice %arg8[%dma_start3A_201, %dma_start3A_207] : memref<10x1000xi32, #tpu.memory_space<vmem>> -> memref<1x1000xi32, #tpu.memory_space<vmem>>
    %dma_start3A_209 = tpu.memref_squeeze %dma_start3A_208 : memref<1x1000xi32, #tpu.memory_space<vmem>> -> memref<1000xi32, #tpu.memory_space<vmem>>
    %dma_start3A_210 = tpu.memref_slice %arg3[%dma_start3A_200, %add3A_187] : memref<2x320000xi32, #tpu.memory_space<hbm>> -> memref<1x1000xi32, #tpu.memory_space<hbm>>
    %dma_start3A_211 = tpu.memref_squeeze %dma_start3A_210 : memref<1x1000xi32, #tpu.memory_space<hbm>> -> memref<1000xi32, #tpu.memory_space<hbm>>
    tpu.enqueue_dma source(%dma_start3A_211 : memref<1000xi32, #tpu.memory_space<hbm>>) target(%dma_start3A_209 : memref<1000xi32, #tpu.memory_space<vmem>>) target_semaphore(%arg18 : memref<!tpu.dma_semaphore, #tpu.memory_space<semaphore_mem>>)
    %add3A_212 = arith.constant 8000 : i32
    %add3A_213 = arith.addi %mul3A_4, %add3A_212 : i32
    %dma_start3A_214 = arith.constant 0 : i32
    %dma_start3A_215 = arith.constant 8 : i32
    %dma_start3A_216 = arith.constant 0 : i32
    %dma_start3A_217 = tpu.memref_slice %arg7[%dma_start3A_215, %dma_start3A_216] : memref<10x1000xi32, #tpu.memory_space<vmem>> -> memref<1x1000xi32, #tpu.memory_space<vmem>>
    %dma_start3A_218 = tpu.memref_squeeze %dma_start3A_217 : memref<1x1000xi32, #tpu.memory_space<vmem>> -> memref<1000xi32, #tpu.memory_space<vmem>>
    %dma_start3A_219 = tpu.memref_slice %arg3[%dma_start3A_214, %add3A_213] : memref<2x320000xi32, #tpu.memory_space<hbm>> -> memref<1x1000xi32, #tpu.memory_space<hbm>>
    %dma_start3A_220 = tpu.memref_squeeze %dma_start3A_219 : memref<1x1000xi32, #tpu.memory_space<hbm>> -> memref<1000xi32, #tpu.memory_space<hbm>>
    %dma_start3A_221 = arith.constant 0 : i32
    %dma_start3A_222 = tpu.memref_slice %arg7[%dma_start3A_215, %dma_start3A_221] : memref<10x1000xi32, #tpu.memory_space<vmem>> -> memref<1x1000xi32, #tpu.memory_space<vmem>>
    %dma_start3A_223 = tpu.memref_squeeze %dma_start3A_222 : memref<1x1000xi32, #tpu.memory_space<vmem>> -> memref<1000xi32, #tpu.memory_space<vmem>>
    %dma_start3A_224 = tpu.memref_slice %arg3[%dma_start3A_214, %add3A_213] : memref<2x320000xi32, #tpu.memory_space<hbm>> -> memref<1x1000xi32, #tpu.memory_space<hbm>>
    %dma_start3A_225 = tpu.memref_squeeze %dma_start3A_224 : memref<1x1000xi32, #tpu.memory_space<hbm>> -> memref<1000xi32, #tpu.memory_space<hbm>>
    tpu.enqueue_dma source(%dma_start3A_225 : memref<1000xi32, #tpu.memory_space<hbm>>) target(%dma_start3A_223 : memref<1000xi32, #tpu.memory_space<vmem>>) target_semaphore(%arg18 : memref<!tpu.dma_semaphore, #tpu.memory_space<semaphore_mem>>)
    %dma_start3A_226 = arith.constant 1 : i32
    %dma_start3A_227 = arith.constant 8 : i32
    %dma_start3A_228 = arith.constant 0 : i32
    %dma_start3A_229 = tpu.memref_slice %arg8[%dma_start3A_227, %dma_start3A_228] : memref<10x1000xi32, #tpu.memory_space<vmem>> -> memref<1x1000xi32, #tpu.memory_space<vmem>>
    %dma_start3A_230 = tpu.memref_squeeze %dma_start3A_229 : memref<1x1000xi32, #tpu.memory_space<vmem>> -> memref<1000xi32, #tpu.memory_space<vmem>>
    %dma_start3A_231 = tpu.memref_slice %arg3[%dma_start3A_226, %add3A_213] : memref<2x320000xi32, #tpu.memory_space<hbm>> -> memref<1x1000xi32, #tpu.memory_space<hbm>>
    %dma_start3A_232 = tpu.memref_squeeze %dma_start3A_231 : memref<1x1000xi32, #tpu.memory_space<hbm>> -> memref<1000xi32, #tpu.memory_space<hbm>>
    %dma_start3A_233 = arith.constant 0 : i32
    %dma_start3A_234 = tpu.memref_slice %arg8[%dma_start3A_227, %dma_start3A_233] : memref<10x1000xi32, #tpu.memory_space<vmem>> -> memref<1x1000xi32, #tpu.memory_space<vmem>>
    %dma_start3A_235 = tpu.memref_squeeze %dma_start3A_234 : memref<1x1000xi32, #tpu.memory_space<vmem>> -> memref<1000xi32, #tpu.memory_space<vmem>>
    %dma_start3A_236 = tpu.memref_slice %arg3[%dma_start3A_226, %add3A_213] : memref<2x320000xi32, #tpu.memory_space<hbm>> -> memref<1x1000xi32, #tpu.memory_space<hbm>>
    %dma_start3A_237 = tpu.memref_squeeze %dma_start3A_236 : memref<1x1000xi32, #tpu.memory_space<hbm>> -> memref<1000xi32, #tpu.memory_space<hbm>>
    tpu.enqueue_dma source(%dma_start3A_237 : memref<1000xi32, #tpu.memory_space<hbm>>) target(%dma_start3A_235 : memref<1000xi32, #tpu.memory_space<vmem>>) target_semaphore(%arg18 : memref<!tpu.dma_semaphore, #tpu.memory_space<semaphore_mem>>)
    %add3A_238 = arith.constant 9000 : i32
    %add3A_239 = arith.addi %mul3A_4, %add3A_238 : i32
    %dma_start3A_240 = arith.constant 0 : i32
    %dma_start3A_241 = arith.constant 9 : i32
    %dma_start3A_242 = arith.constant 0 : i32
    %dma_start3A_243 = tpu.memref_slice %arg7[%dma_start3A_241, %dma_start3A_242] : memref<10x1000xi32, #tpu.memory_space<vmem>> -> memref<1x1000xi32, #tpu.memory_space<vmem>>
    %dma_start3A_244 = tpu.memref_squeeze %dma_start3A_243 : memref<1x1000xi32, #tpu.memory_space<vmem>> -> memref<1000xi32, #tpu.memory_space<vmem>>
    %dma_start3A_245 = tpu.memref_slice %arg3[%dma_start3A_240, %add3A_239] : memref<2x320000xi32, #tpu.memory_space<hbm>> -> memref<1x1000xi32, #tpu.memory_space<hbm>>
    %dma_start3A_246 = tpu.memref_squeeze %dma_start3A_245 : memref<1x1000xi32, #tpu.memory_space<hbm>> -> memref<1000xi32, #tpu.memory_space<hbm>>
    %dma_start3A_247 = arith.constant 0 : i32
    %dma_start3A_248 = tpu.memref_slice %arg7[%dma_start3A_241, %dma_start3A_247] : memref<10x1000xi32, #tpu.memory_space<vmem>> -> memref<1x1000xi32, #tpu.memory_space<vmem>>
    %dma_start3A_249 = tpu.memref_squeeze %dma_start3A_248 : memref<1x1000xi32, #tpu.memory_space<vmem>> -> memref<1000xi32, #tpu.memory_space<vmem>>
    %dma_start3A_250 = tpu.memref_slice %arg3[%dma_start3A_240, %add3A_239] : memref<2x320000xi32, #tpu.memory_space<hbm>> -> memref<1x1000xi32, #tpu.memory_space<hbm>>
    %dma_start3A_251 = tpu.memref_squeeze %dma_start3A_250 : memref<1x1000xi32, #tpu.memory_space<hbm>> -> memref<1000xi32, #tpu.memory_space<hbm>>
    tpu.enqueue_dma source(%dma_start3A_251 : memref<1000xi32, #tpu.memory_space<hbm>>) target(%dma_start3A_249 : memref<1000xi32, #tpu.memory_space<vmem>>) target_semaphore(%arg18 : memref<!tpu.dma_semaphore, #tpu.memory_space<semaphore_mem>>)
    %dma_start3A_252 = arith.constant 1 : i32
    %dma_start3A_253 = arith.constant 9 : i32
    %dma_start3A_254 = arith.constant 0 : i32
    %dma_start3A_255 = tpu.memref_slice %arg8[%dma_start3A_253, %dma_start3A_254] : memref<10x1000xi32, #tpu.memory_space<vmem>> -> memref<1x1000xi32, #tpu.memory_space<vmem>>
    %dma_start3A_256 = tpu.memref_squeeze %dma_start3A_255 : memref<1x1000xi32, #tpu.memory_space<vmem>> -> memref<1000xi32, #tpu.memory_space<vmem>>
    %dma_start3A_257 = tpu.memref_slice %arg3[%dma_start3A_252, %add3A_239] : memref<2x320000xi32, #tpu.memory_space<hbm>> -> memref<1x1000xi32, #tpu.memory_space<hbm>>
    %dma_start3A_258 = tpu.memref_squeeze %dma_start3A_257 : memref<1x1000xi32, #tpu.memory_space<hbm>> -> memref<1000xi32, #tpu.memory_space<hbm>>
    %dma_start3A_259 = arith.constant 0 : i32
    %dma_start3A_260 = tpu.memref_slice %arg8[%dma_start3A_253, %dma_start3A_259] : memref<10x1000xi32, #tpu.memory_space<vmem>> -> memref<1x1000xi32, #tpu.memory_space<vmem>>
    %dma_start3A_261 = tpu.memref_squeeze %dma_start3A_260 : memref<1x1000xi32, #tpu.memory_space<vmem>> -> memref<1000xi32, #tpu.memory_space<vmem>>
    %dma_start3A_262 = tpu.memref_slice %arg3[%dma_start3A_252, %add3A_239] : memref<2x320000xi32, #tpu.memory_space<hbm>> -> memref<1x1000xi32, #tpu.memory_space<hbm>>
    %dma_start3A_263 = tpu.memref_squeeze %dma_start3A_262 : memref<1x1000xi32, #tpu.memory_space<hbm>> -> memref<1000xi32, #tpu.memory_space<hbm>>
    tpu.enqueue_dma source(%dma_start3A_263 : memref<1000xi32, #tpu.memory_space<hbm>>) target(%dma_start3A_261 : memref<1000xi32, #tpu.memory_space<vmem>>) target_semaphore(%arg18 : memref<!tpu.dma_semaphore, #tpu.memory_space<semaphore_mem>>)
    "tpu.region"() ({
      %run_scoped3A = tpu.sem_alloc : memref<!tpu.dma_semaphore, #tpu.memory_space<semaphore_mem>>
      %dma_start3A_784 = arith.constant 0 : i32
      %dma_start3A_785 = tpu.memref_slice %arg6[%mul3A_2, %dma_start3A_784] : memref<10240x16xf32, #tpu.memory_space<vmem_shared>> -> memref<640x16xf32, #tpu.memory_space<vmem_shared>>
      %dma_start3A_786 = arith.constant 0 : i32
      %dma_start3A_787 = tpu.memref_slice %arg4[%mul3A_2, %dma_start3A_786] : memref<10240x16xf32, #tpu.memory_space<hbm>> -> memref<640x16xf32, #tpu.memory_space<hbm>>
      tpu.enqueue_dma source(%dma_start3A_787 : memref<640x16xf32, #tpu.memory_space<hbm>>) target(%dma_start3A_785 : memref<640x16xf32, #tpu.memory_space<vmem_shared>>) target_semaphore(%run_scoped3A : memref<!tpu.dma_semaphore, #tpu.memory_space<semaphore_mem>>)
      %dma_wait3A_788 = arith.constant 0 : i32
      %dma_wait3A_789 = tpu.memref_slice %arg6[%mul3A_2, %dma_wait3A_788] : memref<10240x16xf32, #tpu.memory_space<vmem_shared>> -> memref<640x16xf32, #tpu.memory_space<vmem_shared>>
      %dma_wait3A_790 = arith.constant 0 : i32
      %dma_wait3A_791 = tpu.memref_slice %arg4[%mul3A_2, %dma_wait3A_790] : memref<10240x16xf32, #tpu.memory_space<hbm>> -> memref<640x16xf32, #tpu.memory_space<hbm>>
      tpu.wait_dma2 semaphore(%run_scoped3A : memref<!tpu.dma_semaphore, #tpu.memory_space<semaphore_mem>>) src(%dma_wait3A_791 : memref<640x16xf32, #tpu.memory_space<hbm>>) dst(%dma_wait3A_789 : memref<640x16xf32, #tpu.memory_space<vmem_shared>>)
      tpu.yield
    }) : () -> ()
    %dma_wait3A = arith.constant 0 : i32
    %dma_wait3A_264 = arith.constant 0 : i32
    %dma_wait3A_265 = arith.constant 0 : i32
    %dma_wait3A_266 = tpu.memref_slice %arg7[%dma_wait3A_264, %dma_wait3A_265] : memref<10x1000xi32, #tpu.memory_space<vmem>> -> memref<1x1000xi32, #tpu.memory_space<vmem>>
    %dma_wait3A_267 = tpu.memref_squeeze %dma_wait3A_266 : memref<1x1000xi32, #tpu.memory_space<vmem>> -> memref<1000xi32, #tpu.memory_space<vmem>>
    %dma_wait3A_268 = tpu.memref_slice %arg3[%dma_wait3A, %add3A_6] : memref<2x320000xi32, #tpu.memory_space<hbm>> -> memref<1x1000xi32, #tpu.memory_space<hbm>>
    %dma_wait3A_269 = tpu.memref_squeeze %dma_wait3A_268 : memref<1x1000xi32, #tpu.memory_space<hbm>> -> memref<1000xi32, #tpu.memory_space<hbm>>
    %dma_wait3A_270 = arith.constant 0 : i32
    %dma_wait3A_271 = tpu.memref_slice %arg7[%dma_wait3A_264, %dma_wait3A_270] : memref<10x1000xi32, #tpu.memory_space<vmem>> -> memref<1x1000xi32, #tpu.memory_space<vmem>>
    %dma_wait3A_272 = tpu.memref_squeeze %dma_wait3A_271 : memref<1x1000xi32, #tpu.memory_space<vmem>> -> memref<1000xi32, #tpu.memory_space<vmem>>
    %dma_wait3A_273 = tpu.memref_slice %arg3[%dma_wait3A, %add3A_6] : memref<2x320000xi32, #tpu.memory_space<hbm>> -> memref<1x1000xi32, #tpu.memory_space<hbm>>
    %dma_wait3A_274 = tpu.memref_squeeze %dma_wait3A_273 : memref<1x1000xi32, #tpu.memory_space<hbm>> -> memref<1000xi32, #tpu.memory_space<hbm>>
    tpu.wait_dma2 semaphore(%arg18 : memref<!tpu.dma_semaphore, #tpu.memory_space<semaphore_mem>>) src(%dma_wait3A_274 : memref<1000xi32, #tpu.memory_space<hbm>>) dst(%dma_wait3A_272 : memref<1000xi32, #tpu.memory_space<vmem>>)
    %dma_wait3A_275 = arith.constant 1 : i32
    %dma_wait3A_276 = arith.constant 0 : i32
    %dma_wait3A_277 = arith.constant 0 : i32
    %dma_wait3A_278 = tpu.memref_slice %arg8[%dma_wait3A_276, %dma_wait3A_277] : memref<10x1000xi32, #tpu.memory_space<vmem>> -> memref<1x1000xi32, #tpu.memory_space<vmem>>
    %dma_wait3A_279 = tpu.memref_squeeze %dma_wait3A_278 : memref<1x1000xi32, #tpu.memory_space<vmem>> -> memref<1000xi32, #tpu.memory_space<vmem>>
    %dma_wait3A_280 = tpu.memref_slice %arg3[%dma_wait3A_275, %add3A_6] : memref<2x320000xi32, #tpu.memory_space<hbm>> -> memref<1x1000xi32, #tpu.memory_space<hbm>>
    %dma_wait3A_281 = tpu.memref_squeeze %dma_wait3A_280 : memref<1x1000xi32, #tpu.memory_space<hbm>> -> memref<1000xi32, #tpu.memory_space<hbm>>
    %dma_wait3A_282 = arith.constant 0 : i32
    %dma_wait3A_283 = tpu.memref_slice %arg8[%dma_wait3A_276, %dma_wait3A_282] : memref<10x1000xi32, #tpu.memory_space<vmem>> -> memref<1x1000xi32, #tpu.memory_space<vmem>>
    %dma_wait3A_284 = tpu.memref_squeeze %dma_wait3A_283 : memref<1x1000xi32, #tpu.memory_space<vmem>> -> memref<1000xi32, #tpu.memory_space<vmem>>
    %dma_wait3A_285 = tpu.memref_slice %arg3[%dma_wait3A_275, %add3A_6] : memref<2x320000xi32, #tpu.memory_space<hbm>> -> memref<1x1000xi32, #tpu.memory_space<hbm>>
    %dma_wait3A_286 = tpu.memref_squeeze %dma_wait3A_285 : memref<1x1000xi32, #tpu.memory_space<hbm>> -> memref<1000xi32, #tpu.memory_space<hbm>>
    tpu.wait_dma2 semaphore(%arg18 : memref<!tpu.dma_semaphore, #tpu.memory_space<semaphore_mem>>) src(%dma_wait3A_286 : memref<1000xi32, #tpu.memory_space<hbm>>) dst(%dma_wait3A_284 : memref<1000xi32, #tpu.memory_space<vmem>>)
    %dma_wait3A_287 = arith.constant 0 : i32
    %dma_wait3A_288 = arith.constant 1 : i32
    %dma_wait3A_289 = arith.constant 0 : i32
    %dma_wait3A_290 = tpu.memref_slice %arg7[%dma_wait3A_288, %dma_wait3A_289] : memref<10x1000xi32, #tpu.memory_space<vmem>> -> memref<1x1000xi32, #tpu.memory_space<vmem>>
    %dma_wait3A_291 = tpu.memref_squeeze %dma_wait3A_290 : memref<1x1000xi32, #tpu.memory_space<vmem>> -> memref<1000xi32, #tpu.memory_space<vmem>>
    %dma_wait3A_292 = tpu.memref_slice %arg3[%dma_wait3A_287, %add3A_31] : memref<2x320000xi32, #tpu.memory_space<hbm>> -> memref<1x1000xi32, #tpu.memory_space<hbm>>
    %dma_wait3A_293 = tpu.memref_squeeze %dma_wait3A_292 : memref<1x1000xi32, #tpu.memory_space<hbm>> -> memref<1000xi32, #tpu.memory_space<hbm>>
    %dma_wait3A_294 = arith.constant 0 : i32
    %dma_wait3A_295 = tpu.memref_slice %arg7[%dma_wait3A_288, %dma_wait3A_294] : memref<10x1000xi32, #tpu.memory_space<vmem>> -> memref<1x1000xi32, #tpu.memory_space<vmem>>
    %dma_wait3A_296 = tpu.memref_squeeze %dma_wait3A_295 : memref<1x1000xi32, #tpu.memory_space<vmem>> -> memref<1000xi32, #tpu.memory_space<vmem>>
    %dma_wait3A_297 = tpu.memref_slice %arg3[%dma_wait3A_287, %add3A_31] : memref<2x320000xi32, #tpu.memory_space<hbm>> -> memref<1x1000xi32, #tpu.memory_space<hbm>>
    %dma_wait3A_298 = tpu.memref_squeeze %dma_wait3A_297 : memref<1x1000xi32, #tpu.memory_space<hbm>> -> memref<1000xi32, #tpu.memory_space<hbm>>
    tpu.wait_dma2 semaphore(%arg18 : memref<!tpu.dma_semaphore, #tpu.memory_space<semaphore_mem>>) src(%dma_wait3A_298 : memref<1000xi32, #tpu.memory_space<hbm>>) dst(%dma_wait3A_296 : memref<1000xi32, #tpu.memory_space<vmem>>)
    %dma_wait3A_299 = arith.constant 1 : i32
    %dma_wait3A_300 = arith.constant 1 : i32
    %dma_wait3A_301 = arith.constant 0 : i32
    %dma_wait3A_302 = tpu.memref_slice %arg8[%dma_wait3A_300, %dma_wait3A_301] : memref<10x1000xi32, #tpu.memory_space<vmem>> -> memref<1x1000xi32, #tpu.memory_space<vmem>>
    %dma_wait3A_303 = tpu.memref_squeeze %dma_wait3A_302 : memref<1x1000xi32, #tpu.memory_space<vmem>> -> memref<1000xi32, #tpu.memory_space<vmem>>
    %dma_wait3A_304 = tpu.memref_slice %arg3[%dma_wait3A_299, %add3A_31] : memref<2x320000xi32, #tpu.memory_space<hbm>> -> memref<1x1000xi32, #tpu.memory_space<hbm>>
    %dma_wait3A_305 = tpu.memref_squeeze %dma_wait3A_304 : memref<1x1000xi32, #tpu.memory_space<hbm>> -> memref<1000xi32, #tpu.memory_space<hbm>>
    %dma_wait3A_306 = arith.constant 0 : i32
    %dma_wait3A_307 = tpu.memref_slice %arg8[%dma_wait3A_300, %dma_wait3A_306] : memref<10x1000xi32, #tpu.memory_space<vmem>> -> memref<1x1000xi32, #tpu.memory_space<vmem>>
    %dma_wait3A_308 = tpu.memref_squeeze %dma_wait3A_307 : memref<1x1000xi32, #tpu.memory_space<vmem>> -> memref<1000xi32, #tpu.memory_space<vmem>>
    %dma_wait3A_309 = tpu.memref_slice %arg3[%dma_wait3A_299, %add3A_31] : memref<2x320000xi32, #tpu.memory_space<hbm>> -> memref<1x1000xi32, #tpu.memory_space<hbm>>
    %dma_wait3A_310 = tpu.memref_squeeze %dma_wait3A_309 : memref<1x1000xi32, #tpu.memory_space<hbm>> -> memref<1000xi32, #tpu.memory_space<hbm>>
    tpu.wait_dma2 semaphore(%arg18 : memref<!tpu.dma_semaphore, #tpu.memory_space<semaphore_mem>>) src(%dma_wait3A_310 : memref<1000xi32, #tpu.memory_space<hbm>>) dst(%dma_wait3A_308 : memref<1000xi32, #tpu.memory_space<vmem>>)
    %dma_wait3A_311 = arith.constant 0 : i32
    %dma_wait3A_312 = arith.constant 2 : i32
    %dma_wait3A_313 = arith.constant 0 : i32
    %dma_wait3A_314 = tpu.memref_slice %arg7[%dma_wait3A_312, %dma_wait3A_313] : memref<10x1000xi32, #tpu.memory_space<vmem>> -> memref<1x1000xi32, #tpu.memory_space<vmem>>
    %dma_wait3A_315 = tpu.memref_squeeze %dma_wait3A_314 : memref<1x1000xi32, #tpu.memory_space<vmem>> -> memref<1000xi32, #tpu.memory_space<vmem>>
    %dma_wait3A_316 = tpu.memref_slice %arg3[%dma_wait3A_311, %add3A_57] : memref<2x320000xi32, #tpu.memory_space<hbm>> -> memref<1x1000xi32, #tpu.memory_space<hbm>>
    %dma_wait3A_317 = tpu.memref_squeeze %dma_wait3A_316 : memref<1x1000xi32, #tpu.memory_space<hbm>> -> memref<1000xi32, #tpu.memory_space<hbm>>
    %dma_wait3A_318 = arith.constant 0 : i32
    %dma_wait3A_319 = tpu.memref_slice %arg7[%dma_wait3A_312, %dma_wait3A_318] : memref<10x1000xi32, #tpu.memory_space<vmem>> -> memref<1x1000xi32, #tpu.memory_space<vmem>>
    %dma_wait3A_320 = tpu.memref_squeeze %dma_wait3A_319 : memref<1x1000xi32, #tpu.memory_space<vmem>> -> memref<1000xi32, #tpu.memory_space<vmem>>
    %dma_wait3A_321 = tpu.memref_slice %arg3[%dma_wait3A_311, %add3A_57] : memref<2x320000xi32, #tpu.memory_space<hbm>> -> memref<1x1000xi32, #tpu.memory_space<hbm>>
    %dma_wait3A_322 = tpu.memref_squeeze %dma_wait3A_321 : memref<1x1000xi32, #tpu.memory_space<hbm>> -> memref<1000xi32, #tpu.memory_space<hbm>>
    tpu.wait_dma2 semaphore(%arg18 : memref<!tpu.dma_semaphore, #tpu.memory_space<semaphore_mem>>) src(%dma_wait3A_322 : memref<1000xi32, #tpu.memory_space<hbm>>) dst(%dma_wait3A_320 : memref<1000xi32, #tpu.memory_space<vmem>>)
    %dma_wait3A_323 = arith.constant 1 : i32
    %dma_wait3A_324 = arith.constant 2 : i32
    %dma_wait3A_325 = arith.constant 0 : i32
    %dma_wait3A_326 = tpu.memref_slice %arg8[%dma_wait3A_324, %dma_wait3A_325] : memref<10x1000xi32, #tpu.memory_space<vmem>> -> memref<1x1000xi32, #tpu.memory_space<vmem>>
    %dma_wait3A_327 = tpu.memref_squeeze %dma_wait3A_326 : memref<1x1000xi32, #tpu.memory_space<vmem>> -> memref<1000xi32, #tpu.memory_space<vmem>>
    %dma_wait3A_328 = tpu.memref_slice %arg3[%dma_wait3A_323, %add3A_57] : memref<2x320000xi32, #tpu.memory_space<hbm>> -> memref<1x1000xi32, #tpu.memory_space<hbm>>
    %dma_wait3A_329 = tpu.memref_squeeze %dma_wait3A_328 : memref<1x1000xi32, #tpu.memory_space<hbm>> -> memref<1000xi32, #tpu.memory_space<hbm>>
    %dma_wait3A_330 = arith.constant 0 : i32
    %dma_wait3A_331 = tpu.memref_slice %arg8[%dma_wait3A_324, %dma_wait3A_330] : memref<10x1000xi32, #tpu.memory_space<vmem>> -> memref<1x1000xi32, #tpu.memory_space<vmem>>
    %dma_wait3A_332 = tpu.memref_squeeze %dma_wait3A_331 : memref<1x1000xi32, #tpu.memory_space<vmem>> -> memref<1000xi32, #tpu.memory_space<vmem>>
    %dma_wait3A_333 = tpu.memref_slice %arg3[%dma_wait3A_323, %add3A_57] : memref<2x320000xi32, #tpu.memory_space<hbm>> -> memref<1x1000xi32, #tpu.memory_space<hbm>>
    %dma_wait3A_334 = tpu.memref_squeeze %dma_wait3A_333 : memref<1x1000xi32, #tpu.memory_space<hbm>> -> memref<1000xi32, #tpu.memory_space<hbm>>
    tpu.wait_dma2 semaphore(%arg18 : memref<!tpu.dma_semaphore, #tpu.memory_space<semaphore_mem>>) src(%dma_wait3A_334 : memref<1000xi32, #tpu.memory_space<hbm>>) dst(%dma_wait3A_332 : memref<1000xi32, #tpu.memory_space<vmem>>)
    %dma_wait3A_335 = arith.constant 0 : i32
    %dma_wait3A_336 = arith.constant 3 : i32
    %dma_wait3A_337 = arith.constant 0 : i32
    %dma_wait3A_338 = tpu.memref_slice %arg7[%dma_wait3A_336, %dma_wait3A_337] : memref<10x1000xi32, #tpu.memory_space<vmem>> -> memref<1x1000xi32, #tpu.memory_space<vmem>>
    %dma_wait3A_339 = tpu.memref_squeeze %dma_wait3A_338 : memref<1x1000xi32, #tpu.memory_space<vmem>> -> memref<1000xi32, #tpu.memory_space<vmem>>
    %dma_wait3A_340 = tpu.memref_slice %arg3[%dma_wait3A_335, %add3A_83] : memref<2x320000xi32, #tpu.memory_space<hbm>> -> memref<1x1000xi32, #tpu.memory_space<hbm>>
    %dma_wait3A_341 = tpu.memref_squeeze %dma_wait3A_340 : memref<1x1000xi32, #tpu.memory_space<hbm>> -> memref<1000xi32, #tpu.memory_space<hbm>>
    %dma_wait3A_342 = arith.constant 0 : i32
    %dma_wait3A_343 = tpu.memref_slice %arg7[%dma_wait3A_336, %dma_wait3A_342] : memref<10x1000xi32, #tpu.memory_space<vmem>> -> memref<1x1000xi32, #tpu.memory_space<vmem>>
    %dma_wait3A_344 = tpu.memref_squeeze %dma_wait3A_343 : memref<1x1000xi32, #tpu.memory_space<vmem>> -> memref<1000xi32, #tpu.memory_space<vmem>>
    %dma_wait3A_345 = tpu.memref_slice %arg3[%dma_wait3A_335, %add3A_83] : memref<2x320000xi32, #tpu.memory_space<hbm>> -> memref<1x1000xi32, #tpu.memory_space<hbm>>
    %dma_wait3A_346 = tpu.memref_squeeze %dma_wait3A_345 : memref<1x1000xi32, #tpu.memory_space<hbm>> -> memref<1000xi32, #tpu.memory_space<hbm>>
    tpu.wait_dma2 semaphore(%arg18 : memref<!tpu.dma_semaphore, #tpu.memory_space<semaphore_mem>>) src(%dma_wait3A_346 : memref<1000xi32, #tpu.memory_space<hbm>>) dst(%dma_wait3A_344 : memref<1000xi32, #tpu.memory_space<vmem>>)
    %dma_wait3A_347 = arith.constant 1 : i32
    %dma_wait3A_348 = arith.constant 3 : i32
    %dma_wait3A_349 = arith.constant 0 : i32
    %dma_wait3A_350 = tpu.memref_slice %arg8[%dma_wait3A_348, %dma_wait3A_349] : memref<10x1000xi32, #tpu.memory_space<vmem>> -> memref<1x1000xi32, #tpu.memory_space<vmem>>
    %dma_wait3A_351 = tpu.memref_squeeze %dma_wait3A_350 : memref<1x1000xi32, #tpu.memory_space<vmem>> -> memref<1000xi32, #tpu.memory_space<vmem>>
    %dma_wait3A_352 = tpu.memref_slice %arg3[%dma_wait3A_347, %add3A_83] : memref<2x320000xi32, #tpu.memory_space<hbm>> -> memref<1x1000xi32, #tpu.memory_space<hbm>>
    %dma_wait3A_353 = tpu.memref_squeeze %dma_wait3A_352 : memref<1x1000xi32, #tpu.memory_space<hbm>> -> memref<1000xi32, #tpu.memory_space<hbm>>
    %dma_wait3A_354 = arith.constant 0 : i32
    %dma_wait3A_355 = tpu.memref_slice %arg8[%dma_wait3A_348, %dma_wait3A_354] : memref<10x1000xi32, #tpu.memory_space<vmem>> -> memref<1x1000xi32, #tpu.memory_space<vmem>>
    %dma_wait3A_356 = tpu.memref_squeeze %dma_wait3A_355 : memref<1x1000xi32, #tpu.memory_space<vmem>> -> memref<1000xi32, #tpu.memory_space<vmem>>
    %dma_wait3A_357 = tpu.memref_slice %arg3[%dma_wait3A_347, %add3A_83] : memref<2x320000xi32, #tpu.memory_space<hbm>> -> memref<1x1000xi32, #tpu.memory_space<hbm>>
    %dma_wait3A_358 = tpu.memref_squeeze %dma_wait3A_357 : memref<1x1000xi32, #tpu.memory_space<hbm>> -> memref<1000xi32, #tpu.memory_space<hbm>>
    tpu.wait_dma2 semaphore(%arg18 : memref<!tpu.dma_semaphore, #tpu.memory_space<semaphore_mem>>) src(%dma_wait3A_358 : memref<1000xi32, #tpu.memory_space<hbm>>) dst(%dma_wait3A_356 : memref<1000xi32, #tpu.memory_space<vmem>>)
    %dma_wait3A_359 = arith.constant 0 : i32
    %dma_wait3A_360 = arith.constant 4 : i32
    %dma_wait3A_361 = arith.constant 0 : i32
    %dma_wait3A_362 = tpu.memref_slice %arg7[%dma_wait3A_360, %dma_wait3A_361] : memref<10x1000xi32, #tpu.memory_space<vmem>> -> memref<1x1000xi32, #tpu.memory_space<vmem>>
    %dma_wait3A_363 = tpu.memref_squeeze %dma_wait3A_362 : memref<1x1000xi32, #tpu.memory_space<vmem>> -> memref<1000xi32, #tpu.memory_space<vmem>>
    %dma_wait3A_364 = tpu.memref_slice %arg3[%dma_wait3A_359, %add3A_109] : memref<2x320000xi32, #tpu.memory_space<hbm>> -> memref<1x1000xi32, #tpu.memory_space<hbm>>
    %dma_wait3A_365 = tpu.memref_squeeze %dma_wait3A_364 : memref<1x1000xi32, #tpu.memory_space<hbm>> -> memref<1000xi32, #tpu.memory_space<hbm>>
    %dma_wait3A_366 = arith.constant 0 : i32
    %dma_wait3A_367 = tpu.memref_slice %arg7[%dma_wait3A_360, %dma_wait3A_366] : memref<10x1000xi32, #tpu.memory_space<vmem>> -> memref<1x1000xi32, #tpu.memory_space<vmem>>
    %dma_wait3A_368 = tpu.memref_squeeze %dma_wait3A_367 : memref<1x1000xi32, #tpu.memory_space<vmem>> -> memref<1000xi32, #tpu.memory_space<vmem>>
    %dma_wait3A_369 = tpu.memref_slice %arg3[%dma_wait3A_359, %add3A_109] : memref<2x320000xi32, #tpu.memory_space<hbm>> -> memref<1x1000xi32, #tpu.memory_space<hbm>>
    %dma_wait3A_370 = tpu.memref_squeeze %dma_wait3A_369 : memref<1x1000xi32, #tpu.memory_space<hbm>> -> memref<1000xi32, #tpu.memory_space<hbm>>
    tpu.wait_dma2 semaphore(%arg18 : memref<!tpu.dma_semaphore, #tpu.memory_space<semaphore_mem>>) src(%dma_wait3A_370 : memref<1000xi32, #tpu.memory_space<hbm>>) dst(%dma_wait3A_368 : memref<1000xi32, #tpu.memory_space<vmem>>)
    %dma_wait3A_371 = arith.constant 1 : i32
    %dma_wait3A_372 = arith.constant 4 : i32
    %dma_wait3A_373 = arith.constant 0 : i32
    %dma_wait3A_374 = tpu.memref_slice %arg8[%dma_wait3A_372, %dma_wait3A_373] : memref<10x1000xi32, #tpu.memory_space<vmem>> -> memref<1x1000xi32, #tpu.memory_space<vmem>>
    %dma_wait3A_375 = tpu.memref_squeeze %dma_wait3A_374 : memref<1x1000xi32, #tpu.memory_space<vmem>> -> memref<1000xi32, #tpu.memory_space<vmem>>
    %dma_wait3A_376 = tpu.memref_slice %arg3[%dma_wait3A_371, %add3A_109] : memref<2x320000xi32, #tpu.memory_space<hbm>> -> memref<1x1000xi32, #tpu.memory_space<hbm>>
    %dma_wait3A_377 = tpu.memref_squeeze %dma_wait3A_376 : memref<1x1000xi32, #tpu.memory_space<hbm>> -> memref<1000xi32, #tpu.memory_space<hbm>>
    %dma_wait3A_378 = arith.constant 0 : i32
    %dma_wait3A_379 = tpu.memref_slice %arg8[%dma_wait3A_372, %dma_wait3A_378] : memref<10x1000xi32, #tpu.memory_space<vmem>> -> memref<1x1000xi32, #tpu.memory_space<vmem>>
    %dma_wait3A_380 = tpu.memref_squeeze %dma_wait3A_379 : memref<1x1000xi32, #tpu.memory_space<vmem>> -> memref<1000xi32, #tpu.memory_space<vmem>>
    %dma_wait3A_381 = tpu.memref_slice %arg3[%dma_wait3A_371, %add3A_109] : memref<2x320000xi32, #tpu.memory_space<hbm>> -> memref<1x1000xi32, #tpu.memory_space<hbm>>
    %dma_wait3A_382 = tpu.memref_squeeze %dma_wait3A_381 : memref<1x1000xi32, #tpu.memory_space<hbm>> -> memref<1000xi32, #tpu.memory_space<hbm>>
    tpu.wait_dma2 semaphore(%arg18 : memref<!tpu.dma_semaphore, #tpu.memory_space<semaphore_mem>>) src(%dma_wait3A_382 : memref<1000xi32, #tpu.memory_space<hbm>>) dst(%dma_wait3A_380 : memref<1000xi32, #tpu.memory_space<vmem>>)
    %dma_wait3A_383 = arith.constant 0 : i32
    %dma_wait3A_384 = arith.constant 5 : i32
    %dma_wait3A_385 = arith.constant 0 : i32
    %dma_wait3A_386 = tpu.memref_slice %arg7[%dma_wait3A_384, %dma_wait3A_385] : memref<10x1000xi32, #tpu.memory_space<vmem>> -> memref<1x1000xi32, #tpu.memory_space<vmem>>
    %dma_wait3A_387 = tpu.memref_squeeze %dma_wait3A_386 : memref<1x1000xi32, #tpu.memory_space<vmem>> -> memref<1000xi32, #tpu.memory_space<vmem>>
    %dma_wait3A_388 = tpu.memref_slice %arg3[%dma_wait3A_383, %add3A_135] : memref<2x320000xi32, #tpu.memory_space<hbm>> -> memref<1x1000xi32, #tpu.memory_space<hbm>>
    %dma_wait3A_389 = tpu.memref_squeeze %dma_wait3A_388 : memref<1x1000xi32, #tpu.memory_space<hbm>> -> memref<1000xi32, #tpu.memory_space<hbm>>
    %dma_wait3A_390 = arith.constant 0 : i32
    %dma_wait3A_391 = tpu.memref_slice %arg7[%dma_wait3A_384, %dma_wait3A_390] : memref<10x1000xi32, #tpu.memory_space<vmem>> -> memref<1x1000xi32, #tpu.memory_space<vmem>>
    %dma_wait3A_392 = tpu.memref_squeeze %dma_wait3A_391 : memref<1x1000xi32, #tpu.memory_space<vmem>> -> memref<1000xi32, #tpu.memory_space<vmem>>
    %dma_wait3A_393 = tpu.memref_slice %arg3[%dma_wait3A_383, %add3A_135] : memref<2x320000xi32, #tpu.memory_space<hbm>> -> memref<1x1000xi32, #tpu.memory_space<hbm>>
    %dma_wait3A_394 = tpu.memref_squeeze %dma_wait3A_393 : memref<1x1000xi32, #tpu.memory_space<hbm>> -> memref<1000xi32, #tpu.memory_space<hbm>>
    tpu.wait_dma2 semaphore(%arg18 : memref<!tpu.dma_semaphore, #tpu.memory_space<semaphore_mem>>) src(%dma_wait3A_394 : memref<1000xi32, #tpu.memory_space<hbm>>) dst(%dma_wait3A_392 : memref<1000xi32, #tpu.memory_space<vmem>>)
    %dma_wait3A_395 = arith.constant 1 : i32
    %dma_wait3A_396 = arith.constant 5 : i32
    %dma_wait3A_397 = arith.constant 0 : i32
    %dma_wait3A_398 = tpu.memref_slice %arg8[%dma_wait3A_396, %dma_wait3A_397] : memref<10x1000xi32, #tpu.memory_space<vmem>> -> memref<1x1000xi32, #tpu.memory_space<vmem>>
    %dma_wait3A_399 = tpu.memref_squeeze %dma_wait3A_398 : memref<1x1000xi32, #tpu.memory_space<vmem>> -> memref<1000xi32, #tpu.memory_space<vmem>>
    %dma_wait3A_400 = tpu.memref_slice %arg3[%dma_wait3A_395, %add3A_135] : memref<2x320000xi32, #tpu.memory_space<hbm>> -> memref<1x1000xi32, #tpu.memory_space<hbm>>
    %dma_wait3A_401 = tpu.memref_squeeze %dma_wait3A_400 : memref<1x1000xi32, #tpu.memory_space<hbm>> -> memref<1000xi32, #tpu.memory_space<hbm>>
    %dma_wait3A_402 = arith.constant 0 : i32
    %dma_wait3A_403 = tpu.memref_slice %arg8[%dma_wait3A_396, %dma_wait3A_402] : memref<10x1000xi32, #tpu.memory_space<vmem>> -> memref<1x1000xi32, #tpu.memory_space<vmem>>
    %dma_wait3A_404 = tpu.memref_squeeze %dma_wait3A_403 : memref<1x1000xi32, #tpu.memory_space<vmem>> -> memref<1000xi32, #tpu.memory_space<vmem>>
    %dma_wait3A_405 = tpu.memref_slice %arg3[%dma_wait3A_395, %add3A_135] : memref<2x320000xi32, #tpu.memory_space<hbm>> -> memref<1x1000xi32, #tpu.memory_space<hbm>>
    %dma_wait3A_406 = tpu.memref_squeeze %dma_wait3A_405 : memref<1x1000xi32, #tpu.memory_space<hbm>> -> memref<1000xi32, #tpu.memory_space<hbm>>
    tpu.wait_dma2 semaphore(%arg18 : memref<!tpu.dma_semaphore, #tpu.memory_space<semaphore_mem>>) src(%dma_wait3A_406 : memref<1000xi32, #tpu.memory_space<hbm>>) dst(%dma_wait3A_404 : memref<1000xi32, #tpu.memory_space<vmem>>)
    %dma_wait3A_407 = arith.constant 0 : i32
    %dma_wait3A_408 = arith.constant 6 : i32
    %dma_wait3A_409 = arith.constant 0 : i32
    %dma_wait3A_410 = tpu.memref_slice %arg7[%dma_wait3A_408, %dma_wait3A_409] : memref<10x1000xi32, #tpu.memory_space<vmem>> -> memref<1x1000xi32, #tpu.memory_space<vmem>>
    %dma_wait3A_411 = tpu.memref_squeeze %dma_wait3A_410 : memref<1x1000xi32, #tpu.memory_space<vmem>> -> memref<1000xi32, #tpu.memory_space<vmem>>
    %dma_wait3A_412 = tpu.memref_slice %arg3[%dma_wait3A_407, %add3A_161] : memref<2x320000xi32, #tpu.memory_space<hbm>> -> memref<1x1000xi32, #tpu.memory_space<hbm>>
    %dma_wait3A_413 = tpu.memref_squeeze %dma_wait3A_412 : memref<1x1000xi32, #tpu.memory_space<hbm>> -> memref<1000xi32, #tpu.memory_space<hbm>>
    %dma_wait3A_414 = arith.constant 0 : i32
    %dma_wait3A_415 = tpu.memref_slice %arg7[%dma_wait3A_408, %dma_wait3A_414] : memref<10x1000xi32, #tpu.memory_space<vmem>> -> memref<1x1000xi32, #tpu.memory_space<vmem>>
    %dma_wait3A_416 = tpu.memref_squeeze %dma_wait3A_415 : memref<1x1000xi32, #tpu.memory_space<vmem>> -> memref<1000xi32, #tpu.memory_space<vmem>>
    %dma_wait3A_417 = tpu.memref_slice %arg3[%dma_wait3A_407, %add3A_161] : memref<2x320000xi32, #tpu.memory_space<hbm>> -> memref<1x1000xi32, #tpu.memory_space<hbm>>
    %dma_wait3A_418 = tpu.memref_squeeze %dma_wait3A_417 : memref<1x1000xi32, #tpu.memory_space<hbm>> -> memref<1000xi32, #tpu.memory_space<hbm>>
    tpu.wait_dma2 semaphore(%arg18 : memref<!tpu.dma_semaphore, #tpu.memory_space<semaphore_mem>>) src(%dma_wait3A_418 : memref<1000xi32, #tpu.memory_space<hbm>>) dst(%dma_wait3A_416 : memref<1000xi32, #tpu.memory_space<vmem>>)
    %dma_wait3A_419 = arith.constant 1 : i32
    %dma_wait3A_420 = arith.constant 6 : i32
    %dma_wait3A_421 = arith.constant 0 : i32
    %dma_wait3A_422 = tpu.memref_slice %arg8[%dma_wait3A_420, %dma_wait3A_421] : memref<10x1000xi32, #tpu.memory_space<vmem>> -> memref<1x1000xi32, #tpu.memory_space<vmem>>
    %dma_wait3A_423 = tpu.memref_squeeze %dma_wait3A_422 : memref<1x1000xi32, #tpu.memory_space<vmem>> -> memref<1000xi32, #tpu.memory_space<vmem>>
    %dma_wait3A_424 = tpu.memref_slice %arg3[%dma_wait3A_419, %add3A_161] : memref<2x320000xi32, #tpu.memory_space<hbm>> -> memref<1x1000xi32, #tpu.memory_space<hbm>>
    %dma_wait3A_425 = tpu.memref_squeeze %dma_wait3A_424 : memref<1x1000xi32, #tpu.memory_space<hbm>> -> memref<1000xi32, #tpu.memory_space<hbm>>
    %dma_wait3A_426 = arith.constant 0 : i32
    %dma_wait3A_427 = tpu.memref_slice %arg8[%dma_wait3A_420, %dma_wait3A_426] : memref<10x1000xi32, #tpu.memory_space<vmem>> -> memref<1x1000xi32, #tpu.memory_space<vmem>>
    %dma_wait3A_428 = tpu.memref_squeeze %dma_wait3A_427 : memref<1x1000xi32, #tpu.memory_space<vmem>> -> memref<1000xi32, #tpu.memory_space<vmem>>
    %dma_wait3A_429 = tpu.memref_slice %arg3[%dma_wait3A_419, %add3A_161] : memref<2x320000xi32, #tpu.memory_space<hbm>> -> memref<1x1000xi32, #tpu.memory_space<hbm>>
    %dma_wait3A_430 = tpu.memref_squeeze %dma_wait3A_429 : memref<1x1000xi32, #tpu.memory_space<hbm>> -> memref<1000xi32, #tpu.memory_space<hbm>>
    tpu.wait_dma2 semaphore(%arg18 : memref<!tpu.dma_semaphore, #tpu.memory_space<semaphore_mem>>) src(%dma_wait3A_430 : memref<1000xi32, #tpu.memory_space<hbm>>) dst(%dma_wait3A_428 : memref<1000xi32, #tpu.memory_space<vmem>>)
    %dma_wait3A_431 = arith.constant 0 : i32
    %dma_wait3A_432 = arith.constant 7 : i32
    %dma_wait3A_433 = arith.constant 0 : i32
    %dma_wait3A_434 = tpu.memref_slice %arg7[%dma_wait3A_432, %dma_wait3A_433] : memref<10x1000xi32, #tpu.memory_space<vmem>> -> memref<1x1000xi32, #tpu.memory_space<vmem>>
    %dma_wait3A_435 = tpu.memref_squeeze %dma_wait3A_434 : memref<1x1000xi32, #tpu.memory_space<vmem>> -> memref<1000xi32, #tpu.memory_space<vmem>>
    %dma_wait3A_436 = tpu.memref_slice %arg3[%dma_wait3A_431, %add3A_187] : memref<2x320000xi32, #tpu.memory_space<hbm>> -> memref<1x1000xi32, #tpu.memory_space<hbm>>
    %dma_wait3A_437 = tpu.memref_squeeze %dma_wait3A_436 : memref<1x1000xi32, #tpu.memory_space<hbm>> -> memref<1000xi32, #tpu.memory_space<hbm>>
    %dma_wait3A_438 = arith.constant 0 : i32
    %dma_wait3A_439 = tpu.memref_slice %arg7[%dma_wait3A_432, %dma_wait3A_438] : memref<10x1000xi32, #tpu.memory_space<vmem>> -> memref<1x1000xi32, #tpu.memory_space<vmem>>
    %dma_wait3A_440 = tpu.memref_squeeze %dma_wait3A_439 : memref<1x1000xi32, #tpu.memory_space<vmem>> -> memref<1000xi32, #tpu.memory_space<vmem>>
    %dma_wait3A_441 = tpu.memref_slice %arg3[%dma_wait3A_431, %add3A_187] : memref<2x320000xi32, #tpu.memory_space<hbm>> -> memref<1x1000xi32, #tpu.memory_space<hbm>>
    %dma_wait3A_442 = tpu.memref_squeeze %dma_wait3A_441 : memref<1x1000xi32, #tpu.memory_space<hbm>> -> memref<1000xi32, #tpu.memory_space<hbm>>
    tpu.wait_dma2 semaphore(%arg18 : memref<!tpu.dma_semaphore, #tpu.memory_space<semaphore_mem>>) src(%dma_wait3A_442 : memref<1000xi32, #tpu.memory_space<hbm>>) dst(%dma_wait3A_440 : memref<1000xi32, #tpu.memory_space<vmem>>)
    %dma_wait3A_443 = arith.constant 1 : i32
    %dma_wait3A_444 = arith.constant 7 : i32
    %dma_wait3A_445 = arith.constant 0 : i32
    %dma_wait3A_446 = tpu.memref_slice %arg8[%dma_wait3A_444, %dma_wait3A_445] : memref<10x1000xi32, #tpu.memory_space<vmem>> -> memref<1x1000xi32, #tpu.memory_space<vmem>>
    %dma_wait3A_447 = tpu.memref_squeeze %dma_wait3A_446 : memref<1x1000xi32, #tpu.memory_space<vmem>> -> memref<1000xi32, #tpu.memory_space<vmem>>
    %dma_wait3A_448 = tpu.memref_slice %arg3[%dma_wait3A_443, %add3A_187] : memref<2x320000xi32, #tpu.memory_space<hbm>> -> memref<1x1000xi32, #tpu.memory_space<hbm>>
    %dma_wait3A_449 = tpu.memref_squeeze %dma_wait3A_448 : memref<1x1000xi32, #tpu.memory_space<hbm>> -> memref<1000xi32, #tpu.memory_space<hbm>>
    %dma_wait3A_450 = arith.constant 0 : i32
    %dma_wait3A_451 = tpu.memref_slice %arg8[%dma_wait3A_444, %dma_wait3A_450] : memref<10x1000xi32, #tpu.memory_space<vmem>> -> memref<1x1000xi32, #tpu.memory_space<vmem>>
    %dma_wait3A_452 = tpu.memref_squeeze %dma_wait3A_451 : memref<1x1000xi32, #tpu.memory_space<vmem>> -> memref<1000xi32, #tpu.memory_space<vmem>>
    %dma_wait3A_453 = tpu.memref_slice %arg3[%dma_wait3A_443, %add3A_187] : memref<2x320000xi32, #tpu.memory_space<hbm>> -> memref<1x1000xi32, #tpu.memory_space<hbm>>
    %dma_wait3A_454 = tpu.memref_squeeze %dma_wait3A_453 : memref<1x1000xi32, #tpu.memory_space<hbm>> -> memref<1000xi32, #tpu.memory_space<hbm>>
    tpu.wait_dma2 semaphore(%arg18 : memref<!tpu.dma_semaphore, #tpu.memory_space<semaphore_mem>>) src(%dma_wait3A_454 : memref<1000xi32, #tpu.memory_space<hbm>>) dst(%dma_wait3A_452 : memref<1000xi32, #tpu.memory_space<vmem>>)
    %dma_wait3A_455 = arith.constant 0 : i32
    %dma_wait3A_456 = arith.constant 8 : i32
    %dma_wait3A_457 = arith.constant 0 : i32
    %dma_wait3A_458 = tpu.memref_slice %arg7[%dma_wait3A_456, %dma_wait3A_457] : memref<10x1000xi32, #tpu.memory_space<vmem>> -> memref<1x1000xi32, #tpu.memory_space<vmem>>
    %dma_wait3A_459 = tpu.memref_squeeze %dma_wait3A_458 : memref<1x1000xi32, #tpu.memory_space<vmem>> -> memref<1000xi32, #tpu.memory_space<vmem>>
    %dma_wait3A_460 = tpu.memref_slice %arg3[%dma_wait3A_455, %add3A_213] : memref<2x320000xi32, #tpu.memory_space<hbm>> -> memref<1x1000xi32, #tpu.memory_space<hbm>>
    %dma_wait3A_461 = tpu.memref_squeeze %dma_wait3A_460 : memref<1x1000xi32, #tpu.memory_space<hbm>> -> memref<1000xi32, #tpu.memory_space<hbm>>
    %dma_wait3A_462 = arith.constant 0 : i32
    %dma_wait3A_463 = tpu.memref_slice %arg7[%dma_wait3A_456, %dma_wait3A_462] : memref<10x1000xi32, #tpu.memory_space<vmem>> -> memref<1x1000xi32, #tpu.memory_space<vmem>>
    %dma_wait3A_464 = tpu.memref_squeeze %dma_wait3A_463 : memref<1x1000xi32, #tpu.memory_space<vmem>> -> memref<1000xi32, #tpu.memory_space<vmem>>
    %dma_wait3A_465 = tpu.memref_slice %arg3[%dma_wait3A_455, %add3A_213] : memref<2x320000xi32, #tpu.memory_space<hbm>> -> memref<1x1000xi32, #tpu.memory_space<hbm>>
    %dma_wait3A_466 = tpu.memref_squeeze %dma_wait3A_465 : memref<1x1000xi32, #tpu.memory_space<hbm>> -> memref<1000xi32, #tpu.memory_space<hbm>>
    tpu.wait_dma2 semaphore(%arg18 : memref<!tpu.dma_semaphore, #tpu.memory_space<semaphore_mem>>) src(%dma_wait3A_466 : memref<1000xi32, #tpu.memory_space<hbm>>) dst(%dma_wait3A_464 : memref<1000xi32, #tpu.memory_space<vmem>>)
    %dma_wait3A_467 = arith.constant 1 : i32
    %dma_wait3A_468 = arith.constant 8 : i32
    %dma_wait3A_469 = arith.constant 0 : i32
    %dma_wait3A_470 = tpu.memref_slice %arg8[%dma_wait3A_468, %dma_wait3A_469] : memref<10x1000xi32, #tpu.memory_space<vmem>> -> memref<1x1000xi32, #tpu.memory_space<vmem>>
    %dma_wait3A_471 = tpu.memref_squeeze %dma_wait3A_470 : memref<1x1000xi32, #tpu.memory_space<vmem>> -> memref<1000xi32, #tpu.memory_space<vmem>>
    %dma_wait3A_472 = tpu.memref_slice %arg3[%dma_wait3A_467, %add3A_213] : memref<2x320000xi32, #tpu.memory_space<hbm>> -> memref<1x1000xi32, #tpu.memory_space<hbm>>
    %dma_wait3A_473 = tpu.memref_squeeze %dma_wait3A_472 : memref<1x1000xi32, #tpu.memory_space<hbm>> -> memref<1000xi32, #tpu.memory_space<hbm>>
    %dma_wait3A_474 = arith.constant 0 : i32
    %dma_wait3A_475 = tpu.memref_slice %arg8[%dma_wait3A_468, %dma_wait3A_474] : memref<10x1000xi32, #tpu.memory_space<vmem>> -> memref<1x1000xi32, #tpu.memory_space<vmem>>
    %dma_wait3A_476 = tpu.memref_squeeze %dma_wait3A_475 : memref<1x1000xi32, #tpu.memory_space<vmem>> -> memref<1000xi32, #tpu.memory_space<vmem>>
    %dma_wait3A_477 = tpu.memref_slice %arg3[%dma_wait3A_467, %add3A_213] : memref<2x320000xi32, #tpu.memory_space<hbm>> -> memref<1x1000xi32, #tpu.memory_space<hbm>>
    %dma_wait3A_478 = tpu.memref_squeeze %dma_wait3A_477 : memref<1x1000xi32, #tpu.memory_space<hbm>> -> memref<1000xi32, #tpu.memory_space<hbm>>
    tpu.wait_dma2 semaphore(%arg18 : memref<!tpu.dma_semaphore, #tpu.memory_space<semaphore_mem>>) src(%dma_wait3A_478 : memref<1000xi32, #tpu.memory_space<hbm>>) dst(%dma_wait3A_476 : memref<1000xi32, #tpu.memory_space<vmem>>)
    %dma_wait3A_479 = arith.constant 0 : i32
    %dma_wait3A_480 = arith.constant 9 : i32
    %dma_wait3A_481 = arith.constant 0 : i32
    %dma_wait3A_482 = tpu.memref_slice %arg7[%dma_wait3A_480, %dma_wait3A_481] : memref<10x1000xi32, #tpu.memory_space<vmem>> -> memref<1x1000xi32, #tpu.memory_space<vmem>>
    %dma_wait3A_483 = tpu.memref_squeeze %dma_wait3A_482 : memref<1x1000xi32, #tpu.memory_space<vmem>> -> memref<1000xi32, #tpu.memory_space<vmem>>
    %dma_wait3A_484 = tpu.memref_slice %arg3[%dma_wait3A_479, %add3A_239] : memref<2x320000xi32, #tpu.memory_space<hbm>> -> memref<1x1000xi32, #tpu.memory_space<hbm>>
    %dma_wait3A_485 = tpu.memref_squeeze %dma_wait3A_484 : memref<1x1000xi32, #tpu.memory_space<hbm>> -> memref<1000xi32, #tpu.memory_space<hbm>>
    %dma_wait3A_486 = arith.constant 0 : i32
    %dma_wait3A_487 = tpu.memref_slice %arg7[%dma_wait3A_480, %dma_wait3A_486] : memref<10x1000xi32, #tpu.memory_space<vmem>> -> memref<1x1000xi32, #tpu.memory_space<vmem>>
    %dma_wait3A_488 = tpu.memref_squeeze %dma_wait3A_487 : memref<1x1000xi32, #tpu.memory_space<vmem>> -> memref<1000xi32, #tpu.memory_space<vmem>>
    %dma_wait3A_489 = tpu.memref_slice %arg3[%dma_wait3A_479, %add3A_239] : memref<2x320000xi32, #tpu.memory_space<hbm>> -> memref<1x1000xi32, #tpu.memory_space<hbm>>
    %dma_wait3A_490 = tpu.memref_squeeze %dma_wait3A_489 : memref<1x1000xi32, #tpu.memory_space<hbm>> -> memref<1000xi32, #tpu.memory_space<hbm>>
    tpu.wait_dma2 semaphore(%arg18 : memref<!tpu.dma_semaphore, #tpu.memory_space<semaphore_mem>>) src(%dma_wait3A_490 : memref<1000xi32, #tpu.memory_space<hbm>>) dst(%dma_wait3A_488 : memref<1000xi32, #tpu.memory_space<vmem>>)
    %dma_wait3A_491 = arith.constant 1 : i32
    %dma_wait3A_492 = arith.constant 9 : i32
    %dma_wait3A_493 = arith.constant 0 : i32
    %dma_wait3A_494 = tpu.memref_slice %arg8[%dma_wait3A_492, %dma_wait3A_493] : memref<10x1000xi32, #tpu.memory_space<vmem>> -> memref<1x1000xi32, #tpu.memory_space<vmem>>
    %dma_wait3A_495 = tpu.memref_squeeze %dma_wait3A_494 : memref<1x1000xi32, #tpu.memory_space<vmem>> -> memref<1000xi32, #tpu.memory_space<vmem>>
    %dma_wait3A_496 = tpu.memref_slice %arg3[%dma_wait3A_491, %add3A_239] : memref<2x320000xi32, #tpu.memory_space<hbm>> -> memref<1x1000xi32, #tpu.memory_space<hbm>>
    %dma_wait3A_497 = tpu.memref_squeeze %dma_wait3A_496 : memref<1x1000xi32, #tpu.memory_space<hbm>> -> memref<1000xi32, #tpu.memory_space<hbm>>
    %dma_wait3A_498 = arith.constant 0 : i32
    %dma_wait3A_499 = tpu.memref_slice %arg8[%dma_wait3A_492, %dma_wait3A_498] : memref<10x1000xi32, #tpu.memory_space<vmem>> -> memref<1x1000xi32, #tpu.memory_space<vmem>>
    %dma_wait3A_500 = tpu.memref_squeeze %dma_wait3A_499 : memref<1x1000xi32, #tpu.memory_space<vmem>> -> memref<1000xi32, #tpu.memory_space<vmem>>
    %dma_wait3A_501 = tpu.memref_slice %arg3[%dma_wait3A_491, %add3A_239] : memref<2x320000xi32, #tpu.memory_space<hbm>> -> memref<1x1000xi32, #tpu.memory_space<hbm>>
    %dma_wait3A_502 = tpu.memref_squeeze %dma_wait3A_501 : memref<1x1000xi32, #tpu.memory_space<hbm>> -> memref<1000xi32, #tpu.memory_space<hbm>>
    tpu.wait_dma2 semaphore(%arg18 : memref<!tpu.dma_semaphore, #tpu.memory_space<semaphore_mem>>) src(%dma_wait3A_502 : memref<1000xi32, #tpu.memory_space<hbm>>) dst(%dma_wait3A_500 : memref<1000xi32, #tpu.memory_space<vmem>>)
    %barrier3A = arith.constant 0 : index
    tpu.barrier barrier_id(%barrier3A)
    %dma_start3A_503 = arith.constant 0 : i32
    %dma_start3A_504 = arith.constant 0 : i32
    %dma_start3A_505 = tpu.memref_slice %arg7[%dma_start3A_503, %dma_start3A_504] : memref<10x1000xi32, #tpu.memory_space<vmem>> -> memref<1x1000xi32, #tpu.memory_space<vmem>>
    %dma_start3A_506 = tpu.memref_squeeze %dma_start3A_505 : memref<1x1000xi32, #tpu.memory_space<vmem>> -> memref<1000xi32, #tpu.memory_space<vmem>>
    %dma_start3A_507 = arith.constant 0 : i32
    %dma_start3A_508 = arith.constant 0 : i32
    %dma_start3A_509 = tpu.memref_slice %arg2[%dma_start3A_507, %dma_start3A_508] : memref<10000x16xf32, #tpu.memory_space<hbm>> -> memref<10000x16xf32, #tpu.memory_space<hbm>>
    tpu.enqueue_indirect_dma source(%dma_start3A_509 : memref<10000x16xf32, #tpu.memory_space<hbm>>) target(%arg9 : memref<1000x16xf32, #tpu.memory_space<vmem>>) offsets(%dma_start3A_506 : memref<1000xi32, #tpu.memory_space<vmem>>) semaphore(%arg13 : memref<!tpu.dma_semaphore, #tpu.memory_space<semaphore_mem>>)
    %dma_start3A_510 = arith.constant 1 : i32
    %dma_start3A_511 = arith.constant 0 : i32
    %dma_start3A_512 = tpu.memref_slice %arg7[%dma_start3A_510, %dma_start3A_511] : memref<10x1000xi32, #tpu.memory_space<vmem>> -> memref<1x1000xi32, #tpu.memory_space<vmem>>
    %dma_start3A_513 = tpu.memref_squeeze %dma_start3A_512 : memref<1x1000xi32, #tpu.memory_space<vmem>> -> memref<1000xi32, #tpu.memory_space<vmem>>
    %dma_start3A_514 = arith.constant 0 : i32
    %dma_start3A_515 = arith.constant 0 : i32
    %dma_start3A_516 = tpu.memref_slice %arg2[%dma_start3A_514, %dma_start3A_515] : memref<10000x16xf32, #tpu.memory_space<hbm>> -> memref<10000x16xf32, #tpu.memory_space<hbm>>
    tpu.enqueue_indirect_dma source(%dma_start3A_516 : memref<10000x16xf32, #tpu.memory_space<hbm>>) target(%arg10 : memref<1000x16xf32, #tpu.memory_space<vmem>>) offsets(%dma_start3A_513 : memref<1000xi32, #tpu.memory_space<vmem>>) semaphore(%arg13 : memref<!tpu.dma_semaphore, #tpu.memory_space<semaphore_mem>>)
    %dma_start3A_517 = arith.constant 2 : i32
    %dma_start3A_518 = arith.constant 0 : i32
    %dma_start3A_519 = tpu.memref_slice %arg7[%dma_start3A_517, %dma_start3A_518] : memref<10x1000xi32, #tpu.memory_space<vmem>> -> memref<1x1000xi32, #tpu.memory_space<vmem>>
    %dma_start3A_520 = tpu.memref_squeeze %dma_start3A_519 : memref<1x1000xi32, #tpu.memory_space<vmem>> -> memref<1000xi32, #tpu.memory_space<vmem>>
    %dma_start3A_521 = arith.constant 0 : i32
    %dma_start3A_522 = arith.constant 0 : i32
    %dma_start3A_523 = tpu.memref_slice %arg2[%dma_start3A_521, %dma_start3A_522] : memref<10000x16xf32, #tpu.memory_space<hbm>> -> memref<10000x16xf32, #tpu.memory_space<hbm>>
    tpu.enqueue_indirect_dma source(%dma_start3A_523 : memref<10000x16xf32, #tpu.memory_space<hbm>>) target(%arg11 : memref<1000x16xf32, #tpu.memory_space<vmem>>) offsets(%dma_start3A_520 : memref<1000xi32, #tpu.memory_space<vmem>>) semaphore(%arg13 : memref<!tpu.dma_semaphore, #tpu.memory_space<semaphore_mem>>)
    %dma_wait3A_524 = arith.constant 0 : i32
    %dma_wait3A_525 = arith.constant 0 : i32
    %dma_wait3A_526 = tpu.memref_slice %arg7[%dma_wait3A_524, %dma_wait3A_525] : memref<10x1000xi32, #tpu.memory_space<vmem>> -> memref<1x1000xi32, #tpu.memory_space<vmem>>
    %dma_wait3A_527 = tpu.memref_squeeze %dma_wait3A_526 : memref<1x1000xi32, #tpu.memory_space<vmem>> -> memref<1000xi32, #tpu.memory_space<vmem>>
    %dma_wait3A_528 = arith.constant 0 : i32
    %dma_wait3A_529 = arith.constant 0 : i32
    %dma_wait3A_530 = tpu.memref_slice %arg2[%dma_wait3A_528, %dma_wait3A_529] : memref<10000x16xf32, #tpu.memory_space<hbm>> -> memref<10000x16xf32, #tpu.memory_space<hbm>>
    tpu.wait_indirect_dma semaphore(%arg13 : memref<!tpu.dma_semaphore, #tpu.memory_space<semaphore_mem>>) src(%dma_wait3A_530 : memref<10000x16xf32, #tpu.memory_space<hbm>>) dst(%arg9 : memref<1000x16xf32, #tpu.memory_space<vmem>>)
    %dma_start3A_531 = arith.constant 0 : i32
    %dma_start3A_532 = arith.constant 0 : i32
    %dma_start3A_533 = tpu.memref_slice %arg8[%dma_start3A_531, %dma_start3A_532] : memref<10x1000xi32, #tpu.memory_space<vmem>> -> memref<1x1000xi32, #tpu.memory_space<vmem>>
    %dma_start3A_534 = tpu.memref_squeeze %dma_start3A_533 : memref<1x1000xi32, #tpu.memory_space<vmem>> -> memref<1000xi32, #tpu.memory_space<vmem>>
    %dma_start3A_535 = arith.constant 0 : i32
    %dma_start3A_536 = arith.constant 0 : i32
    %dma_start3A_537 = tpu.memref_slice %arg6[%dma_start3A_535, %dma_start3A_536] : memref<10240x16xf32, #tpu.memory_space<vmem_shared>> -> memref<10240x16xf32, #tpu.memory_space<vmem_shared>>
    tpu.enqueue_indirect_dma source(%arg9 : memref<1000x16xf32, #tpu.memory_space<vmem>>) target(%dma_start3A_537 : memref<10240x16xf32, #tpu.memory_space<vmem_shared>>) offsets(%dma_start3A_534 : memref<1000xi32, #tpu.memory_space<vmem>>) semaphore(%arg14 : memref<!tpu.dma_semaphore, #tpu.memory_space<semaphore_mem>>) {add = true}
    %dma_start3A_538 = arith.constant 3 : i32
    %dma_start3A_539 = arith.constant 0 : i32
    %dma_start3A_540 = tpu.memref_slice %arg7[%dma_start3A_538, %dma_start3A_539] : memref<10x1000xi32, #tpu.memory_space<vmem>> -> memref<1x1000xi32, #tpu.memory_space<vmem>>
    %dma_start3A_541 = tpu.memref_squeeze %dma_start3A_540 : memref<1x1000xi32, #tpu.memory_space<vmem>> -> memref<1000xi32, #tpu.memory_space<vmem>>
    %dma_start3A_542 = arith.constant 0 : i32
    %dma_start3A_543 = arith.constant 0 : i32
    %dma_start3A_544 = tpu.memref_slice %arg2[%dma_start3A_542, %dma_start3A_543] : memref<10000x16xf32, #tpu.memory_space<hbm>> -> memref<10000x16xf32, #tpu.memory_space<hbm>>
    tpu.enqueue_indirect_dma source(%dma_start3A_544 : memref<10000x16xf32, #tpu.memory_space<hbm>>) target(%arg12 : memref<1000x16xf32, #tpu.memory_space<vmem>>) offsets(%dma_start3A_541 : memref<1000xi32, #tpu.memory_space<vmem>>) semaphore(%arg13 : memref<!tpu.dma_semaphore, #tpu.memory_space<semaphore_mem>>)
    %dma_wait3A_545 = arith.constant 1 : i32
    %dma_wait3A_546 = arith.constant 0 : i32
    %dma_wait3A_547 = tpu.memref_slice %arg7[%dma_wait3A_545, %dma_wait3A_546] : memref<10x1000xi32, #tpu.memory_space<vmem>> -> memref<1x1000xi32, #tpu.memory_space<vmem>>
    %dma_wait3A_548 = tpu.memref_squeeze %dma_wait3A_547 : memref<1x1000xi32, #tpu.memory_space<vmem>> -> memref<1000xi32, #tpu.memory_space<vmem>>
    %dma_wait3A_549 = arith.constant 0 : i32
    %dma_wait3A_550 = arith.constant 0 : i32
    %dma_wait3A_551 = tpu.memref_slice %arg2[%dma_wait3A_549, %dma_wait3A_550] : memref<10000x16xf32, #tpu.memory_space<hbm>> -> memref<10000x16xf32, #tpu.memory_space<hbm>>
    tpu.wait_indirect_dma semaphore(%arg13 : memref<!tpu.dma_semaphore, #tpu.memory_space<semaphore_mem>>) src(%dma_wait3A_551 : memref<10000x16xf32, #tpu.memory_space<hbm>>) dst(%arg10 : memref<1000x16xf32, #tpu.memory_space<vmem>>)
    %dma_start3A_552 = arith.constant 1 : i32
    %dma_start3A_553 = arith.constant 0 : i32
    %dma_start3A_554 = tpu.memref_slice %arg8[%dma_start3A_552, %dma_start3A_553] : memref<10x1000xi32, #tpu.memory_space<vmem>> -> memref<1x1000xi32, #tpu.memory_space<vmem>>
    %dma_start3A_555 = tpu.memref_squeeze %dma_start3A_554 : memref<1x1000xi32, #tpu.memory_space<vmem>> -> memref<1000xi32, #tpu.memory_space<vmem>>
    %dma_start3A_556 = arith.constant 0 : i32
    %dma_start3A_557 = arith.constant 0 : i32
    %dma_start3A_558 = tpu.memref_slice %arg6[%dma_start3A_556, %dma_start3A_557] : memref<10240x16xf32, #tpu.memory_space<vmem_shared>> -> memref<10240x16xf32, #tpu.memory_space<vmem_shared>>
    tpu.enqueue_indirect_dma source(%arg10 : memref<1000x16xf32, #tpu.memory_space<vmem>>) target(%dma_start3A_558 : memref<10240x16xf32, #tpu.memory_space<vmem_shared>>) offsets(%dma_start3A_555 : memref<1000xi32, #tpu.memory_space<vmem>>) semaphore(%arg15 : memref<!tpu.dma_semaphore, #tpu.memory_space<semaphore_mem>>) {add = true}
    %dma_wait3A_559 = arith.constant 0 : i32
    %dma_wait3A_560 = arith.constant 0 : i32
    %dma_wait3A_561 = tpu.memref_slice %arg8[%dma_wait3A_559, %dma_wait3A_560] : memref<10x1000xi32, #tpu.memory_space<vmem>> -> memref<1x1000xi32, #tpu.memory_space<vmem>>
    %dma_wait3A_562 = tpu.memref_squeeze %dma_wait3A_561 : memref<1x1000xi32, #tpu.memory_space<vmem>> -> memref<1000xi32, #tpu.memory_space<vmem>>
    %dma_wait3A_563 = arith.constant 0 : i32
    %dma_wait3A_564 = arith.constant 0 : i32
    %dma_wait3A_565 = tpu.memref_slice %arg6[%dma_wait3A_563, %dma_wait3A_564] : memref<10240x16xf32, #tpu.memory_space<vmem_shared>> -> memref<10240x16xf32, #tpu.memory_space<vmem_shared>>
    tpu.wait_indirect_dma semaphore(%arg14 : memref<!tpu.dma_semaphore, #tpu.memory_space<semaphore_mem>>) src(%arg9 : memref<1000x16xf32, #tpu.memory_space<vmem>>) dst(%dma_wait3A_565 : memref<10240x16xf32, #tpu.memory_space<vmem_shared>>)
    %dma_start3A_566 = arith.constant 4 : i32
    %dma_start3A_567 = arith.constant 0 : i32
    %dma_start3A_568 = tpu.memref_slice %arg7[%dma_start3A_566, %dma_start3A_567] : memref<10x1000xi32, #tpu.memory_space<vmem>> -> memref<1x1000xi32, #tpu.memory_space<vmem>>
    %dma_start3A_569 = tpu.memref_squeeze %dma_start3A_568 : memref<1x1000xi32, #tpu.memory_space<vmem>> -> memref<1000xi32, #tpu.memory_space<vmem>>
    %dma_start3A_570 = arith.constant 0 : i32
    %dma_start3A_571 = arith.constant 0 : i32
    %dma_start3A_572 = tpu.memref_slice %arg2[%dma_start3A_570, %dma_start3A_571] : memref<10000x16xf32, #tpu.memory_space<hbm>> -> memref<10000x16xf32, #tpu.memory_space<hbm>>
    tpu.enqueue_indirect_dma source(%dma_start3A_572 : memref<10000x16xf32, #tpu.memory_space<hbm>>) target(%arg9 : memref<1000x16xf32, #tpu.memory_space<vmem>>) offsets(%dma_start3A_569 : memref<1000xi32, #tpu.memory_space<vmem>>) semaphore(%arg13 : memref<!tpu.dma_semaphore, #tpu.memory_space<semaphore_mem>>)
    %dma_wait3A_573 = arith.constant 2 : i32
    %dma_wait3A_574 = arith.constant 0 : i32
    %dma_wait3A_575 = tpu.memref_slice %arg7[%dma_wait3A_573, %dma_wait3A_574] : memref<10x1000xi32, #tpu.memory_space<vmem>> -> memref<1x1000xi32, #tpu.memory_space<vmem>>
    %dma_wait3A_576 = tpu.memref_squeeze %dma_wait3A_575 : memref<1x1000xi32, #tpu.memory_space<vmem>> -> memref<1000xi32, #tpu.memory_space<vmem>>
    %dma_wait3A_577 = arith.constant 0 : i32
    %dma_wait3A_578 = arith.constant 0 : i32
    %dma_wait3A_579 = tpu.memref_slice %arg2[%dma_wait3A_577, %dma_wait3A_578] : memref<10000x16xf32, #tpu.memory_space<hbm>> -> memref<10000x16xf32, #tpu.memory_space<hbm>>
    tpu.wait_indirect_dma semaphore(%arg13 : memref<!tpu.dma_semaphore, #tpu.memory_space<semaphore_mem>>) src(%dma_wait3A_579 : memref<10000x16xf32, #tpu.memory_space<hbm>>) dst(%arg11 : memref<1000x16xf32, #tpu.memory_space<vmem>>)
    %dma_start3A_580 = arith.constant 2 : i32
    %dma_start3A_581 = arith.constant 0 : i32
    %dma_start3A_582 = tpu.memref_slice %arg8[%dma_start3A_580, %dma_start3A_581] : memref<10x1000xi32, #tpu.memory_space<vmem>> -> memref<1x1000xi32, #tpu.memory_space<vmem>>
    %dma_start3A_583 = tpu.memref_squeeze %dma_start3A_582 : memref<1x1000xi32, #tpu.memory_space<vmem>> -> memref<1000xi32, #tpu.memory_space<vmem>>
    %dma_start3A_584 = arith.constant 0 : i32
    %dma_start3A_585 = arith.constant 0 : i32
    %dma_start3A_586 = tpu.memref_slice %arg6[%dma_start3A_584, %dma_start3A_585] : memref<10240x16xf32, #tpu.memory_space<vmem_shared>> -> memref<10240x16xf32, #tpu.memory_space<vmem_shared>>
    tpu.enqueue_indirect_dma source(%arg11 : memref<1000x16xf32, #tpu.memory_space<vmem>>) target(%dma_start3A_586 : memref<10240x16xf32, #tpu.memory_space<vmem_shared>>) offsets(%dma_start3A_583 : memref<1000xi32, #tpu.memory_space<vmem>>) semaphore(%arg16 : memref<!tpu.dma_semaphore, #tpu.memory_space<semaphore_mem>>) {add = true}
    %dma_wait3A_587 = arith.constant 1 : i32
    %dma_wait3A_588 = arith.constant 0 : i32
    %dma_wait3A_589 = tpu.memref_slice %arg8[%dma_wait3A_587, %dma_wait3A_588] : memref<10x1000xi32, #tpu.memory_space<vmem>> -> memref<1x1000xi32, #tpu.memory_space<vmem>>
    %dma_wait3A_590 = tpu.memref_squeeze %dma_wait3A_589 : memref<1x1000xi32, #tpu.memory_space<vmem>> -> memref<1000xi32, #tpu.memory_space<vmem>>
    %dma_wait3A_591 = arith.constant 0 : i32
    %dma_wait3A_592 = arith.constant 0 : i32
    %dma_wait3A_593 = tpu.memref_slice %arg6[%dma_wait3A_591, %dma_wait3A_592] : memref<10240x16xf32, #tpu.memory_space<vmem_shared>> -> memref<10240x16xf32, #tpu.memory_space<vmem_shared>>
    tpu.wait_indirect_dma semaphore(%arg15 : memref<!tpu.dma_semaphore, #tpu.memory_space<semaphore_mem>>) src(%arg10 : memref<1000x16xf32, #tpu.memory_space<vmem>>) dst(%dma_wait3A_593 : memref<10240x16xf32, #tpu.memory_space<vmem_shared>>)
    %dma_start3A_594 = arith.constant 5 : i32
    %dma_start3A_595 = arith.constant 0 : i32
    %dma_start3A_596 = tpu.memref_slice %arg7[%dma_start3A_594, %dma_start3A_595] : memref<10x1000xi32, #tpu.memory_space<vmem>> -> memref<1x1000xi32, #tpu.memory_space<vmem>>
    %dma_start3A_597 = tpu.memref_squeeze %dma_start3A_596 : memref<1x1000xi32, #tpu.memory_space<vmem>> -> memref<1000xi32, #tpu.memory_space<vmem>>
    %dma_start3A_598 = arith.constant 0 : i32
    %dma_start3A_599 = arith.constant 0 : i32
    %dma_start3A_600 = tpu.memref_slice %arg2[%dma_start3A_598, %dma_start3A_599] : memref<10000x16xf32, #tpu.memory_space<hbm>> -> memref<10000x16xf32, #tpu.memory_space<hbm>>
    tpu.enqueue_indirect_dma source(%dma_start3A_600 : memref<10000x16xf32, #tpu.memory_space<hbm>>) target(%arg10 : memref<1000x16xf32, #tpu.memory_space<vmem>>) offsets(%dma_start3A_597 : memref<1000xi32, #tpu.memory_space<vmem>>) semaphore(%arg13 : memref<!tpu.dma_semaphore, #tpu.memory_space<semaphore_mem>>)
    %dma_wait3A_601 = arith.constant 3 : i32
    %dma_wait3A_602 = arith.constant 0 : i32
    %dma_wait3A_603 = tpu.memref_slice %arg7[%dma_wait3A_601, %dma_wait3A_602] : memref<10x1000xi32, #tpu.memory_space<vmem>> -> memref<1x1000xi32, #tpu.memory_space<vmem>>
    %dma_wait3A_604 = tpu.memref_squeeze %dma_wait3A_603 : memref<1x1000xi32, #tpu.memory_space<vmem>> -> memref<1000xi32, #tpu.memory_space<vmem>>
    %dma_wait3A_605 = arith.constant 0 : i32
    %dma_wait3A_606 = arith.constant 0 : i32
    %dma_wait3A_607 = tpu.memref_slice %arg2[%dma_wait3A_605, %dma_wait3A_606] : memref<10000x16xf32, #tpu.memory_space<hbm>> -> memref<10000x16xf32, #tpu.memory_space<hbm>>
    tpu.wait_indirect_dma semaphore(%arg13 : memref<!tpu.dma_semaphore, #tpu.memory_space<semaphore_mem>>) src(%dma_wait3A_607 : memref<10000x16xf32, #tpu.memory_space<hbm>>) dst(%arg12 : memref<1000x16xf32, #tpu.memory_space<vmem>>)
    %dma_start3A_608 = arith.constant 3 : i32
    %dma_start3A_609 = arith.constant 0 : i32
    %dma_start3A_610 = tpu.memref_slice %arg8[%dma_start3A_608, %dma_start3A_609] : memref<10x1000xi32, #tpu.memory_space<vmem>> -> memref<1x1000xi32, #tpu.memory_space<vmem>>
    %dma_start3A_611 = tpu.memref_squeeze %dma_start3A_610 : memref<1x1000xi32, #tpu.memory_space<vmem>> -> memref<1000xi32, #tpu.memory_space<vmem>>
    %dma_start3A_612 = arith.constant 0 : i32
    %dma_start3A_613 = arith.constant 0 : i32
    %dma_start3A_614 = tpu.memref_slice %arg6[%dma_start3A_612, %dma_start3A_613] : memref<10240x16xf32, #tpu.memory_space<vmem_shared>> -> memref<10240x16xf32, #tpu.memory_space<vmem_shared>>
    tpu.enqueue_indirect_dma source(%arg12 : memref<1000x16xf32, #tpu.memory_space<vmem>>) target(%dma_start3A_614 : memref<10240x16xf32, #tpu.memory_space<vmem_shared>>) offsets(%dma_start3A_611 : memref<1000xi32, #tpu.memory_space<vmem>>) semaphore(%arg17 : memref<!tpu.dma_semaphore, #tpu.memory_space<semaphore_mem>>) {add = true}
    %dma_wait3A_615 = arith.constant 2 : i32
    %dma_wait3A_616 = arith.constant 0 : i32
    %dma_wait3A_617 = tpu.memref_slice %arg8[%dma_wait3A_615, %dma_wait3A_616] : memref<10x1000xi32, #tpu.memory_space<vmem>> -> memref<1x1000xi32, #tpu.memory_space<vmem>>
    %dma_wait3A_618 = tpu.memref_squeeze %dma_wait3A_617 : memref<1x1000xi32, #tpu.memory_space<vmem>> -> memref<1000xi32, #tpu.memory_space<vmem>>
    %dma_wait3A_619 = arith.constant 0 : i32
    %dma_wait3A_620 = arith.constant 0 : i32
    %dma_wait3A_621 = tpu.memref_slice %arg6[%dma_wait3A_619, %dma_wait3A_620] : memref<10240x16xf32, #tpu.memory_space<vmem_shared>> -> memref<10240x16xf32, #tpu.memory_space<vmem_shared>>
    tpu.wait_indirect_dma semaphore(%arg16 : memref<!tpu.dma_semaphore, #tpu.memory_space<semaphore_mem>>) src(%arg11 : memref<1000x16xf32, #tpu.memory_space<vmem>>) dst(%dma_wait3A_621 : memref<10240x16xf32, #tpu.memory_space<vmem_shared>>)
    %dma_start3A_622 = arith.constant 6 : i32
    %dma_start3A_623 = arith.constant 0 : i32
    %dma_start3A_624 = tpu.memref_slice %arg7[%dma_start3A_622, %dma_start3A_623] : memref<10x1000xi32, #tpu.memory_space<vmem>> -> memref<1x1000xi32, #tpu.memory_space<vmem>>
    %dma_start3A_625 = tpu.memref_squeeze %dma_start3A_624 : memref<1x1000xi32, #tpu.memory_space<vmem>> -> memref<1000xi32, #tpu.memory_space<vmem>>
    %dma_start3A_626 = arith.constant 0 : i32
    %dma_start3A_627 = arith.constant 0 : i32
    %dma_start3A_628 = tpu.memref_slice %arg2[%dma_start3A_626, %dma_start3A_627] : memref<10000x16xf32, #tpu.memory_space<hbm>> -> memref<10000x16xf32, #tpu.memory_space<hbm>>
    tpu.enqueue_indirect_dma source(%dma_start3A_628 : memref<10000x16xf32, #tpu.memory_space<hbm>>) target(%arg11 : memref<1000x16xf32, #tpu.memory_space<vmem>>) offsets(%dma_start3A_625 : memref<1000xi32, #tpu.memory_space<vmem>>) semaphore(%arg13 : memref<!tpu.dma_semaphore, #tpu.memory_space<semaphore_mem>>)
    %dma_wait3A_629 = arith.constant 4 : i32
    %dma_wait3A_630 = arith.constant 0 : i32
    %dma_wait3A_631 = tpu.memref_slice %arg7[%dma_wait3A_629, %dma_wait3A_630] : memref<10x1000xi32, #tpu.memory_space<vmem>> -> memref<1x1000xi32, #tpu.memory_space<vmem>>
    %dma_wait3A_632 = tpu.memref_squeeze %dma_wait3A_631 : memref<1x1000xi32, #tpu.memory_space<vmem>> -> memref<1000xi32, #tpu.memory_space<vmem>>
    %dma_wait3A_633 = arith.constant 0 : i32
    %dma_wait3A_634 = arith.constant 0 : i32
    %dma_wait3A_635 = tpu.memref_slice %arg2[%dma_wait3A_633, %dma_wait3A_634] : memref<10000x16xf32, #tpu.memory_space<hbm>> -> memref<10000x16xf32, #tpu.memory_space<hbm>>
    tpu.wait_indirect_dma semaphore(%arg13 : memref<!tpu.dma_semaphore, #tpu.memory_space<semaphore_mem>>) src(%dma_wait3A_635 : memref<10000x16xf32, #tpu.memory_space<hbm>>) dst(%arg9 : memref<1000x16xf32, #tpu.memory_space<vmem>>)
    %dma_start3A_636 = arith.constant 4 : i32
    %dma_start3A_637 = arith.constant 0 : i32
    %dma_start3A_638 = tpu.memref_slice %arg8[%dma_start3A_636, %dma_start3A_637] : memref<10x1000xi32, #tpu.memory_space<vmem>> -> memref<1x1000xi32, #tpu.memory_space<vmem>>
    %dma_start3A_639 = tpu.memref_squeeze %dma_start3A_638 : memref<1x1000xi32, #tpu.memory_space<vmem>> -> memref<1000xi32, #tpu.memory_space<vmem>>
    %dma_start3A_640 = arith.constant 0 : i32
    %dma_start3A_641 = arith.constant 0 : i32
    %dma_start3A_642 = tpu.memref_slice %arg6[%dma_start3A_640, %dma_start3A_641] : memref<10240x16xf32, #tpu.memory_space<vmem_shared>> -> memref<10240x16xf32, #tpu.memory_space<vmem_shared>>
    tpu.enqueue_indirect_dma source(%arg9 : memref<1000x16xf32, #tpu.memory_space<vmem>>) target(%dma_start3A_642 : memref<10240x16xf32, #tpu.memory_space<vmem_shared>>) offsets(%dma_start3A_639 : memref<1000xi32, #tpu.memory_space<vmem>>) semaphore(%arg14 : memref<!tpu.dma_semaphore, #tpu.memory_space<semaphore_mem>>) {add = true}
    %dma_wait3A_643 = arith.constant 3 : i32
    %dma_wait3A_644 = arith.constant 0 : i32
    %dma_wait3A_645 = tpu.memref_slice %arg8[%dma_wait3A_643, %dma_wait3A_644] : memref<10x1000xi32, #tpu.memory_space<vmem>> -> memref<1x1000xi32, #tpu.memory_space<vmem>>
    %dma_wait3A_646 = tpu.memref_squeeze %dma_wait3A_645 : memref<1x1000xi32, #tpu.memory_space<vmem>> -> memref<1000xi32, #tpu.memory_space<vmem>>
    %dma_wait3A_647 = arith.constant 0 : i32
    %dma_wait3A_648 = arith.constant 0 : i32
    %dma_wait3A_649 = tpu.memref_slice %arg6[%dma_wait3A_647, %dma_wait3A_648] : memref<10240x16xf32, #tpu.memory_space<vmem_shared>> -> memref<10240x16xf32, #tpu.memory_space<vmem_shared>>
    tpu.wait_indirect_dma semaphore(%arg17 : memref<!tpu.dma_semaphore, #tpu.memory_space<semaphore_mem>>) src(%arg12 : memref<1000x16xf32, #tpu.memory_space<vmem>>) dst(%dma_wait3A_649 : memref<10240x16xf32, #tpu.memory_space<vmem_shared>>)
    %dma_start3A_650 = arith.constant 7 : i32
    %dma_start3A_651 = arith.constant 0 : i32
    %dma_start3A_652 = tpu.memref_slice %arg7[%dma_start3A_650, %dma_start3A_651] : memref<10x1000xi32, #tpu.memory_space<vmem>> -> memref<1x1000xi32, #tpu.memory_space<vmem>>
    %dma_start3A_653 = tpu.memref_squeeze %dma_start3A_652 : memref<1x1000xi32, #tpu.memory_space<vmem>> -> memref<1000xi32, #tpu.memory_space<vmem>>
    %dma_start3A_654 = arith.constant 0 : i32
    %dma_start3A_655 = arith.constant 0 : i32
    %dma_start3A_656 = tpu.memref_slice %arg2[%dma_start3A_654, %dma_start3A_655] : memref<10000x16xf32, #tpu.memory_space<hbm>> -> memref<10000x16xf32, #tpu.memory_space<hbm>>
    tpu.enqueue_indirect_dma source(%dma_start3A_656 : memref<10000x16xf32, #tpu.memory_space<hbm>>) target(%arg12 : memref<1000x16xf32, #tpu.memory_space<vmem>>) offsets(%dma_start3A_653 : memref<1000xi32, #tpu.memory_space<vmem>>) semaphore(%arg13 : memref<!tpu.dma_semaphore, #tpu.memory_space<semaphore_mem>>)
    %dma_wait3A_657 = arith.constant 5 : i32
    %dma_wait3A_658 = arith.constant 0 : i32
    %dma_wait3A_659 = tpu.memref_slice %arg7[%dma_wait3A_657, %dma_wait3A_658] : memref<10x1000xi32, #tpu.memory_space<vmem>> -> memref<1x1000xi32, #tpu.memory_space<vmem>>
    %dma_wait3A_660 = tpu.memref_squeeze %dma_wait3A_659 : memref<1x1000xi32, #tpu.memory_space<vmem>> -> memref<1000xi32, #tpu.memory_space<vmem>>
    %dma_wait3A_661 = arith.constant 0 : i32
    %dma_wait3A_662 = arith.constant 0 : i32
    %dma_wait3A_663 = tpu.memref_slice %arg2[%dma_wait3A_661, %dma_wait3A_662] : memref<10000x16xf32, #tpu.memory_space<hbm>> -> memref<10000x16xf32, #tpu.memory_space<hbm>>
    tpu.wait_indirect_dma semaphore(%arg13 : memref<!tpu.dma_semaphore, #tpu.memory_space<semaphore_mem>>) src(%dma_wait3A_663 : memref<10000x16xf32, #tpu.memory_space<hbm>>) dst(%arg10 : memref<1000x16xf32, #tpu.memory_space<vmem>>)
    %dma_start3A_664 = arith.constant 5 : i32
    %dma_start3A_665 = arith.constant 0 : i32
    %dma_start3A_666 = tpu.memref_slice %arg8[%dma_start3A_664, %dma_start3A_665] : memref<10x1000xi32, #tpu.memory_space<vmem>> -> memref<1x1000xi32, #tpu.memory_space<vmem>>
    %dma_start3A_667 = tpu.memref_squeeze %dma_start3A_666 : memref<1x1000xi32, #tpu.memory_space<vmem>> -> memref<1000xi32, #tpu.memory_space<vmem>>
    %dma_start3A_668 = arith.constant 0 : i32
    %dma_start3A_669 = arith.constant 0 : i32
    %dma_start3A_670 = tpu.memref_slice %arg6[%dma_start3A_668, %dma_start3A_669] : memref<10240x16xf32, #tpu.memory_space<vmem_shared>> -> memref<10240x16xf32, #tpu.memory_space<vmem_shared>>
    tpu.enqueue_indirect_dma source(%arg10 : memref<1000x16xf32, #tpu.memory_space<vmem>>) target(%dma_start3A_670 : memref<10240x16xf32, #tpu.memory_space<vmem_shared>>) offsets(%dma_start3A_667 : memref<1000xi32, #tpu.memory_space<vmem>>) semaphore(%arg15 : memref<!tpu.dma_semaphore, #tpu.memory_space<semaphore_mem>>) {add = true}
    %dma_wait3A_671 = arith.constant 4 : i32
    %dma_wait3A_672 = arith.constant 0 : i32
    %dma_wait3A_673 = tpu.memref_slice %arg8[%dma_wait3A_671, %dma_wait3A_672] : memref<10x1000xi32, #tpu.memory_space<vmem>> -> memref<1x1000xi32, #tpu.memory_space<vmem>>
    %dma_wait3A_674 = tpu.memref_squeeze %dma_wait3A_673 : memref<1x1000xi32, #tpu.memory_space<vmem>> -> memref<1000xi32, #tpu.memory_space<vmem>>
    %dma_wait3A_675 = arith.constant 0 : i32
    %dma_wait3A_676 = arith.constant 0 : i32
    %dma_wait3A_677 = tpu.memref_slice %arg6[%dma_wait3A_675, %dma_wait3A_676] : memref<10240x16xf32, #tpu.memory_space<vmem_shared>> -> memref<10240x16xf32, #tpu.memory_space<vmem_shared>>
    tpu.wait_indirect_dma semaphore(%arg14 : memref<!tpu.dma_semaphore, #tpu.memory_space<semaphore_mem>>) src(%arg9 : memref<1000x16xf32, #tpu.memory_space<vmem>>) dst(%dma_wait3A_677 : memref<10240x16xf32, #tpu.memory_space<vmem_shared>>)
    %dma_start3A_678 = arith.constant 8 : i32
    %dma_start3A_679 = arith.constant 0 : i32
    %dma_start3A_680 = tpu.memref_slice %arg7[%dma_start3A_678, %dma_start3A_679] : memref<10x1000xi32, #tpu.memory_space<vmem>> -> memref<1x1000xi32, #tpu.memory_space<vmem>>
    %dma_start3A_681 = tpu.memref_squeeze %dma_start3A_680 : memref<1x1000xi32, #tpu.memory_space<vmem>> -> memref<1000xi32, #tpu.memory_space<vmem>>
    %dma_start3A_682 = arith.constant 0 : i32
    %dma_start3A_683 = arith.constant 0 : i32
    %dma_start3A_684 = tpu.memref_slice %arg2[%dma_start3A_682, %dma_start3A_683] : memref<10000x16xf32, #tpu.memory_space<hbm>> -> memref<10000x16xf32, #tpu.memory_space<hbm>>
    tpu.enqueue_indirect_dma source(%dma_start3A_684 : memref<10000x16xf32, #tpu.memory_space<hbm>>) target(%arg9 : memref<1000x16xf32, #tpu.memory_space<vmem>>) offsets(%dma_start3A_681 : memref<1000xi32, #tpu.memory_space<vmem>>) semaphore(%arg13 : memref<!tpu.dma_semaphore, #tpu.memory_space<semaphore_mem>>)
    %dma_wait3A_685 = arith.constant 6 : i32
    %dma_wait3A_686 = arith.constant 0 : i32
    %dma_wait3A_687 = tpu.memref_slice %arg7[%dma_wait3A_685, %dma_wait3A_686] : memref<10x1000xi32, #tpu.memory_space<vmem>> -> memref<1x1000xi32, #tpu.memory_space<vmem>>
    %dma_wait3A_688 = tpu.memref_squeeze %dma_wait3A_687 : memref<1x1000xi32, #tpu.memory_space<vmem>> -> memref<1000xi32, #tpu.memory_space<vmem>>
    %dma_wait3A_689 = arith.constant 0 : i32
    %dma_wait3A_690 = arith.constant 0 : i32
    %dma_wait3A_691 = tpu.memref_slice %arg2[%dma_wait3A_689, %dma_wait3A_690] : memref<10000x16xf32, #tpu.memory_space<hbm>> -> memref<10000x16xf32, #tpu.memory_space<hbm>>
    tpu.wait_indirect_dma semaphore(%arg13 : memref<!tpu.dma_semaphore, #tpu.memory_space<semaphore_mem>>) src(%dma_wait3A_691 : memref<10000x16xf32, #tpu.memory_space<hbm>>) dst(%arg11 : memref<1000x16xf32, #tpu.memory_space<vmem>>)
    %dma_start3A_692 = arith.constant 6 : i32
    %dma_start3A_693 = arith.constant 0 : i32
    %dma_start3A_694 = tpu.memref_slice %arg8[%dma_start3A_692, %dma_start3A_693] : memref<10x1000xi32, #tpu.memory_space<vmem>> -> memref<1x1000xi32, #tpu.memory_space<vmem>>
    %dma_start3A_695 = tpu.memref_squeeze %dma_start3A_694 : memref<1x1000xi32, #tpu.memory_space<vmem>> -> memref<1000xi32, #tpu.memory_space<vmem>>
    %dma_start3A_696 = arith.constant 0 : i32
    %dma_start3A_697 = arith.constant 0 : i32
    %dma_start3A_698 = tpu.memref_slice %arg6[%dma_start3A_696, %dma_start3A_697] : memref<10240x16xf32, #tpu.memory_space<vmem_shared>> -> memref<10240x16xf32, #tpu.memory_space<vmem_shared>>
    tpu.enqueue_indirect_dma source(%arg11 : memref<1000x16xf32, #tpu.memory_space<vmem>>) target(%dma_start3A_698 : memref<10240x16xf32, #tpu.memory_space<vmem_shared>>) offsets(%dma_start3A_695 : memref<1000xi32, #tpu.memory_space<vmem>>) semaphore(%arg16 : memref<!tpu.dma_semaphore, #tpu.memory_space<semaphore_mem>>) {add = true}
    %dma_wait3A_699 = arith.constant 5 : i32
    %dma_wait3A_700 = arith.constant 0 : i32
    %dma_wait3A_701 = tpu.memref_slice %arg8[%dma_wait3A_699, %dma_wait3A_700] : memref<10x1000xi32, #tpu.memory_space<vmem>> -> memref<1x1000xi32, #tpu.memory_space<vmem>>
    %dma_wait3A_702 = tpu.memref_squeeze %dma_wait3A_701 : memref<1x1000xi32, #tpu.memory_space<vmem>> -> memref<1000xi32, #tpu.memory_space<vmem>>
    %dma_wait3A_703 = arith.constant 0 : i32
    %dma_wait3A_704 = arith.constant 0 : i32
    %dma_wait3A_705 = tpu.memref_slice %arg6[%dma_wait3A_703, %dma_wait3A_704] : memref<10240x16xf32, #tpu.memory_space<vmem_shared>> -> memref<10240x16xf32, #tpu.memory_space<vmem_shared>>
    tpu.wait_indirect_dma semaphore(%arg15 : memref<!tpu.dma_semaphore, #tpu.memory_space<semaphore_mem>>) src(%arg10 : memref<1000x16xf32, #tpu.memory_space<vmem>>) dst(%dma_wait3A_705 : memref<10240x16xf32, #tpu.memory_space<vmem_shared>>)
    %dma_start3A_706 = arith.constant 9 : i32
    %dma_start3A_707 = arith.constant 0 : i32
    %dma_start3A_708 = tpu.memref_slice %arg7[%dma_start3A_706, %dma_start3A_707] : memref<10x1000xi32, #tpu.memory_space<vmem>> -> memref<1x1000xi32, #tpu.memory_space<vmem>>
    %dma_start3A_709 = tpu.memref_squeeze %dma_start3A_708 : memref<1x1000xi32, #tpu.memory_space<vmem>> -> memref<1000xi32, #tpu.memory_space<vmem>>
    %dma_start3A_710 = arith.constant 0 : i32
    %dma_start3A_711 = arith.constant 0 : i32
    %dma_start3A_712 = tpu.memref_slice %arg2[%dma_start3A_710, %dma_start3A_711] : memref<10000x16xf32, #tpu.memory_space<hbm>> -> memref<10000x16xf32, #tpu.memory_space<hbm>>
    tpu.enqueue_indirect_dma source(%dma_start3A_712 : memref<10000x16xf32, #tpu.memory_space<hbm>>) target(%arg10 : memref<1000x16xf32, #tpu.memory_space<vmem>>) offsets(%dma_start3A_709 : memref<1000xi32, #tpu.memory_space<vmem>>) semaphore(%arg13 : memref<!tpu.dma_semaphore, #tpu.memory_space<semaphore_mem>>)
    %dma_wait3A_713 = arith.constant 7 : i32
    %dma_wait3A_714 = arith.constant 0 : i32
    %dma_wait3A_715 = tpu.memref_slice %arg7[%dma_wait3A_713, %dma_wait3A_714] : memref<10x1000xi32, #tpu.memory_space<vmem>> -> memref<1x1000xi32, #tpu.memory_space<vmem>>
    %dma_wait3A_716 = tpu.memref_squeeze %dma_wait3A_715 : memref<1x1000xi32, #tpu.memory_space<vmem>> -> memref<1000xi32, #tpu.memory_space<vmem>>
    %dma_wait3A_717 = arith.constant 0 : i32
    %dma_wait3A_718 = arith.constant 0 : i32
    %dma_wait3A_719 = tpu.memref_slice %arg2[%dma_wait3A_717, %dma_wait3A_718] : memref<10000x16xf32, #tpu.memory_space<hbm>> -> memref<10000x16xf32, #tpu.memory_space<hbm>>
    tpu.wait_indirect_dma semaphore(%arg13 : memref<!tpu.dma_semaphore, #tpu.memory_space<semaphore_mem>>) src(%dma_wait3A_719 : memref<10000x16xf32, #tpu.memory_space<hbm>>) dst(%arg12 : memref<1000x16xf32, #tpu.memory_space<vmem>>)
    %dma_start3A_720 = arith.constant 7 : i32
    %dma_start3A_721 = arith.constant 0 : i32
    %dma_start3A_722 = tpu.memref_slice %arg8[%dma_start3A_720, %dma_start3A_721] : memref<10x1000xi32, #tpu.memory_space<vmem>> -> memref<1x1000xi32, #tpu.memory_space<vmem>>
    %dma_start3A_723 = tpu.memref_squeeze %dma_start3A_722 : memref<1x1000xi32, #tpu.memory_space<vmem>> -> memref<1000xi32, #tpu.memory_space<vmem>>
    %dma_start3A_724 = arith.constant 0 : i32
    %dma_start3A_725 = arith.constant 0 : i32
    %dma_start3A_726 = tpu.memref_slice %arg6[%dma_start3A_724, %dma_start3A_725] : memref<10240x16xf32, #tpu.memory_space<vmem_shared>> -> memref<10240x16xf32, #tpu.memory_space<vmem_shared>>
    tpu.enqueue_indirect_dma source(%arg12 : memref<1000x16xf32, #tpu.memory_space<vmem>>) target(%dma_start3A_726 : memref<10240x16xf32, #tpu.memory_space<vmem_shared>>) offsets(%dma_start3A_723 : memref<1000xi32, #tpu.memory_space<vmem>>) semaphore(%arg17 : memref<!tpu.dma_semaphore, #tpu.memory_space<semaphore_mem>>) {add = true}
    %dma_wait3A_727 = arith.constant 8 : i32
    %dma_wait3A_728 = arith.constant 0 : i32
    %dma_wait3A_729 = tpu.memref_slice %arg7[%dma_wait3A_727, %dma_wait3A_728] : memref<10x1000xi32, #tpu.memory_space<vmem>> -> memref<1x1000xi32, #tpu.memory_space<vmem>>
    %dma_wait3A_730 = tpu.memref_squeeze %dma_wait3A_729 : memref<1x1000xi32, #tpu.memory_space<vmem>> -> memref<1000xi32, #tpu.memory_space<vmem>>
    %dma_wait3A_731 = arith.constant 0 : i32
    %dma_wait3A_732 = arith.constant 0 : i32
    %dma_wait3A_733 = tpu.memref_slice %arg2[%dma_wait3A_731, %dma_wait3A_732] : memref<10000x16xf32, #tpu.memory_space<hbm>> -> memref<10000x16xf32, #tpu.memory_space<hbm>>
    tpu.wait_indirect_dma semaphore(%arg13 : memref<!tpu.dma_semaphore, #tpu.memory_space<semaphore_mem>>) src(%dma_wait3A_733 : memref<10000x16xf32, #tpu.memory_space<hbm>>) dst(%arg9 : memref<1000x16xf32, #tpu.memory_space<vmem>>)
    %dma_start3A_734 = arith.constant 8 : i32
    %dma_start3A_735 = arith.constant 0 : i32
    %dma_start3A_736 = tpu.memref_slice %arg8[%dma_start3A_734, %dma_start3A_735] : memref<10x1000xi32, #tpu.memory_space<vmem>> -> memref<1x1000xi32, #tpu.memory_space<vmem>>
    %dma_start3A_737 = tpu.memref_squeeze %dma_start3A_736 : memref<1x1000xi32, #tpu.memory_space<vmem>> -> memref<1000xi32, #tpu.memory_space<vmem>>
    %dma_start3A_738 = arith.constant 0 : i32
    %dma_start3A_739 = arith.constant 0 : i32
    %dma_start3A_740 = tpu.memref_slice %arg6[%dma_start3A_738, %dma_start3A_739] : memref<10240x16xf32, #tpu.memory_space<vmem_shared>> -> memref<10240x16xf32, #tpu.memory_space<vmem_shared>>
    tpu.enqueue_indirect_dma source(%arg9 : memref<1000x16xf32, #tpu.memory_space<vmem>>) target(%dma_start3A_740 : memref<10240x16xf32, #tpu.memory_space<vmem_shared>>) offsets(%dma_start3A_737 : memref<1000xi32, #tpu.memory_space<vmem>>) semaphore(%arg14 : memref<!tpu.dma_semaphore, #tpu.memory_space<semaphore_mem>>) {add = true}
    %dma_wait3A_741 = arith.constant 9 : i32
    %dma_wait3A_742 = arith.constant 0 : i32
    %dma_wait3A_743 = tpu.memref_slice %arg7[%dma_wait3A_741, %dma_wait3A_742] : memref<10x1000xi32, #tpu.memory_space<vmem>> -> memref<1x1000xi32, #tpu.memory_space<vmem>>
    %dma_wait3A_744 = tpu.memref_squeeze %dma_wait3A_743 : memref<1x1000xi32, #tpu.memory_space<vmem>> -> memref<1000xi32, #tpu.memory_space<vmem>>
    %dma_wait3A_745 = arith.constant 0 : i32
    %dma_wait3A_746 = arith.constant 0 : i32
    %dma_wait3A_747 = tpu.memref_slice %arg2[%dma_wait3A_745, %dma_wait3A_746] : memref<10000x16xf32, #tpu.memory_space<hbm>> -> memref<10000x16xf32, #tpu.memory_space<hbm>>
    tpu.wait_indirect_dma semaphore(%arg13 : memref<!tpu.dma_semaphore, #tpu.memory_space<semaphore_mem>>) src(%dma_wait3A_747 : memref<10000x16xf32, #tpu.memory_space<hbm>>) dst(%arg10 : memref<1000x16xf32, #tpu.memory_space<vmem>>)
    %dma_start3A_748 = arith.constant 9 : i32
    %dma_start3A_749 = arith.constant 0 : i32
    %dma_start3A_750 = tpu.memref_slice %arg8[%dma_start3A_748, %dma_start3A_749] : memref<10x1000xi32, #tpu.memory_space<vmem>> -> memref<1x1000xi32, #tpu.memory_space<vmem>>
    %dma_start3A_751 = tpu.memref_squeeze %dma_start3A_750 : memref<1x1000xi32, #tpu.memory_space<vmem>> -> memref<1000xi32, #tpu.memory_space<vmem>>
    %dma_start3A_752 = arith.constant 0 : i32
    %dma_start3A_753 = arith.constant 0 : i32
    %dma_start3A_754 = tpu.memref_slice %arg6[%dma_start3A_752, %dma_start3A_753] : memref<10240x16xf32, #tpu.memory_space<vmem_shared>> -> memref<10240x16xf32, #tpu.memory_space<vmem_shared>>
    tpu.enqueue_indirect_dma source(%arg10 : memref<1000x16xf32, #tpu.memory_space<vmem>>) target(%dma_start3A_754 : memref<10240x16xf32, #tpu.memory_space<vmem_shared>>) offsets(%dma_start3A_751 : memref<1000xi32, #tpu.memory_space<vmem>>) semaphore(%arg15 : memref<!tpu.dma_semaphore, #tpu.memory_space<semaphore_mem>>) {add = true}
    %dma_wait3A_755 = arith.constant 6 : i32
    %dma_wait3A_756 = arith.constant 0 : i32
    %dma_wait3A_757 = tpu.memref_slice %arg8[%dma_wait3A_755, %dma_wait3A_756] : memref<10x1000xi32, #tpu.memory_space<vmem>> -> memref<1x1000xi32, #tpu.memory_space<vmem>>
    %dma_wait3A_758 = tpu.memref_squeeze %dma_wait3A_757 : memref<1x1000xi32, #tpu.memory_space<vmem>> -> memref<1000xi32, #tpu.memory_space<vmem>>
    %dma_wait3A_759 = arith.constant 0 : i32
    %dma_wait3A_760 = arith.constant 0 : i32
    %dma_wait3A_761 = tpu.memref_slice %arg6[%dma_wait3A_759, %dma_wait3A_760] : memref<10240x16xf32, #tpu.memory_space<vmem_shared>> -> memref<10240x16xf32, #tpu.memory_space<vmem_shared>>
    tpu.wait_indirect_dma semaphore(%arg16 : memref<!tpu.dma_semaphore, #tpu.memory_space<semaphore_mem>>) src(%arg11 : memref<1000x16xf32, #tpu.memory_space<vmem>>) dst(%dma_wait3A_761 : memref<10240x16xf32, #tpu.memory_space<vmem_shared>>)
    %dma_wait3A_762 = arith.constant 7 : i32
    %dma_wait3A_763 = arith.constant 0 : i32
    %dma_wait3A_764 = tpu.memref_slice %arg8[%dma_wait3A_762, %dma_wait3A_763] : memref<10x1000xi32, #tpu.memory_space<vmem>> -> memref<1x1000xi32, #tpu.memory_space<vmem>>
    %dma_wait3A_765 = tpu.memref_squeeze %dma_wait3A_764 : memref<1x1000xi32, #tpu.memory_space<vmem>> -> memref<1000xi32, #tpu.memory_space<vmem>>
    %dma_wait3A_766 = arith.constant 0 : i32
    %dma_wait3A_767 = arith.constant 0 : i32
    %dma_wait3A_768 = tpu.memref_slice %arg6[%dma_wait3A_766, %dma_wait3A_767] : memref<10240x16xf32, #tpu.memory_space<vmem_shared>> -> memref<10240x16xf32, #tpu.memory_space<vmem_shared>>
    tpu.wait_indirect_dma semaphore(%arg17 : memref<!tpu.dma_semaphore, #tpu.memory_space<semaphore_mem>>) src(%arg12 : memref<1000x16xf32, #tpu.memory_space<vmem>>) dst(%dma_wait3A_768 : memref<10240x16xf32, #tpu.memory_space<vmem_shared>>)
    %dma_wait3A_769 = arith.constant 8 : i32
    %dma_wait3A_770 = arith.constant 0 : i32
    %dma_wait3A_771 = tpu.memref_slice %arg8[%dma_wait3A_769, %dma_wait3A_770] : memref<10x1000xi32, #tpu.memory_space<vmem>> -> memref<1x1000xi32, #tpu.memory_space<vmem>>
    %dma_wait3A_772 = tpu.memref_squeeze %dma_wait3A_771 : memref<1x1000xi32, #tpu.memory_space<vmem>> -> memref<1000xi32, #tpu.memory_space<vmem>>
    %dma_wait3A_773 = arith.constant 0 : i32
    %dma_wait3A_774 = arith.constant 0 : i32
    %dma_wait3A_775 = tpu.memref_slice %arg6[%dma_wait3A_773, %dma_wait3A_774] : memref<10240x16xf32, #tpu.memory_space<vmem_shared>> -> memref<10240x16xf32, #tpu.memory_space<vmem_shared>>
    tpu.wait_indirect_dma semaphore(%arg14 : memref<!tpu.dma_semaphore, #tpu.memory_space<semaphore_mem>>) src(%arg9 : memref<1000x16xf32, #tpu.memory_space<vmem>>) dst(%dma_wait3A_775 : memref<10240x16xf32, #tpu.memory_space<vmem_shared>>)
    %dma_wait3A_776 = arith.constant 9 : i32
    %dma_wait3A_777 = arith.constant 0 : i32
    %dma_wait3A_778 = tpu.memref_slice %arg8[%dma_wait3A_776, %dma_wait3A_777] : memref<10x1000xi32, #tpu.memory_space<vmem>> -> memref<1x1000xi32, #tpu.memory_space<vmem>>
    %dma_wait3A_779 = tpu.memref_squeeze %dma_wait3A_778 : memref<1x1000xi32, #tpu.memory_space<vmem>> -> memref<1000xi32, #tpu.memory_space<vmem>>
    %dma_wait3A_780 = arith.constant 0 : i32
    %dma_wait3A_781 = arith.constant 0 : i32
    %dma_wait3A_782 = tpu.memref_slice %arg6[%dma_wait3A_780, %dma_wait3A_781] : memref<10240x16xf32, #tpu.memory_space<vmem_shared>> -> memref<10240x16xf32, #tpu.memory_space<vmem_shared>>
    tpu.wait_indirect_dma semaphore(%arg15 : memref<!tpu.dma_semaphore, #tpu.memory_space<semaphore_mem>>) src(%arg10 : memref<1000x16xf32, #tpu.memory_space<vmem>>) dst(%dma_wait3A_782 : memref<10240x16xf32, #tpu.memory_space<vmem_shared>>)
    %barrier3A_783 = arith.constant 0 : index
    tpu.barrier barrier_id(%barrier3A_783)
    "tpu.region"() ({
      %run_scoped3A = tpu.sem_alloc : memref<!tpu.dma_semaphore, #tpu.memory_space<semaphore_mem>>
      %dma_start3A_784 = arith.constant 0 : i32
      %dma_start3A_785 = tpu.memref_slice %arg5[%arg0, %mul3A_2, %dma_start3A_784] : memref<2x10240x16xf32, #tpu.memory_space<hbm>> -> memref<1x640x16xf32, #tpu.memory_space<hbm>>
      %dma_start3A_786 = tpu.memref_squeeze %dma_start3A_785 : memref<1x640x16xf32, #tpu.memory_space<hbm>> -> memref<640x16xf32, #tpu.memory_space<hbm>>
      %dma_start3A_787 = arith.constant 0 : i32
      %dma_start3A_788 = tpu.memref_slice %arg6[%mul3A_2, %dma_start3A_787] : memref<10240x16xf32, #tpu.memory_space<vmem_shared>> -> memref<640x16xf32, #tpu.memory_space<vmem_shared>>
      tpu.enqueue_dma source(%dma_start3A_788 : memref<640x16xf32, #tpu.memory_space<vmem_shared>>) target(%dma_start3A_786 : memref<640x16xf32, #tpu.memory_space<hbm>>) target_semaphore(%run_scoped3A : memref<!tpu.dma_semaphore, #tpu.memory_space<semaphore_mem>>)
      %dma_wait3A_789 = arith.constant 0 : i32
      %dma_wait3A_790 = tpu.memref_slice %arg5[%arg0, %mul3A_2, %dma_wait3A_789] : memref<2x10240x16xf32, #tpu.memory_space<hbm>> -> memref<1x640x16xf32, #tpu.memory_space<hbm>>
      %dma_wait3A_791 = tpu.memref_squeeze %dma_wait3A_790 : memref<1x640x16xf32, #tpu.memory_space<hbm>> -> memref<640x16xf32, #tpu.memory_space<hbm>>
      %dma_wait3A_792 = arith.constant 0 : i32
      %dma_wait3A_793 = tpu.memref_slice %arg6[%mul3A_2, %dma_wait3A_792] : memref<10240x16xf32, #tpu.memory_space<vmem_shared>> -> memref<640x16xf32, #tpu.memory_space<vmem_shared>>
      tpu.wait_dma2 semaphore(%run_scoped3A : memref<!tpu.dma_semaphore, #tpu.memory_space<semaphore_mem>>) src(%dma_wait3A_793 : memref<640x16xf32, #tpu.memory_space<vmem_shared>>) dst(%dma_wait3A_791 : memref<640x16xf32, #tpu.memory_space<hbm>>)
      tpu.yield
    }) : () -> ()
    return
  }
}

#map = affine_map<(d0, d1) -> (0, 0)>
#map1 = affine_map<(d0, d1) -> (0, 0, 0)>
module attributes {stable_mosaic.version = 14 : i64} {
  func.func @_sc_body(%arg0: i32, %arg1: i32, %arg2: memref<10240x16xf32, #tpu.memory_space<hbm>>, %arg3: memref<2x320000xi32, #tpu.memory_space<hbm>>, %arg4: memref<10240x16xf32, #tpu.memory_space<hbm>>, %arg5: memref<2x10240x16xf32, #tpu.memory_space<hbm>>, %arg6: memref<10240x16xf32, #tpu.memory_space<vmem_shared>>, %arg7: memref<10x1000xi32, #tpu.memory_space<vmem>>, %arg8: memref<10x1000xi32, #tpu.memory_space<vmem>>, %arg9: memref<1000x16xf32, #tpu.memory_space<vmem>>, %arg10: memref<1000x16xf32, #tpu.memory_space<vmem>>, %arg11: memref<1000x16xf32, #tpu.memory_space<vmem>>, %arg12: memref<1000x16xf32, #tpu.memory_space<vmem>>, %arg13: memref<!tpu.dma_semaphore, #tpu.memory_space<semaphore_mem>>, %arg14: memref<!tpu.dma_semaphore, #tpu.memory_space<semaphore_mem>>, %arg15: memref<!tpu.dma_semaphore, #tpu.memory_space<semaphore_mem>>, %arg16: memref<!tpu.dma_semaphore, #tpu.memory_space<semaphore_mem>>, %arg17: memref<!tpu.dma_semaphore, #tpu.memory_space<semaphore_mem>>, %arg18: memref<!tpu.dma_semaphore, #tpu.memory_space<semaphore_mem>>) attributes {dimension_semantics = [#tpu.dimension_semantics<core_parallel>, #tpu.dimension_semantics<subcore_parallel>], iteration_bounds = array<i64: 2, 16>, scalar_prefetch = 0 : i64, scratch_operands = 13 : i64, tpu.core_type = #tpu.core_type<sc_vector_subcore>, window_params = [{transform_indices = #map}, {transform_indices = #map}, {transform_indices = #map}, {transform_indices = #map1}]} {
    %mul3A = arith.constant 2 : i32
    %mul3A_0 = arith.muli %arg1, %mul3A : i32
    %add3A = arith.addi %mul3A_0, %arg0 : i32
    %mul3A_1 = arith.constant 640 : i32
    %mul3A_2 = arith.muli %arg1, %mul3A_1 : i32
    %mul3A_3 = arith.constant 10000 : i32
    %mul3A_4 = arith.muli %add3A, %mul3A_3 : i32
    %add3A_5 = arith.constant 0 : i32
    %add3A_6 = arith.addi %mul3A_4, %add3A_5 : i32
    %dma_start3A = arith.constant 0 : i32
    %dma_start3A_7 = arith.constant 0 : i32
    %dma_start3A_8 = arith.constant 0 : i32
    %dma_start3A_9 = tpu.memref_slice %arg7[%dma_start3A_7, %dma_start3A_8] : memref<10x1000xi32, #tpu.memory_space<vmem>> -> memref<1x1000xi32, #tpu.memory_space<vmem>>
    %dma_start3A_10 = tpu.memref_squeeze %dma_start3A_9 : memref<1x1000xi32, #tpu.memory_space<vmem>> -> memref<1000xi32, #tpu.memory_space<vmem>>
    %dma_start3A_11 = tpu.memref_slice %arg3[%dma_start3A, %add3A_6] : memref<2x320000xi32, #tpu.memory_space<hbm>> -> memref<1x1000xi32, #tpu.memory_space<hbm>>
    %dma_start3A_12 = tpu.memref_squeeze %dma_start3A_11 : memref<1x1000xi32, #tpu.memory_space<hbm>> -> memref<1000xi32, #tpu.memory_space<hbm>>
    %dma_start3A_13 = arith.constant 0 : i32
    %dma_start3A_14 = tpu.memref_slice %arg7[%dma_start3A_7, %dma_start3A_13] : memref<10x1000xi32, #tpu.memory_space<vmem>> -> memref<1x1000xi32, #tpu.memory_space<vmem>>
    %dma_start3A_15 = tpu.memref_squeeze %dma_start3A_14 : memref<1x1000xi32, #tpu.memory_space<vmem>> -> memref<1000xi32, #tpu.memory_space<vmem>>
    %dma_start3A_16 = tpu.memref_slice %arg3[%dma_start3A, %add3A_6] : memref<2x320000xi32, #tpu.memory_space<hbm>> -> memref<1x1000xi32, #tpu.memory_space<hbm>>
    %dma_start3A_17 = tpu.memref_squeeze %dma_start3A_16 : memref<1x1000xi32, #tpu.memory_space<hbm>> -> memref<1000xi32, #tpu.memory_space<hbm>>
    tpu.enqueue_dma source(%dma_start3A_17 : memref<1000xi32, #tpu.memory_space<hbm>>) target(%dma_start3A_15 : memref<1000xi32, #tpu.memory_space<vmem>>) target_semaphore(%arg18 : memref<!tpu.dma_semaphore, #tpu.memory_space<semaphore_mem>>)
    %dma_start3A_18 = arith.constant 1 : i32
    %dma_start3A_19 = arith.constant 0 : i32
    %dma_start3A_20 = arith.constant 0 : i32
    %dma_start3A_21 = tpu.memref_slice %arg8[%dma_start3A_19, %dma_start3A_20] : memref<10x1000xi32, #tpu.memory_space<vmem>> -> memref<1x1000xi32, #tpu.memory_space<vmem>>
    %dma_start3A_22 = tpu.memref_squeeze %dma_start3A_21 : memref<1x1000xi32, #tpu.memory_space<vmem>> -> memref<1000xi32, #tpu.memory_space<vmem>>
    %dma_start3A_23 = tpu.memref_slice %arg3[%dma_start3A_18, %add3A_6] : memref<2x320000xi32, #tpu.memory_space<hbm>> -> memref<1x1000xi32, #tpu.memory_space<hbm>>
    %dma_start3A_24 = tpu.memref_squeeze %dma_start3A_23 : memref<1x1000xi32, #tpu.memory_space<hbm>> -> memref<1000xi32, #tpu.memory_space<hbm>>
    %dma_start3A_25 = arith.constant 0 : i32
    %dma_start3A_26 = tpu.memref_slice %arg8[%dma_start3A_19, %dma_start3A_25] : memref<10x1000xi32, #tpu.memory_space<vmem>> -> memref<1x1000xi32, #tpu.memory_space<vmem>>
    %dma_start3A_27 = tpu.memref_squeeze %dma_start3A_26 : memref<1x1000xi32, #tpu.memory_space<vmem>> -> memref<1000xi32, #tpu.memory_space<vmem>>
    %dma_start3A_28 = tpu.memref_slice %arg3[%dma_start3A_18, %add3A_6] : memref<2x320000xi32, #tpu.memory_space<hbm>> -> memref<1x1000xi32, #tpu.memory_space<hbm>>
    %dma_start3A_29 = tpu.memref_squeeze %dma_start3A_28 : memref<1x1000xi32, #tpu.memory_space<hbm>> -> memref<1000xi32, #tpu.memory_space<hbm>>
    tpu.enqueue_dma source(%dma_start3A_29 : memref<1000xi32, #tpu.memory_space<hbm>>) target(%dma_start3A_27 : memref<1000xi32, #tpu.memory_space<vmem>>) target_semaphore(%arg18 : memref<!tpu.dma_semaphore, #tpu.memory_space<semaphore_mem>>)
    %add3A_30 = arith.constant 1000 : i32
    %add3A_31 = arith.addi %mul3A_4, %add3A_30 : i32
    %dma_start3A_32 = arith.constant 0 : i32
    %dma_start3A_33 = arith.constant 1 : i32
    %dma_start3A_34 = arith.constant 0 : i32
    %dma_start3A_35 = tpu.memref_slice %arg7[%dma_start3A_33, %dma_start3A_34] : memref<10x1000xi32, #tpu.memory_space<vmem>> -> memref<1x1000xi32, #tpu.memory_space<vmem>>
    %dma_start3A_36 = tpu.memref_squeeze %dma_start3A_35 : memref<1x1000xi32, #tpu.memory_space<vmem>> -> memref<1000xi32, #tpu.memory_space<vmem>>
    %dma_start3A_37 = tpu.memref_slice %arg3[%dma_start3A_32, %add3A_31] : memref<2x320000xi32, #tpu.memory_space<hbm>> -> memref<1x1000xi32, #tpu.memory_space<hbm>>
    %dma_start3A_38 = tpu.memref_squeeze %dma_start3A_37 : memref<1x1000xi32, #tpu.memory_space<hbm>> -> memref<1000xi32, #tpu.memory_space<hbm>>
    %dma_start3A_39 = arith.constant 0 : i32
    %dma_start3A_40 = tpu.memref_slice %arg7[%dma_start3A_33, %dma_start3A_39] : memref<10x1000xi32, #tpu.memory_space<vmem>> -> memref<1x1000xi32, #tpu.memory_space<vmem>>
    %dma_start3A_41 = tpu.memref_squeeze %dma_start3A_40 : memref<1x1000xi32, #tpu.memory_space<vmem>> -> memref<1000xi32, #tpu.memory_space<vmem>>
    %dma_start3A_42 = tpu.memref_slice %arg3[%dma_start3A_32, %add3A_31] : memref<2x320000xi32, #tpu.memory_space<hbm>> -> memref<1x1000xi32, #tpu.memory_space<hbm>>
    %dma_start3A_43 = tpu.memref_squeeze %dma_start3A_42 : memref<1x1000xi32, #tpu.memory_space<hbm>> -> memref<1000xi32, #tpu.memory_space<hbm>>
    tpu.enqueue_dma source(%dma_start3A_43 : memref<1000xi32, #tpu.memory_space<hbm>>) target(%dma_start3A_41 : memref<1000xi32, #tpu.memory_space<vmem>>) target_semaphore(%arg18 : memref<!tpu.dma_semaphore, #tpu.memory_space<semaphore_mem>>)
    %dma_start3A_44 = arith.constant 1 : i32
    %dma_start3A_45 = arith.constant 1 : i32
    %dma_start3A_46 = arith.constant 0 : i32
    %dma_start3A_47 = tpu.memref_slice %arg8[%dma_start3A_45, %dma_start3A_46] : memref<10x1000xi32, #tpu.memory_space<vmem>> -> memref<1x1000xi32, #tpu.memory_space<vmem>>
    %dma_start3A_48 = tpu.memref_squeeze %dma_start3A_47 : memref<1x1000xi32, #tpu.memory_space<vmem>> -> memref<1000xi32, #tpu.memory_space<vmem>>
    %dma_start3A_49 = tpu.memref_slice %arg3[%dma_start3A_44, %add3A_31] : memref<2x320000xi32, #tpu.memory_space<hbm>> -> memref<1x1000xi32, #tpu.memory_space<hbm>>
    %dma_start3A_50 = tpu.memref_squeeze %dma_start3A_49 : memref<1x1000xi32, #tpu.memory_space<hbm>> -> memref<1000xi32, #tpu.memory_space<hbm>>
    %dma_start3A_51 = arith.constant 0 : i32
    %dma_start3A_52 = tpu.memref_slice %arg8[%dma_start3A_45, %dma_start3A_51] : memref<10x1000xi32, #tpu.memory_space<vmem>> -> memref<1x1000xi32, #tpu.memory_space<vmem>>
    %dma_start3A_53 = tpu.memref_squeeze %dma_start3A_52 : memref<1x1000xi32, #tpu.memory_space<vmem>> -> memref<1000xi32, #tpu.memory_space<vmem>>
    %dma_start3A_54 = tpu.memref_slice %arg3[%dma_start3A_44, %add3A_31] : memref<2x320000xi32, #tpu.memory_space<hbm>> -> memref<1x1000xi32, #tpu.memory_space<hbm>>
    %dma_start3A_55 = tpu.memref_squeeze %dma_start3A_54 : memref<1x1000xi32, #tpu.memory_space<hbm>> -> memref<1000xi32, #tpu.memory_space<hbm>>
    tpu.enqueue_dma source(%dma_start3A_55 : memref<1000xi32, #tpu.memory_space<hbm>>) target(%dma_start3A_53 : memref<1000xi32, #tpu.memory_space<vmem>>) target_semaphore(%arg18 : memref<!tpu.dma_semaphore, #tpu.memory_space<semaphore_mem>>)
    %add3A_56 = arith.constant 2000 : i32
    %add3A_57 = arith.addi %mul3A_4, %add3A_56 : i32
    %dma_start3A_58 = arith.constant 0 : i32
    %dma_start3A_59 = arith.constant 2 : i32
    %dma_start3A_60 = arith.constant 0 : i32
    %dma_start3A_61 = tpu.memref_slice %arg7[%dma_start3A_59, %dma_start3A_60] : memref<10x1000xi32, #tpu.memory_space<vmem>> -> memref<1x1000xi32, #tpu.memory_space<vmem>>
    %dma_start3A_62 = tpu.memref_squeeze %dma_start3A_61 : memref<1x1000xi32, #tpu.memory_space<vmem>> -> memref<1000xi32, #tpu.memory_space<vmem>>
    %dma_start3A_63 = tpu.memref_slice %arg3[%dma_start3A_58, %add3A_57] : memref<2x320000xi32, #tpu.memory_space<hbm>> -> memref<1x1000xi32, #tpu.memory_space<hbm>>
    %dma_start3A_64 = tpu.memref_squeeze %dma_start3A_63 : memref<1x1000xi32, #tpu.memory_space<hbm>> -> memref<1000xi32, #tpu.memory_space<hbm>>
    %dma_start3A_65 = arith.constant 0 : i32
    %dma_start3A_66 = tpu.memref_slice %arg7[%dma_start3A_59, %dma_start3A_65] : memref<10x1000xi32, #tpu.memory_space<vmem>> -> memref<1x1000xi32, #tpu.memory_space<vmem>>
    %dma_start3A_67 = tpu.memref_squeeze %dma_start3A_66 : memref<1x1000xi32, #tpu.memory_space<vmem>> -> memref<1000xi32, #tpu.memory_space<vmem>>
    %dma_start3A_68 = tpu.memref_slice %arg3[%dma_start3A_58, %add3A_57] : memref<2x320000xi32, #tpu.memory_space<hbm>> -> memref<1x1000xi32, #tpu.memory_space<hbm>>
    %dma_start3A_69 = tpu.memref_squeeze %dma_start3A_68 : memref<1x1000xi32, #tpu.memory_space<hbm>> -> memref<1000xi32, #tpu.memory_space<hbm>>
    tpu.enqueue_dma source(%dma_start3A_69 : memref<1000xi32, #tpu.memory_space<hbm>>) target(%dma_start3A_67 : memref<1000xi32, #tpu.memory_space<vmem>>) target_semaphore(%arg18 : memref<!tpu.dma_semaphore, #tpu.memory_space<semaphore_mem>>)
    %dma_start3A_70 = arith.constant 1 : i32
    %dma_start3A_71 = arith.constant 2 : i32
    %dma_start3A_72 = arith.constant 0 : i32
    %dma_start3A_73 = tpu.memref_slice %arg8[%dma_start3A_71, %dma_start3A_72] : memref<10x1000xi32, #tpu.memory_space<vmem>> -> memref<1x1000xi32, #tpu.memory_space<vmem>>
    %dma_start3A_74 = tpu.memref_squeeze %dma_start3A_73 : memref<1x1000xi32, #tpu.memory_space<vmem>> -> memref<1000xi32, #tpu.memory_space<vmem>>
    %dma_start3A_75 = tpu.memref_slice %arg3[%dma_start3A_70, %add3A_57] : memref<2x320000xi32, #tpu.memory_space<hbm>> -> memref<1x1000xi32, #tpu.memory_space<hbm>>
    %dma_start3A_76 = tpu.memref_squeeze %dma_start3A_75 : memref<1x1000xi32, #tpu.memory_space<hbm>> -> memref<1000xi32, #tpu.memory_space<hbm>>
    %dma_start3A_77 = arith.constant 0 : i32
    %dma_start3A_78 = tpu.memref_slice %arg8[%dma_start3A_71, %dma_start3A_77] : memref<10x1000xi32, #tpu.memory_space<vmem>> -> memref<1x1000xi32, #tpu.memory_space<vmem>>
    %dma_start3A_79 = tpu.memref_squeeze %dma_start3A_78 : memref<1x1000xi32, #tpu.memory_space<vmem>> -> memref<1000xi32, #tpu.memory_space<vmem>>
    %dma_start3A_80 = tpu.memref_slice %arg3[%dma_start3A_70, %add3A_57] : memref<2x320000xi32, #tpu.memory_space<hbm>> -> memref<1x1000xi32, #tpu.memory_space<hbm>>
    %dma_start3A_81 = tpu.memref_squeeze %dma_start3A_80 : memref<1x1000xi32, #tpu.memory_space<hbm>> -> memref<1000xi32, #tpu.memory_space<hbm>>
    tpu.enqueue_dma source(%dma_start3A_81 : memref<1000xi32, #tpu.memory_space<hbm>>) target(%dma_start3A_79 : memref<1000xi32, #tpu.memory_space<vmem>>) target_semaphore(%arg18 : memref<!tpu.dma_semaphore, #tpu.memory_space<semaphore_mem>>)
    %add3A_82 = arith.constant 3000 : i32
    %add3A_83 = arith.addi %mul3A_4, %add3A_82 : i32
    %dma_start3A_84 = arith.constant 0 : i32
    %dma_start3A_85 = arith.constant 3 : i32
    %dma_start3A_86 = arith.constant 0 : i32
    %dma_start3A_87 = tpu.memref_slice %arg7[%dma_start3A_85, %dma_start3A_86] : memref<10x1000xi32, #tpu.memory_space<vmem>> -> memref<1x1000xi32, #tpu.memory_space<vmem>>
    %dma_start3A_88 = tpu.memref_squeeze %dma_start3A_87 : memref<1x1000xi32, #tpu.memory_space<vmem>> -> memref<1000xi32, #tpu.memory_space<vmem>>
    %dma_start3A_89 = tpu.memref_slice %arg3[%dma_start3A_84, %add3A_83] : memref<2x320000xi32, #tpu.memory_space<hbm>> -> memref<1x1000xi32, #tpu.memory_space<hbm>>
    %dma_start3A_90 = tpu.memref_squeeze %dma_start3A_89 : memref<1x1000xi32, #tpu.memory_space<hbm>> -> memref<1000xi32, #tpu.memory_space<hbm>>
    %dma_start3A_91 = arith.constant 0 : i32
    %dma_start3A_92 = tpu.memref_slice %arg7[%dma_start3A_85, %dma_start3A_91] : memref<10x1000xi32, #tpu.memory_space<vmem>> -> memref<1x1000xi32, #tpu.memory_space<vmem>>
    %dma_start3A_93 = tpu.memref_squeeze %dma_start3A_92 : memref<1x1000xi32, #tpu.memory_space<vmem>> -> memref<1000xi32, #tpu.memory_space<vmem>>
    %dma_start3A_94 = tpu.memref_slice %arg3[%dma_start3A_84, %add3A_83] : memref<2x320000xi32, #tpu.memory_space<hbm>> -> memref<1x1000xi32, #tpu.memory_space<hbm>>
    %dma_start3A_95 = tpu.memref_squeeze %dma_start3A_94 : memref<1x1000xi32, #tpu.memory_space<hbm>> -> memref<1000xi32, #tpu.memory_space<hbm>>
    tpu.enqueue_dma source(%dma_start3A_95 : memref<1000xi32, #tpu.memory_space<hbm>>) target(%dma_start3A_93 : memref<1000xi32, #tpu.memory_space<vmem>>) target_semaphore(%arg18 : memref<!tpu.dma_semaphore, #tpu.memory_space<semaphore_mem>>)
    %dma_start3A_96 = arith.constant 1 : i32
    %dma_start3A_97 = arith.constant 3 : i32
    %dma_start3A_98 = arith.constant 0 : i32
    %dma_start3A_99 = tpu.memref_slice %arg8[%dma_start3A_97, %dma_start3A_98] : memref<10x1000xi32, #tpu.memory_space<vmem>> -> memref<1x1000xi32, #tpu.memory_space<vmem>>
    %dma_start3A_100 = tpu.memref_squeeze %dma_start3A_99 : memref<1x1000xi32, #tpu.memory_space<vmem>> -> memref<1000xi32, #tpu.memory_space<vmem>>
    %dma_start3A_101 = tpu.memref_slice %arg3[%dma_start3A_96, %add3A_83] : memref<2x320000xi32, #tpu.memory_space<hbm>> -> memref<1x1000xi32, #tpu.memory_space<hbm>>
    %dma_start3A_102 = tpu.memref_squeeze %dma_start3A_101 : memref<1x1000xi32, #tpu.memory_space<hbm>> -> memref<1000xi32, #tpu.memory_space<hbm>>
    %dma_start3A_103 = arith.constant 0 : i32
    %dma_start3A_104 = tpu.memref_slice %arg8[%dma_start3A_97, %dma_start3A_103] : memref<10x1000xi32, #tpu.memory_space<vmem>> -> memref<1x1000xi32, #tpu.memory_space<vmem>>
    %dma_start3A_105 = tpu.memref_squeeze %dma_start3A_104 : memref<1x1000xi32, #tpu.memory_space<vmem>> -> memref<1000xi32, #tpu.memory_space<vmem>>
    %dma_start3A_106 = tpu.memref_slice %arg3[%dma_start3A_96, %add3A_83] : memref<2x320000xi32, #tpu.memory_space<hbm>> -> memref<1x1000xi32, #tpu.memory_space<hbm>>
    %dma_start3A_107 = tpu.memref_squeeze %dma_start3A_106 : memref<1x1000xi32, #tpu.memory_space<hbm>> -> memref<1000xi32, #tpu.memory_space<hbm>>
    tpu.enqueue_dma source(%dma_start3A_107 : memref<1000xi32, #tpu.memory_space<hbm>>) target(%dma_start3A_105 : memref<1000xi32, #tpu.memory_space<vmem>>) target_semaphore(%arg18 : memref<!tpu.dma_semaphore, #tpu.memory_space<semaphore_mem>>)
    %add3A_108 = arith.constant 4000 : i32
    %add3A_109 = arith.addi %mul3A_4, %add3A_108 : i32
    %dma_start3A_110 = arith.constant 0 : i32
    %dma_start3A_111 = arith.constant 4 : i32
    %dma_start3A_112 = arith.constant 0 : i32
    %dma_start3A_113 = tpu.memref_slice %arg7[%dma_start3A_111, %dma_start3A_112] : memref<10x1000xi32, #tpu.memory_space<vmem>> -> memref<1x1000xi32, #tpu.memory_space<vmem>>
    %dma_start3A_114 = tpu.memref_squeeze %dma_start3A_113 : memref<1x1000xi32, #tpu.memory_space<vmem>> -> memref<1000xi32, #tpu.memory_space<vmem>>
    %dma_start3A_115 = tpu.memref_slice %arg3[%dma_start3A_110, %add3A_109] : memref<2x320000xi32, #tpu.memory_space<hbm>> -> memref<1x1000xi32, #tpu.memory_space<hbm>>
    %dma_start3A_116 = tpu.memref_squeeze %dma_start3A_115 : memref<1x1000xi32, #tpu.memory_space<hbm>> -> memref<1000xi32, #tpu.memory_space<hbm>>
    %dma_start3A_117 = arith.constant 0 : i32
    %dma_start3A_118 = tpu.memref_slice %arg7[%dma_start3A_111, %dma_start3A_117] : memref<10x1000xi32, #tpu.memory_space<vmem>> -> memref<1x1000xi32, #tpu.memory_space<vmem>>
    %dma_start3A_119 = tpu.memref_squeeze %dma_start3A_118 : memref<1x1000xi32, #tpu.memory_space<vmem>> -> memref<1000xi32, #tpu.memory_space<vmem>>
    %dma_start3A_120 = tpu.memref_slice %arg3[%dma_start3A_110, %add3A_109] : memref<2x320000xi32, #tpu.memory_space<hbm>> -> memref<1x1000xi32, #tpu.memory_space<hbm>>
    %dma_start3A_121 = tpu.memref_squeeze %dma_start3A_120 : memref<1x1000xi32, #tpu.memory_space<hbm>> -> memref<1000xi32, #tpu.memory_space<hbm>>
    tpu.enqueue_dma source(%dma_start3A_121 : memref<1000xi32, #tpu.memory_space<hbm>>) target(%dma_start3A_119 : memref<1000xi32, #tpu.memory_space<vmem>>) target_semaphore(%arg18 : memref<!tpu.dma_semaphore, #tpu.memory_space<semaphore_mem>>)
    %dma_start3A_122 = arith.constant 1 : i32
    %dma_start3A_123 = arith.constant 4 : i32
    %dma_start3A_124 = arith.constant 0 : i32
    %dma_start3A_125 = tpu.memref_slice %arg8[%dma_start3A_123, %dma_start3A_124] : memref<10x1000xi32, #tpu.memory_space<vmem>> -> memref<1x1000xi32, #tpu.memory_space<vmem>>
    %dma_start3A_126 = tpu.memref_squeeze %dma_start3A_125 : memref<1x1000xi32, #tpu.memory_space<vmem>> -> memref<1000xi32, #tpu.memory_space<vmem>>
    %dma_start3A_127 = tpu.memref_slice %arg3[%dma_start3A_122, %add3A_109] : memref<2x320000xi32, #tpu.memory_space<hbm>> -> memref<1x1000xi32, #tpu.memory_space<hbm>>
    %dma_start3A_128 = tpu.memref_squeeze %dma_start3A_127 : memref<1x1000xi32, #tpu.memory_space<hbm>> -> memref<1000xi32, #tpu.memory_space<hbm>>
    %dma_start3A_129 = arith.constant 0 : i32
    %dma_start3A_130 = tpu.memref_slice %arg8[%dma_start3A_123, %dma_start3A_129] : memref<10x1000xi32, #tpu.memory_space<vmem>> -> memref<1x1000xi32, #tpu.memory_space<vmem>>
    %dma_start3A_131 = tpu.memref_squeeze %dma_start3A_130 : memref<1x1000xi32, #tpu.memory_space<vmem>> -> memref<1000xi32, #tpu.memory_space<vmem>>
    %dma_start3A_132 = tpu.memref_slice %arg3[%dma_start3A_122, %add3A_109] : memref<2x320000xi32, #tpu.memory_space<hbm>> -> memref<1x1000xi32, #tpu.memory_space<hbm>>
    %dma_start3A_133 = tpu.memref_squeeze %dma_start3A_132 : memref<1x1000xi32, #tpu.memory_space<hbm>> -> memref<1000xi32, #tpu.memory_space<hbm>>
    tpu.enqueue_dma source(%dma_start3A_133 : memref<1000xi32, #tpu.memory_space<hbm>>) target(%dma_start3A_131 : memref<1000xi32, #tpu.memory_space<vmem>>) target_semaphore(%arg18 : memref<!tpu.dma_semaphore, #tpu.memory_space<semaphore_mem>>)
    %add3A_134 = arith.constant 5000 : i32
    %add3A_135 = arith.addi %mul3A_4, %add3A_134 : i32
    %dma_start3A_136 = arith.constant 0 : i32
    %dma_start3A_137 = arith.constant 5 : i32
    %dma_start3A_138 = arith.constant 0 : i32
    %dma_start3A_139 = tpu.memref_slice %arg7[%dma_start3A_137, %dma_start3A_138] : memref<10x1000xi32, #tpu.memory_space<vmem>> -> memref<1x1000xi32, #tpu.memory_space<vmem>>
    %dma_start3A_140 = tpu.memref_squeeze %dma_start3A_139 : memref<1x1000xi32, #tpu.memory_space<vmem>> -> memref<1000xi32, #tpu.memory_space<vmem>>
    %dma_start3A_141 = tpu.memref_slice %arg3[%dma_start3A_136, %add3A_135] : memref<2x320000xi32, #tpu.memory_space<hbm>> -> memref<1x1000xi32, #tpu.memory_space<hbm>>
    %dma_start3A_142 = tpu.memref_squeeze %dma_start3A_141 : memref<1x1000xi32, #tpu.memory_space<hbm>> -> memref<1000xi32, #tpu.memory_space<hbm>>
    %dma_start3A_143 = arith.constant 0 : i32
    %dma_start3A_144 = tpu.memref_slice %arg7[%dma_start3A_137, %dma_start3A_143] : memref<10x1000xi32, #tpu.memory_space<vmem>> -> memref<1x1000xi32, #tpu.memory_space<vmem>>
    %dma_start3A_145 = tpu.memref_squeeze %dma_start3A_144 : memref<1x1000xi32, #tpu.memory_space<vmem>> -> memref<1000xi32, #tpu.memory_space<vmem>>
    %dma_start3A_146 = tpu.memref_slice %arg3[%dma_start3A_136, %add3A_135] : memref<2x320000xi32, #tpu.memory_space<hbm>> -> memref<1x1000xi32, #tpu.memory_space<hbm>>
    %dma_start3A_147 = tpu.memref_squeeze %dma_start3A_146 : memref<1x1000xi32, #tpu.memory_space<hbm>> -> memref<1000xi32, #tpu.memory_space<hbm>>
    tpu.enqueue_dma source(%dma_start3A_147 : memref<1000xi32, #tpu.memory_space<hbm>>) target(%dma_start3A_145 : memref<1000xi32, #tpu.memory_space<vmem>>) target_semaphore(%arg18 : memref<!tpu.dma_semaphore, #tpu.memory_space<semaphore_mem>>)
    %dma_start3A_148 = arith.constant 1 : i32
    %dma_start3A_149 = arith.constant 5 : i32
    %dma_start3A_150 = arith.constant 0 : i32
    %dma_start3A_151 = tpu.memref_slice %arg8[%dma_start3A_149, %dma_start3A_150] : memref<10x1000xi32, #tpu.memory_space<vmem>> -> memref<1x1000xi32, #tpu.memory_space<vmem>>
    %dma_start3A_152 = tpu.memref_squeeze %dma_start3A_151 : memref<1x1000xi32, #tpu.memory_space<vmem>> -> memref<1000xi32, #tpu.memory_space<vmem>>
    %dma_start3A_153 = tpu.memref_slice %arg3[%dma_start3A_148, %add3A_135] : memref<2x320000xi32, #tpu.memory_space<hbm>> -> memref<1x1000xi32, #tpu.memory_space<hbm>>
    %dma_start3A_154 = tpu.memref_squeeze %dma_start3A_153 : memref<1x1000xi32, #tpu.memory_space<hbm>> -> memref<1000xi32, #tpu.memory_space<hbm>>
    %dma_start3A_155 = arith.constant 0 : i32
    %dma_start3A_156 = tpu.memref_slice %arg8[%dma_start3A_149, %dma_start3A_155] : memref<10x1000xi32, #tpu.memory_space<vmem>> -> memref<1x1000xi32, #tpu.memory_space<vmem>>
    %dma_start3A_157 = tpu.memref_squeeze %dma_start3A_156 : memref<1x1000xi32, #tpu.memory_space<vmem>> -> memref<1000xi32, #tpu.memory_space<vmem>>
    %dma_start3A_158 = tpu.memref_slice %arg3[%dma_start3A_148, %add3A_135] : memref<2x320000xi32, #tpu.memory_space<hbm>> -> memref<1x1000xi32, #tpu.memory_space<hbm>>
    %dma_start3A_159 = tpu.memref_squeeze %dma_start3A_158 : memref<1x1000xi32, #tpu.memory_space<hbm>> -> memref<1000xi32, #tpu.memory_space<hbm>>
    tpu.enqueue_dma source(%dma_start3A_159 : memref<1000xi32, #tpu.memory_space<hbm>>) target(%dma_start3A_157 : memref<1000xi32, #tpu.memory_space<vmem>>) target_semaphore(%arg18 : memref<!tpu.dma_semaphore, #tpu.memory_space<semaphore_mem>>)
    %add3A_160 = arith.constant 6000 : i32
    %add3A_161 = arith.addi %mul3A_4, %add3A_160 : i32
    %dma_start3A_162 = arith.constant 0 : i32
    %dma_start3A_163 = arith.constant 6 : i32
    %dma_start3A_164 = arith.constant 0 : i32
    %dma_start3A_165 = tpu.memref_slice %arg7[%dma_start3A_163, %dma_start3A_164] : memref<10x1000xi32, #tpu.memory_space<vmem>> -> memref<1x1000xi32, #tpu.memory_space<vmem>>
    %dma_start3A_166 = tpu.memref_squeeze %dma_start3A_165 : memref<1x1000xi32, #tpu.memory_space<vmem>> -> memref<1000xi32, #tpu.memory_space<vmem>>
    %dma_start3A_167 = tpu.memref_slice %arg3[%dma_start3A_162, %add3A_161] : memref<2x320000xi32, #tpu.memory_space<hbm>> -> memref<1x1000xi32, #tpu.memory_space<hbm>>
    %dma_start3A_168 = tpu.memref_squeeze %dma_start3A_167 : memref<1x1000xi32, #tpu.memory_space<hbm>> -> memref<1000xi32, #tpu.memory_space<hbm>>
    %dma_start3A_169 = arith.constant 0 : i32
    %dma_start3A_170 = tpu.memref_slice %arg7[%dma_start3A_163, %dma_start3A_169] : memref<10x1000xi32, #tpu.memory_space<vmem>> -> memref<1x1000xi32, #tpu.memory_space<vmem>>
    %dma_start3A_171 = tpu.memref_squeeze %dma_start3A_170 : memref<1x1000xi32, #tpu.memory_space<vmem>> -> memref<1000xi32, #tpu.memory_space<vmem>>
    %dma_start3A_172 = tpu.memref_slice %arg3[%dma_start3A_162, %add3A_161] : memref<2x320000xi32, #tpu.memory_space<hbm>> -> memref<1x1000xi32, #tpu.memory_space<hbm>>
    %dma_start3A_173 = tpu.memref_squeeze %dma_start3A_172 : memref<1x1000xi32, #tpu.memory_space<hbm>> -> memref<1000xi32, #tpu.memory_space<hbm>>
    tpu.enqueue_dma source(%dma_start3A_173 : memref<1000xi32, #tpu.memory_space<hbm>>) target(%dma_start3A_171 : memref<1000xi32, #tpu.memory_space<vmem>>) target_semaphore(%arg18 : memref<!tpu.dma_semaphore, #tpu.memory_space<semaphore_mem>>)
    %dma_start3A_174 = arith.constant 1 : i32
    %dma_start3A_175 = arith.constant 6 : i32
    %dma_start3A_176 = arith.constant 0 : i32
    %dma_start3A_177 = tpu.memref_slice %arg8[%dma_start3A_175, %dma_start3A_176] : memref<10x1000xi32, #tpu.memory_space<vmem>> -> memref<1x1000xi32, #tpu.memory_space<vmem>>
    %dma_start3A_178 = tpu.memref_squeeze %dma_start3A_177 : memref<1x1000xi32, #tpu.memory_space<vmem>> -> memref<1000xi32, #tpu.memory_space<vmem>>
    %dma_start3A_179 = tpu.memref_slice %arg3[%dma_start3A_174, %add3A_161] : memref<2x320000xi32, #tpu.memory_space<hbm>> -> memref<1x1000xi32, #tpu.memory_space<hbm>>
    %dma_start3A_180 = tpu.memref_squeeze %dma_start3A_179 : memref<1x1000xi32, #tpu.memory_space<hbm>> -> memref<1000xi32, #tpu.memory_space<hbm>>
    %dma_start3A_181 = arith.constant 0 : i32
    %dma_start3A_182 = tpu.memref_slice %arg8[%dma_start3A_175, %dma_start3A_181] : memref<10x1000xi32, #tpu.memory_space<vmem>> -> memref<1x1000xi32, #tpu.memory_space<vmem>>
    %dma_start3A_183 = tpu.memref_squeeze %dma_start3A_182 : memref<1x1000xi32, #tpu.memory_space<vmem>> -> memref<1000xi32, #tpu.memory_space<vmem>>
    %dma_start3A_184 = tpu.memref_slice %arg3[%dma_start3A_174, %add3A_161] : memref<2x320000xi32, #tpu.memory_space<hbm>> -> memref<1x1000xi32, #tpu.memory_space<hbm>>
    %dma_start3A_185 = tpu.memref_squeeze %dma_start3A_184 : memref<1x1000xi32, #tpu.memory_space<hbm>> -> memref<1000xi32, #tpu.memory_space<hbm>>
    tpu.enqueue_dma source(%dma_start3A_185 : memref<1000xi32, #tpu.memory_space<hbm>>) target(%dma_start3A_183 : memref<1000xi32, #tpu.memory_space<vmem>>) target_semaphore(%arg18 : memref<!tpu.dma_semaphore, #tpu.memory_space<semaphore_mem>>)
    %add3A_186 = arith.constant 7000 : i32
    %add3A_187 = arith.addi %mul3A_4, %add3A_186 : i32
    %dma_start3A_188 = arith.constant 0 : i32
    %dma_start3A_189 = arith.constant 7 : i32
    %dma_start3A_190 = arith.constant 0 : i32
    %dma_start3A_191 = tpu.memref_slice %arg7[%dma_start3A_189, %dma_start3A_190] : memref<10x1000xi32, #tpu.memory_space<vmem>> -> memref<1x1000xi32, #tpu.memory_space<vmem>>
    %dma_start3A_192 = tpu.memref_squeeze %dma_start3A_191 : memref<1x1000xi32, #tpu.memory_space<vmem>> -> memref<1000xi32, #tpu.memory_space<vmem>>
    %dma_start3A_193 = tpu.memref_slice %arg3[%dma_start3A_188, %add3A_187] : memref<2x320000xi32, #tpu.memory_space<hbm>> -> memref<1x1000xi32, #tpu.memory_space<hbm>>
    %dma_start3A_194 = tpu.memref_squeeze %dma_start3A_193 : memref<1x1000xi32, #tpu.memory_space<hbm>> -> memref<1000xi32, #tpu.memory_space<hbm>>
    %dma_start3A_195 = arith.constant 0 : i32
    %dma_start3A_196 = tpu.memref_slice %arg7[%dma_start3A_189, %dma_start3A_195] : memref<10x1000xi32, #tpu.memory_space<vmem>> -> memref<1x1000xi32, #tpu.memory_space<vmem>>
    %dma_start3A_197 = tpu.memref_squeeze %dma_start3A_196 : memref<1x1000xi32, #tpu.memory_space<vmem>> -> memref<1000xi32, #tpu.memory_space<vmem>>
    %dma_start3A_198 = tpu.memref_slice %arg3[%dma_start3A_188, %add3A_187] : memref<2x320000xi32, #tpu.memory_space<hbm>> -> memref<1x1000xi32, #tpu.memory_space<hbm>>
    %dma_start3A_199 = tpu.memref_squeeze %dma_start3A_198 : memref<1x1000xi32, #tpu.memory_space<hbm>> -> memref<1000xi32, #tpu.memory_space<hbm>>
    tpu.enqueue_dma source(%dma_start3A_199 : memref<1000xi32, #tpu.memory_space<hbm>>) target(%dma_start3A_197 : memref<1000xi32, #tpu.memory_space<vmem>>) target_semaphore(%arg18 : memref<!tpu.dma_semaphore, #tpu.memory_space<semaphore_mem>>)
    %dma_start3A_200 = arith.constant 1 : i32
    %dma_start3A_201 = arith.constant 7 : i32
    %dma_start3A_202 = arith.constant 0 : i32
    %dma_start3A_203 = tpu.memref_slice %arg8[%dma_start3A_201, %dma_start3A_202] : memref<10x1000xi32, #tpu.memory_space<vmem>> -> memref<1x1000xi32, #tpu.memory_space<vmem>>
    %dma_start3A_204 = tpu.memref_squeeze %dma_start3A_203 : memref<1x1000xi32, #tpu.memory_space<vmem>> -> memref<1000xi32, #tpu.memory_space<vmem>>
    %dma_start3A_205 = tpu.memref_slice %arg3[%dma_start3A_200, %add3A_187] : memref<2x320000xi32, #tpu.memory_space<hbm>> -> memref<1x1000xi32, #tpu.memory_space<hbm>>
    %dma_start3A_206 = tpu.memref_squeeze %dma_start3A_205 : memref<1x1000xi32, #tpu.memory_space<hbm>> -> memref<1000xi32, #tpu.memory_space<hbm>>
    %dma_start3A_207 = arith.constant 0 : i32
    %dma_start3A_208 = tpu.memref_slice %arg8[%dma_start3A_201, %dma_start3A_207] : memref<10x1000xi32, #tpu.memory_space<vmem>> -> memref<1x1000xi32, #tpu.memory_space<vmem>>
    %dma_start3A_209 = tpu.memref_squeeze %dma_start3A_208 : memref<1x1000xi32, #tpu.memory_space<vmem>> -> memref<1000xi32, #tpu.memory_space<vmem>>
    %dma_start3A_210 = tpu.memref_slice %arg3[%dma_start3A_200, %add3A_187] : memref<2x320000xi32, #tpu.memory_space<hbm>> -> memref<1x1000xi32, #tpu.memory_space<hbm>>
    %dma_start3A_211 = tpu.memref_squeeze %dma_start3A_210 : memref<1x1000xi32, #tpu.memory_space<hbm>> -> memref<1000xi32, #tpu.memory_space<hbm>>
    tpu.enqueue_dma source(%dma_start3A_211 : memref<1000xi32, #tpu.memory_space<hbm>>) target(%dma_start3A_209 : memref<1000xi32, #tpu.memory_space<vmem>>) target_semaphore(%arg18 : memref<!tpu.dma_semaphore, #tpu.memory_space<semaphore_mem>>)
    %add3A_212 = arith.constant 8000 : i32
    %add3A_213 = arith.addi %mul3A_4, %add3A_212 : i32
    %dma_start3A_214 = arith.constant 0 : i32
    %dma_start3A_215 = arith.constant 8 : i32
    %dma_start3A_216 = arith.constant 0 : i32
    %dma_start3A_217 = tpu.memref_slice %arg7[%dma_start3A_215, %dma_start3A_216] : memref<10x1000xi32, #tpu.memory_space<vmem>> -> memref<1x1000xi32, #tpu.memory_space<vmem>>
    %dma_start3A_218 = tpu.memref_squeeze %dma_start3A_217 : memref<1x1000xi32, #tpu.memory_space<vmem>> -> memref<1000xi32, #tpu.memory_space<vmem>>
    %dma_start3A_219 = tpu.memref_slice %arg3[%dma_start3A_214, %add3A_213] : memref<2x320000xi32, #tpu.memory_space<hbm>> -> memref<1x1000xi32, #tpu.memory_space<hbm>>
    %dma_start3A_220 = tpu.memref_squeeze %dma_start3A_219 : memref<1x1000xi32, #tpu.memory_space<hbm>> -> memref<1000xi32, #tpu.memory_space<hbm>>
    %dma_start3A_221 = arith.constant 0 : i32
    %dma_start3A_222 = tpu.memref_slice %arg7[%dma_start3A_215, %dma_start3A_221] : memref<10x1000xi32, #tpu.memory_space<vmem>> -> memref<1x1000xi32, #tpu.memory_space<vmem>>
    %dma_start3A_223 = tpu.memref_squeeze %dma_start3A_222 : memref<1x1000xi32, #tpu.memory_space<vmem>> -> memref<1000xi32, #tpu.memory_space<vmem>>
    %dma_start3A_224 = tpu.memref_slice %arg3[%dma_start3A_214, %add3A_213] : memref<2x320000xi32, #tpu.memory_space<hbm>> -> memref<1x1000xi32, #tpu.memory_space<hbm>>
    %dma_start3A_225 = tpu.memref_squeeze %dma_start3A_224 : memref<1x1000xi32, #tpu.memory_space<hbm>> -> memref<1000xi32, #tpu.memory_space<hbm>>
    tpu.enqueue_dma source(%dma_start3A_225 : memref<1000xi32, #tpu.memory_space<hbm>>) target(%dma_start3A_223 : memref<1000xi32, #tpu.memory_space<vmem>>) target_semaphore(%arg18 : memref<!tpu.dma_semaphore, #tpu.memory_space<semaphore_mem>>)
    %dma_start3A_226 = arith.constant 1 : i32
    %dma_start3A_227 = arith.constant 8 : i32
    %dma_start3A_228 = arith.constant 0 : i32
    %dma_start3A_229 = tpu.memref_slice %arg8[%dma_start3A_227, %dma_start3A_228] : memref<10x1000xi32, #tpu.memory_space<vmem>> -> memref<1x1000xi32, #tpu.memory_space<vmem>>
    %dma_start3A_230 = tpu.memref_squeeze %dma_start3A_229 : memref<1x1000xi32, #tpu.memory_space<vmem>> -> memref<1000xi32, #tpu.memory_space<vmem>>
    %dma_start3A_231 = tpu.memref_slice %arg3[%dma_start3A_226, %add3A_213] : memref<2x320000xi32, #tpu.memory_space<hbm>> -> memref<1x1000xi32, #tpu.memory_space<hbm>>
    %dma_start3A_232 = tpu.memref_squeeze %dma_start3A_231 : memref<1x1000xi32, #tpu.memory_space<hbm>> -> memref<1000xi32, #tpu.memory_space<hbm>>
    %dma_start3A_233 = arith.constant 0 : i32
    %dma_start3A_234 = tpu.memref_slice %arg8[%dma_start3A_227, %dma_start3A_233] : memref<10x1000xi32, #tpu.memory_space<vmem>> -> memref<1x1000xi32, #tpu.memory_space<vmem>>
    %dma_start3A_235 = tpu.memref_squeeze %dma_start3A_234 : memref<1x1000xi32, #tpu.memory_space<vmem>> -> memref<1000xi32, #tpu.memory_space<vmem>>
    %dma_start3A_236 = tpu.memref_slice %arg3[%dma_start3A_226, %add3A_213] : memref<2x320000xi32, #tpu.memory_space<hbm>> -> memref<1x1000xi32, #tpu.memory_space<hbm>>
    %dma_start3A_237 = tpu.memref_squeeze %dma_start3A_236 : memref<1x1000xi32, #tpu.memory_space<hbm>> -> memref<1000xi32, #tpu.memory_space<hbm>>
    tpu.enqueue_dma source(%dma_start3A_237 : memref<1000xi32, #tpu.memory_space<hbm>>) target(%dma_start3A_235 : memref<1000xi32, #tpu.memory_space<vmem>>) target_semaphore(%arg18 : memref<!tpu.dma_semaphore, #tpu.memory_space<semaphore_mem>>)
    %add3A_238 = arith.constant 9000 : i32
    %add3A_239 = arith.addi %mul3A_4, %add3A_238 : i32
    %dma_start3A_240 = arith.constant 0 : i32
    %dma_start3A_241 = arith.constant 9 : i32
    %dma_start3A_242 = arith.constant 0 : i32
    %dma_start3A_243 = tpu.memref_slice %arg7[%dma_start3A_241, %dma_start3A_242] : memref<10x1000xi32, #tpu.memory_space<vmem>> -> memref<1x1000xi32, #tpu.memory_space<vmem>>
    %dma_start3A_244 = tpu.memref_squeeze %dma_start3A_243 : memref<1x1000xi32, #tpu.memory_space<vmem>> -> memref<1000xi32, #tpu.memory_space<vmem>>
    %dma_start3A_245 = tpu.memref_slice %arg3[%dma_start3A_240, %add3A_239] : memref<2x320000xi32, #tpu.memory_space<hbm>> -> memref<1x1000xi32, #tpu.memory_space<hbm>>
    %dma_start3A_246 = tpu.memref_squeeze %dma_start3A_245 : memref<1x1000xi32, #tpu.memory_space<hbm>> -> memref<1000xi32, #tpu.memory_space<hbm>>
    %dma_start3A_247 = arith.constant 0 : i32
    %dma_start3A_248 = tpu.memref_slice %arg7[%dma_start3A_241, %dma_start3A_247] : memref<10x1000xi32, #tpu.memory_space<vmem>> -> memref<1x1000xi32, #tpu.memory_space<vmem>>
    %dma_start3A_249 = tpu.memref_squeeze %dma_start3A_248 : memref<1x1000xi32, #tpu.memory_space<vmem>> -> memref<1000xi32, #tpu.memory_space<vmem>>
    %dma_start3A_250 = tpu.memref_slice %arg3[%dma_start3A_240, %add3A_239] : memref<2x320000xi32, #tpu.memory_space<hbm>> -> memref<1x1000xi32, #tpu.memory_space<hbm>>
    %dma_start3A_251 = tpu.memref_squeeze %dma_start3A_250 : memref<1x1000xi32, #tpu.memory_space<hbm>> -> memref<1000xi32, #tpu.memory_space<hbm>>
    tpu.enqueue_dma source(%dma_start3A_251 : memref<1000xi32, #tpu.memory_space<hbm>>) target(%dma_start3A_249 : memref<1000xi32, #tpu.memory_space<vmem>>) target_semaphore(%arg18 : memref<!tpu.dma_semaphore, #tpu.memory_space<semaphore_mem>>)
    %dma_start3A_252 = arith.constant 1 : i32
    %dma_start3A_253 = arith.constant 9 : i32
    %dma_start3A_254 = arith.constant 0 : i32
    %dma_start3A_255 = tpu.memref_slice %arg8[%dma_start3A_253, %dma_start3A_254] : memref<10x1000xi32, #tpu.memory_space<vmem>> -> memref<1x1000xi32, #tpu.memory_space<vmem>>
    %dma_start3A_256 = tpu.memref_squeeze %dma_start3A_255 : memref<1x1000xi32, #tpu.memory_space<vmem>> -> memref<1000xi32, #tpu.memory_space<vmem>>
    %dma_start3A_257 = tpu.memref_slice %arg3[%dma_start3A_252, %add3A_239] : memref<2x320000xi32, #tpu.memory_space<hbm>> -> memref<1x1000xi32, #tpu.memory_space<hbm>>
    %dma_start3A_258 = tpu.memref_squeeze %dma_start3A_257 : memref<1x1000xi32, #tpu.memory_space<hbm>> -> memref<1000xi32, #tpu.memory_space<hbm>>
    %dma_start3A_259 = arith.constant 0 : i32
    %dma_start3A_260 = tpu.memref_slice %arg8[%dma_start3A_253, %dma_start3A_259] : memref<10x1000xi32, #tpu.memory_space<vmem>> -> memref<1x1000xi32, #tpu.memory_space<vmem>>
    %dma_start3A_261 = tpu.memref_squeeze %dma_start3A_260 : memref<1x1000xi32, #tpu.memory_space<vmem>> -> memref<1000xi32, #tpu.memory_space<vmem>>
    %dma_start3A_262 = tpu.memref_slice %arg3[%dma_start3A_252, %add3A_239] : memref<2x320000xi32, #tpu.memory_space<hbm>> -> memref<1x1000xi32, #tpu.memory_space<hbm>>
    %dma_start3A_263 = tpu.memref_squeeze %dma_start3A_262 : memref<1x1000xi32, #tpu.memory_space<hbm>> -> memref<1000xi32, #tpu.memory_space<hbm>>
    tpu.enqueue_dma source(%dma_start3A_263 : memref<1000xi32, #tpu.memory_space<hbm>>) target(%dma_start3A_261 : memref<1000xi32, #tpu.memory_space<vmem>>) target_semaphore(%arg18 : memref<!tpu.dma_semaphore, #tpu.memory_space<semaphore_mem>>)
    "tpu.region"() ({
      %run_scoped3A = tpu.sem_alloc : memref<!tpu.dma_semaphore, #tpu.memory_space<semaphore_mem>>
      %dma_start3A_784 = arith.constant 0 : i32
      %dma_start3A_785 = tpu.memref_slice %arg6[%mul3A_2, %dma_start3A_784] : memref<10240x16xf32, #tpu.memory_space<vmem_shared>> -> memref<640x16xf32, #tpu.memory_space<vmem_shared>>
      %dma_start3A_786 = arith.constant 0 : i32
      %dma_start3A_787 = tpu.memref_slice %arg4[%mul3A_2, %dma_start3A_786] : memref<10240x16xf32, #tpu.memory_space<hbm>> -> memref<640x16xf32, #tpu.memory_space<hbm>>
      tpu.enqueue_dma source(%dma_start3A_787 : memref<640x16xf32, #tpu.memory_space<hbm>>) target(%dma_start3A_785 : memref<640x16xf32, #tpu.memory_space<vmem_shared>>) target_semaphore(%run_scoped3A : memref<!tpu.dma_semaphore, #tpu.memory_space<semaphore_mem>>)
      %dma_wait3A_788 = arith.constant 0 : i32
      %dma_wait3A_789 = tpu.memref_slice %arg6[%mul3A_2, %dma_wait3A_788] : memref<10240x16xf32, #tpu.memory_space<vmem_shared>> -> memref<640x16xf32, #tpu.memory_space<vmem_shared>>
      %dma_wait3A_790 = arith.constant 0 : i32
      %dma_wait3A_791 = tpu.memref_slice %arg4[%mul3A_2, %dma_wait3A_790] : memref<10240x16xf32, #tpu.memory_space<hbm>> -> memref<640x16xf32, #tpu.memory_space<hbm>>
      tpu.wait_dma2 semaphore(%run_scoped3A : memref<!tpu.dma_semaphore, #tpu.memory_space<semaphore_mem>>) src(%dma_wait3A_791 : memref<640x16xf32, #tpu.memory_space<hbm>>) dst(%dma_wait3A_789 : memref<640x16xf32, #tpu.memory_space<vmem_shared>>)
      tpu.yield
    }) : () -> ()
    %dma_wait3A = arith.constant 0 : i32
    %dma_wait3A_264 = arith.constant 0 : i32
    %dma_wait3A_265 = arith.constant 0 : i32
    %dma_wait3A_266 = tpu.memref_slice %arg7[%dma_wait3A_264, %dma_wait3A_265] : memref<10x1000xi32, #tpu.memory_space<vmem>> -> memref<1x1000xi32, #tpu.memory_space<vmem>>
    %dma_wait3A_267 = tpu.memref_squeeze %dma_wait3A_266 : memref<1x1000xi32, #tpu.memory_space<vmem>> -> memref<1000xi32, #tpu.memory_space<vmem>>
    %dma_wait3A_268 = tpu.memref_slice %arg3[%dma_wait3A, %add3A_6] : memref<2x320000xi32, #tpu.memory_space<hbm>> -> memref<1x1000xi32, #tpu.memory_space<hbm>>
    %dma_wait3A_269 = tpu.memref_squeeze %dma_wait3A_268 : memref<1x1000xi32, #tpu.memory_space<hbm>> -> memref<1000xi32, #tpu.memory_space<hbm>>
    %dma_wait3A_270 = arith.constant 0 : i32
    %dma_wait3A_271 = tpu.memref_slice %arg7[%dma_wait3A_264, %dma_wait3A_270] : memref<10x1000xi32, #tpu.memory_space<vmem>> -> memref<1x1000xi32, #tpu.memory_space<vmem>>
    %dma_wait3A_272 = tpu.memref_squeeze %dma_wait3A_271 : memref<1x1000xi32, #tpu.memory_space<vmem>> -> memref<1000xi32, #tpu.memory_space<vmem>>
    %dma_wait3A_273 = tpu.memref_slice %arg3[%dma_wait3A, %add3A_6] : memref<2x320000xi32, #tpu.memory_space<hbm>> -> memref<1x1000xi32, #tpu.memory_space<hbm>>
    %dma_wait3A_274 = tpu.memref_squeeze %dma_wait3A_273 : memref<1x1000xi32, #tpu.memory_space<hbm>> -> memref<1000xi32, #tpu.memory_space<hbm>>
    tpu.wait_dma2 semaphore(%arg18 : memref<!tpu.dma_semaphore, #tpu.memory_space<semaphore_mem>>) src(%dma_wait3A_274 : memref<1000xi32, #tpu.memory_space<hbm>>) dst(%dma_wait3A_272 : memref<1000xi32, #tpu.memory_space<vmem>>)
    %dma_wait3A_275 = arith.constant 1 : i32
    %dma_wait3A_276 = arith.constant 0 : i32
    %dma_wait3A_277 = arith.constant 0 : i32
    %dma_wait3A_278 = tpu.memref_slice %arg8[%dma_wait3A_276, %dma_wait3A_277] : memref<10x1000xi32, #tpu.memory_space<vmem>> -> memref<1x1000xi32, #tpu.memory_space<vmem>>
    %dma_wait3A_279 = tpu.memref_squeeze %dma_wait3A_278 : memref<1x1000xi32, #tpu.memory_space<vmem>> -> memref<1000xi32, #tpu.memory_space<vmem>>
    %dma_wait3A_280 = tpu.memref_slice %arg3[%dma_wait3A_275, %add3A_6] : memref<2x320000xi32, #tpu.memory_space<hbm>> -> memref<1x1000xi32, #tpu.memory_space<hbm>>
    %dma_wait3A_281 = tpu.memref_squeeze %dma_wait3A_280 : memref<1x1000xi32, #tpu.memory_space<hbm>> -> memref<1000xi32, #tpu.memory_space<hbm>>
    %dma_wait3A_282 = arith.constant 0 : i32
    %dma_wait3A_283 = tpu.memref_slice %arg8[%dma_wait3A_276, %dma_wait3A_282] : memref<10x1000xi32, #tpu.memory_space<vmem>> -> memref<1x1000xi32, #tpu.memory_space<vmem>>
    %dma_wait3A_284 = tpu.memref_squeeze %dma_wait3A_283 : memref<1x1000xi32, #tpu.memory_space<vmem>> -> memref<1000xi32, #tpu.memory_space<vmem>>
    %dma_wait3A_285 = tpu.memref_slice %arg3[%dma_wait3A_275, %add3A_6] : memref<2x320000xi32, #tpu.memory_space<hbm>> -> memref<1x1000xi32, #tpu.memory_space<hbm>>
    %dma_wait3A_286 = tpu.memref_squeeze %dma_wait3A_285 : memref<1x1000xi32, #tpu.memory_space<hbm>> -> memref<1000xi32, #tpu.memory_space<hbm>>
    tpu.wait_dma2 semaphore(%arg18 : memref<!tpu.dma_semaphore, #tpu.memory_space<semaphore_mem>>) src(%dma_wait3A_286 : memref<1000xi32, #tpu.memory_space<hbm>>) dst(%dma_wait3A_284 : memref<1000xi32, #tpu.memory_space<vmem>>)
    %dma_wait3A_287 = arith.constant 0 : i32
    %dma_wait3A_288 = arith.constant 1 : i32
    %dma_wait3A_289 = arith.constant 0 : i32
    %dma_wait3A_290 = tpu.memref_slice %arg7[%dma_wait3A_288, %dma_wait3A_289] : memref<10x1000xi32, #tpu.memory_space<vmem>> -> memref<1x1000xi32, #tpu.memory_space<vmem>>
    %dma_wait3A_291 = tpu.memref_squeeze %dma_wait3A_290 : memref<1x1000xi32, #tpu.memory_space<vmem>> -> memref<1000xi32, #tpu.memory_space<vmem>>
    %dma_wait3A_292 = tpu.memref_slice %arg3[%dma_wait3A_287, %add3A_31] : memref<2x320000xi32, #tpu.memory_space<hbm>> -> memref<1x1000xi32, #tpu.memory_space<hbm>>
    %dma_wait3A_293 = tpu.memref_squeeze %dma_wait3A_292 : memref<1x1000xi32, #tpu.memory_space<hbm>> -> memref<1000xi32, #tpu.memory_space<hbm>>
    %dma_wait3A_294 = arith.constant 0 : i32
    %dma_wait3A_295 = tpu.memref_slice %arg7[%dma_wait3A_288, %dma_wait3A_294] : memref<10x1000xi32, #tpu.memory_space<vmem>> -> memref<1x1000xi32, #tpu.memory_space<vmem>>
    %dma_wait3A_296 = tpu.memref_squeeze %dma_wait3A_295 : memref<1x1000xi32, #tpu.memory_space<vmem>> -> memref<1000xi32, #tpu.memory_space<vmem>>
    %dma_wait3A_297 = tpu.memref_slice %arg3[%dma_wait3A_287, %add3A_31] : memref<2x320000xi32, #tpu.memory_space<hbm>> -> memref<1x1000xi32, #tpu.memory_space<hbm>>
    %dma_wait3A_298 = tpu.memref_squeeze %dma_wait3A_297 : memref<1x1000xi32, #tpu.memory_space<hbm>> -> memref<1000xi32, #tpu.memory_space<hbm>>
    tpu.wait_dma2 semaphore(%arg18 : memref<!tpu.dma_semaphore, #tpu.memory_space<semaphore_mem>>) src(%dma_wait3A_298 : memref<1000xi32, #tpu.memory_space<hbm>>) dst(%dma_wait3A_296 : memref<1000xi32, #tpu.memory_space<vmem>>)
    %dma_wait3A_299 = arith.constant 1 : i32
    %dma_wait3A_300 = arith.constant 1 : i32
    %dma_wait3A_301 = arith.constant 0 : i32
    %dma_wait3A_302 = tpu.memref_slice %arg8[%dma_wait3A_300, %dma_wait3A_301] : memref<10x1000xi32, #tpu.memory_space<vmem>> -> memref<1x1000xi32, #tpu.memory_space<vmem>>
    %dma_wait3A_303 = tpu.memref_squeeze %dma_wait3A_302 : memref<1x1000xi32, #tpu.memory_space<vmem>> -> memref<1000xi32, #tpu.memory_space<vmem>>
    %dma_wait3A_304 = tpu.memref_slice %arg3[%dma_wait3A_299, %add3A_31] : memref<2x320000xi32, #tpu.memory_space<hbm>> -> memref<1x1000xi32, #tpu.memory_space<hbm>>
    %dma_wait3A_305 = tpu.memref_squeeze %dma_wait3A_304 : memref<1x1000xi32, #tpu.memory_space<hbm>> -> memref<1000xi32, #tpu.memory_space<hbm>>
    %dma_wait3A_306 = arith.constant 0 : i32
    %dma_wait3A_307 = tpu.memref_slice %arg8[%dma_wait3A_300, %dma_wait3A_306] : memref<10x1000xi32, #tpu.memory_space<vmem>> -> memref<1x1000xi32, #tpu.memory_space<vmem>>
    %dma_wait3A_308 = tpu.memref_squeeze %dma_wait3A_307 : memref<1x1000xi32, #tpu.memory_space<vmem>> -> memref<1000xi32, #tpu.memory_space<vmem>>
    %dma_wait3A_309 = tpu.memref_slice %arg3[%dma_wait3A_299, %add3A_31] : memref<2x320000xi32, #tpu.memory_space<hbm>> -> memref<1x1000xi32, #tpu.memory_space<hbm>>
    %dma_wait3A_310 = tpu.memref_squeeze %dma_wait3A_309 : memref<1x1000xi32, #tpu.memory_space<hbm>> -> memref<1000xi32, #tpu.memory_space<hbm>>
    tpu.wait_dma2 semaphore(%arg18 : memref<!tpu.dma_semaphore, #tpu.memory_space<semaphore_mem>>) src(%dma_wait3A_310 : memref<1000xi32, #tpu.memory_space<hbm>>) dst(%dma_wait3A_308 : memref<1000xi32, #tpu.memory_space<vmem>>)
    %dma_wait3A_311 = arith.constant 0 : i32
    %dma_wait3A_312 = arith.constant 2 : i32
    %dma_wait3A_313 = arith.constant 0 : i32
    %dma_wait3A_314 = tpu.memref_slice %arg7[%dma_wait3A_312, %dma_wait3A_313] : memref<10x1000xi32, #tpu.memory_space<vmem>> -> memref<1x1000xi32, #tpu.memory_space<vmem>>
    %dma_wait3A_315 = tpu.memref_squeeze %dma_wait3A_314 : memref<1x1000xi32, #tpu.memory_space<vmem>> -> memref<1000xi32, #tpu.memory_space<vmem>>
    %dma_wait3A_316 = tpu.memref_slice %arg3[%dma_wait3A_311, %add3A_57] : memref<2x320000xi32, #tpu.memory_space<hbm>> -> memref<1x1000xi32, #tpu.memory_space<hbm>>
    %dma_wait3A_317 = tpu.memref_squeeze %dma_wait3A_316 : memref<1x1000xi32, #tpu.memory_space<hbm>> -> memref<1000xi32, #tpu.memory_space<hbm>>
    %dma_wait3A_318 = arith.constant 0 : i32
    %dma_wait3A_319 = tpu.memref_slice %arg7[%dma_wait3A_312, %dma_wait3A_318] : memref<10x1000xi32, #tpu.memory_space<vmem>> -> memref<1x1000xi32, #tpu.memory_space<vmem>>
    %dma_wait3A_320 = tpu.memref_squeeze %dma_wait3A_319 : memref<1x1000xi32, #tpu.memory_space<vmem>> -> memref<1000xi32, #tpu.memory_space<vmem>>
    %dma_wait3A_321 = tpu.memref_slice %arg3[%dma_wait3A_311, %add3A_57] : memref<2x320000xi32, #tpu.memory_space<hbm>> -> memref<1x1000xi32, #tpu.memory_space<hbm>>
    %dma_wait3A_322 = tpu.memref_squeeze %dma_wait3A_321 : memref<1x1000xi32, #tpu.memory_space<hbm>> -> memref<1000xi32, #tpu.memory_space<hbm>>
    tpu.wait_dma2 semaphore(%arg18 : memref<!tpu.dma_semaphore, #tpu.memory_space<semaphore_mem>>) src(%dma_wait3A_322 : memref<1000xi32, #tpu.memory_space<hbm>>) dst(%dma_wait3A_320 : memref<1000xi32, #tpu.memory_space<vmem>>)
    %dma_wait3A_323 = arith.constant 1 : i32
    %dma_wait3A_324 = arith.constant 2 : i32
    %dma_wait3A_325 = arith.constant 0 : i32
    %dma_wait3A_326 = tpu.memref_slice %arg8[%dma_wait3A_324, %dma_wait3A_325] : memref<10x1000xi32, #tpu.memory_space<vmem>> -> memref<1x1000xi32, #tpu.memory_space<vmem>>
    %dma_wait3A_327 = tpu.memref_squeeze %dma_wait3A_326 : memref<1x1000xi32, #tpu.memory_space<vmem>> -> memref<1000xi32, #tpu.memory_space<vmem>>
    %dma_wait3A_328 = tpu.memref_slice %arg3[%dma_wait3A_323, %add3A_57] : memref<2x320000xi32, #tpu.memory_space<hbm>> -> memref<1x1000xi32, #tpu.memory_space<hbm>>
    %dma_wait3A_329 = tpu.memref_squeeze %dma_wait3A_328 : memref<1x1000xi32, #tpu.memory_space<hbm>> -> memref<1000xi32, #tpu.memory_space<hbm>>
    %dma_wait3A_330 = arith.constant 0 : i32
    %dma_wait3A_331 = tpu.memref_slice %arg8[%dma_wait3A_324, %dma_wait3A_330] : memref<10x1000xi32, #tpu.memory_space<vmem>> -> memref<1x1000xi32, #tpu.memory_space<vmem>>
    %dma_wait3A_332 = tpu.memref_squeeze %dma_wait3A_331 : memref<1x1000xi32, #tpu.memory_space<vmem>> -> memref<1000xi32, #tpu.memory_space<vmem>>
    %dma_wait3A_333 = tpu.memref_slice %arg3[%dma_wait3A_323, %add3A_57] : memref<2x320000xi32, #tpu.memory_space<hbm>> -> memref<1x1000xi32, #tpu.memory_space<hbm>>
    %dma_wait3A_334 = tpu.memref_squeeze %dma_wait3A_333 : memref<1x1000xi32, #tpu.memory_space<hbm>> -> memref<1000xi32, #tpu.memory_space<hbm>>
    tpu.wait_dma2 semaphore(%arg18 : memref<!tpu.dma_semaphore, #tpu.memory_space<semaphore_mem>>) src(%dma_wait3A_334 : memref<1000xi32, #tpu.memory_space<hbm>>) dst(%dma_wait3A_332 : memref<1000xi32, #tpu.memory_space<vmem>>)
    %dma_wait3A_335 = arith.constant 0 : i32
    %dma_wait3A_336 = arith.constant 3 : i32
    %dma_wait3A_337 = arith.constant 0 : i32
    %dma_wait3A_338 = tpu.memref_slice %arg7[%dma_wait3A_336, %dma_wait3A_337] : memref<10x1000xi32, #tpu.memory_space<vmem>> -> memref<1x1000xi32, #tpu.memory_space<vmem>>
    %dma_wait3A_339 = tpu.memref_squeeze %dma_wait3A_338 : memref<1x1000xi32, #tpu.memory_space<vmem>> -> memref<1000xi32, #tpu.memory_space<vmem>>
    %dma_wait3A_340 = tpu.memref_slice %arg3[%dma_wait3A_335, %add3A_83] : memref<2x320000xi32, #tpu.memory_space<hbm>> -> memref<1x1000xi32, #tpu.memory_space<hbm>>
    %dma_wait3A_341 = tpu.memref_squeeze %dma_wait3A_340 : memref<1x1000xi32, #tpu.memory_space<hbm>> -> memref<1000xi32, #tpu.memory_space<hbm>>
    %dma_wait3A_342 = arith.constant 0 : i32
    %dma_wait3A_343 = tpu.memref_slice %arg7[%dma_wait3A_336, %dma_wait3A_342] : memref<10x1000xi32, #tpu.memory_space<vmem>> -> memref<1x1000xi32, #tpu.memory_space<vmem>>
    %dma_wait3A_344 = tpu.memref_squeeze %dma_wait3A_343 : memref<1x1000xi32, #tpu.memory_space<vmem>> -> memref<1000xi32, #tpu.memory_space<vmem>>
    %dma_wait3A_345 = tpu.memref_slice %arg3[%dma_wait3A_335, %add3A_83] : memref<2x320000xi32, #tpu.memory_space<hbm>> -> memref<1x1000xi32, #tpu.memory_space<hbm>>
    %dma_wait3A_346 = tpu.memref_squeeze %dma_wait3A_345 : memref<1x1000xi32, #tpu.memory_space<hbm>> -> memref<1000xi32, #tpu.memory_space<hbm>>
    tpu.wait_dma2 semaphore(%arg18 : memref<!tpu.dma_semaphore, #tpu.memory_space<semaphore_mem>>) src(%dma_wait3A_346 : memref<1000xi32, #tpu.memory_space<hbm>>) dst(%dma_wait3A_344 : memref<1000xi32, #tpu.memory_space<vmem>>)
    %dma_wait3A_347 = arith.constant 1 : i32
    %dma_wait3A_348 = arith.constant 3 : i32
    %dma_wait3A_349 = arith.constant 0 : i32
    %dma_wait3A_350 = tpu.memref_slice %arg8[%dma_wait3A_348, %dma_wait3A_349] : memref<10x1000xi32, #tpu.memory_space<vmem>> -> memref<1x1000xi32, #tpu.memory_space<vmem>>
    %dma_wait3A_351 = tpu.memref_squeeze %dma_wait3A_350 : memref<1x1000xi32, #tpu.memory_space<vmem>> -> memref<1000xi32, #tpu.memory_space<vmem>>
    %dma_wait3A_352 = tpu.memref_slice %arg3[%dma_wait3A_347, %add3A_83] : memref<2x320000xi32, #tpu.memory_space<hbm>> -> memref<1x1000xi32, #tpu.memory_space<hbm>>
    %dma_wait3A_353 = tpu.memref_squeeze %dma_wait3A_352 : memref<1x1000xi32, #tpu.memory_space<hbm>> -> memref<1000xi32, #tpu.memory_space<hbm>>
    %dma_wait3A_354 = arith.constant 0 : i32
    %dma_wait3A_355 = tpu.memref_slice %arg8[%dma_wait3A_348, %dma_wait3A_354] : memref<10x1000xi32, #tpu.memory_space<vmem>> -> memref<1x1000xi32, #tpu.memory_space<vmem>>
    %dma_wait3A_356 = tpu.memref_squeeze %dma_wait3A_355 : memref<1x1000xi32, #tpu.memory_space<vmem>> -> memref<1000xi32, #tpu.memory_space<vmem>>
    %dma_wait3A_357 = tpu.memref_slice %arg3[%dma_wait3A_347, %add3A_83] : memref<2x320000xi32, #tpu.memory_space<hbm>> -> memref<1x1000xi32, #tpu.memory_space<hbm>>
    %dma_wait3A_358 = tpu.memref_squeeze %dma_wait3A_357 : memref<1x1000xi32, #tpu.memory_space<hbm>> -> memref<1000xi32, #tpu.memory_space<hbm>>
    tpu.wait_dma2 semaphore(%arg18 : memref<!tpu.dma_semaphore, #tpu.memory_space<semaphore_mem>>) src(%dma_wait3A_358 : memref<1000xi32, #tpu.memory_space<hbm>>) dst(%dma_wait3A_356 : memref<1000xi32, #tpu.memory_space<vmem>>)
    %dma_wait3A_359 = arith.constant 0 : i32
    %dma_wait3A_360 = arith.constant 4 : i32
    %dma_wait3A_361 = arith.constant 0 : i32
    %dma_wait3A_362 = tpu.memref_slice %arg7[%dma_wait3A_360, %dma_wait3A_361] : memref<10x1000xi32, #tpu.memory_space<vmem>> -> memref<1x1000xi32, #tpu.memory_space<vmem>>
    %dma_wait3A_363 = tpu.memref_squeeze %dma_wait3A_362 : memref<1x1000xi32, #tpu.memory_space<vmem>> -> memref<1000xi32, #tpu.memory_space<vmem>>
    %dma_wait3A_364 = tpu.memref_slice %arg3[%dma_wait3A_359, %add3A_109] : memref<2x320000xi32, #tpu.memory_space<hbm>> -> memref<1x1000xi32, #tpu.memory_space<hbm>>
    %dma_wait3A_365 = tpu.memref_squeeze %dma_wait3A_364 : memref<1x1000xi32, #tpu.memory_space<hbm>> -> memref<1000xi32, #tpu.memory_space<hbm>>
    %dma_wait3A_366 = arith.constant 0 : i32
    %dma_wait3A_367 = tpu.memref_slice %arg7[%dma_wait3A_360, %dma_wait3A_366] : memref<10x1000xi32, #tpu.memory_space<vmem>> -> memref<1x1000xi32, #tpu.memory_space<vmem>>
    %dma_wait3A_368 = tpu.memref_squeeze %dma_wait3A_367 : memref<1x1000xi32, #tpu.memory_space<vmem>> -> memref<1000xi32, #tpu.memory_space<vmem>>
    %dma_wait3A_369 = tpu.memref_slice %arg3[%dma_wait3A_359, %add3A_109] : memref<2x320000xi32, #tpu.memory_space<hbm>> -> memref<1x1000xi32, #tpu.memory_space<hbm>>
    %dma_wait3A_370 = tpu.memref_squeeze %dma_wait3A_369 : memref<1x1000xi32, #tpu.memory_space<hbm>> -> memref<1000xi32, #tpu.memory_space<hbm>>
    tpu.wait_dma2 semaphore(%arg18 : memref<!tpu.dma_semaphore, #tpu.memory_space<semaphore_mem>>) src(%dma_wait3A_370 : memref<1000xi32, #tpu.memory_space<hbm>>) dst(%dma_wait3A_368 : memref<1000xi32, #tpu.memory_space<vmem>>)
    %dma_wait3A_371 = arith.constant 1 : i32
    %dma_wait3A_372 = arith.constant 4 : i32
    %dma_wait3A_373 = arith.constant 0 : i32
    %dma_wait3A_374 = tpu.memref_slice %arg8[%dma_wait3A_372, %dma_wait3A_373] : memref<10x1000xi32, #tpu.memory_space<vmem>> -> memref<1x1000xi32, #tpu.memory_space<vmem>>
    %dma_wait3A_375 = tpu.memref_squeeze %dma_wait3A_374 : memref<1x1000xi32, #tpu.memory_space<vmem>> -> memref<1000xi32, #tpu.memory_space<vmem>>
    %dma_wait3A_376 = tpu.memref_slice %arg3[%dma_wait3A_371, %add3A_109] : memref<2x320000xi32, #tpu.memory_space<hbm>> -> memref<1x1000xi32, #tpu.memory_space<hbm>>
    %dma_wait3A_377 = tpu.memref_squeeze %dma_wait3A_376 : memref<1x1000xi32, #tpu.memory_space<hbm>> -> memref<1000xi32, #tpu.memory_space<hbm>>
    %dma_wait3A_378 = arith.constant 0 : i32
    %dma_wait3A_379 = tpu.memref_slice %arg8[%dma_wait3A_372, %dma_wait3A_378] : memref<10x1000xi32, #tpu.memory_space<vmem>> -> memref<1x1000xi32, #tpu.memory_space<vmem>>
    %dma_wait3A_380 = tpu.memref_squeeze %dma_wait3A_379 : memref<1x1000xi32, #tpu.memory_space<vmem>> -> memref<1000xi32, #tpu.memory_space<vmem>>
    %dma_wait3A_381 = tpu.memref_slice %arg3[%dma_wait3A_371, %add3A_109] : memref<2x320000xi32, #tpu.memory_space<hbm>> -> memref<1x1000xi32, #tpu.memory_space<hbm>>
    %dma_wait3A_382 = tpu.memref_squeeze %dma_wait3A_381 : memref<1x1000xi32, #tpu.memory_space<hbm>> -> memref<1000xi32, #tpu.memory_space<hbm>>
    tpu.wait_dma2 semaphore(%arg18 : memref<!tpu.dma_semaphore, #tpu.memory_space<semaphore_mem>>) src(%dma_wait3A_382 : memref<1000xi32, #tpu.memory_space<hbm>>) dst(%dma_wait3A_380 : memref<1000xi32, #tpu.memory_space<vmem>>)
    %dma_wait3A_383 = arith.constant 0 : i32
    %dma_wait3A_384 = arith.constant 5 : i32
    %dma_wait3A_385 = arith.constant 0 : i32
    %dma_wait3A_386 = tpu.memref_slice %arg7[%dma_wait3A_384, %dma_wait3A_385] : memref<10x1000xi32, #tpu.memory_space<vmem>> -> memref<1x1000xi32, #tpu.memory_space<vmem>>
    %dma_wait3A_387 = tpu.memref_squeeze %dma_wait3A_386 : memref<1x1000xi32, #tpu.memory_space<vmem>> -> memref<1000xi32, #tpu.memory_space<vmem>>
    %dma_wait3A_388 = tpu.memref_slice %arg3[%dma_wait3A_383, %add3A_135] : memref<2x320000xi32, #tpu.memory_space<hbm>> -> memref<1x1000xi32, #tpu.memory_space<hbm>>
    %dma_wait3A_389 = tpu.memref_squeeze %dma_wait3A_388 : memref<1x1000xi32, #tpu.memory_space<hbm>> -> memref<1000xi32, #tpu.memory_space<hbm>>
    %dma_wait3A_390 = arith.constant 0 : i32
    %dma_wait3A_391 = tpu.memref_slice %arg7[%dma_wait3A_384, %dma_wait3A_390] : memref<10x1000xi32, #tpu.memory_space<vmem>> -> memref<1x1000xi32, #tpu.memory_space<vmem>>
    %dma_wait3A_392 = tpu.memref_squeeze %dma_wait3A_391 : memref<1x1000xi32, #tpu.memory_space<vmem>> -> memref<1000xi32, #tpu.memory_space<vmem>>
    %dma_wait3A_393 = tpu.memref_slice %arg3[%dma_wait3A_383, %add3A_135] : memref<2x320000xi32, #tpu.memory_space<hbm>> -> memref<1x1000xi32, #tpu.memory_space<hbm>>
    %dma_wait3A_394 = tpu.memref_squeeze %dma_wait3A_393 : memref<1x1000xi32, #tpu.memory_space<hbm>> -> memref<1000xi32, #tpu.memory_space<hbm>>
    tpu.wait_dma2 semaphore(%arg18 : memref<!tpu.dma_semaphore, #tpu.memory_space<semaphore_mem>>) src(%dma_wait3A_394 : memref<1000xi32, #tpu.memory_space<hbm>>) dst(%dma_wait3A_392 : memref<1000xi32, #tpu.memory_space<vmem>>)
    %dma_wait3A_395 = arith.constant 1 : i32
    %dma_wait3A_396 = arith.constant 5 : i32
    %dma_wait3A_397 = arith.constant 0 : i32
    %dma_wait3A_398 = tpu.memref_slice %arg8[%dma_wait3A_396, %dma_wait3A_397] : memref<10x1000xi32, #tpu.memory_space<vmem>> -> memref<1x1000xi32, #tpu.memory_space<vmem>>
    %dma_wait3A_399 = tpu.memref_squeeze %dma_wait3A_398 : memref<1x1000xi32, #tpu.memory_space<vmem>> -> memref<1000xi32, #tpu.memory_space<vmem>>
    %dma_wait3A_400 = tpu.memref_slice %arg3[%dma_wait3A_395, %add3A_135] : memref<2x320000xi32, #tpu.memory_space<hbm>> -> memref<1x1000xi32, #tpu.memory_space<hbm>>
    %dma_wait3A_401 = tpu.memref_squeeze %dma_wait3A_400 : memref<1x1000xi32, #tpu.memory_space<hbm>> -> memref<1000xi32, #tpu.memory_space<hbm>>
    %dma_wait3A_402 = arith.constant 0 : i32
    %dma_wait3A_403 = tpu.memref_slice %arg8[%dma_wait3A_396, %dma_wait3A_402] : memref<10x1000xi32, #tpu.memory_space<vmem>> -> memref<1x1000xi32, #tpu.memory_space<vmem>>
    %dma_wait3A_404 = tpu.memref_squeeze %dma_wait3A_403 : memref<1x1000xi32, #tpu.memory_space<vmem>> -> memref<1000xi32, #tpu.memory_space<vmem>>
    %dma_wait3A_405 = tpu.memref_slice %arg3[%dma_wait3A_395, %add3A_135] : memref<2x320000xi32, #tpu.memory_space<hbm>> -> memref<1x1000xi32, #tpu.memory_space<hbm>>
    %dma_wait3A_406 = tpu.memref_squeeze %dma_wait3A_405 : memref<1x1000xi32, #tpu.memory_space<hbm>> -> memref<1000xi32, #tpu.memory_space<hbm>>
    tpu.wait_dma2 semaphore(%arg18 : memref<!tpu.dma_semaphore, #tpu.memory_space<semaphore_mem>>) src(%dma_wait3A_406 : memref<1000xi32, #tpu.memory_space<hbm>>) dst(%dma_wait3A_404 : memref<1000xi32, #tpu.memory_space<vmem>>)
    %dma_wait3A_407 = arith.constant 0 : i32
    %dma_wait3A_408 = arith.constant 6 : i32
    %dma_wait3A_409 = arith.constant 0 : i32
    %dma_wait3A_410 = tpu.memref_slice %arg7[%dma_wait3A_408, %dma_wait3A_409] : memref<10x1000xi32, #tpu.memory_space<vmem>> -> memref<1x1000xi32, #tpu.memory_space<vmem>>
    %dma_wait3A_411 = tpu.memref_squeeze %dma_wait3A_410 : memref<1x1000xi32, #tpu.memory_space<vmem>> -> memref<1000xi32, #tpu.memory_space<vmem>>
    %dma_wait3A_412 = tpu.memref_slice %arg3[%dma_wait3A_407, %add3A_161] : memref<2x320000xi32, #tpu.memory_space<hbm>> -> memref<1x1000xi32, #tpu.memory_space<hbm>>
    %dma_wait3A_413 = tpu.memref_squeeze %dma_wait3A_412 : memref<1x1000xi32, #tpu.memory_space<hbm>> -> memref<1000xi32, #tpu.memory_space<hbm>>
    %dma_wait3A_414 = arith.constant 0 : i32
    %dma_wait3A_415 = tpu.memref_slice %arg7[%dma_wait3A_408, %dma_wait3A_414] : memref<10x1000xi32, #tpu.memory_space<vmem>> -> memref<1x1000xi32, #tpu.memory_space<vmem>>
    %dma_wait3A_416 = tpu.memref_squeeze %dma_wait3A_415 : memref<1x1000xi32, #tpu.memory_space<vmem>> -> memref<1000xi32, #tpu.memory_space<vmem>>
    %dma_wait3A_417 = tpu.memref_slice %arg3[%dma_wait3A_407, %add3A_161] : memref<2x320000xi32, #tpu.memory_space<hbm>> -> memref<1x1000xi32, #tpu.memory_space<hbm>>
    %dma_wait3A_418 = tpu.memref_squeeze %dma_wait3A_417 : memref<1x1000xi32, #tpu.memory_space<hbm>> -> memref<1000xi32, #tpu.memory_space<hbm>>
    tpu.wait_dma2 semaphore(%arg18 : memref<!tpu.dma_semaphore, #tpu.memory_space<semaphore_mem>>) src(%dma_wait3A_418 : memref<1000xi32, #tpu.memory_space<hbm>>) dst(%dma_wait3A_416 : memref<1000xi32, #tpu.memory_space<vmem>>)
    %dma_wait3A_419 = arith.constant 1 : i32
    %dma_wait3A_420 = arith.constant 6 : i32
    %dma_wait3A_421 = arith.constant 0 : i32
    %dma_wait3A_422 = tpu.memref_slice %arg8[%dma_wait3A_420, %dma_wait3A_421] : memref<10x1000xi32, #tpu.memory_space<vmem>> -> memref<1x1000xi32, #tpu.memory_space<vmem>>
    %dma_wait3A_423 = tpu.memref_squeeze %dma_wait3A_422 : memref<1x1000xi32, #tpu.memory_space<vmem>> -> memref<1000xi32, #tpu.memory_space<vmem>>
    %dma_wait3A_424 = tpu.memref_slice %arg3[%dma_wait3A_419, %add3A_161] : memref<2x320000xi32, #tpu.memory_space<hbm>> -> memref<1x1000xi32, #tpu.memory_space<hbm>>
    %dma_wait3A_425 = tpu.memref_squeeze %dma_wait3A_424 : memref<1x1000xi32, #tpu.memory_space<hbm>> -> memref<1000xi32, #tpu.memory_space<hbm>>
    %dma_wait3A_426 = arith.constant 0 : i32
    %dma_wait3A_427 = tpu.memref_slice %arg8[%dma_wait3A_420, %dma_wait3A_426] : memref<10x1000xi32, #tpu.memory_space<vmem>> -> memref<1x1000xi32, #tpu.memory_space<vmem>>
    %dma_wait3A_428 = tpu.memref_squeeze %dma_wait3A_427 : memref<1x1000xi32, #tpu.memory_space<vmem>> -> memref<1000xi32, #tpu.memory_space<vmem>>
    %dma_wait3A_429 = tpu.memref_slice %arg3[%dma_wait3A_419, %add3A_161] : memref<2x320000xi32, #tpu.memory_space<hbm>> -> memref<1x1000xi32, #tpu.memory_space<hbm>>
    %dma_wait3A_430 = tpu.memref_squeeze %dma_wait3A_429 : memref<1x1000xi32, #tpu.memory_space<hbm>> -> memref<1000xi32, #tpu.memory_space<hbm>>
    tpu.wait_dma2 semaphore(%arg18 : memref<!tpu.dma_semaphore, #tpu.memory_space<semaphore_mem>>) src(%dma_wait3A_430 : memref<1000xi32, #tpu.memory_space<hbm>>) dst(%dma_wait3A_428 : memref<1000xi32, #tpu.memory_space<vmem>>)
    %dma_wait3A_431 = arith.constant 0 : i32
    %dma_wait3A_432 = arith.constant 7 : i32
    %dma_wait3A_433 = arith.constant 0 : i32
    %dma_wait3A_434 = tpu.memref_slice %arg7[%dma_wait3A_432, %dma_wait3A_433] : memref<10x1000xi32, #tpu.memory_space<vmem>> -> memref<1x1000xi32, #tpu.memory_space<vmem>>
    %dma_wait3A_435 = tpu.memref_squeeze %dma_wait3A_434 : memref<1x1000xi32, #tpu.memory_space<vmem>> -> memref<1000xi32, #tpu.memory_space<vmem>>
    %dma_wait3A_436 = tpu.memref_slice %arg3[%dma_wait3A_431, %add3A_187] : memref<2x320000xi32, #tpu.memory_space<hbm>> -> memref<1x1000xi32, #tpu.memory_space<hbm>>
    %dma_wait3A_437 = tpu.memref_squeeze %dma_wait3A_436 : memref<1x1000xi32, #tpu.memory_space<hbm>> -> memref<1000xi32, #tpu.memory_space<hbm>>
    %dma_wait3A_438 = arith.constant 0 : i32
    %dma_wait3A_439 = tpu.memref_slice %arg7[%dma_wait3A_432, %dma_wait3A_438] : memref<10x1000xi32, #tpu.memory_space<vmem>> -> memref<1x1000xi32, #tpu.memory_space<vmem>>
    %dma_wait3A_440 = tpu.memref_squeeze %dma_wait3A_439 : memref<1x1000xi32, #tpu.memory_space<vmem>> -> memref<1000xi32, #tpu.memory_space<vmem>>
    %dma_wait3A_441 = tpu.memref_slice %arg3[%dma_wait3A_431, %add3A_187] : memref<2x320000xi32, #tpu.memory_space<hbm>> -> memref<1x1000xi32, #tpu.memory_space<hbm>>
    %dma_wait3A_442 = tpu.memref_squeeze %dma_wait3A_441 : memref<1x1000xi32, #tpu.memory_space<hbm>> -> memref<1000xi32, #tpu.memory_space<hbm>>
    tpu.wait_dma2 semaphore(%arg18 : memref<!tpu.dma_semaphore, #tpu.memory_space<semaphore_mem>>) src(%dma_wait3A_442 : memref<1000xi32, #tpu.memory_space<hbm>>) dst(%dma_wait3A_440 : memref<1000xi32, #tpu.memory_space<vmem>>)
    %dma_wait3A_443 = arith.constant 1 : i32
    %dma_wait3A_444 = arith.constant 7 : i32
    %dma_wait3A_445 = arith.constant 0 : i32
    %dma_wait3A_446 = tpu.memref_slice %arg8[%dma_wait3A_444, %dma_wait3A_445] : memref<10x1000xi32, #tpu.memory_space<vmem>> -> memref<1x1000xi32, #tpu.memory_space<vmem>>
    %dma_wait3A_447 = tpu.memref_squeeze %dma_wait3A_446 : memref<1x1000xi32, #tpu.memory_space<vmem>> -> memref<1000xi32, #tpu.memory_space<vmem>>
    %dma_wait3A_448 = tpu.memref_slice %arg3[%dma_wait3A_443, %add3A_187] : memref<2x320000xi32, #tpu.memory_space<hbm>> -> memref<1x1000xi32, #tpu.memory_space<hbm>>
    %dma_wait3A_449 = tpu.memref_squeeze %dma_wait3A_448 : memref<1x1000xi32, #tpu.memory_space<hbm>> -> memref<1000xi32, #tpu.memory_space<hbm>>
    %dma_wait3A_450 = arith.constant 0 : i32
    %dma_wait3A_451 = tpu.memref_slice %arg8[%dma_wait3A_444, %dma_wait3A_450] : memref<10x1000xi32, #tpu.memory_space<vmem>> -> memref<1x1000xi32, #tpu.memory_space<vmem>>
    %dma_wait3A_452 = tpu.memref_squeeze %dma_wait3A_451 : memref<1x1000xi32, #tpu.memory_space<vmem>> -> memref<1000xi32, #tpu.memory_space<vmem>>
    %dma_wait3A_453 = tpu.memref_slice %arg3[%dma_wait3A_443, %add3A_187] : memref<2x320000xi32, #tpu.memory_space<hbm>> -> memref<1x1000xi32, #tpu.memory_space<hbm>>
    %dma_wait3A_454 = tpu.memref_squeeze %dma_wait3A_453 : memref<1x1000xi32, #tpu.memory_space<hbm>> -> memref<1000xi32, #tpu.memory_space<hbm>>
    tpu.wait_dma2 semaphore(%arg18 : memref<!tpu.dma_semaphore, #tpu.memory_space<semaphore_mem>>) src(%dma_wait3A_454 : memref<1000xi32, #tpu.memory_space<hbm>>) dst(%dma_wait3A_452 : memref<1000xi32, #tpu.memory_space<vmem>>)
    %dma_wait3A_455 = arith.constant 0 : i32
    %dma_wait3A_456 = arith.constant 8 : i32
    %dma_wait3A_457 = arith.constant 0 : i32
    %dma_wait3A_458 = tpu.memref_slice %arg7[%dma_wait3A_456, %dma_wait3A_457] : memref<10x1000xi32, #tpu.memory_space<vmem>> -> memref<1x1000xi32, #tpu.memory_space<vmem>>
    %dma_wait3A_459 = tpu.memref_squeeze %dma_wait3A_458 : memref<1x1000xi32, #tpu.memory_space<vmem>> -> memref<1000xi32, #tpu.memory_space<vmem>>
    %dma_wait3A_460 = tpu.memref_slice %arg3[%dma_wait3A_455, %add3A_213] : memref<2x320000xi32, #tpu.memory_space<hbm>> -> memref<1x1000xi32, #tpu.memory_space<hbm>>
    %dma_wait3A_461 = tpu.memref_squeeze %dma_wait3A_460 : memref<1x1000xi32, #tpu.memory_space<hbm>> -> memref<1000xi32, #tpu.memory_space<hbm>>
    %dma_wait3A_462 = arith.constant 0 : i32
    %dma_wait3A_463 = tpu.memref_slice %arg7[%dma_wait3A_456, %dma_wait3A_462] : memref<10x1000xi32, #tpu.memory_space<vmem>> -> memref<1x1000xi32, #tpu.memory_space<vmem>>
    %dma_wait3A_464 = tpu.memref_squeeze %dma_wait3A_463 : memref<1x1000xi32, #tpu.memory_space<vmem>> -> memref<1000xi32, #tpu.memory_space<vmem>>
    %dma_wait3A_465 = tpu.memref_slice %arg3[%dma_wait3A_455, %add3A_213] : memref<2x320000xi32, #tpu.memory_space<hbm>> -> memref<1x1000xi32, #tpu.memory_space<hbm>>
    %dma_wait3A_466 = tpu.memref_squeeze %dma_wait3A_465 : memref<1x1000xi32, #tpu.memory_space<hbm>> -> memref<1000xi32, #tpu.memory_space<hbm>>
    tpu.wait_dma2 semaphore(%arg18 : memref<!tpu.dma_semaphore, #tpu.memory_space<semaphore_mem>>) src(%dma_wait3A_466 : memref<1000xi32, #tpu.memory_space<hbm>>) dst(%dma_wait3A_464 : memref<1000xi32, #tpu.memory_space<vmem>>)
    %dma_wait3A_467 = arith.constant 1 : i32
    %dma_wait3A_468 = arith.constant 8 : i32
    %dma_wait3A_469 = arith.constant 0 : i32
    %dma_wait3A_470 = tpu.memref_slice %arg8[%dma_wait3A_468, %dma_wait3A_469] : memref<10x1000xi32, #tpu.memory_space<vmem>> -> memref<1x1000xi32, #tpu.memory_space<vmem>>
    %dma_wait3A_471 = tpu.memref_squeeze %dma_wait3A_470 : memref<1x1000xi32, #tpu.memory_space<vmem>> -> memref<1000xi32, #tpu.memory_space<vmem>>
    %dma_wait3A_472 = tpu.memref_slice %arg3[%dma_wait3A_467, %add3A_213] : memref<2x320000xi32, #tpu.memory_space<hbm>> -> memref<1x1000xi32, #tpu.memory_space<hbm>>
    %dma_wait3A_473 = tpu.memref_squeeze %dma_wait3A_472 : memref<1x1000xi32, #tpu.memory_space<hbm>> -> memref<1000xi32, #tpu.memory_space<hbm>>
    %dma_wait3A_474 = arith.constant 0 : i32
    %dma_wait3A_475 = tpu.memref_slice %arg8[%dma_wait3A_468, %dma_wait3A_474] : memref<10x1000xi32, #tpu.memory_space<vmem>> -> memref<1x1000xi32, #tpu.memory_space<vmem>>
    %dma_wait3A_476 = tpu.memref_squeeze %dma_wait3A_475 : memref<1x1000xi32, #tpu.memory_space<vmem>> -> memref<1000xi32, #tpu.memory_space<vmem>>
    %dma_wait3A_477 = tpu.memref_slice %arg3[%dma_wait3A_467, %add3A_213] : memref<2x320000xi32, #tpu.memory_space<hbm>> -> memref<1x1000xi32, #tpu.memory_space<hbm>>
    %dma_wait3A_478 = tpu.memref_squeeze %dma_wait3A_477 : memref<1x1000xi32, #tpu.memory_space<hbm>> -> memref<1000xi32, #tpu.memory_space<hbm>>
    tpu.wait_dma2 semaphore(%arg18 : memref<!tpu.dma_semaphore, #tpu.memory_space<semaphore_mem>>) src(%dma_wait3A_478 : memref<1000xi32, #tpu.memory_space<hbm>>) dst(%dma_wait3A_476 : memref<1000xi32, #tpu.memory_space<vmem>>)
    %dma_wait3A_479 = arith.constant 0 : i32
    %dma_wait3A_480 = arith.constant 9 : i32
    %dma_wait3A_481 = arith.constant 0 : i32
    %dma_wait3A_482 = tpu.memref_slice %arg7[%dma_wait3A_480, %dma_wait3A_481] : memref<10x1000xi32, #tpu.memory_space<vmem>> -> memref<1x1000xi32, #tpu.memory_space<vmem>>
    %dma_wait3A_483 = tpu.memref_squeeze %dma_wait3A_482 : memref<1x1000xi32, #tpu.memory_space<vmem>> -> memref<1000xi32, #tpu.memory_space<vmem>>
    %dma_wait3A_484 = tpu.memref_slice %arg3[%dma_wait3A_479, %add3A_239] : memref<2x320000xi32, #tpu.memory_space<hbm>> -> memref<1x1000xi32, #tpu.memory_space<hbm>>
    %dma_wait3A_485 = tpu.memref_squeeze %dma_wait3A_484 : memref<1x1000xi32, #tpu.memory_space<hbm>> -> memref<1000xi32, #tpu.memory_space<hbm>>
    %dma_wait3A_486 = arith.constant 0 : i32
    %dma_wait3A_487 = tpu.memref_slice %arg7[%dma_wait3A_480, %dma_wait3A_486] : memref<10x1000xi32, #tpu.memory_space<vmem>> -> memref<1x1000xi32, #tpu.memory_space<vmem>>
    %dma_wait3A_488 = tpu.memref_squeeze %dma_wait3A_487 : memref<1x1000xi32, #tpu.memory_space<vmem>> -> memref<1000xi32, #tpu.memory_space<vmem>>
    %dma_wait3A_489 = tpu.memref_slice %arg3[%dma_wait3A_479, %add3A_239] : memref<2x320000xi32, #tpu.memory_space<hbm>> -> memref<1x1000xi32, #tpu.memory_space<hbm>>
    %dma_wait3A_490 = tpu.memref_squeeze %dma_wait3A_489 : memref<1x1000xi32, #tpu.memory_space<hbm>> -> memref<1000xi32, #tpu.memory_space<hbm>>
    tpu.wait_dma2 semaphore(%arg18 : memref<!tpu.dma_semaphore, #tpu.memory_space<semaphore_mem>>) src(%dma_wait3A_490 : memref<1000xi32, #tpu.memory_space<hbm>>) dst(%dma_wait3A_488 : memref<1000xi32, #tpu.memory_space<vmem>>)
    %dma_wait3A_491 = arith.constant 1 : i32
    %dma_wait3A_492 = arith.constant 9 : i32
    %dma_wait3A_493 = arith.constant 0 : i32
    %dma_wait3A_494 = tpu.memref_slice %arg8[%dma_wait3A_492, %dma_wait3A_493] : memref<10x1000xi32, #tpu.memory_space<vmem>> -> memref<1x1000xi32, #tpu.memory_space<vmem>>
    %dma_wait3A_495 = tpu.memref_squeeze %dma_wait3A_494 : memref<1x1000xi32, #tpu.memory_space<vmem>> -> memref<1000xi32, #tpu.memory_space<vmem>>
    %dma_wait3A_496 = tpu.memref_slice %arg3[%dma_wait3A_491, %add3A_239] : memref<2x320000xi32, #tpu.memory_space<hbm>> -> memref<1x1000xi32, #tpu.memory_space<hbm>>
    %dma_wait3A_497 = tpu.memref_squeeze %dma_wait3A_496 : memref<1x1000xi32, #tpu.memory_space<hbm>> -> memref<1000xi32, #tpu.memory_space<hbm>>
    %dma_wait3A_498 = arith.constant 0 : i32
    %dma_wait3A_499 = tpu.memref_slice %arg8[%dma_wait3A_492, %dma_wait3A_498] : memref<10x1000xi32, #tpu.memory_space<vmem>> -> memref<1x1000xi32, #tpu.memory_space<vmem>>
    %dma_wait3A_500 = tpu.memref_squeeze %dma_wait3A_499 : memref<1x1000xi32, #tpu.memory_space<vmem>> -> memref<1000xi32, #tpu.memory_space<vmem>>
    %dma_wait3A_501 = tpu.memref_slice %arg3[%dma_wait3A_491, %add3A_239] : memref<2x320000xi32, #tpu.memory_space<hbm>> -> memref<1x1000xi32, #tpu.memory_space<hbm>>
    %dma_wait3A_502 = tpu.memref_squeeze %dma_wait3A_501 : memref<1x1000xi32, #tpu.memory_space<hbm>> -> memref<1000xi32, #tpu.memory_space<hbm>>
    tpu.wait_dma2 semaphore(%arg18 : memref<!tpu.dma_semaphore, #tpu.memory_space<semaphore_mem>>) src(%dma_wait3A_502 : memref<1000xi32, #tpu.memory_space<hbm>>) dst(%dma_wait3A_500 : memref<1000xi32, #tpu.memory_space<vmem>>)
    %barrier3A = arith.constant 0 : index
    tpu.barrier barrier_id(%barrier3A)
    %dma_start3A_503 = arith.constant 0 : i32
    %dma_start3A_504 = arith.constant 0 : i32
    %dma_start3A_505 = tpu.memref_slice %arg7[%dma_start3A_503, %dma_start3A_504] : memref<10x1000xi32, #tpu.memory_space<vmem>> -> memref<1x1000xi32, #tpu.memory_space<vmem>>
    %dma_start3A_506 = tpu.memref_squeeze %dma_start3A_505 : memref<1x1000xi32, #tpu.memory_space<vmem>> -> memref<1000xi32, #tpu.memory_space<vmem>>
    %dma_start3A_507 = arith.constant 0 : i32
    %dma_start3A_508 = arith.constant 0 : i32
    %dma_start3A_509 = tpu.memref_slice %arg2[%dma_start3A_507, %dma_start3A_508] : memref<10240x16xf32, #tpu.memory_space<hbm>> -> memref<10240x16xf32, #tpu.memory_space<hbm>>
    tpu.enqueue_indirect_dma source(%dma_start3A_509 : memref<10240x16xf32, #tpu.memory_space<hbm>>) target(%arg9 : memref<1000x16xf32, #tpu.memory_space<vmem>>) offsets(%dma_start3A_506 : memref<1000xi32, #tpu.memory_space<vmem>>) semaphore(%arg13 : memref<!tpu.dma_semaphore, #tpu.memory_space<semaphore_mem>>)
    %dma_start3A_510 = arith.constant 1 : i32
    %dma_start3A_511 = arith.constant 0 : i32
    %dma_start3A_512 = tpu.memref_slice %arg7[%dma_start3A_510, %dma_start3A_511] : memref<10x1000xi32, #tpu.memory_space<vmem>> -> memref<1x1000xi32, #tpu.memory_space<vmem>>
    %dma_start3A_513 = tpu.memref_squeeze %dma_start3A_512 : memref<1x1000xi32, #tpu.memory_space<vmem>> -> memref<1000xi32, #tpu.memory_space<vmem>>
    %dma_start3A_514 = arith.constant 0 : i32
    %dma_start3A_515 = arith.constant 0 : i32
    %dma_start3A_516 = tpu.memref_slice %arg2[%dma_start3A_514, %dma_start3A_515] : memref<10240x16xf32, #tpu.memory_space<hbm>> -> memref<10240x16xf32, #tpu.memory_space<hbm>>
    tpu.enqueue_indirect_dma source(%dma_start3A_516 : memref<10240x16xf32, #tpu.memory_space<hbm>>) target(%arg10 : memref<1000x16xf32, #tpu.memory_space<vmem>>) offsets(%dma_start3A_513 : memref<1000xi32, #tpu.memory_space<vmem>>) semaphore(%arg13 : memref<!tpu.dma_semaphore, #tpu.memory_space<semaphore_mem>>)
    %dma_start3A_517 = arith.constant 2 : i32
    %dma_start3A_518 = arith.constant 0 : i32
    %dma_start3A_519 = tpu.memref_slice %arg7[%dma_start3A_517, %dma_start3A_518] : memref<10x1000xi32, #tpu.memory_space<vmem>> -> memref<1x1000xi32, #tpu.memory_space<vmem>>
    %dma_start3A_520 = tpu.memref_squeeze %dma_start3A_519 : memref<1x1000xi32, #tpu.memory_space<vmem>> -> memref<1000xi32, #tpu.memory_space<vmem>>
    %dma_start3A_521 = arith.constant 0 : i32
    %dma_start3A_522 = arith.constant 0 : i32
    %dma_start3A_523 = tpu.memref_slice %arg2[%dma_start3A_521, %dma_start3A_522] : memref<10240x16xf32, #tpu.memory_space<hbm>> -> memref<10240x16xf32, #tpu.memory_space<hbm>>
    tpu.enqueue_indirect_dma source(%dma_start3A_523 : memref<10240x16xf32, #tpu.memory_space<hbm>>) target(%arg11 : memref<1000x16xf32, #tpu.memory_space<vmem>>) offsets(%dma_start3A_520 : memref<1000xi32, #tpu.memory_space<vmem>>) semaphore(%arg13 : memref<!tpu.dma_semaphore, #tpu.memory_space<semaphore_mem>>)
    %dma_wait3A_524 = arith.constant 0 : i32
    %dma_wait3A_525 = arith.constant 0 : i32
    %dma_wait3A_526 = tpu.memref_slice %arg7[%dma_wait3A_524, %dma_wait3A_525] : memref<10x1000xi32, #tpu.memory_space<vmem>> -> memref<1x1000xi32, #tpu.memory_space<vmem>>
    %dma_wait3A_527 = tpu.memref_squeeze %dma_wait3A_526 : memref<1x1000xi32, #tpu.memory_space<vmem>> -> memref<1000xi32, #tpu.memory_space<vmem>>
    %dma_wait3A_528 = arith.constant 0 : i32
    %dma_wait3A_529 = arith.constant 0 : i32
    %dma_wait3A_530 = tpu.memref_slice %arg2[%dma_wait3A_528, %dma_wait3A_529] : memref<10240x16xf32, #tpu.memory_space<hbm>> -> memref<10240x16xf32, #tpu.memory_space<hbm>>
    tpu.wait_indirect_dma semaphore(%arg13 : memref<!tpu.dma_semaphore, #tpu.memory_space<semaphore_mem>>) src(%dma_wait3A_530 : memref<10240x16xf32, #tpu.memory_space<hbm>>) dst(%arg9 : memref<1000x16xf32, #tpu.memory_space<vmem>>)
    %dma_start3A_531 = arith.constant 0 : i32
    %dma_start3A_532 = arith.constant 0 : i32
    %dma_start3A_533 = tpu.memref_slice %arg8[%dma_start3A_531, %dma_start3A_532] : memref<10x1000xi32, #tpu.memory_space<vmem>> -> memref<1x1000xi32, #tpu.memory_space<vmem>>
    %dma_start3A_534 = tpu.memref_squeeze %dma_start3A_533 : memref<1x1000xi32, #tpu.memory_space<vmem>> -> memref<1000xi32, #tpu.memory_space<vmem>>
    %dma_start3A_535 = arith.constant 0 : i32
    %dma_start3A_536 = arith.constant 0 : i32
    %dma_start3A_537 = tpu.memref_slice %arg6[%dma_start3A_535, %dma_start3A_536] : memref<10240x16xf32, #tpu.memory_space<vmem_shared>> -> memref<10240x16xf32, #tpu.memory_space<vmem_shared>>
    tpu.enqueue_indirect_dma source(%arg9 : memref<1000x16xf32, #tpu.memory_space<vmem>>) target(%dma_start3A_537 : memref<10240x16xf32, #tpu.memory_space<vmem_shared>>) offsets(%dma_start3A_534 : memref<1000xi32, #tpu.memory_space<vmem>>) semaphore(%arg14 : memref<!tpu.dma_semaphore, #tpu.memory_space<semaphore_mem>>) {add = true}
    %dma_start3A_538 = arith.constant 3 : i32
    %dma_start3A_539 = arith.constant 0 : i32
    %dma_start3A_540 = tpu.memref_slice %arg7[%dma_start3A_538, %dma_start3A_539] : memref<10x1000xi32, #tpu.memory_space<vmem>> -> memref<1x1000xi32, #tpu.memory_space<vmem>>
    %dma_start3A_541 = tpu.memref_squeeze %dma_start3A_540 : memref<1x1000xi32, #tpu.memory_space<vmem>> -> memref<1000xi32, #tpu.memory_space<vmem>>
    %dma_start3A_542 = arith.constant 0 : i32
    %dma_start3A_543 = arith.constant 0 : i32
    %dma_start3A_544 = tpu.memref_slice %arg2[%dma_start3A_542, %dma_start3A_543] : memref<10240x16xf32, #tpu.memory_space<hbm>> -> memref<10240x16xf32, #tpu.memory_space<hbm>>
    tpu.enqueue_indirect_dma source(%dma_start3A_544 : memref<10240x16xf32, #tpu.memory_space<hbm>>) target(%arg12 : memref<1000x16xf32, #tpu.memory_space<vmem>>) offsets(%dma_start3A_541 : memref<1000xi32, #tpu.memory_space<vmem>>) semaphore(%arg13 : memref<!tpu.dma_semaphore, #tpu.memory_space<semaphore_mem>>)
    %dma_wait3A_545 = arith.constant 1 : i32
    %dma_wait3A_546 = arith.constant 0 : i32
    %dma_wait3A_547 = tpu.memref_slice %arg7[%dma_wait3A_545, %dma_wait3A_546] : memref<10x1000xi32, #tpu.memory_space<vmem>> -> memref<1x1000xi32, #tpu.memory_space<vmem>>
    %dma_wait3A_548 = tpu.memref_squeeze %dma_wait3A_547 : memref<1x1000xi32, #tpu.memory_space<vmem>> -> memref<1000xi32, #tpu.memory_space<vmem>>
    %dma_wait3A_549 = arith.constant 0 : i32
    %dma_wait3A_550 = arith.constant 0 : i32
    %dma_wait3A_551 = tpu.memref_slice %arg2[%dma_wait3A_549, %dma_wait3A_550] : memref<10240x16xf32, #tpu.memory_space<hbm>> -> memref<10240x16xf32, #tpu.memory_space<hbm>>
    tpu.wait_indirect_dma semaphore(%arg13 : memref<!tpu.dma_semaphore, #tpu.memory_space<semaphore_mem>>) src(%dma_wait3A_551 : memref<10240x16xf32, #tpu.memory_space<hbm>>) dst(%arg10 : memref<1000x16xf32, #tpu.memory_space<vmem>>)
    %dma_start3A_552 = arith.constant 1 : i32
    %dma_start3A_553 = arith.constant 0 : i32
    %dma_start3A_554 = tpu.memref_slice %arg8[%dma_start3A_552, %dma_start3A_553] : memref<10x1000xi32, #tpu.memory_space<vmem>> -> memref<1x1000xi32, #tpu.memory_space<vmem>>
    %dma_start3A_555 = tpu.memref_squeeze %dma_start3A_554 : memref<1x1000xi32, #tpu.memory_space<vmem>> -> memref<1000xi32, #tpu.memory_space<vmem>>
    %dma_start3A_556 = arith.constant 0 : i32
    %dma_start3A_557 = arith.constant 0 : i32
    %dma_start3A_558 = tpu.memref_slice %arg6[%dma_start3A_556, %dma_start3A_557] : memref<10240x16xf32, #tpu.memory_space<vmem_shared>> -> memref<10240x16xf32, #tpu.memory_space<vmem_shared>>
    tpu.enqueue_indirect_dma source(%arg10 : memref<1000x16xf32, #tpu.memory_space<vmem>>) target(%dma_start3A_558 : memref<10240x16xf32, #tpu.memory_space<vmem_shared>>) offsets(%dma_start3A_555 : memref<1000xi32, #tpu.memory_space<vmem>>) semaphore(%arg15 : memref<!tpu.dma_semaphore, #tpu.memory_space<semaphore_mem>>) {add = true}
    %dma_wait3A_559 = arith.constant 0 : i32
    %dma_wait3A_560 = arith.constant 0 : i32
    %dma_wait3A_561 = tpu.memref_slice %arg8[%dma_wait3A_559, %dma_wait3A_560] : memref<10x1000xi32, #tpu.memory_space<vmem>> -> memref<1x1000xi32, #tpu.memory_space<vmem>>
    %dma_wait3A_562 = tpu.memref_squeeze %dma_wait3A_561 : memref<1x1000xi32, #tpu.memory_space<vmem>> -> memref<1000xi32, #tpu.memory_space<vmem>>
    %dma_wait3A_563 = arith.constant 0 : i32
    %dma_wait3A_564 = arith.constant 0 : i32
    %dma_wait3A_565 = tpu.memref_slice %arg6[%dma_wait3A_563, %dma_wait3A_564] : memref<10240x16xf32, #tpu.memory_space<vmem_shared>> -> memref<10240x16xf32, #tpu.memory_space<vmem_shared>>
    tpu.wait_indirect_dma semaphore(%arg14 : memref<!tpu.dma_semaphore, #tpu.memory_space<semaphore_mem>>) src(%arg9 : memref<1000x16xf32, #tpu.memory_space<vmem>>) dst(%dma_wait3A_565 : memref<10240x16xf32, #tpu.memory_space<vmem_shared>>)
    %dma_start3A_566 = arith.constant 4 : i32
    %dma_start3A_567 = arith.constant 0 : i32
    %dma_start3A_568 = tpu.memref_slice %arg7[%dma_start3A_566, %dma_start3A_567] : memref<10x1000xi32, #tpu.memory_space<vmem>> -> memref<1x1000xi32, #tpu.memory_space<vmem>>
    %dma_start3A_569 = tpu.memref_squeeze %dma_start3A_568 : memref<1x1000xi32, #tpu.memory_space<vmem>> -> memref<1000xi32, #tpu.memory_space<vmem>>
    %dma_start3A_570 = arith.constant 0 : i32
    %dma_start3A_571 = arith.constant 0 : i32
    %dma_start3A_572 = tpu.memref_slice %arg2[%dma_start3A_570, %dma_start3A_571] : memref<10240x16xf32, #tpu.memory_space<hbm>> -> memref<10240x16xf32, #tpu.memory_space<hbm>>
    tpu.enqueue_indirect_dma source(%dma_start3A_572 : memref<10240x16xf32, #tpu.memory_space<hbm>>) target(%arg9 : memref<1000x16xf32, #tpu.memory_space<vmem>>) offsets(%dma_start3A_569 : memref<1000xi32, #tpu.memory_space<vmem>>) semaphore(%arg13 : memref<!tpu.dma_semaphore, #tpu.memory_space<semaphore_mem>>)
    %dma_wait3A_573 = arith.constant 2 : i32
    %dma_wait3A_574 = arith.constant 0 : i32
    %dma_wait3A_575 = tpu.memref_slice %arg7[%dma_wait3A_573, %dma_wait3A_574] : memref<10x1000xi32, #tpu.memory_space<vmem>> -> memref<1x1000xi32, #tpu.memory_space<vmem>>
    %dma_wait3A_576 = tpu.memref_squeeze %dma_wait3A_575 : memref<1x1000xi32, #tpu.memory_space<vmem>> -> memref<1000xi32, #tpu.memory_space<vmem>>
    %dma_wait3A_577 = arith.constant 0 : i32
    %dma_wait3A_578 = arith.constant 0 : i32
    %dma_wait3A_579 = tpu.memref_slice %arg2[%dma_wait3A_577, %dma_wait3A_578] : memref<10240x16xf32, #tpu.memory_space<hbm>> -> memref<10240x16xf32, #tpu.memory_space<hbm>>
    tpu.wait_indirect_dma semaphore(%arg13 : memref<!tpu.dma_semaphore, #tpu.memory_space<semaphore_mem>>) src(%dma_wait3A_579 : memref<10240x16xf32, #tpu.memory_space<hbm>>) dst(%arg11 : memref<1000x16xf32, #tpu.memory_space<vmem>>)
    %dma_start3A_580 = arith.constant 2 : i32
    %dma_start3A_581 = arith.constant 0 : i32
    %dma_start3A_582 = tpu.memref_slice %arg8[%dma_start3A_580, %dma_start3A_581] : memref<10x1000xi32, #tpu.memory_space<vmem>> -> memref<1x1000xi32, #tpu.memory_space<vmem>>
    %dma_start3A_583 = tpu.memref_squeeze %dma_start3A_582 : memref<1x1000xi32, #tpu.memory_space<vmem>> -> memref<1000xi32, #tpu.memory_space<vmem>>
    %dma_start3A_584 = arith.constant 0 : i32
    %dma_start3A_585 = arith.constant 0 : i32
    %dma_start3A_586 = tpu.memref_slice %arg6[%dma_start3A_584, %dma_start3A_585] : memref<10240x16xf32, #tpu.memory_space<vmem_shared>> -> memref<10240x16xf32, #tpu.memory_space<vmem_shared>>
    tpu.enqueue_indirect_dma source(%arg11 : memref<1000x16xf32, #tpu.memory_space<vmem>>) target(%dma_start3A_586 : memref<10240x16xf32, #tpu.memory_space<vmem_shared>>) offsets(%dma_start3A_583 : memref<1000xi32, #tpu.memory_space<vmem>>) semaphore(%arg16 : memref<!tpu.dma_semaphore, #tpu.memory_space<semaphore_mem>>) {add = true}
    %dma_wait3A_587 = arith.constant 1 : i32
    %dma_wait3A_588 = arith.constant 0 : i32
    %dma_wait3A_589 = tpu.memref_slice %arg8[%dma_wait3A_587, %dma_wait3A_588] : memref<10x1000xi32, #tpu.memory_space<vmem>> -> memref<1x1000xi32, #tpu.memory_space<vmem>>
    %dma_wait3A_590 = tpu.memref_squeeze %dma_wait3A_589 : memref<1x1000xi32, #tpu.memory_space<vmem>> -> memref<1000xi32, #tpu.memory_space<vmem>>
    %dma_wait3A_591 = arith.constant 0 : i32
    %dma_wait3A_592 = arith.constant 0 : i32
    %dma_wait3A_593 = tpu.memref_slice %arg6[%dma_wait3A_591, %dma_wait3A_592] : memref<10240x16xf32, #tpu.memory_space<vmem_shared>> -> memref<10240x16xf32, #tpu.memory_space<vmem_shared>>
    tpu.wait_indirect_dma semaphore(%arg15 : memref<!tpu.dma_semaphore, #tpu.memory_space<semaphore_mem>>) src(%arg10 : memref<1000x16xf32, #tpu.memory_space<vmem>>) dst(%dma_wait3A_593 : memref<10240x16xf32, #tpu.memory_space<vmem_shared>>)
    %dma_start3A_594 = arith.constant 5 : i32
    %dma_start3A_595 = arith.constant 0 : i32
    %dma_start3A_596 = tpu.memref_slice %arg7[%dma_start3A_594, %dma_start3A_595] : memref<10x1000xi32, #tpu.memory_space<vmem>> -> memref<1x1000xi32, #tpu.memory_space<vmem>>
    %dma_start3A_597 = tpu.memref_squeeze %dma_start3A_596 : memref<1x1000xi32, #tpu.memory_space<vmem>> -> memref<1000xi32, #tpu.memory_space<vmem>>
    %dma_start3A_598 = arith.constant 0 : i32
    %dma_start3A_599 = arith.constant 0 : i32
    %dma_start3A_600 = tpu.memref_slice %arg2[%dma_start3A_598, %dma_start3A_599] : memref<10240x16xf32, #tpu.memory_space<hbm>> -> memref<10240x16xf32, #tpu.memory_space<hbm>>
    tpu.enqueue_indirect_dma source(%dma_start3A_600 : memref<10240x16xf32, #tpu.memory_space<hbm>>) target(%arg10 : memref<1000x16xf32, #tpu.memory_space<vmem>>) offsets(%dma_start3A_597 : memref<1000xi32, #tpu.memory_space<vmem>>) semaphore(%arg13 : memref<!tpu.dma_semaphore, #tpu.memory_space<semaphore_mem>>)
    %dma_wait3A_601 = arith.constant 3 : i32
    %dma_wait3A_602 = arith.constant 0 : i32
    %dma_wait3A_603 = tpu.memref_slice %arg7[%dma_wait3A_601, %dma_wait3A_602] : memref<10x1000xi32, #tpu.memory_space<vmem>> -> memref<1x1000xi32, #tpu.memory_space<vmem>>
    %dma_wait3A_604 = tpu.memref_squeeze %dma_wait3A_603 : memref<1x1000xi32, #tpu.memory_space<vmem>> -> memref<1000xi32, #tpu.memory_space<vmem>>
    %dma_wait3A_605 = arith.constant 0 : i32
    %dma_wait3A_606 = arith.constant 0 : i32
    %dma_wait3A_607 = tpu.memref_slice %arg2[%dma_wait3A_605, %dma_wait3A_606] : memref<10240x16xf32, #tpu.memory_space<hbm>> -> memref<10240x16xf32, #tpu.memory_space<hbm>>
    tpu.wait_indirect_dma semaphore(%arg13 : memref<!tpu.dma_semaphore, #tpu.memory_space<semaphore_mem>>) src(%dma_wait3A_607 : memref<10240x16xf32, #tpu.memory_space<hbm>>) dst(%arg12 : memref<1000x16xf32, #tpu.memory_space<vmem>>)
    %dma_start3A_608 = arith.constant 3 : i32
    %dma_start3A_609 = arith.constant 0 : i32
    %dma_start3A_610 = tpu.memref_slice %arg8[%dma_start3A_608, %dma_start3A_609] : memref<10x1000xi32, #tpu.memory_space<vmem>> -> memref<1x1000xi32, #tpu.memory_space<vmem>>
    %dma_start3A_611 = tpu.memref_squeeze %dma_start3A_610 : memref<1x1000xi32, #tpu.memory_space<vmem>> -> memref<1000xi32, #tpu.memory_space<vmem>>
    %dma_start3A_612 = arith.constant 0 : i32
    %dma_start3A_613 = arith.constant 0 : i32
    %dma_start3A_614 = tpu.memref_slice %arg6[%dma_start3A_612, %dma_start3A_613] : memref<10240x16xf32, #tpu.memory_space<vmem_shared>> -> memref<10240x16xf32, #tpu.memory_space<vmem_shared>>
    tpu.enqueue_indirect_dma source(%arg12 : memref<1000x16xf32, #tpu.memory_space<vmem>>) target(%dma_start3A_614 : memref<10240x16xf32, #tpu.memory_space<vmem_shared>>) offsets(%dma_start3A_611 : memref<1000xi32, #tpu.memory_space<vmem>>) semaphore(%arg17 : memref<!tpu.dma_semaphore, #tpu.memory_space<semaphore_mem>>) {add = true}
    %dma_wait3A_615 = arith.constant 2 : i32
    %dma_wait3A_616 = arith.constant 0 : i32
    %dma_wait3A_617 = tpu.memref_slice %arg8[%dma_wait3A_615, %dma_wait3A_616] : memref<10x1000xi32, #tpu.memory_space<vmem>> -> memref<1x1000xi32, #tpu.memory_space<vmem>>
    %dma_wait3A_618 = tpu.memref_squeeze %dma_wait3A_617 : memref<1x1000xi32, #tpu.memory_space<vmem>> -> memref<1000xi32, #tpu.memory_space<vmem>>
    %dma_wait3A_619 = arith.constant 0 : i32
    %dma_wait3A_620 = arith.constant 0 : i32
    %dma_wait3A_621 = tpu.memref_slice %arg6[%dma_wait3A_619, %dma_wait3A_620] : memref<10240x16xf32, #tpu.memory_space<vmem_shared>> -> memref<10240x16xf32, #tpu.memory_space<vmem_shared>>
    tpu.wait_indirect_dma semaphore(%arg16 : memref<!tpu.dma_semaphore, #tpu.memory_space<semaphore_mem>>) src(%arg11 : memref<1000x16xf32, #tpu.memory_space<vmem>>) dst(%dma_wait3A_621 : memref<10240x16xf32, #tpu.memory_space<vmem_shared>>)
    %dma_start3A_622 = arith.constant 6 : i32
    %dma_start3A_623 = arith.constant 0 : i32
    %dma_start3A_624 = tpu.memref_slice %arg7[%dma_start3A_622, %dma_start3A_623] : memref<10x1000xi32, #tpu.memory_space<vmem>> -> memref<1x1000xi32, #tpu.memory_space<vmem>>
    %dma_start3A_625 = tpu.memref_squeeze %dma_start3A_624 : memref<1x1000xi32, #tpu.memory_space<vmem>> -> memref<1000xi32, #tpu.memory_space<vmem>>
    %dma_start3A_626 = arith.constant 0 : i32
    %dma_start3A_627 = arith.constant 0 : i32
    %dma_start3A_628 = tpu.memref_slice %arg2[%dma_start3A_626, %dma_start3A_627] : memref<10240x16xf32, #tpu.memory_space<hbm>> -> memref<10240x16xf32, #tpu.memory_space<hbm>>
    tpu.enqueue_indirect_dma source(%dma_start3A_628 : memref<10240x16xf32, #tpu.memory_space<hbm>>) target(%arg11 : memref<1000x16xf32, #tpu.memory_space<vmem>>) offsets(%dma_start3A_625 : memref<1000xi32, #tpu.memory_space<vmem>>) semaphore(%arg13 : memref<!tpu.dma_semaphore, #tpu.memory_space<semaphore_mem>>)
    %dma_wait3A_629 = arith.constant 4 : i32
    %dma_wait3A_630 = arith.constant 0 : i32
    %dma_wait3A_631 = tpu.memref_slice %arg7[%dma_wait3A_629, %dma_wait3A_630] : memref<10x1000xi32, #tpu.memory_space<vmem>> -> memref<1x1000xi32, #tpu.memory_space<vmem>>
    %dma_wait3A_632 = tpu.memref_squeeze %dma_wait3A_631 : memref<1x1000xi32, #tpu.memory_space<vmem>> -> memref<1000xi32, #tpu.memory_space<vmem>>
    %dma_wait3A_633 = arith.constant 0 : i32
    %dma_wait3A_634 = arith.constant 0 : i32
    %dma_wait3A_635 = tpu.memref_slice %arg2[%dma_wait3A_633, %dma_wait3A_634] : memref<10240x16xf32, #tpu.memory_space<hbm>> -> memref<10240x16xf32, #tpu.memory_space<hbm>>
    tpu.wait_indirect_dma semaphore(%arg13 : memref<!tpu.dma_semaphore, #tpu.memory_space<semaphore_mem>>) src(%dma_wait3A_635 : memref<10240x16xf32, #tpu.memory_space<hbm>>) dst(%arg9 : memref<1000x16xf32, #tpu.memory_space<vmem>>)
    %dma_start3A_636 = arith.constant 4 : i32
    %dma_start3A_637 = arith.constant 0 : i32
    %dma_start3A_638 = tpu.memref_slice %arg8[%dma_start3A_636, %dma_start3A_637] : memref<10x1000xi32, #tpu.memory_space<vmem>> -> memref<1x1000xi32, #tpu.memory_space<vmem>>
    %dma_start3A_639 = tpu.memref_squeeze %dma_start3A_638 : memref<1x1000xi32, #tpu.memory_space<vmem>> -> memref<1000xi32, #tpu.memory_space<vmem>>
    %dma_start3A_640 = arith.constant 0 : i32
    %dma_start3A_641 = arith.constant 0 : i32
    %dma_start3A_642 = tpu.memref_slice %arg6[%dma_start3A_640, %dma_start3A_641] : memref<10240x16xf32, #tpu.memory_space<vmem_shared>> -> memref<10240x16xf32, #tpu.memory_space<vmem_shared>>
    tpu.enqueue_indirect_dma source(%arg9 : memref<1000x16xf32, #tpu.memory_space<vmem>>) target(%dma_start3A_642 : memref<10240x16xf32, #tpu.memory_space<vmem_shared>>) offsets(%dma_start3A_639 : memref<1000xi32, #tpu.memory_space<vmem>>) semaphore(%arg14 : memref<!tpu.dma_semaphore, #tpu.memory_space<semaphore_mem>>) {add = true}
    %dma_wait3A_643 = arith.constant 3 : i32
    %dma_wait3A_644 = arith.constant 0 : i32
    %dma_wait3A_645 = tpu.memref_slice %arg8[%dma_wait3A_643, %dma_wait3A_644] : memref<10x1000xi32, #tpu.memory_space<vmem>> -> memref<1x1000xi32, #tpu.memory_space<vmem>>
    %dma_wait3A_646 = tpu.memref_squeeze %dma_wait3A_645 : memref<1x1000xi32, #tpu.memory_space<vmem>> -> memref<1000xi32, #tpu.memory_space<vmem>>
    %dma_wait3A_647 = arith.constant 0 : i32
    %dma_wait3A_648 = arith.constant 0 : i32
    %dma_wait3A_649 = tpu.memref_slice %arg6[%dma_wait3A_647, %dma_wait3A_648] : memref<10240x16xf32, #tpu.memory_space<vmem_shared>> -> memref<10240x16xf32, #tpu.memory_space<vmem_shared>>
    tpu.wait_indirect_dma semaphore(%arg17 : memref<!tpu.dma_semaphore, #tpu.memory_space<semaphore_mem>>) src(%arg12 : memref<1000x16xf32, #tpu.memory_space<vmem>>) dst(%dma_wait3A_649 : memref<10240x16xf32, #tpu.memory_space<vmem_shared>>)
    %dma_start3A_650 = arith.constant 7 : i32
    %dma_start3A_651 = arith.constant 0 : i32
    %dma_start3A_652 = tpu.memref_slice %arg7[%dma_start3A_650, %dma_start3A_651] : memref<10x1000xi32, #tpu.memory_space<vmem>> -> memref<1x1000xi32, #tpu.memory_space<vmem>>
    %dma_start3A_653 = tpu.memref_squeeze %dma_start3A_652 : memref<1x1000xi32, #tpu.memory_space<vmem>> -> memref<1000xi32, #tpu.memory_space<vmem>>
    %dma_start3A_654 = arith.constant 0 : i32
    %dma_start3A_655 = arith.constant 0 : i32
    %dma_start3A_656 = tpu.memref_slice %arg2[%dma_start3A_654, %dma_start3A_655] : memref<10240x16xf32, #tpu.memory_space<hbm>> -> memref<10240x16xf32, #tpu.memory_space<hbm>>
    tpu.enqueue_indirect_dma source(%dma_start3A_656 : memref<10240x16xf32, #tpu.memory_space<hbm>>) target(%arg12 : memref<1000x16xf32, #tpu.memory_space<vmem>>) offsets(%dma_start3A_653 : memref<1000xi32, #tpu.memory_space<vmem>>) semaphore(%arg13 : memref<!tpu.dma_semaphore, #tpu.memory_space<semaphore_mem>>)
    %dma_wait3A_657 = arith.constant 5 : i32
    %dma_wait3A_658 = arith.constant 0 : i32
    %dma_wait3A_659 = tpu.memref_slice %arg7[%dma_wait3A_657, %dma_wait3A_658] : memref<10x1000xi32, #tpu.memory_space<vmem>> -> memref<1x1000xi32, #tpu.memory_space<vmem>>
    %dma_wait3A_660 = tpu.memref_squeeze %dma_wait3A_659 : memref<1x1000xi32, #tpu.memory_space<vmem>> -> memref<1000xi32, #tpu.memory_space<vmem>>
    %dma_wait3A_661 = arith.constant 0 : i32
    %dma_wait3A_662 = arith.constant 0 : i32
    %dma_wait3A_663 = tpu.memref_slice %arg2[%dma_wait3A_661, %dma_wait3A_662] : memref<10240x16xf32, #tpu.memory_space<hbm>> -> memref<10240x16xf32, #tpu.memory_space<hbm>>
    tpu.wait_indirect_dma semaphore(%arg13 : memref<!tpu.dma_semaphore, #tpu.memory_space<semaphore_mem>>) src(%dma_wait3A_663 : memref<10240x16xf32, #tpu.memory_space<hbm>>) dst(%arg10 : memref<1000x16xf32, #tpu.memory_space<vmem>>)
    %dma_start3A_664 = arith.constant 5 : i32
    %dma_start3A_665 = arith.constant 0 : i32
    %dma_start3A_666 = tpu.memref_slice %arg8[%dma_start3A_664, %dma_start3A_665] : memref<10x1000xi32, #tpu.memory_space<vmem>> -> memref<1x1000xi32, #tpu.memory_space<vmem>>
    %dma_start3A_667 = tpu.memref_squeeze %dma_start3A_666 : memref<1x1000xi32, #tpu.memory_space<vmem>> -> memref<1000xi32, #tpu.memory_space<vmem>>
    %dma_start3A_668 = arith.constant 0 : i32
    %dma_start3A_669 = arith.constant 0 : i32
    %dma_start3A_670 = tpu.memref_slice %arg6[%dma_start3A_668, %dma_start3A_669] : memref<10240x16xf32, #tpu.memory_space<vmem_shared>> -> memref<10240x16xf32, #tpu.memory_space<vmem_shared>>
    tpu.enqueue_indirect_dma source(%arg10 : memref<1000x16xf32, #tpu.memory_space<vmem>>) target(%dma_start3A_670 : memref<10240x16xf32, #tpu.memory_space<vmem_shared>>) offsets(%dma_start3A_667 : memref<1000xi32, #tpu.memory_space<vmem>>) semaphore(%arg15 : memref<!tpu.dma_semaphore, #tpu.memory_space<semaphore_mem>>) {add = true}
    %dma_wait3A_671 = arith.constant 4 : i32
    %dma_wait3A_672 = arith.constant 0 : i32
    %dma_wait3A_673 = tpu.memref_slice %arg8[%dma_wait3A_671, %dma_wait3A_672] : memref<10x1000xi32, #tpu.memory_space<vmem>> -> memref<1x1000xi32, #tpu.memory_space<vmem>>
    %dma_wait3A_674 = tpu.memref_squeeze %dma_wait3A_673 : memref<1x1000xi32, #tpu.memory_space<vmem>> -> memref<1000xi32, #tpu.memory_space<vmem>>
    %dma_wait3A_675 = arith.constant 0 : i32
    %dma_wait3A_676 = arith.constant 0 : i32
    %dma_wait3A_677 = tpu.memref_slice %arg6[%dma_wait3A_675, %dma_wait3A_676] : memref<10240x16xf32, #tpu.memory_space<vmem_shared>> -> memref<10240x16xf32, #tpu.memory_space<vmem_shared>>
    tpu.wait_indirect_dma semaphore(%arg14 : memref<!tpu.dma_semaphore, #tpu.memory_space<semaphore_mem>>) src(%arg9 : memref<1000x16xf32, #tpu.memory_space<vmem>>) dst(%dma_wait3A_677 : memref<10240x16xf32, #tpu.memory_space<vmem_shared>>)
    %dma_start3A_678 = arith.constant 8 : i32
    %dma_start3A_679 = arith.constant 0 : i32
    %dma_start3A_680 = tpu.memref_slice %arg7[%dma_start3A_678, %dma_start3A_679] : memref<10x1000xi32, #tpu.memory_space<vmem>> -> memref<1x1000xi32, #tpu.memory_space<vmem>>
    %dma_start3A_681 = tpu.memref_squeeze %dma_start3A_680 : memref<1x1000xi32, #tpu.memory_space<vmem>> -> memref<1000xi32, #tpu.memory_space<vmem>>
    %dma_start3A_682 = arith.constant 0 : i32
    %dma_start3A_683 = arith.constant 0 : i32
    %dma_start3A_684 = tpu.memref_slice %arg2[%dma_start3A_682, %dma_start3A_683] : memref<10240x16xf32, #tpu.memory_space<hbm>> -> memref<10240x16xf32, #tpu.memory_space<hbm>>
    tpu.enqueue_indirect_dma source(%dma_start3A_684 : memref<10240x16xf32, #tpu.memory_space<hbm>>) target(%arg9 : memref<1000x16xf32, #tpu.memory_space<vmem>>) offsets(%dma_start3A_681 : memref<1000xi32, #tpu.memory_space<vmem>>) semaphore(%arg13 : memref<!tpu.dma_semaphore, #tpu.memory_space<semaphore_mem>>)
    %dma_wait3A_685 = arith.constant 6 : i32
    %dma_wait3A_686 = arith.constant 0 : i32
    %dma_wait3A_687 = tpu.memref_slice %arg7[%dma_wait3A_685, %dma_wait3A_686] : memref<10x1000xi32, #tpu.memory_space<vmem>> -> memref<1x1000xi32, #tpu.memory_space<vmem>>
    %dma_wait3A_688 = tpu.memref_squeeze %dma_wait3A_687 : memref<1x1000xi32, #tpu.memory_space<vmem>> -> memref<1000xi32, #tpu.memory_space<vmem>>
    %dma_wait3A_689 = arith.constant 0 : i32
    %dma_wait3A_690 = arith.constant 0 : i32
    %dma_wait3A_691 = tpu.memref_slice %arg2[%dma_wait3A_689, %dma_wait3A_690] : memref<10240x16xf32, #tpu.memory_space<hbm>> -> memref<10240x16xf32, #tpu.memory_space<hbm>>
    tpu.wait_indirect_dma semaphore(%arg13 : memref<!tpu.dma_semaphore, #tpu.memory_space<semaphore_mem>>) src(%dma_wait3A_691 : memref<10240x16xf32, #tpu.memory_space<hbm>>) dst(%arg11 : memref<1000x16xf32, #tpu.memory_space<vmem>>)
    %dma_start3A_692 = arith.constant 6 : i32
    %dma_start3A_693 = arith.constant 0 : i32
    %dma_start3A_694 = tpu.memref_slice %arg8[%dma_start3A_692, %dma_start3A_693] : memref<10x1000xi32, #tpu.memory_space<vmem>> -> memref<1x1000xi32, #tpu.memory_space<vmem>>
    %dma_start3A_695 = tpu.memref_squeeze %dma_start3A_694 : memref<1x1000xi32, #tpu.memory_space<vmem>> -> memref<1000xi32, #tpu.memory_space<vmem>>
    %dma_start3A_696 = arith.constant 0 : i32
    %dma_start3A_697 = arith.constant 0 : i32
    %dma_start3A_698 = tpu.memref_slice %arg6[%dma_start3A_696, %dma_start3A_697] : memref<10240x16xf32, #tpu.memory_space<vmem_shared>> -> memref<10240x16xf32, #tpu.memory_space<vmem_shared>>
    tpu.enqueue_indirect_dma source(%arg11 : memref<1000x16xf32, #tpu.memory_space<vmem>>) target(%dma_start3A_698 : memref<10240x16xf32, #tpu.memory_space<vmem_shared>>) offsets(%dma_start3A_695 : memref<1000xi32, #tpu.memory_space<vmem>>) semaphore(%arg16 : memref<!tpu.dma_semaphore, #tpu.memory_space<semaphore_mem>>) {add = true}
    %dma_wait3A_699 = arith.constant 5 : i32
    %dma_wait3A_700 = arith.constant 0 : i32
    %dma_wait3A_701 = tpu.memref_slice %arg8[%dma_wait3A_699, %dma_wait3A_700] : memref<10x1000xi32, #tpu.memory_space<vmem>> -> memref<1x1000xi32, #tpu.memory_space<vmem>>
    %dma_wait3A_702 = tpu.memref_squeeze %dma_wait3A_701 : memref<1x1000xi32, #tpu.memory_space<vmem>> -> memref<1000xi32, #tpu.memory_space<vmem>>
    %dma_wait3A_703 = arith.constant 0 : i32
    %dma_wait3A_704 = arith.constant 0 : i32
    %dma_wait3A_705 = tpu.memref_slice %arg6[%dma_wait3A_703, %dma_wait3A_704] : memref<10240x16xf32, #tpu.memory_space<vmem_shared>> -> memref<10240x16xf32, #tpu.memory_space<vmem_shared>>
    tpu.wait_indirect_dma semaphore(%arg15 : memref<!tpu.dma_semaphore, #tpu.memory_space<semaphore_mem>>) src(%arg10 : memref<1000x16xf32, #tpu.memory_space<vmem>>) dst(%dma_wait3A_705 : memref<10240x16xf32, #tpu.memory_space<vmem_shared>>)
    %dma_start3A_706 = arith.constant 9 : i32
    %dma_start3A_707 = arith.constant 0 : i32
    %dma_start3A_708 = tpu.memref_slice %arg7[%dma_start3A_706, %dma_start3A_707] : memref<10x1000xi32, #tpu.memory_space<vmem>> -> memref<1x1000xi32, #tpu.memory_space<vmem>>
    %dma_start3A_709 = tpu.memref_squeeze %dma_start3A_708 : memref<1x1000xi32, #tpu.memory_space<vmem>> -> memref<1000xi32, #tpu.memory_space<vmem>>
    %dma_start3A_710 = arith.constant 0 : i32
    %dma_start3A_711 = arith.constant 0 : i32
    %dma_start3A_712 = tpu.memref_slice %arg2[%dma_start3A_710, %dma_start3A_711] : memref<10240x16xf32, #tpu.memory_space<hbm>> -> memref<10240x16xf32, #tpu.memory_space<hbm>>
    tpu.enqueue_indirect_dma source(%dma_start3A_712 : memref<10240x16xf32, #tpu.memory_space<hbm>>) target(%arg10 : memref<1000x16xf32, #tpu.memory_space<vmem>>) offsets(%dma_start3A_709 : memref<1000xi32, #tpu.memory_space<vmem>>) semaphore(%arg13 : memref<!tpu.dma_semaphore, #tpu.memory_space<semaphore_mem>>)
    %dma_wait3A_713 = arith.constant 7 : i32
    %dma_wait3A_714 = arith.constant 0 : i32
    %dma_wait3A_715 = tpu.memref_slice %arg7[%dma_wait3A_713, %dma_wait3A_714] : memref<10x1000xi32, #tpu.memory_space<vmem>> -> memref<1x1000xi32, #tpu.memory_space<vmem>>
    %dma_wait3A_716 = tpu.memref_squeeze %dma_wait3A_715 : memref<1x1000xi32, #tpu.memory_space<vmem>> -> memref<1000xi32, #tpu.memory_space<vmem>>
    %dma_wait3A_717 = arith.constant 0 : i32
    %dma_wait3A_718 = arith.constant 0 : i32
    %dma_wait3A_719 = tpu.memref_slice %arg2[%dma_wait3A_717, %dma_wait3A_718] : memref<10240x16xf32, #tpu.memory_space<hbm>> -> memref<10240x16xf32, #tpu.memory_space<hbm>>
    tpu.wait_indirect_dma semaphore(%arg13 : memref<!tpu.dma_semaphore, #tpu.memory_space<semaphore_mem>>) src(%dma_wait3A_719 : memref<10240x16xf32, #tpu.memory_space<hbm>>) dst(%arg12 : memref<1000x16xf32, #tpu.memory_space<vmem>>)
    %dma_start3A_720 = arith.constant 7 : i32
    %dma_start3A_721 = arith.constant 0 : i32
    %dma_start3A_722 = tpu.memref_slice %arg8[%dma_start3A_720, %dma_start3A_721] : memref<10x1000xi32, #tpu.memory_space<vmem>> -> memref<1x1000xi32, #tpu.memory_space<vmem>>
    %dma_start3A_723 = tpu.memref_squeeze %dma_start3A_722 : memref<1x1000xi32, #tpu.memory_space<vmem>> -> memref<1000xi32, #tpu.memory_space<vmem>>
    %dma_start3A_724 = arith.constant 0 : i32
    %dma_start3A_725 = arith.constant 0 : i32
    %dma_start3A_726 = tpu.memref_slice %arg6[%dma_start3A_724, %dma_start3A_725] : memref<10240x16xf32, #tpu.memory_space<vmem_shared>> -> memref<10240x16xf32, #tpu.memory_space<vmem_shared>>
    tpu.enqueue_indirect_dma source(%arg12 : memref<1000x16xf32, #tpu.memory_space<vmem>>) target(%dma_start3A_726 : memref<10240x16xf32, #tpu.memory_space<vmem_shared>>) offsets(%dma_start3A_723 : memref<1000xi32, #tpu.memory_space<vmem>>) semaphore(%arg17 : memref<!tpu.dma_semaphore, #tpu.memory_space<semaphore_mem>>) {add = true}
    %dma_wait3A_727 = arith.constant 8 : i32
    %dma_wait3A_728 = arith.constant 0 : i32
    %dma_wait3A_729 = tpu.memref_slice %arg7[%dma_wait3A_727, %dma_wait3A_728] : memref<10x1000xi32, #tpu.memory_space<vmem>> -> memref<1x1000xi32, #tpu.memory_space<vmem>>
    %dma_wait3A_730 = tpu.memref_squeeze %dma_wait3A_729 : memref<1x1000xi32, #tpu.memory_space<vmem>> -> memref<1000xi32, #tpu.memory_space<vmem>>
    %dma_wait3A_731 = arith.constant 0 : i32
    %dma_wait3A_732 = arith.constant 0 : i32
    %dma_wait3A_733 = tpu.memref_slice %arg2[%dma_wait3A_731, %dma_wait3A_732] : memref<10240x16xf32, #tpu.memory_space<hbm>> -> memref<10240x16xf32, #tpu.memory_space<hbm>>
    tpu.wait_indirect_dma semaphore(%arg13 : memref<!tpu.dma_semaphore, #tpu.memory_space<semaphore_mem>>) src(%dma_wait3A_733 : memref<10240x16xf32, #tpu.memory_space<hbm>>) dst(%arg9 : memref<1000x16xf32, #tpu.memory_space<vmem>>)
    %dma_start3A_734 = arith.constant 8 : i32
    %dma_start3A_735 = arith.constant 0 : i32
    %dma_start3A_736 = tpu.memref_slice %arg8[%dma_start3A_734, %dma_start3A_735] : memref<10x1000xi32, #tpu.memory_space<vmem>> -> memref<1x1000xi32, #tpu.memory_space<vmem>>
    %dma_start3A_737 = tpu.memref_squeeze %dma_start3A_736 : memref<1x1000xi32, #tpu.memory_space<vmem>> -> memref<1000xi32, #tpu.memory_space<vmem>>
    %dma_start3A_738 = arith.constant 0 : i32
    %dma_start3A_739 = arith.constant 0 : i32
    %dma_start3A_740 = tpu.memref_slice %arg6[%dma_start3A_738, %dma_start3A_739] : memref<10240x16xf32, #tpu.memory_space<vmem_shared>> -> memref<10240x16xf32, #tpu.memory_space<vmem_shared>>
    tpu.enqueue_indirect_dma source(%arg9 : memref<1000x16xf32, #tpu.memory_space<vmem>>) target(%dma_start3A_740 : memref<10240x16xf32, #tpu.memory_space<vmem_shared>>) offsets(%dma_start3A_737 : memref<1000xi32, #tpu.memory_space<vmem>>) semaphore(%arg14 : memref<!tpu.dma_semaphore, #tpu.memory_space<semaphore_mem>>) {add = true}
    %dma_wait3A_741 = arith.constant 9 : i32
    %dma_wait3A_742 = arith.constant 0 : i32
    %dma_wait3A_743 = tpu.memref_slice %arg7[%dma_wait3A_741, %dma_wait3A_742] : memref<10x1000xi32, #tpu.memory_space<vmem>> -> memref<1x1000xi32, #tpu.memory_space<vmem>>
    %dma_wait3A_744 = tpu.memref_squeeze %dma_wait3A_743 : memref<1x1000xi32, #tpu.memory_space<vmem>> -> memref<1000xi32, #tpu.memory_space<vmem>>
    %dma_wait3A_745 = arith.constant 0 : i32
    %dma_wait3A_746 = arith.constant 0 : i32
    %dma_wait3A_747 = tpu.memref_slice %arg2[%dma_wait3A_745, %dma_wait3A_746] : memref<10240x16xf32, #tpu.memory_space<hbm>> -> memref<10240x16xf32, #tpu.memory_space<hbm>>
    tpu.wait_indirect_dma semaphore(%arg13 : memref<!tpu.dma_semaphore, #tpu.memory_space<semaphore_mem>>) src(%dma_wait3A_747 : memref<10240x16xf32, #tpu.memory_space<hbm>>) dst(%arg10 : memref<1000x16xf32, #tpu.memory_space<vmem>>)
    %dma_start3A_748 = arith.constant 9 : i32
    %dma_start3A_749 = arith.constant 0 : i32
    %dma_start3A_750 = tpu.memref_slice %arg8[%dma_start3A_748, %dma_start3A_749] : memref<10x1000xi32, #tpu.memory_space<vmem>> -> memref<1x1000xi32, #tpu.memory_space<vmem>>
    %dma_start3A_751 = tpu.memref_squeeze %dma_start3A_750 : memref<1x1000xi32, #tpu.memory_space<vmem>> -> memref<1000xi32, #tpu.memory_space<vmem>>
    %dma_start3A_752 = arith.constant 0 : i32
    %dma_start3A_753 = arith.constant 0 : i32
    %dma_start3A_754 = tpu.memref_slice %arg6[%dma_start3A_752, %dma_start3A_753] : memref<10240x16xf32, #tpu.memory_space<vmem_shared>> -> memref<10240x16xf32, #tpu.memory_space<vmem_shared>>
    tpu.enqueue_indirect_dma source(%arg10 : memref<1000x16xf32, #tpu.memory_space<vmem>>) target(%dma_start3A_754 : memref<10240x16xf32, #tpu.memory_space<vmem_shared>>) offsets(%dma_start3A_751 : memref<1000xi32, #tpu.memory_space<vmem>>) semaphore(%arg15 : memref<!tpu.dma_semaphore, #tpu.memory_space<semaphore_mem>>) {add = true}
    %dma_wait3A_755 = arith.constant 6 : i32
    %dma_wait3A_756 = arith.constant 0 : i32
    %dma_wait3A_757 = tpu.memref_slice %arg8[%dma_wait3A_755, %dma_wait3A_756] : memref<10x1000xi32, #tpu.memory_space<vmem>> -> memref<1x1000xi32, #tpu.memory_space<vmem>>
    %dma_wait3A_758 = tpu.memref_squeeze %dma_wait3A_757 : memref<1x1000xi32, #tpu.memory_space<vmem>> -> memref<1000xi32, #tpu.memory_space<vmem>>
    %dma_wait3A_759 = arith.constant 0 : i32
    %dma_wait3A_760 = arith.constant 0 : i32
    %dma_wait3A_761 = tpu.memref_slice %arg6[%dma_wait3A_759, %dma_wait3A_760] : memref<10240x16xf32, #tpu.memory_space<vmem_shared>> -> memref<10240x16xf32, #tpu.memory_space<vmem_shared>>
    tpu.wait_indirect_dma semaphore(%arg16 : memref<!tpu.dma_semaphore, #tpu.memory_space<semaphore_mem>>) src(%arg11 : memref<1000x16xf32, #tpu.memory_space<vmem>>) dst(%dma_wait3A_761 : memref<10240x16xf32, #tpu.memory_space<vmem_shared>>)
    %dma_wait3A_762 = arith.constant 7 : i32
    %dma_wait3A_763 = arith.constant 0 : i32
    %dma_wait3A_764 = tpu.memref_slice %arg8[%dma_wait3A_762, %dma_wait3A_763] : memref<10x1000xi32, #tpu.memory_space<vmem>> -> memref<1x1000xi32, #tpu.memory_space<vmem>>
    %dma_wait3A_765 = tpu.memref_squeeze %dma_wait3A_764 : memref<1x1000xi32, #tpu.memory_space<vmem>> -> memref<1000xi32, #tpu.memory_space<vmem>>
    %dma_wait3A_766 = arith.constant 0 : i32
    %dma_wait3A_767 = arith.constant 0 : i32
    %dma_wait3A_768 = tpu.memref_slice %arg6[%dma_wait3A_766, %dma_wait3A_767] : memref<10240x16xf32, #tpu.memory_space<vmem_shared>> -> memref<10240x16xf32, #tpu.memory_space<vmem_shared>>
    tpu.wait_indirect_dma semaphore(%arg17 : memref<!tpu.dma_semaphore, #tpu.memory_space<semaphore_mem>>) src(%arg12 : memref<1000x16xf32, #tpu.memory_space<vmem>>) dst(%dma_wait3A_768 : memref<10240x16xf32, #tpu.memory_space<vmem_shared>>)
    %dma_wait3A_769 = arith.constant 8 : i32
    %dma_wait3A_770 = arith.constant 0 : i32
    %dma_wait3A_771 = tpu.memref_slice %arg8[%dma_wait3A_769, %dma_wait3A_770] : memref<10x1000xi32, #tpu.memory_space<vmem>> -> memref<1x1000xi32, #tpu.memory_space<vmem>>
    %dma_wait3A_772 = tpu.memref_squeeze %dma_wait3A_771 : memref<1x1000xi32, #tpu.memory_space<vmem>> -> memref<1000xi32, #tpu.memory_space<vmem>>
    %dma_wait3A_773 = arith.constant 0 : i32
    %dma_wait3A_774 = arith.constant 0 : i32
    %dma_wait3A_775 = tpu.memref_slice %arg6[%dma_wait3A_773, %dma_wait3A_774] : memref<10240x16xf32, #tpu.memory_space<vmem_shared>> -> memref<10240x16xf32, #tpu.memory_space<vmem_shared>>
    tpu.wait_indirect_dma semaphore(%arg14 : memref<!tpu.dma_semaphore, #tpu.memory_space<semaphore_mem>>) src(%arg9 : memref<1000x16xf32, #tpu.memory_space<vmem>>) dst(%dma_wait3A_775 : memref<10240x16xf32, #tpu.memory_space<vmem_shared>>)
    %dma_wait3A_776 = arith.constant 9 : i32
    %dma_wait3A_777 = arith.constant 0 : i32
    %dma_wait3A_778 = tpu.memref_slice %arg8[%dma_wait3A_776, %dma_wait3A_777] : memref<10x1000xi32, #tpu.memory_space<vmem>> -> memref<1x1000xi32, #tpu.memory_space<vmem>>
    %dma_wait3A_779 = tpu.memref_squeeze %dma_wait3A_778 : memref<1x1000xi32, #tpu.memory_space<vmem>> -> memref<1000xi32, #tpu.memory_space<vmem>>
    %dma_wait3A_780 = arith.constant 0 : i32
    %dma_wait3A_781 = arith.constant 0 : i32
    %dma_wait3A_782 = tpu.memref_slice %arg6[%dma_wait3A_780, %dma_wait3A_781] : memref<10240x16xf32, #tpu.memory_space<vmem_shared>> -> memref<10240x16xf32, #tpu.memory_space<vmem_shared>>
    tpu.wait_indirect_dma semaphore(%arg15 : memref<!tpu.dma_semaphore, #tpu.memory_space<semaphore_mem>>) src(%arg10 : memref<1000x16xf32, #tpu.memory_space<vmem>>) dst(%dma_wait3A_782 : memref<10240x16xf32, #tpu.memory_space<vmem_shared>>)
    %barrier3A_783 = arith.constant 0 : index
    tpu.barrier barrier_id(%barrier3A_783)
    "tpu.region"() ({
      %run_scoped3A = tpu.sem_alloc : memref<!tpu.dma_semaphore, #tpu.memory_space<semaphore_mem>>
      %dma_start3A_784 = arith.constant 0 : i32
      %dma_start3A_785 = tpu.memref_slice %arg5[%arg0, %mul3A_2, %dma_start3A_784] : memref<2x10240x16xf32, #tpu.memory_space<hbm>> -> memref<1x640x16xf32, #tpu.memory_space<hbm>>
      %dma_start3A_786 = tpu.memref_squeeze %dma_start3A_785 : memref<1x640x16xf32, #tpu.memory_space<hbm>> -> memref<640x16xf32, #tpu.memory_space<hbm>>
      %dma_start3A_787 = arith.constant 0 : i32
      %dma_start3A_788 = tpu.memref_slice %arg6[%mul3A_2, %dma_start3A_787] : memref<10240x16xf32, #tpu.memory_space<vmem_shared>> -> memref<640x16xf32, #tpu.memory_space<vmem_shared>>
      tpu.enqueue_dma source(%dma_start3A_788 : memref<640x16xf32, #tpu.memory_space<vmem_shared>>) target(%dma_start3A_786 : memref<640x16xf32, #tpu.memory_space<hbm>>) target_semaphore(%run_scoped3A : memref<!tpu.dma_semaphore, #tpu.memory_space<semaphore_mem>>)
      %dma_wait3A_789 = arith.constant 0 : i32
      %dma_wait3A_790 = tpu.memref_slice %arg5[%arg0, %mul3A_2, %dma_wait3A_789] : memref<2x10240x16xf32, #tpu.memory_space<hbm>> -> memref<1x640x16xf32, #tpu.memory_space<hbm>>
      %dma_wait3A_791 = tpu.memref_squeeze %dma_wait3A_790 : memref<1x640x16xf32, #tpu.memory_space<hbm>> -> memref<640x16xf32, #tpu.memory_space<hbm>>
      %dma_wait3A_792 = arith.constant 0 : i32
      %dma_wait3A_793 = tpu.memref_slice %arg6[%mul3A_2, %dma_wait3A_792] : memref<10240x16xf32, #tpu.memory_space<vmem_shared>> -> memref<640x16xf32, #tpu.memory_space<vmem_shared>>
      tpu.wait_dma2 semaphore(%run_scoped3A : memref<!tpu.dma_semaphore, #tpu.memory_space<semaphore_mem>>) src(%dma_wait3A_793 : memref<640x16xf32, #tpu.memory_space<vmem_shared>>) dst(%dma_wait3A_791 : memref<640x16xf32, #tpu.memory_space<hbm>>)
      tpu.yield
    }) : () -> ()
    return
  }
}

module attributes {stable_mosaic.version = 14 : i64} {
  func.func @_mm1_body(%arg0: memref<1250x1024xf32, #tpu.memory_space<vmem>>, %arg1: memref<128x16xf32, #tpu.memory_space<vmem>>, %arg2: memref<1250x128xf32, #tpu.memory_space<vmem>>) attributes {dimension_semantics = [], scalar_prefetch = 0 : i64, scratch_operands = 0 : i64, tpu.core_type = #tpu.core_type<tc>} {
    %get3A = arith.constant 0 : index
    %get3A_0 = arith.constant 0 : index
    %get3A_1 = vector.load %arg1[%get3A, %get3A_0] : memref<128x16xf32, #tpu.memory_space<vmem>>, vector<128x16xf32>
    %tile3A = tpu.concatenate %get3A_1, %get3A_1, %get3A_1, %get3A_1, %get3A_1, %get3A_1, %get3A_1, %get3A_1 in 0 : vector<128x16xf32>, vector<128x16xf32>, vector<128x16xf32>, vector<128x16xf32>, vector<128x16xf32>, vector<128x16xf32>, vector<128x16xf32>, vector<128x16xf32> -> vector<1024x16xf32>
    %tile3A_2 = tpu.concatenate %tile3A, %tile3A, %tile3A, %tile3A, %tile3A, %tile3A, %tile3A, %tile3A in 1 : vector<1024x16xf32>, vector<1024x16xf32>, vector<1024x16xf32>, vector<1024x16xf32>, vector<1024x16xf32>, vector<1024x16xf32>, vector<1024x16xf32>, vector<1024x16xf32> -> vector<1024x128xf32>
    %iota3A = tpu.iota {dimensions = array<i32: 0>} : vector<1024x128xi32>
    %jit3A = arith.constant 128 : i32
    %div3A = vector.broadcast %jit3A : i32 to vector<1024x128xi32>
    %div3A_3 = arith.divsi %iota3A, %div3A : vector<1024x128xi32>
    %sign3A = arith.constant 0 : i32
    %sign3A_4 = vector.broadcast %sign3A : i32 to vector<1024x128xi32>
    %sign3A_5 = arith.cmpi sgt, %iota3A, %sign3A_4 : vector<1024x128xi32>
    %sign3A_6 = arith.extui %sign3A_5 : vector<1024x128xi1> to vector<1024x128xi32>
    %sign3A_7 = arith.constant 0 : i32
    %sign3A_8 = vector.broadcast %sign3A_7 : i32 to vector<1024x128xi32>
    %sign3A_9 = arith.cmpi slt, %iota3A, %sign3A_8 : vector<1024x128xi32>
    %sign3A_10 = arith.extui %sign3A_9 : vector<1024x128xi1> to vector<1024x128xi32>
    %sign3A_11 = arith.subi %sign3A_6, %sign3A_10 : vector<1024x128xi32>
    %sign3A_12 = arith.constant 0 : i32
    %sign3A_13 = arith.cmpi sgt, %jit3A, %sign3A_12 : i32
    %sign3A_14 = arith.extui %sign3A_13 : i1 to i32
    %sign3A_15 = arith.constant 0 : i32
    %sign3A_16 = arith.cmpi slt, %jit3A, %sign3A_15 : i32
    %sign3A_17 = arith.extui %sign3A_16 : i1 to i32
    %sign3A_18 = arith.subi %sign3A_14, %sign3A_17 : i32
    %ne3A = vector.broadcast %sign3A_18 : i32 to vector<1024x128xi32>
    %ne3A_19 = arith.cmpi ne, %sign3A_11, %ne3A : vector<1024x128xi32>
    %rem3A = vector.broadcast %jit3A : i32 to vector<1024x128xi32>
    %rem3A_20 = arith.remsi %iota3A, %rem3A : vector<1024x128xi32>
    %ne3A_21 = arith.constant 0 : i32
    %ne3A_22 = vector.broadcast %ne3A_21 : i32 to vector<1024x128xi32>
    %ne3A_23 = arith.cmpi ne, %rem3A_20, %ne3A_22 : vector<1024x128xi32>
    %and3A = arith.andi %ne3A_19, %ne3A_23 : vector<1024x128xi1>
    %sub3A = arith.constant 1 : i32
    %sub3A_24 = vector.broadcast %sub3A : i32 to vector<1024x128xi32>
    %sub3A_25 = arith.subi %div3A_3, %sub3A_24 : vector<1024x128xi32>
    %select_n3A = arith.select %and3A, %sub3A_25, %div3A_3 : vector<1024x128xi1>, vector<1024x128xi32>
    %iota3A_26 = tpu.iota {dimensions = array<i32: 1>} : vector<1024x128xi32>
    %jit3A_27 = arith.constant 16 : i32
    %div3A_28 = vector.broadcast %jit3A_27 : i32 to vector<1024x128xi32>
    %div3A_29 = arith.divsi %iota3A_26, %div3A_28 : vector<1024x128xi32>
    %sign3A_30 = arith.constant 0 : i32
    %sign3A_31 = vector.broadcast %sign3A_30 : i32 to vector<1024x128xi32>
    %sign3A_32 = arith.cmpi sgt, %iota3A_26, %sign3A_31 : vector<1024x128xi32>
    %sign3A_33 = arith.extui %sign3A_32 : vector<1024x128xi1> to vector<1024x128xi32>
    %sign3A_34 = arith.constant 0 : i32
    %sign3A_35 = vector.broadcast %sign3A_34 : i32 to vector<1024x128xi32>
    %sign3A_36 = arith.cmpi slt, %iota3A_26, %sign3A_35 : vector<1024x128xi32>
    %sign3A_37 = arith.extui %sign3A_36 : vector<1024x128xi1> to vector<1024x128xi32>
    %sign3A_38 = arith.subi %sign3A_33, %sign3A_37 : vector<1024x128xi32>
    %sign3A_39 = arith.constant 0 : i32
    %sign3A_40 = arith.cmpi sgt, %jit3A_27, %sign3A_39 : i32
    %sign3A_41 = arith.extui %sign3A_40 : i1 to i32
    %sign3A_42 = arith.constant 0 : i32
    %sign3A_43 = arith.cmpi slt, %jit3A_27, %sign3A_42 : i32
    %sign3A_44 = arith.extui %sign3A_43 : i1 to i32
    %sign3A_45 = arith.subi %sign3A_41, %sign3A_44 : i32
    %ne3A_46 = vector.broadcast %sign3A_45 : i32 to vector<1024x128xi32>
    %ne3A_47 = arith.cmpi ne, %sign3A_38, %ne3A_46 : vector<1024x128xi32>
    %rem3A_48 = vector.broadcast %jit3A_27 : i32 to vector<1024x128xi32>
    %rem3A_49 = arith.remsi %iota3A_26, %rem3A_48 : vector<1024x128xi32>
    %ne3A_50 = arith.constant 0 : i32
    %ne3A_51 = vector.broadcast %ne3A_50 : i32 to vector<1024x128xi32>
    %ne3A_52 = arith.cmpi ne, %rem3A_49, %ne3A_51 : vector<1024x128xi32>
    %and3A_53 = arith.andi %ne3A_47, %ne3A_52 : vector<1024x128xi1>
    %sub3A_54 = arith.constant 1 : i32
    %sub3A_55 = vector.broadcast %sub3A_54 : i32 to vector<1024x128xi32>
    %sub3A_56 = arith.subi %div3A_29, %sub3A_55 : vector<1024x128xi32>
    %select_n3A_57 = arith.select %and3A_53, %sub3A_56, %div3A_29 : vector<1024x128xi1>, vector<1024x128xi32>
    %eq3A = arith.cmpi eq, %select_n3A, %select_n3A_57 : vector<1024x128xi32>
    %jit3A_58 = arith.constant 0.000000e+00 : f32
    %broadcast_in_dim3A = vector.broadcast %jit3A_58 : f32 to vector<1024x128xf32>
    %select_n3A_59 = arith.select %eq3A, %tile3A_2, %broadcast_in_dim3A : vector<1024x128xi1>, vector<1024x128xf32>
    %get3A_60 = arith.constant 0 : index
    %get3A_61 = arith.constant 0 : index
    %get3A_62 = vector.load %arg0[%get3A_60, %get3A_61] : memref<1250x1024xf32, #tpu.memory_space<vmem>>, vector<1250x1024xf32>
    %dot_general3A = arith.constant dense<0.000000e+00> : vector<1250x128xf32>
    %dot_general3A_63 = tpu.matmul %get3A_62, %select_n3A_59, %dot_general3A {dimension_numbers = #tpu.dot_dimension_numbers<[1], [0], [0], [1], [0, 0, 1, 1], [], []>, transpose_lhs_hint = false} : vector<1250x1024xf32>, vector<1024x128xf32>, vector<1250x128xf32> -> vector<1250x128xf32>
    %swap3A = arith.constant 0 : index
    %swap3A_64 = arith.constant 0 : index
    %swap3A_65 = vector.load %arg2[%swap3A, %swap3A_64] : memref<1250x128xf32, #tpu.memory_space<vmem>>, vector<1250x128xf32>
    tpu.vector_store %arg2[%swap3A, %swap3A_64], %dot_general3A_63 {strides = array<i32>} : memref<1250x128xf32, #tpu.memory_space<vmem>>, vector<1250x128xf32>,
    return
  }
}

module attributes {stable_mosaic.version = 14 : i64} {
  func.func @_mid_body(%arg0: memref<2x1280x128xf32, #tpu.memory_space<vmem>>, %arg1: memref<1x16xf32, #tpu.memory_space<vmem>>, %arg2: memref<1280x128xf32, #tpu.memory_space<vmem>>) attributes {dimension_semantics = [], scalar_prefetch = 0 : i64, scratch_operands = 0 : i64, tpu.core_type = #tpu.core_type<tc>} {
    %get3A = arith.constant 0 : index
    %get3A_0 = arith.constant 0 : index
    %get3A_1 = vector.load %arg1[%get3A, %get3A_0] : memref<1x16xf32, #tpu.memory_space<vmem>>, vector<1x16xf32>
    %tile3A = tpu.concatenate %get3A_1, %get3A_1, %get3A_1, %get3A_1, %get3A_1, %get3A_1, %get3A_1, %get3A_1 in 1 : vector<1x16xf32>, vector<1x16xf32>, vector<1x16xf32>, vector<1x16xf32>, vector<1x16xf32>, vector<1x16xf32>, vector<1x16xf32>, vector<1x16xf32> -> vector<1x128xf32>
    %get3A_2 = arith.constant 0 : index
    %get3A_3 = arith.constant 0 : index
    %get3A_4 = arith.constant 0 : index
    %get3A_5 = vector.load %arg0[%get3A_2, %get3A_3, %get3A_4] : memref<2x1280x128xf32, #tpu.memory_space<vmem>>, vector<1x1280x128xf32>
    %get3A_6 = vector.shape_cast %get3A_5 : vector<1x1280x128xf32> to vector<1280x128xf32>
    %get3A_7 = arith.constant 1 : index
    %get3A_8 = arith.constant 0 : index
    %get3A_9 = arith.constant 0 : index
    %get3A_10 = vector.load %arg0[%get3A_7, %get3A_8, %get3A_9] : memref<2x1280x128xf32, #tpu.memory_space<vmem>>, vector<1x1280x128xf32>
    %get3A_11 = vector.shape_cast %get3A_10 : vector<1x1280x128xf32> to vector<1280x128xf32>
    %add3A = arith.addf %get3A_6, %get3A_11 : vector<1280x128xf32>
    %add3A_12 = vector.broadcast %tile3A : vector<1x128xf32> to vector<1280x128xf32>
    %add3A_13 = arith.addf %add3A, %add3A_12 : vector<1280x128xf32>
    %max3A = arith.constant 0.000000e+00 : f32
    %max3A_14 = vector.broadcast %max3A : f32 to vector<1280x128xf32>
    %max3A_15 = arith.maximumf %add3A_13, %max3A_14 : vector<1280x128xf32>
    %swap3A = arith.constant 0 : index
    %swap3A_16 = arith.constant 0 : index
    %swap3A_17 = vector.load %arg2[%swap3A, %swap3A_16] : memref<1280x128xf32, #tpu.memory_space<vmem>>, vector<1280x128xf32>
    tpu.vector_store %arg2[%swap3A, %swap3A_16], %max3A_15 {strides = array<i32>} : memref<1280x128xf32, #tpu.memory_space<vmem>>, vector<1280x128xf32>,
    return
  }
}

module attributes {stable_mosaic.version = 14 : i64} {
  func.func @_fin_body(%arg0: memref<2x1280x128xf32, #tpu.memory_space<vmem>>, %arg1: memref<16x3xf32, #tpu.memory_space<vmem>>, %arg2: memref<1x3xf32, #tpu.memory_space<vmem>>, %arg3: memref<1250x24xf32, #tpu.memory_space<vmem>>) attributes {dimension_semantics = [], scalar_prefetch = 0 : i64, scratch_operands = 0 : i64, tpu.core_type = #tpu.core_type<tc>} {
    %get3A = arith.constant 0 : index
    %get3A_0 = arith.constant 0 : index
    %get3A_1 = arith.constant 0 : index
    %get3A_2 = vector.load %arg0[%get3A, %get3A_0, %get3A_1] : memref<2x1280x128xf32, #tpu.memory_space<vmem>>, vector<1x1250x128xf32>
    %get3A_3 = vector.shape_cast %get3A_2 : vector<1x1250x128xf32> to vector<1250x128xf32>
    %get3A_4 = arith.constant 1 : index
    %get3A_5 = arith.constant 0 : index
    %get3A_6 = arith.constant 0 : index
    %get3A_7 = vector.load %arg0[%get3A_4, %get3A_5, %get3A_6] : memref<2x1280x128xf32, #tpu.memory_space<vmem>>, vector<1x1250x128xf32>
    %get3A_8 = vector.shape_cast %get3A_7 : vector<1x1250x128xf32> to vector<1250x128xf32>
    %add3A = arith.addf %get3A_3, %get3A_8 : vector<1250x128xf32>
    %get3A_9 = arith.constant 0 : index
    %get3A_10 = arith.constant 0 : index
    %get3A_11 = vector.load %arg1[%get3A_9, %get3A_10] : memref<16x3xf32, #tpu.memory_space<vmem>>, vector<16x3xf32>
    %tile3A = tpu.concatenate %get3A_11, %get3A_11, %get3A_11, %get3A_11, %get3A_11, %get3A_11, %get3A_11, %get3A_11 in 0 : vector<16x3xf32>, vector<16x3xf32>, vector<16x3xf32>, vector<16x3xf32>, vector<16x3xf32>, vector<16x3xf32>, vector<16x3xf32>, vector<16x3xf32> -> vector<128x3xf32>
    %tile3A_12 = tpu.concatenate %tile3A, %tile3A, %tile3A, %tile3A, %tile3A, %tile3A, %tile3A, %tile3A in 1 : vector<128x3xf32>, vector<128x3xf32>, vector<128x3xf32>, vector<128x3xf32>, vector<128x3xf32>, vector<128x3xf32>, vector<128x3xf32>, vector<128x3xf32> -> vector<128x24xf32>
    %iota3A = tpu.iota {dimensions = array<i32: 0>} : vector<128x24xi32>
    %jit3A = arith.constant 16 : i32
    %div3A = vector.broadcast %jit3A : i32 to vector<128x24xi32>
    %div3A_13 = arith.divsi %iota3A, %div3A : vector<128x24xi32>
    %sign3A = arith.constant 0 : i32
    %sign3A_14 = vector.broadcast %sign3A : i32 to vector<128x24xi32>
    %sign3A_15 = arith.cmpi sgt, %iota3A, %sign3A_14 : vector<128x24xi32>
    %sign3A_16 = arith.extui %sign3A_15 : vector<128x24xi1> to vector<128x24xi32>
    %sign3A_17 = arith.constant 0 : i32
    %sign3A_18 = vector.broadcast %sign3A_17 : i32 to vector<128x24xi32>
    %sign3A_19 = arith.cmpi slt, %iota3A, %sign3A_18 : vector<128x24xi32>
    %sign3A_20 = arith.extui %sign3A_19 : vector<128x24xi1> to vector<128x24xi32>
    %sign3A_21 = arith.subi %sign3A_16, %sign3A_20 : vector<128x24xi32>
    %sign3A_22 = arith.constant 0 : i32
    %sign3A_23 = arith.cmpi sgt, %jit3A, %sign3A_22 : i32
    %sign3A_24 = arith.extui %sign3A_23 : i1 to i32
    %sign3A_25 = arith.constant 0 : i32
    %sign3A_26 = arith.cmpi slt, %jit3A, %sign3A_25 : i32
    %sign3A_27 = arith.extui %sign3A_26 : i1 to i32
    %sign3A_28 = arith.subi %sign3A_24, %sign3A_27 : i32
    %ne3A = vector.broadcast %sign3A_28 : i32 to vector<128x24xi32>
    %ne3A_29 = arith.cmpi ne, %sign3A_21, %ne3A : vector<128x24xi32>
    %rem3A = vector.broadcast %jit3A : i32 to vector<128x24xi32>
    %rem3A_30 = arith.remsi %iota3A, %rem3A : vector<128x24xi32>
    %ne3A_31 = arith.constant 0 : i32
    %ne3A_32 = vector.broadcast %ne3A_31 : i32 to vector<128x24xi32>
    %ne3A_33 = arith.cmpi ne, %rem3A_30, %ne3A_32 : vector<128x24xi32>
    %and3A = arith.andi %ne3A_29, %ne3A_33 : vector<128x24xi1>
    %sub3A = arith.constant 1 : i32
    %sub3A_34 = vector.broadcast %sub3A : i32 to vector<128x24xi32>
    %sub3A_35 = arith.subi %div3A_13, %sub3A_34 : vector<128x24xi32>
    %select_n3A = arith.select %and3A, %sub3A_35, %div3A_13 : vector<128x24xi1>, vector<128x24xi32>
    %iota3A_36 = tpu.iota {dimensions = array<i32: 1>} : vector<128x24xi32>
    %jit3A_37 = arith.constant 3 : i32
    %div3A_38 = vector.broadcast %jit3A_37 : i32 to vector<128x24xi32>
    %div3A_39 = arith.divsi %iota3A_36, %div3A_38 : vector<128x24xi32>
    %sign3A_40 = arith.constant 0 : i32
    %sign3A_41 = vector.broadcast %sign3A_40 : i32 to vector<128x24xi32>
    %sign3A_42 = arith.cmpi sgt, %iota3A_36, %sign3A_41 : vector<128x24xi32>
    %sign3A_43 = arith.extui %sign3A_42 : vector<128x24xi1> to vector<128x24xi32>
    %sign3A_44 = arith.constant 0 : i32
    %sign3A_45 = vector.broadcast %sign3A_44 : i32 to vector<128x24xi32>
    %sign3A_46 = arith.cmpi slt, %iota3A_36, %sign3A_45 : vector<128x24xi32>
    %sign3A_47 = arith.extui %sign3A_46 : vector<128x24xi1> to vector<128x24xi32>
    %sign3A_48 = arith.subi %sign3A_43, %sign3A_47 : vector<128x24xi32>
    %sign3A_49 = arith.constant 0 : i32
    %sign3A_50 = arith.cmpi sgt, %jit3A_37, %sign3A_49 : i32
    %sign3A_51 = arith.extui %sign3A_50 : i1 to i32
    %sign3A_52 = arith.constant 0 : i32
    %sign3A_53 = arith.cmpi slt, %jit3A_37, %sign3A_52 : i32
    %sign3A_54 = arith.extui %sign3A_53 : i1 to i32
    %sign3A_55 = arith.subi %sign3A_51, %sign3A_54 : i32
    %ne3A_56 = vector.broadcast %sign3A_55 : i32 to vector<128x24xi32>
    %ne3A_57 = arith.cmpi ne, %sign3A_48, %ne3A_56 : vector<128x24xi32>
    %rem3A_58 = vector.broadcast %jit3A_37 : i32 to vector<128x24xi32>
    %rem3A_59 = arith.remsi %iota3A_36, %rem3A_58 : vector<128x24xi32>
    %ne3A_60 = arith.constant 0 : i32
    %ne3A_61 = vector.broadcast %ne3A_60 : i32 to vector<128x24xi32>
    %ne3A_62 = arith.cmpi ne, %rem3A_59, %ne3A_61 : vector<128x24xi32>
    %and3A_63 = arith.andi %ne3A_57, %ne3A_62 : vector<128x24xi1>
    %sub3A_64 = arith.constant 1 : i32
    %sub3A_65 = vector.broadcast %sub3A_64 : i32 to vector<128x24xi32>
    %sub3A_66 = arith.subi %div3A_39, %sub3A_65 : vector<128x24xi32>
    %select_n3A_67 = arith.select %and3A_63, %sub3A_66, %div3A_39 : vector<128x24xi1>, vector<128x24xi32>
    %eq3A = arith.cmpi eq, %select_n3A, %select_n3A_67 : vector<128x24xi32>
    %jit3A_68 = arith.constant 0.000000e+00 : f32
    %broadcast_in_dim3A = vector.broadcast %jit3A_68 : f32 to vector<128x24xf32>
    %select_n3A_69 = arith.select %eq3A, %tile3A_12, %broadcast_in_dim3A : vector<128x24xi1>, vector<128x24xf32>
    %get3A_70 = arith.constant 0 : index
    %get3A_71 = arith.constant 0 : index
    %get3A_72 = vector.load %arg2[%get3A_70, %get3A_71] : memref<1x3xf32, #tpu.memory_space<vmem>>, vector<1x3xf32>
    %tile3A_73 = tpu.concatenate %get3A_72, %get3A_72, %get3A_72, %get3A_72, %get3A_72, %get3A_72, %get3A_72, %get3A_72 in 1 : vector<1x3xf32>, vector<1x3xf32>, vector<1x3xf32>, vector<1x3xf32>, vector<1x3xf32>, vector<1x3xf32>, vector<1x3xf32>, vector<1x3xf32> -> vector<1x24xf32>
    %dot_general3A = arith.constant dense<0.000000e+00> : vector<1250x24xf32>
    %dot_general3A_74 = tpu.matmul %add3A, %select_n3A_69, %dot_general3A {dimension_numbers = #tpu.dot_dimension_numbers<[1], [0], [0], [1], [0, 0, 1, 1], [], []>, transpose_lhs_hint = false} : vector<1250x128xf32>, vector<128x24xf32>, vector<1250x24xf32> -> vector<1250x24xf32>
    %add3A_75 = vector.broadcast %tile3A_73 : vector<1x24xf32> to vector<1250x24xf32>
    %add3A_76 = arith.addf %dot_general3A_74, %add3A_75 : vector<1250x24xf32>
    %swap3A = arith.constant 0 : index
    %swap3A_77 = arith.constant 0 : index
    %swap3A_78 = vector.load %arg3[%swap3A, %swap3A_77] : memref<1250x24xf32, #tpu.memory_space<vmem>>, vector<1250x24xf32>
    tpu.vector_store %arg3[%swap3A, %swap3A_77], %add3A_76 {strides = array<i32>} : memref<1250x24xf32, #tpu.memory_space<vmem>>, vector<1250x24xf32>,
    return
  }
}

</mosaic_0001>

<sc_bundles>
// kernel: kernel.10.cloned.1.call-start
scs
__scs_entry_jumppad:
0x0: {  	(pc) =	sbr.rel $0x88, $3  }
0x1: {  	(tag) =	ssettag $0x0;
	lr =	simm.s32 $0x1  }
0x2: {  	[smem:$0x3F9B] =	sst lr;
	_ =	strace $0xD0000000  }
0x3: {  	_ = 	snop  }
0x4: {  	_ = 	snop  }
0x5: {  	_ = 	snop  }
0x6: {  	_ = 	snop  }
0x7: {  	_ = 	snop  }
__scs_overlays_trampoline_lowered:
0x8: {  	[smem:$0x3FAA] =	sst s0  }
0x9: {  	[smem:$0x3FAB] =	sst s1  }
0xa: {  	[smem:$0x3FAC] =	sst s2  }
0xb: {  	[smem:$0x3FAD] =	sst s3  }
0xc: {  	[smem:$0x3FAE] =	sst s4  }
0xd: {  	[smem:$0x3FAF] =	sst s5  }
0xe: {  	[smem:$0x3FB0] =	sst s6  }
0xf: {  	[smem:$0x3FB1] =	sst s7  }
0x10: {  	[smem:$0x3FB2] =	sst s8  }
0x11: {  	[smem:$0x3FB3] =	sst s9;
	s0 =	simm.s32 @!p0 $0x0  }
0x12: {  	s1 =	sld [smem:$0x3F99];
	s0 =	simm.s32 @p0 $0x1  }
0x13: {  	[smem:$0x3FB4] =	sst s0;
	s0 =	simm.s32 @!p1 $0x0  }
0x14: {  	s2 =	sld [smem:$0x3F98];
	s0 =	simm.s32 @p1 $0x1  }
0x15: {  	[smem:$0x3FB5] =	sst s0;
	s0 =	simm.s32 @!p2 $0x0  }
0x16: {  	s3 =	sld [smem:$0x3FDB];
	s0 =	simm.s32 @p2 $0x1  }
0x17: {  	s4 =	simm.s32 $0x1BF5;
	[smem:$0x3FB7] =	sst s0  }
0x18: {  	s0 =	sld [smem:$0x3F9A];
	_ =	swait.ge [sflag:s4], $0x0  }
0x19: {  	s7 =	sld [smem:$0x3F9B]  }
0x1a: {  	s8 =	sadd.s32 $0xFFFFE003, lr  }
0x1b: {  	s9 =	sadd.s32 $0xFFFFFEF7, lr;
	s5 =	simm.s32 $0xFFFFFFFF;
	p2 =	slt.u32 s8, $0xFFFFF086  }
0x1c: {  	p1 =	slt.u32 s9, $0xF7A;
	s5 =	simm.s32 @!p2 $0x0  }
0x1d: {  	s5 =	simm.s32 @p1 $0x1;
	p0 =	seq.s32 s7, s2  }
0x1e: {  	s7 =	smul.u32 @!p0 $0xF7A, s2;
	p2 =	seq.s32 @!p0 s5, $0x0  }
0x1f: {  	s9 =	smul.u32 $0xF7A, s1;
	s8 =	simm.s32 @!p0 $0x1BF5;
	p2 =	por !p2, p0  }
0x20: {  	[sflag:s8] =	ssyncset.s32 @!p0 $0xFFFFF086;
	s6 =	sadd.s32 @!p0 s3, s7;
	s7 =	simm.s32 @!p0 $0x108  }
0x21: {  	s3 =	sadd.s32 s3, s9;
	s6 =	sadd.s32 @!p0 $0x88, s6;
	s7 =	simm.s32 @p2 $0x1082  }
0x22: {  	[simem:s7], [sflag:s8] =	dma.local @!p0 [hbm:s6], $0xF7A  }
0x23: {  	s9 =	sor.u32 $0xD0000000, s2;
	s6 =	simm.s32 $0x108;
	_ =	swait.ge @!p0 [sflag:s8], $0x0  }
0x24: {  	s3 =	sadd.s32 $0x88, s3;
	s6 =	simm.s32 @!p1 $0x1082;
	[sflag:s4] =	ssyncset.s32 $0xFFFFF086  }
0x25: {  	[simem:s6], [sflag:s4] =	dma.local [hbm:s3], $0xF7A  }
0x26: {  	[smem:$0x3F9B] =	sst s1;
	(tag) =	ssettag s2;
	_ =	strace s9  }
0x27: {  	s1 =	sld [smem:$0x3FAB]  }
0x28: {  	s2 =	sld [smem:$0x3FAC]  }
0x29: {  	s4 =	sld [smem:$0x3FAE]  }
0x2a: {  	p0 =	seq.s32 s5, $0x0;
	s5 =	sld [smem:$0x3FAF]  }
0x2b: {  	s6 =	sld [smem:$0x3FB0]  }
0x2c: {  	s7 =	sld [smem:$0x3FB1]  }
0x2d: {  	s3 =	simm.s32 $0x108;
	s8 =	sld [smem:$0x3FB2]  }
0x2e: {  	s3 =	simm.s32 @!p0 $0x1082;
	s9 =	sld [smem:$0x3FB3]  }
0x2f: {  	lr =	sadd.s32 s0, s3;
	s0 =	sld [smem:$0x3FAA]  }
0x30: {  	s3 =	sld [smem:$0x3FAD]  }
0x31: {  	[smem:$0x3FB6] =	sst s10  }
0x32: {  	s10 =	sld [smem:$0x3FB4];
	_ =	sdelay $0x3  }
0x33: {  	p0 =	seq.s32 s10, $0x1;
	s10 =	sld [smem:$0x3FB6];
	_ =	sdelay $0x3  }
0x34: {  	[smem:$0x3FB6] =	sst s10  }
0x35: {  	s10 =	sld [smem:$0x3FB5];
	_ =	sdelay $0x3  }
0x36: {  	p1 =	seq.s32 s10, $0x1;
	s10 =	sld [smem:$0x3FB6];
	_ =	sdelay $0x3  }
0x37: {  	[smem:$0x3FB6] =	sst s10  }
0x38: {  	s10 =	sld [smem:$0x3FB7]  }
0x39: {  	_ = 	snop;
	(pc) =	sbr.ind lr, $3  }
0x3a: {  	_ = 	snop  }
0x3b: {  	_ = 	snop  }
0x3c: {  	p2 =	seq.s32 s10, $0x1;
	s10 =	sld [smem:$0x3FB6]  }
0x3d: {  	_ =	shalt  }
0x3e: {  	_ =	shalt  }
0x3f: {  	_ =	shalt  }
0x40: {  	_ =	shalt  }
0x41: {  	_ =	shalt  }
0x42: {  	_ =	shalt  }
0x43: {  	_ =	shalt  }
0x44: {  	_ =	shalt  }
0x45: {  	_ =	shalt  }
0x46: {  	_ =	shalt  }
0x47: {  	_ =	shalt  }
0x48: {  	_ =	shalt  }
0x49: {  	_ =	shalt  }
0x4a: {  	_ =	shalt  }
0x4b: {  	_ =	shalt  }
0x4c: {  	_ =	shalt  }
0x4d: {  	_ =	shalt  }
0x4e: {  	_ =	shalt  }
0x4f: {  	_ =	shalt  }
0x50: {  	_ =	shalt  }
0x51: {  	_ =	shalt  }
0x52: {  	_ =	shalt  }
0x53: {  	_ =	shalt  }
0x54: {  	_ =	shalt  }
0x55: {  	_ =	shalt  }
0x56: {  	_ =	shalt  }
0x57: {  	_ =	shalt  }
0x58: {  	_ =	shalt  }
0x59: {  	_ =	shalt  }
0x5a: {  	_ =	shalt  }
0x5b: {  	_ =	shalt  }
0x5c: {  	_ =	shalt  }
0x5d: {  	_ =	shalt  }
0x5e: {  	_ =	shalt  }
0x5f: {  	_ =	shalt  }
0x60: {  	_ =	shalt  }
0x61: {  	_ =	shalt  }
0x62: {  	_ =	shalt  }
0x63: {  	_ =	shalt  }
0x64: {  	_ =	shalt  }
0x65: {  	_ =	shalt  }
0x66: {  	_ =	shalt  }
0x67: {  	_ =	shalt  }
0x68: {  	_ =	shalt  }
0x69: {  	_ =	shalt  }
0x6a: {  	_ =	shalt  }
0x6b: {  	_ =	shalt  }
0x6c: {  	_ =	shalt  }
0x6d: {  	_ =	shalt  }
0x6e: {  	_ =	shalt  }
0x6f: {  	_ =	shalt  }
0x70: {  	_ =	shalt  }
0x71: {  	_ =	shalt  }
0x72: {  	_ =	shalt  }
0x73: {  	_ =	shalt  }
0x74: {  	_ =	shalt  }
0x75: {  	_ =	shalt  }
0x76: {  	_ =	shalt  }
0x77: {  	_ =	shalt  }
0x78: {  	_ =	shalt  }
0x79: {  	_ =	shalt  }
0x7a: {  	_ =	shalt  }
0x7b: {  	_ =	shalt  }
0x7c: {  	_ =	shalt  }
0x7d: {  	_ =	shalt  }
0x7e: {  	_ =	shalt  }
0x7f: {  	_ =	shalt  }
0x80: {  	_ =	shalt  }
0x81: {  	_ =	shalt  }
0x82: {  	_ =	shalt  }
0x83: {  	_ =	shalt  }
0x84: {  	_ =	shalt  }
0x85: {  	_ =	shalt  }
0x86: {  	_ =	shalt  }
0x87: {  	_ =	shalt  }
.Lfunc_end0:
.L_simem_size_0:
called_computation.1_lowered:
.L_overlay_start_0:
0x88: {  	s2 =	sld [smem:$0x3FD9]  }
0x89: {  	s3 =	sld [smem:$0x3FFE];
	_ =	sdelay $0x1  }
0x8a: {  	s1 =	srdreg.scid  }
0x8b: {  	s0 =	sand.u32 $0x1, s1  }
0x8c: {  	s16 =	sshll.u32 s0, $0xA;
	s2 =	sadd.s32 s3, s2  }
0x8d: {  	s2 =	sadd.s32 s2, s16  }
0x8e: {  	[smem:$0x3FC2] =	sst s2  }
0x8f: {  	_ = 	snop  }
0x90: {  	(tm) =	ssettm $0x1  }
0x91: {  	s17 =	sld [smem:$0x3FFB];
	_ =	sdelay $0x3  }
0x92: {  	_ =	strace s17  }
0x93: {  	s2 =	sld [smem:$0x3FFC];
	_ =	sdelay $0x3  }
0x94: {  	_ =	strace s2  }
0x95: {  	s2 =	sld [smem:$0x3FFD];
	_ =	sdelay $0x3  }
0x96: {  	_ =	strace s2  }
0x97: {  	_ =	strace $0x8FFFFFFF  }
0x98: {  	s18 =	sld [smem:$0x3FDB];
	_ =	sdelay $0x1  }
0x99: {  	s19 =	simm.s32 $_scs_section_size  }
0x9a: {  	s4 =	simm.s32 $_size__tile_overlayer_lowered;
	s5 =	simm.s32 $_tile_overlayer_lowered  }
0x9b: {  	s22 =	simm.s32 $0x1BFF;
	s21 =	sshll.u32 s5, $0x1;
	s2 =	sadd.s32 s19, s18  }
0x9c: {  	s6 =	simm.s32 $0x0;
	s20 =	sshll.u32 s4, $0x1;
	s4 =	sadd.s32 s21, s2  }
0x9d: {  	[timem:s6], [sflag:s22] =	dma.local [hbm:s4], s20  }
0x9e: {  	_ =	swait.ge [sflag:s22], s20  }
0x9f: {  	s3 =	ssub.s32 $0x0, s20;
	[sflag:s22] =	ssyncset.done $0x0  }
0xa0: {  	[sflag:s22] =	ssyncadd.s32 s3;
	_ =	sdelay $0x1  }
0xa1: {  	s23 =	simm.s32 $0x1B8B  }
0xa2: {  	_ =	swait.ge [sflag:s23], $0x1  }
0xa3: {  	[sflag:s23] =	ssyncset.done $0x0  }
0xa4: {  	s25 =	simm.s32 $0x1B8E;
	s24 =	sld [smem:$0x3FFE];
	[sflag:s23] =	ssyncadd.s32 $0xFFFFFFFF  }
0xa5: {  	s26 =	simm.s32 $execute0_lowered;
	[smem:$0x3FD2] =	sst s25  }
0xa6: {  	s4 =	sshll.u32 s26, $0x1;
	_ =	strace $0x80000049;
	[dreg:$0x1] =	wrdreg $0xFFFFFFFF  }
0xa7: {  	s28 =	simm.s32 $_size_execute0_lowered;
	s2 =	sadd.s32 s2, s4;
	[dreg:$0x0] =	wrdreg $0x0  }
0xa8: {  	s4 =	sshll.u32 s28, $0x1;
	[dreg:$0x2] =	wrdreg s2  }
0xa9: {  	[dreg:$0x3] =	wrdreg s4  }
0xaa: {  	[dreg:$0x4] =	wrdreg $0xC0  }
0xab: {  	_ =	task [dreg:s6], $0x5FFFF  }
0xac: {  	[dreg:$0x1] =	wrdreg $0xFFFFFFFF  }
0xad: {  	[dreg:$0x0] =	wrdreg $0x60  }
0xae: {  	[dreg:$0x2] =	wrdreg s24  }
0xaf: {  	[dreg:$0x3] =	wrdreg $0x0  }
0xb0: {  	[dreg:$0x4] =	wrdreg $0x9  }
0xb1: {  	_ =	task.clear_ibuf [dreg:s6], $0x5FFFF;
	_ =	strace $0x90000049  }
0xb2: {  	s29 =	simm.s32 $0x9;
	_ =	strace $0x8000004B  }
0xb3: {  	_ =	swait.ge [sflag:s29], $0x1  }
0xb4: {  	[sflag:s29] =	ssyncadd.s32 $0xFFFFFFFF  }
0xb5: {  	_ =	strace $0x9000004B  }
0xb6: {  	_ =	sfence  }
0xb7: {  	s30 =	sld [smem:$0x0];
	_ =	sdelay $0x2  }
0xb8: {  	s31 =	sshll.u32 s1, $0xD;
	s1 =	sshrl.u32 s1, $0x2  }
0xb9: {  	s3 =	sand.u32 $0x4000, s31;
	s1 =	sadd.s32 s1, s30  }
0xba: {  	s0 =	sor.u32 s3, s0;
	s1 =	sshll.u32 s1, $0x11  }
0xbb: {  	s0 =	sor.u32 s1, s0  }
0xbc: {  	s0 =	sadd.s32 $0x8F2B, s0  }
0xbd: {  	[sflag:s0] =	ssyncadd.remote.s32 $0x1  }
0xbe: {  	_ =	sfence.sel $0xFFFF  }
0xbf: {  	[dreg:$0x0] =	wrdreg $0xFFFFFFFF;
	(pc) =	sbr.abs _section_cstart, $3  }
0xc0: {  	[dreg:$0x1] =	wrdreg $0xFFFFFFFF  }
0xc1: {  	_ =	task.clear_ibuf [dreg:s6], $0x2FFFF;
	_ =	strace $0x9FFFFFFF  }
0xc2: {  	(tm) =	ssettm $0x7FFFFFFF  }
0xc3: {  	_ =	shalt  }
tec
execute0_lowered:
.L_overlay_start_1:
0x0: {  	(tag) =	ssettag $0x1  }
0x1: {  	s26 =	stileid.u32  }
0x2: {  	s0 =	srdreg.scid;
	s30 =	rddreg [dreg:$0x1]  }
0x3: {  	s16 =	rddreg [dreg:$0x2];
	s4 =	sand.u32 $0x1, s0;
	s1 =	sshll.u32 s26, $0x1  }
0x4: {  	s29 =	simm.s32 $0x0;
	s28 =	simm.s32 $0x2800;
	s1 =	sor.u32 s4, s1  }
0x5: {  	p0 =	por $0x0, $0x0;
	[smem:$0x7FF] =	sst s29;
	s5 =	smul.u32 $0x2710, s1  }
0x6: {  	s0 =	rddreg [dreg:$0x0];
	_ =	strace $0x8000004A;
	s2 =	smul.u32 $0x28000, s4  }
0x7: {  	s4 =	ssub.s32 $0x2, s4;
	s1 =	sadd.s32 $0x1A00, s0;
	s3 =	sshrl.u32 s5, $0x3  }
0x8: {  	s9 =	sadd.s32 $0x3E8, s5;
	s7 =	sadd.s32 $0x4E5E8, s5;
	s14 =	sadd.s32 $0xBB8, s5  }
0x9: {  	s17 =	sadd.s32 $0x4EDB8, s5;
	s20 =	sadd.s32 $0x1388, s5;
	s12 =	sadd.s32 s1, s3  }
0xa: {  	s3 =	sshrl.u32 s9, $0x3;
	s10 =	sshrl.u32 s7, $0x3;
	s18 =	sshrl.u32 s17, $0x3  }
0xb: {  	s7 =	smul.u32 $0x2800, s26;
	s6 =	sadd.s32 $0x9C40, s12;
	[dreg:$0x18] =	wrdreg s12  }
0xc: {  	s9 =	sadd.s32 $0x4F588, s5;
	s3 =	sadd.s32 s1, s3;
	[dreg:$0x3] =	wrdreg s6  }
0xd: {  	s11 =	sadd.s32 s1, s10;
	s13 =	sadd.s32 $0xFA, s12;
	[dreg:$0x4] =	wrdreg s3  }
0xe: {  	s15 =	sadd.s32 $0x9D3A, s12;
	s19 =	sadd.s32 $0x1F4, s12;
	[dreg:$0x5] =	wrdreg s11  }
0xf: {  	s8 =	sadd.s32 $0x9E34, s12;
	s21 =	sshrl.u32 s9, $0x3;
	[dreg:$0x6] =	wrdreg s13  }
0x10: {  	s25 =	sadd.s32 $0x2EE, s12;
	s10 =	sadd.s32 $0x9F2E, s12;
	[dreg:$0x7] =	wrdreg s15  }
0x11: {  	s17 =	sadd.s32 $0x3E8, s12;
	s3 =	sshrl.u32 s14, $0x3;
	[dreg:$0xa] =	wrdreg s19  }
0x12: {  	s6 =	sadd.s32 s1, s18;
	[dreg:$0xb] =	wrdreg s8;
	s22 =	sshrl.u32 s7, $0x3  }
0x13: {  	s23 =	sadd.s32 s1, s21;
	[dreg:$0xe] =	wrdreg s25;
	s13 =	sadd.s32 $0x1B58, s5  }
0x14: {  	s11 =	sadd.s32 $0x4FD58, s5;
	[dreg:$0xf] =	wrdreg s10;
	s9 =	sadd.s32 s7, s2  }
0x15: {  	[dreg:$0x12] =	wrdreg s17;
	s18 =	sadd.s32 $0x2328, s5;
	s19 =	sadd.s32 $0xA028, s12  }
0x16: {  	s5 =	sadd.s32 $0x50528, s5;
	s12 =	simm.s32 $0x3E8;
	s17 =	simm.s32 $0x1  }
0x17: {  	s10 =	simm.s32 $0x2;
	s3 =	sadd.s32 s1, s3;
	[dreg:$0x9] =	wrdreg s6  }
0x18: {  	s6 =	sshrl.u32 s20, $0x3;
	s24 =	sadd.s32 s22, s0;
	[dreg:$0xd] =	wrdreg s23  }
0x19: {  	s14 =	sshrl.u32 s11, $0x3;
	s9 =	sshrl.u32 s9, $0x3;
	[dreg:$0x13] =	wrdreg s19  }
0x1a: {  	s5 =	sshrl.u32 s5, $0x3;
	s20 =	sshrl.u32 s4, $0x1;
	s22 =	sadd.s32 s7, s30  }
0x1b: {  	s7 =	simm.s32 $0x3;
	[dreg:$0x8] =	wrdreg s3;
	s3 =	sadd.s32 $0x1F400, s0  }
0x1c: {  	s6 =	sadd.s32 s1, s6;
	s15 =	sadd.s32 s1, s14;
	s0 =	sadd.s32 s9, s0  }
0x1d: {  	s21 =	ssub.s32 s4, s20;
	s23 =	sadd.s32 $0x1A400, s24;
	[dreg:$0xc] =	wrdreg s6  }
0x1e: {  	s24 =	sshll.u32 s26, $0x6;
	s4 =	simm.s32 $0x33B8;
	[dreg:$0x11] =	wrdreg s15  }
0x1f: {  	s6 =	sshrl.u32 s13, $0x3;
	[dreg:$0x16] =	wrdreg s23;
	s31 =	sor.u32 $0x1C07, s24  }
0x20: {  	s0 =	sadd.s32 $0x24400, s0;
	s25 =	smax.u32 s21, $0x1;
	s21 =	simm.s32 $0x6  }
0x21: {  	s6 =	sadd.s32 s1, s6;
	[dreg:$0x17] =	wrdreg s0;
	p1 =	sne.s32 s25, $0x1  }
.Ltmp0:
0x22: {  	[dreg:$0x10] =	wrdreg s6;
	s6 =	sshrl.u32 s18, $0x3;
	(pc) =	sbr.rel @!p1 .LBB2_1-.Ltmp0, $4  }
0x23: {  	s15 =	simm.s32 $0x7620;
	s24 =	rddreg [dreg:$0x16];
	s6 =	sadd.s32 s1, s6  }
0x24: {  	s13 =	simm.s32 $0xB4A0;
	s1 =	sadd.s32 s1, s5;
	[dreg:$0x14] =	wrdreg s6  }
0x25: {  	s5 =	sshrl.u32 s22, $0x3;
	s22 =	simm.s32 $0x5;
	[dreg:$0x15] =	wrdreg s1  }
0x26: {  	s1 =	sadd.s32 $0xFFFFFFFF, s25;
	s6 =	simm.s32 $0x7;
	s25 =	simm.s32 $0x4  }
0x27: {  	s0 =	rddreg [dreg:$0x18]  }
0x28: {  	[tilespmem:s28], [sflag:$0x6] =	stream.linear.gather [hbm4b:s0+s29], $0x3E8, $0x38;
	[tilespmem:$0x17020] =	vst v63  }
0x29: {  	s23 =	rddreg [dreg:$0x3];
	s11 =	simm.s32 $0x4F10  }
0x2a: {  	[tilespmem:s11], [sflag:$0x6] =	stream.linear.gather [hbm4b:s23+s29], $0x3E8, $0x38;
	[tilespmem:$0x17020] =	vst v63  }
0x2b: {  	s18 =	rddreg [dreg:$0x4];
	s19 =	simm.s32 $0x2BE8  }
0x2c: {  	[tilespmem:s19], [sflag:$0x6] =	stream.linear.gather [hbm4b:s18+s29], $0x3E8, $0x38;
	[tilespmem:$0x17020] =	vst v63  }
0x2d: {  	s20 =	rddreg [dreg:$0x5];
	s9 =	simm.s32 $0x52F8  }
0x2e: {  	[tilespmem:s9], [sflag:$0x6] =	stream.linear.gather [hbm4b:s20+s29], $0x3E8, $0x38;
	[tilespmem:$0x17020] =	vst v63  }
0x2f: {  	s22 =	rddreg [dreg:$0x6];
	s2 =	simm.s32 $0x2FD0  }
0x30: {  	[tilespmem:s2], [sflag:$0x6] =	stream.linear.gather [hbm4b:s22+s29], $0x3E8, $0x38;
	[tilespmem:$0x17020] =	vst v63  }
0x31: {  	s25 =	rddreg [dreg:$0x7];
	s0 =	simm.s32 $0x56E0  }
0x32: {  	[tilespmem:s0], [sflag:$0x6] =	stream.linear.gather [hbm4b:s25+s29], $0x3E8, $0x38;
	[tilespmem:$0x17020] =	vst v63  }
0x33: {  	s6 =	rddreg [dreg:$0x8]  }
0x34: {  	[tilespmem:s4], [sflag:$0x6] =	stream.linear.gather [hbm4b:s6+s29], $0x3E8, $0x38;
	[tilespmem:$0x17020] =	vst v63  }
0x35: {  	s26 =	rddreg [dreg:$0x9];
	s4 =	simm.s32 $0x5AC8  }
0x36: {  	[tilespmem:s4], [sflag:$0x6] =	stream.linear.gather [hbm4b:s26+s29], $0x3E8, $0x38;
	[tilespmem:$0x17020] =	vst v63  }
0x37: {  	s8 =	rddreg [dreg:$0xa];
	s22 =	simm.s32 $0x37A0  }
0x38: {  	[tilespmem:s22], [sflag:$0x6] =	stream.linear.gather [hbm4b:s8+s29], $0x3E8, $0x38;
	[tilespmem:$0x17020] =	vst v63  }
0x39: {  	s13 =	rddreg [dreg:$0xb];
	s14 =	simm.s32 $0x5EB0  }
0x3a: {  	[tilespmem:s14], [sflag:$0x6] =	stream.linear.gather [hbm4b:s13+s29], $0x3E8, $0x38;
	[tilespmem:$0x17020] =	vst v63  }
0x3b: {  	s15 =	rddreg [dreg:$0xc];
	s25 =	simm.s32 $0x3B88  }
0x3c: {  	[tilespmem:s25], [sflag:$0x6] =	stream.linear.gather [hbm4b:s15+s29], $0x3E8, $0x38;
	[tilespmem:$0x17020] =	vst v63  }
0x3d: {  	s16 =	rddreg [dreg:$0xd];
	s20 =	simm.s32 $0x6298  }
0x3e: {  	[tilespmem:s20], [sflag:$0x6] =	stream.linear.gather [hbm4b:s16+s29], $0x3E8, $0x38;
	[tilespmem:$0x17020] =	vst v63  }
0x3f: {  	s6 =	simm.s32 $0x3F70;
	s8 =	rddreg [dreg:$0xe]  }
0x40: {  	[tilespmem:s6], [sflag:$0x6] =	stream.linear.gather [hbm4b:s8+s29], $0x3E8, $0x38;
	[tilespmem:$0x17020] =	vst v63  }
0x41: {  	s18 =	rddreg [dreg:$0xf];
	s26 =	simm.s32 $0x6680  }
0x42: {  	[tilespmem:s26], [sflag:$0x6] =	stream.linear.gather [hbm4b:s18+s29], $0x3E8, $0x38;
	[tilespmem:$0x17020] =	vst v63  }
0x43: {  	s15 =	simm.s32 $0x4358;
	s16 =	rddreg [dreg:$0x10]  }
0x44: {  	[tilespmem:s15], [sflag:$0x6] =	stream.linear.gather [hbm4b:s16+s29], $0x3E8, $0x38;
	[tilespmem:$0x17020] =	vst v63  }
0x45: {  	s8 =	rddreg [dreg:$0x11];
	s16 =	simm.s32 $0x6A68  }
0x46: {  	[tilespmem:s16], [sflag:$0x6] =	stream.linear.gather [hbm4b:s8+s29], $0x3E8, $0x38;
	[tilespmem:$0x17020] =	vst v63  }
0x47: {  	s26 =	rddreg [dreg:$0x12];
	s16 =	simm.s32 $0x4740  }
0x48: {  	[tilespmem:s16], [sflag:$0x6] =	stream.linear.gather [hbm4b:s26+s29], $0x3E8, $0x38;
	[tilespmem:$0x17020] =	vst v63  }
0x49: {  	s23 =	rddreg [dreg:$0x13];
	s8 =	simm.s32 $0x6E50  }
0x4a: {  	[tilespmem:s8], [sflag:$0x6] =	stream.linear.gather [hbm4b:s23+s29], $0x3E8, $0x38;
	[tilespmem:$0x17020] =	vst v63  }
0x4b: {  	s26 =	rddreg [dreg:$0x14];
	s8 =	simm.s32 $0x4B28  }
0x4c: {  	[tilespmem:s8], [sflag:$0x6] =	stream.linear.gather [hbm4b:s26+s29], $0x3E8, $0x38;
	[tilespmem:$0x17020] =	vst v63  }
0x4d: {  	s13 =	simm.s32 $0x7;
	s23 =	rddreg [dreg:$0x15];
	s26 =	simm.s32 $0x7238  }
0x4e: {  	[tilespmem:s26], [sflag:$0x6] =	stream.linear.gather [hbm4b:s23+s29], $0x3E8, $0x38;
	[tilespmem:$0x17020] =	vst v63  }
0x4f: {  	[spmem:s5], [sflag:s31] =	dma.local [hbm:s24], $0x500  }
0x50: {  	_ =	swait.ge [sflag:s13], $0x500  }
0x51: {  	[sflag:s13] =	ssyncset.done $0x0  }
0x52: {  	[sflag:s13] =	ssyncadd.s32 $0xFFFFFB00  }
0x53: {  	_ =	swait.ge [sflag:s21], $0x3E8  }
0x54: {  	[sflag:s21] =	ssyncset.done $0x0  }
0x55: {  	[sflag:s21] =	ssyncadd.s32 $0xFFFFFC18  }
0x56: {  	_ =	swait.ge [sflag:s21], $0x3E8  }
0x57: {  	[sflag:s21] =	ssyncset.done $0x0  }
0x58: {  	[sflag:s21] =	ssyncadd.s32 $0xFFFFFC18  }
0x59: {  	_ =	swait.ge [sflag:s21], $0x3E8  }
0x5a: {  	[sflag:s21] =	ssyncset.done $0x0  }
0x5b: {  	[sflag:s21] =	ssyncadd.s32 $0xFFFFFC18  }
0x5c: {  	_ =	swait.ge [sflag:s21], $0x3E8  }
0x5d: {  	[sflag:s21] =	ssyncset.done $0x0  }
0x5e: {  	[sflag:s21] =	ssyncadd.s32 $0xFFFFFC18  }
0x5f: {  	_ =	swait.ge [sflag:s21], $0x3E8  }
0x60: {  	[sflag:s21] =	ssyncset.done $0x0  }
0x61: {  	[sflag:s21] =	ssyncadd.s32 $0xFFFFFC18  }
0x62: {  	_ =	swait.ge [sflag:s21], $0x3E8  }
0x63: {  	[sflag:s21] =	ssyncset.done $0x0  }
0x64: {  	[sflag:s21] =	ssyncadd.s32 $0xFFFFFC18  }
0x65: {  	_ =	swait.ge [sflag:s21], $0x3E8  }
0x66: {  	[sflag:s21] =	ssyncset.done $0x0  }
0x67: {  	[sflag:s21] =	ssyncadd.s32 $0xFFFFFC18  }
0x68: {  	_ =	swait.ge [sflag:s21], $0x3E8  }
0x69: {  	[sflag:s21] =	ssyncset.done $0x0  }
0x6a: {  	[sflag:s21] =	ssyncadd.s32 $0xFFFFFC18  }
0x6b: {  	_ =	swait.ge [sflag:s21], $0x3E8  }
0x6c: {  	[sflag:s21] =	ssyncset.done $0x0  }
0x6d: {  	[sflag:s21] =	ssyncadd.s32 $0xFFFFFC18  }
0x6e: {  	_ =	swait.ge [sflag:s21], $0x3E8  }
0x6f: {  	[sflag:s21] =	ssyncset.done $0x0  }
0x70: {  	[sflag:s21] =	ssyncadd.s32 $0xFFFFFC18  }
0x71: {  	_ =	swait.ge [sflag:s21], $0x3E8  }
0x72: {  	[sflag:s21] =	ssyncset.done $0x0  }
0x73: {  	[sflag:s21] =	ssyncadd.s32 $0xFFFFFC18  }
0x74: {  	_ =	swait.ge [sflag:s21], $0x3E8  }
0x75: {  	[sflag:s21] =	ssyncset.done $0x0  }
0x76: {  	[sflag:s21] =	ssyncadd.s32 $0xFFFFFC18  }
0x77: {  	_ =	swait.ge [sflag:s21], $0x3E8  }
0x78: {  	[sflag:s21] =	ssyncset.done $0x0  }
0x79: {  	[sflag:s21] =	ssyncadd.s32 $0xFFFFFC18  }
0x7a: {  	_ =	swait.ge [sflag:s21], $0x3E8  }
0x7b: {  	[sflag:s21] =	ssyncset.done $0x0  }
0x7c: {  	[sflag:s21] =	ssyncadd.s32 $0xFFFFFC18  }
0x7d: {  	_ =	swait.ge [sflag:s21], $0x3E8  }
0x7e: {  	[sflag:s21] =	ssyncset.done $0x0  }
0x7f: {  	[sflag:s21] =	ssyncadd.s32 $0xFFFFFC18  }
0x80: {  	_ =	swait.ge [sflag:s21], $0x3E8  }
0x81: {  	[sflag:s21] =	ssyncset.done $0x0  }
0x82: {  	[sflag:s21] =	ssyncadd.s32 $0xFFFFFC18  }
0x83: {  	_ =	swait.ge [sflag:s21], $0x3E8  }
0x84: {  	[sflag:s21] =	ssyncset.done $0x0  }
0x85: {  	[sflag:s21] =	ssyncadd.s32 $0xFFFFFC18  }
0x86: {  	_ =	swait.ge [sflag:s21], $0x3E8  }
0x87: {  	[sflag:s21] =	ssyncset.done $0x0  }
0x88: {  	[sflag:s21] =	ssyncadd.s32 $0xFFFFFC18  }
0x89: {  	_ =	swait.ge [sflag:s21], $0x3E8  }
0x8a: {  	[sflag:s21] =	ssyncset.done $0x0  }
0x8b: {  	[sflag:s21] =	ssyncadd.s32 $0xFFFFFC18  }
0x8c: {  	_ =	swait.ge [sflag:s21], $0x3E8  }
0x8d: {  	[sflag:s21] =	ssyncset.done $0x0  }
0x8e: {  	[sflag:s21] =	ssyncadd.s32 $0xFFFFFC18  }
0x8f: {  	s18 =	simm.s32 $0x7620;
	[bflag:$0x0] =	sbarrier.arrive $0xFFFF  }
0x90: {  	[tilespmem:s18], [sflag:$0x1] =	stream.indirect.gather [hbm4b:s3+s12], $0x10, s28, s12, $0xb8;
	[tilespmem:$0x17020] =	vst v63  }
0x91: {  	s13 =	simm.s32 $0xB4A0  }
0x92: {  	[tilespmem:s13], [sflag:$0x1] =	stream.indirect.gather [hbm4b:s3+s12], $0x10, s19, s12, $0xb8;
	[tilespmem:$0x17020] =	vst v63  }
0x93: {  	s19 =	simm.s32 $0xF320  }
0x94: {  	[tilespmem:s19], [sflag:$0x1] =	stream.indirect.gather [hbm4b:s3+s12], $0x10, s2, s12, $0xb8;
	[tilespmem:$0x17020] =	vst v63  }
0x95: {  	_ =	swait.ge [sflag:s17], $0x3E80  }
0x96: {  	[sflag:s17] =	ssyncset.done $0x0  }
0x97: {  	[sflag:s17] =	ssyncadd.s32 $0xFFFFC180  }
0x98: {  	[spmem:s30] =	stream.indirect.scatter.add.f32 [tilespmem:s18], [sflag:$0x2], $0x10, s11, s12, $0xb8;
	[tilespmem:$0x17020] =	vst v63  }
0x99: {  	s26 =	simm.s32 $0x33B8;
	s24 =	simm.s32 $0x131A0  }
0x9a: {  	[tilespmem:s24], [sflag:$0x1] =	stream.indirect.gather [hbm4b:s3+s12], $0x10, s26, s12, $0xb8;
	[tilespmem:$0x17020] =	vst v63  }
0x9b: {  	_ =	swait.ge [sflag:s17], $0x3E80  }
0x9c: {  	[sflag:s17] =	ssyncset.done $0x0  }
0x9d: {  	[sflag:s17] =	ssyncadd.s32 $0xFFFFC180  }
0x9e: {  	[spmem:s30] =	stream.indirect.scatter.add.f32 [tilespmem:s13], [sflag:$0x3], $0x10, s9, s12, $0xb8;
	[tilespmem:$0x17020] =	vst v63  }
0x9f: {  	_ =	swait.ge [sflag:s10], $0x3E80  }
0xa0: {  	[sflag:s10] =	ssyncset.done $0x0  }
0xa1: {  	[sflag:s10] =	ssyncadd.s32 $0xFFFFC180  }
0xa2: {  	[tilespmem:s18], [sflag:$0x1] =	stream.indirect.gather [hbm4b:s3+s12], $0x10, s22, s12, $0xb8;
	[tilespmem:$0x17020] =	vst v63  }
0xa3: {  	_ =	swait.ge [sflag:s17], $0x3E80  }
0xa4: {  	[sflag:s17] =	ssyncset.done $0x0  }
0xa5: {  	[sflag:s17] =	ssyncadd.s32 $0xFFFFC180  }
0xa6: {  	[spmem:s30] =	stream.indirect.scatter.add.f32 [tilespmem:s19], [sflag:$0x4], $0x10, s0, s12, $0xb8;
	[tilespmem:$0x17020] =	vst v63  }
0xa7: {  	_ =	swait.ge [sflag:s7], $0x3E80  }
0xa8: {  	[sflag:s7] =	ssyncset.done $0x0  }
0xa9: {  	[sflag:s7] =	ssyncadd.s32 $0xFFFFC180  }
0xaa: {  	[tilespmem:s13], [sflag:$0x1] =	stream.indirect.gather [hbm4b:s3+s12], $0x10, s25, s12, $0xb8;
	[tilespmem:$0x17020] =	vst v63  }
0xab: {  	_ =	swait.ge [sflag:s17], $0x3E80  }
0xac: {  	[sflag:s17] =	ssyncset.done $0x0  }
0xad: {  	s25 =	simm.s32 $0x4;
	[sflag:s17] =	ssyncadd.s32 $0xFFFFC180  }
0xae: {  	[spmem:s30] =	stream.indirect.scatter.add.f32 [tilespmem:s24], [sflag:$0x5], $0x10, s4, s12, $0xb8;
	[tilespmem:$0x17020] =	vst v63  }
0xaf: {  	_ =	swait.ge [sflag:s25], $0x3E80  }
0xb0: {  	[sflag:s25] =	ssyncset.done $0x0  }
0xb1: {  	[sflag:s25] =	ssyncadd.s32 $0xFFFFC180  }
0xb2: {  	[tilespmem:s19], [sflag:$0x1] =	stream.indirect.gather [hbm4b:s3+s12], $0x10, s6, s12, $0xb8;
	[tilespmem:$0x17020] =	vst v63  }
0xb3: {  	_ =	swait.ge [sflag:s17], $0x3E80  }
0xb4: {  	[sflag:s17] =	ssyncset.done $0x0  }
0xb5: {  	s22 =	simm.s32 $0x5;
	[sflag:s17] =	ssyncadd.s32 $0xFFFFC180  }
0xb6: {  	[spmem:s30] =	stream.indirect.scatter.add.f32 [tilespmem:s18], [sflag:$0x2], $0x10, s14, s12, $0xb8;
	[tilespmem:$0x17020] =	vst v63  }
0xb7: {  	_ =	swait.ge [sflag:s22], $0x3E80  }
0xb8: {  	[sflag:s22] =	ssyncset.done $0x0  }
0xb9: {  	[sflag:s22] =	ssyncadd.s32 $0xFFFFC180  }
0xba: {  	[tilespmem:s24], [sflag:$0x1] =	stream.indirect.gather [hbm4b:s3+s12], $0x10, s15, s12, $0xb8;
	[tilespmem:$0x17020] =	vst v63  }
0xbb: {  	_ =	swait.ge [sflag:s17], $0x3E80  }
0xbc: {  	[sflag:s17] =	ssyncset.done $0x0  }
0xbd: {  	[sflag:s17] =	ssyncadd.s32 $0xFFFFC180  }
0xbe: {  	[spmem:s30] =	stream.indirect.scatter.add.f32 [tilespmem:s13], [sflag:$0x3], $0x10, s20, s12, $0xb8;
	[tilespmem:$0x17020] =	vst v63  }
0xbf: {  	_ =	swait.ge [sflag:s10], $0x3E80  }
0xc0: {  	[sflag:s10] =	ssyncset.done $0x0  }
0xc1: {  	s15 =	simm.s32 $0x7620;
	[sflag:s10] =	ssyncadd.s32 $0xFFFFC180  }
0xc2: {  	[tilespmem:s15], [sflag:$0x1] =	stream.indirect.gather [hbm4b:s3+s12], $0x10, s16, s12, $0xb8;
	[tilespmem:$0x17020] =	vst v63  }
0xc3: {  	_ =	swait.ge [sflag:s17], $0x3E80  }
0xc4: {  	[sflag:s17] =	ssyncset.done $0x0  }
0xc5: {  	s18 =	simm.s32 $0x6680;
	[sflag:s17] =	ssyncadd.s32 $0xFFFFC180  }
0xc6: {  	[spmem:s30] =	stream.indirect.scatter.add.f32 [tilespmem:s19], [sflag:$0x4], $0x10, s18, s12, $0xb8;
	[tilespmem:$0x17020] =	vst v63  }
0xc7: {  	_ =	swait.ge [sflag:s7], $0x3E80  }
0xc8: {  	[sflag:s7] =	ssyncset.done $0x0  }
0xc9: {  	[sflag:s7] =	ssyncadd.s32 $0xFFFFC180  }
0xca: {  	[tilespmem:s13], [sflag:$0x1] =	stream.indirect.gather [hbm4b:s3+s12], $0x10, s8, s12, $0xb8;
	[tilespmem:$0x17020] =	vst v63  }
0xcb: {  	_ =	swait.ge [sflag:s17], $0x3E80  }
0xcc: {  	[sflag:s17] =	ssyncset.done $0x0  }
0xcd: {  	s20 =	simm.s32 $0x6A68;
	[sflag:s17] =	ssyncadd.s32 $0xFFFFC180  }
0xce: {  	[spmem:s30] =	stream.indirect.scatter.add.f32 [tilespmem:s24], [sflag:$0x5], $0x10, s20, s12, $0xb8;
	[tilespmem:$0x17020] =	vst v63  }
0xcf: {  	_ =	swait.ge [sflag:s17], $0x3E80  }
0xd0: {  	[sflag:s17] =	ssyncset.done $0x0  }
0xd1: {  	s24 =	simm.s32 $0x6E50;
	[sflag:s17] =	ssyncadd.s32 $0xFFFFC180  }
0xd2: {  	[spmem:s30] =	stream.indirect.scatter.add.f32 [tilespmem:s15], [sflag:$0x2], $0x10, s24, s12, $0xb8;
	[tilespmem:$0x17020] =	vst v63  }
0xd3: {  	_ =	swait.ge [sflag:s17], $0x3E80  }
0xd4: {  	[sflag:s17] =	ssyncset.done $0x0  }
0xd5: {  	s23 =	simm.s32 $0x7238;
	[sflag:s17] =	ssyncadd.s32 $0xFFFFC180  }
0xd6: {  	[spmem:s30] =	stream.indirect.scatter.add.f32 [tilespmem:s13], [sflag:$0x3], $0x10, s23, s12, $0xb8;
	[tilespmem:$0x17020] =	vst v63  }
0xd7: {  	_ =	swait.ge [sflag:s25], $0x3E80  }
0xd8: {  	[sflag:s25] =	ssyncset.done $0x0  }
0xd9: {  	[sflag:s25] =	ssyncadd.s32 $0xFFFFC180  }
0xda: {  	_ =	swait.ge [sflag:s22], $0x3E80  }
0xdb: {  	[sflag:s22] =	ssyncset.done $0x0  }
0xdc: {  	[sflag:s22] =	ssyncadd.s32 $0xFFFFC180  }
0xdd: {  	_ =	swait.ge [sflag:s10], $0x3E80  }
0xde: {  	[sflag:s10] =	ssyncset.done $0x0  }
0xdf: {  	[sflag:s10] =	ssyncadd.s32 $0xFFFFC180  }
0xe0: {  	_ =	swait.ge [sflag:s7], $0x3E80  }
0xe1: {  	[sflag:s7] =	ssyncset.done $0x0  }
0xe2: {  	p1 =	sne.s32 s1, $0x1;
	[sflag:s7] =	ssyncadd.s32 $0xFFFFC180  }
.Ltmp1:
0xe3: {  	[bflag:$0x0] =	sbarrier.arrive $0xFFFF;
	(pc) =	sbr.rel @!p1 .LBB2_7-.Ltmp1, $4  }
0xe4: {  	s6 =	simm.s32 $0x7;
	s26 =	rddreg [dreg:$0x17]  }
0xe5: {  	[hbm:s26], [sflag:s31] =	dma.local [spmem:s5], $0x500  }
0xe6: {  	p0 =	por $0x1, $0x1;
	_ =	swait.ge [sflag:s6], $0x500;
	[dreg:$0x19] =	wrdreg s5  }
0xe7: {  	s23 =	sadd.s32 $0xFFFFFFFF, s1;
	s24 =	rddreg [dreg:$0x16];
	[sflag:s6] =	ssyncset.done $0x0  }
0xe8: {  	s9 =	simm.s32 $0x52F8  }
0xe9: {  	s2 =	simm.s32 $0x33B8;
	s4 =	simm.s32 $0x5AC8;
	s8 =	simm.s32 $0x5EB0  }
0xea: {  	s20 =	simm.s32 $0x6298;
	s18 =	simm.s32 $0x7620;
	s16 =	simm.s32 $0x4740  }
.LBB2_4:
0xeb: {  	[sflag:s6] =	ssyncadd.s32 $0xFFFFFB00;
	s0 =	rddreg [dreg:$0x18]  }
0xec: {  	[tilespmem:s28], [sflag:$0x6] =	stream.linear.gather [hbm4b:s0+s29], $0x3E8, $0x38;
	[tilespmem:$0x17020] =	vst v63  }
0xed: {  	s26 =	rddreg [dreg:$0x3];
	s11 =	simm.s32 $0x4F10  }
0xee: {  	[tilespmem:s11], [sflag:$0x6] =	stream.linear.gather [hbm4b:s26+s29], $0x3E8, $0x38;
	[tilespmem:$0x17020] =	vst v63  }
0xef: {  	s19 =	simm.s32 $0x2BE8;
	s28 =	rddreg [dreg:$0x4]  }
0xf0: {  	[tilespmem:s19], [sflag:$0x6] =	stream.linear.gather [hbm4b:s28+s29], $0x3E8, $0x38;
	[tilespmem:$0x17020] =	vst v63  }
0xf1: {  	s0 =	rddreg [dreg:$0x5]  }
0xf2: {  	[tilespmem:s9], [sflag:$0x6] =	stream.linear.gather [hbm4b:s0+s29], $0x3E8, $0x38;
	[tilespmem:$0x17020] =	vst v63  }
0xf3: {  	s5 =	smov.u32 s31;
	s31 =	simm.s32 $0x2FD0;
	s28 =	rddreg [dreg:$0x6]  }
0xf4: {  	[tilespmem:s31], [sflag:$0x6] =	stream.linear.gather [hbm4b:s28+s29], $0x3E8, $0x38;
	[tilespmem:$0x17020] =	vst v63  }
0xf5: {  	s1 =	rddreg [dreg:$0x7];
	s0 =	simm.s32 $0x56E0  }
0xf6: {  	[tilespmem:s0], [sflag:$0x6] =	stream.linear.gather [hbm4b:s1+s29], $0x3E8, $0x38;
	[tilespmem:$0x17020] =	vst v63  }
0xf7: {  	s28 =	rddreg [dreg:$0x8]  }
0xf8: {  	[tilespmem:s2], [sflag:$0x6] =	stream.linear.gather [hbm4b:s28+s29], $0x3E8, $0x38;
	[tilespmem:$0x17020] =	vst v63  }
0xf9: {  	s6 =	rddreg [dreg:$0x9]  }
0xfa: {  	[tilespmem:s4], [sflag:$0x6] =	stream.linear.gather [hbm4b:s6+s29], $0x3E8, $0x38;
	[tilespmem:$0x17020] =	vst v63  }
0xfb: {  	s22 =	simm.s32 $0x37A0;
	s28 =	rddreg [dreg:$0xa]  }
0xfc: {  	[tilespmem:s22], [sflag:$0x6] =	stream.linear.gather [hbm4b:s28+s29], $0x3E8, $0x38;
	[tilespmem:$0x17020] =	vst v63  }
0xfd: {  	s13 =	rddreg [dreg:$0xb]  }
0xfe: {  	[tilespmem:s8], [sflag:$0x6] =	stream.linear.gather [hbm4b:s13+s29], $0x3E8, $0x38;
	[tilespmem:$0x17020] =	vst v63  }
0xff: {  	s25 =	simm.s32 $0x3B88;
	s28 =	rddreg [dreg:$0xc]  }
0x100: {  	[tilespmem:s25], [sflag:$0x6] =	stream.linear.gather [hbm4b:s28+s29], $0x3E8, $0x38;
	[tilespmem:$0x17020] =	vst v63  }
0x101: {  	s14 =	rddreg [dreg:$0xd]  }
0x102: {  	[tilespmem:s20], [sflag:$0x6] =	stream.linear.gather [hbm4b:s14+s29], $0x3E8, $0x38;
	[tilespmem:$0x17020] =	vst v63  }
0x103: {  	s6 =	simm.s32 $0x3F70;
	s28 =	rddreg [dreg:$0xe]  }
0x104: {  	[tilespmem:s6], [sflag:$0x6] =	stream.linear.gather [hbm4b:s28+s29], $0x3E8, $0x38;
	[tilespmem:$0x17020] =	vst v63  }
0x105: {  	s15 =	rddreg [dreg:$0xf];
	s1 =	simm.s32 $0x6680  }
0x106: {  	[tilespmem:s1], [sflag:$0x6] =	stream.linear.gather [hbm4b:s15+s29], $0x3E8, $0x38;
	[tilespmem:$0x17020] =	vst v63  }
0x107: {  	s28 =	rddreg [dreg:$0x10];
	s15 =	simm.s32 $0x4358  }
0x108: {  	[tilespmem:s15], [sflag:$0x6] =	stream.linear.gather [hbm4b:s28+s29], $0x3E8, $0x38;
	[tilespmem:$0x17020] =	vst v63  }
0x109: {  	s14 =	simm.s32 $0x6A68;
	s1 =	rddreg [dreg:$0x11]  }
0x10a: {  	[tilespmem:s14], [sflag:$0x6] =	stream.linear.gather [hbm4b:s1+s29], $0x3E8, $0x38;
	[tilespmem:$0x17020] =	vst v63  }
0x10b: {  	s28 =	rddreg [dreg:$0x12]  }
0x10c: {  	[tilespmem:s16], [sflag:$0x6] =	stream.linear.gather [hbm4b:s28+s29], $0x3E8, $0x38;
	[tilespmem:$0x17020] =	vst v63  }
0x10d: {  	s1 =	rddreg [dreg:$0x13];
	s14 =	simm.s32 $0x6E50  }
0x10e: {  	[tilespmem:s14], [sflag:$0x6] =	stream.linear.gather [hbm4b:s1+s29], $0x3E8, $0x38;
	[tilespmem:$0x17020] =	vst v63  }
0x10f: {  	s28 =	rddreg [dreg:$0x14];
	s1 =	simm.s32 $0x4B28  }
0x110: {  	[tilespmem:s1], [sflag:$0x6] =	stream.linear.gather [hbm4b:s28+s29], $0x3E8, $0x38;
	[tilespmem:$0x17020] =	vst v63  }
0x111: {  	s26 =	rddreg [dreg:$0x15];
	s14 =	simm.s32 $0x7238  }
0x112: {  	[tilespmem:s14], [sflag:$0x6] =	stream.linear.gather [hbm4b:s26+s29], $0x3E8, $0x38;
	[tilespmem:$0x17020] =	vst v63  }
0x113: {  	s13 =	simm.s32 $0x7;
	s26 =	rddreg [dreg:$0x19]  }
0x114: {  	[spmem:s26], [sflag:s5] =	dma.local [hbm:s24], $0x500  }
0x115: {  	_ =	swait.ge [sflag:s13], $0x500  }
0x116: {  	[sflag:s13] =	ssyncset.done $0x0  }
0x117: {  	[sflag:s13] =	ssyncadd.s32 $0xFFFFFB00  }
0x118: {  	_ =	swait.ge [sflag:s21], $0x3E8  }
0x119: {  	[sflag:s21] =	ssyncset.done $0x0  }
0x11a: {  	[sflag:s21] =	ssyncadd.s32 $0xFFFFFC18  }
0x11b: {  	_ =	swait.ge [sflag:s21], $0x3E8  }
0x11c: {  	[sflag:s21] =	ssyncset.done $0x0  }
0x11d: {  	[sflag:s21] =	ssyncadd.s32 $0xFFFFFC18  }
0x11e: {  	_ =	swait.ge [sflag:s21], $0x3E8  }
0x11f: {  	[sflag:s21] =	ssyncset.done $0x0  }
0x120: {  	[sflag:s21] =	ssyncadd.s32 $0xFFFFFC18  }
0x121: {  	_ =	swait.ge [sflag:s21], $0x3E8  }
0x122: {  	[sflag:s21] =	ssyncset.done $0x0  }
0x123: {  	[sflag:s21] =	ssyncadd.s32 $0xFFFFFC18  }
0x124: {  	_ =	swait.ge [sflag:s21], $0x3E8  }
0x125: {  	[sflag:s21] =	ssyncset.done $0x0  }
0x126: {  	[sflag:s21] =	ssyncadd.s32 $0xFFFFFC18  }
0x127: {  	_ =	swait.ge [sflag:s21], $0x3E8  }
0x128: {  	[sflag:s21] =	ssyncset.done $0x0  }
0x129: {  	[sflag:s21] =	ssyncadd.s32 $0xFFFFFC18  }
0x12a: {  	_ =	swait.ge [sflag:s21], $0x3E8  }
0x12b: {  	[sflag:s21] =	ssyncset.done $0x0  }
0x12c: {  	[sflag:s21] =	ssyncadd.s32 $0xFFFFFC18  }
0x12d: {  	_ =	swait.ge [sflag:s21], $0x3E8  }
0x12e: {  	[sflag:s21] =	ssyncset.done $0x0  }
0x12f: {  	[sflag:s21] =	ssyncadd.s32 $0xFFFFFC18  }
0x130: {  	_ =	swait.ge [sflag:s21], $0x3E8  }
0x131: {  	[sflag:s21] =	ssyncset.done $0x0  }
0x132: {  	[sflag:s21] =	ssyncadd.s32 $0xFFFFFC18  }
0x133: {  	_ =	swait.ge [sflag:s21], $0x3E8  }
0x134: {  	[sflag:s21] =	ssyncset.done $0x0  }
0x135: {  	[sflag:s21] =	ssyncadd.s32 $0xFFFFFC18  }
0x136: {  	_ =	swait.ge [sflag:s21], $0x3E8  }
0x137: {  	[sflag:s21] =	ssyncset.done $0x0  }
0x138: {  	[sflag:s21] =	ssyncadd.s32 $0xFFFFFC18  }
0x139: {  	_ =	swait.ge [sflag:s21], $0x3E8  }
0x13a: {  	[sflag:s21] =	ssyncset.done $0x0  }
0x13b: {  	[sflag:s21] =	ssyncadd.s32 $0xFFFFFC18  }
0x13c: {  	_ =	swait.ge [sflag:s21], $0x3E8  }
0x13d: {  	[sflag:s21] =	ssyncset.done $0x0  }
0x13e: {  	[sflag:s21] =	ssyncadd.s32 $0xFFFFFC18  }
0x13f: {  	_ =	swait.ge [sflag:s21], $0x3E8  }
0x140: {  	[sflag:s21] =	ssyncset.done $0x0  }
0x141: {  	[sflag:s21] =	ssyncadd.s32 $0xFFFFFC18  }
0x142: {  	_ =	swait.ge [sflag:s21], $0x3E8  }
0x143: {  	[sflag:s21] =	ssyncset.done $0x0  }
0x144: {  	[sflag:s21] =	ssyncadd.s32 $0xFFFFFC18  }
0x145: {  	_ =	swait.ge [sflag:s21], $0x3E8  }
0x146: {  	[sflag:s21] =	ssyncset.done $0x0  }
0x147: {  	[sflag:s21] =	ssyncadd.s32 $0xFFFFFC18  }
0x148: {  	_ =	swait.ge [sflag:s21], $0x3E8  }
0x149: {  	[sflag:s21] =	ssyncset.done $0x0  }
0x14a: {  	[sflag:s21] =	ssyncadd.s32 $0xFFFFFC18  }
0x14b: {  	_ =	swait.ge [sflag:s21], $0x3E8  }
0x14c: {  	[sflag:s21] =	ssyncset.done $0x0  }
0x14d: {  	[sflag:s21] =	ssyncadd.s32 $0xFFFFFC18  }
0x14e: {  	_ =	swait.ge [sflag:s21], $0x3E8  }
0x14f: {  	[sflag:s21] =	ssyncset.done $0x0  }
0x150: {  	[sflag:s21] =	ssyncadd.s32 $0xFFFFFC18  }
0x151: {  	_ =	swait.ge [sflag:s21], $0x3E8  }
0x152: {  	[sflag:s21] =	ssyncset.done $0x0  }
0x153: {  	[sflag:s21] =	ssyncadd.s32 $0xFFFFFC18  }
0x154: {  	s28 =	simm.s32 $0x2800;
	[bflag:$0x0] =	sbarrier.arrive $0xFFFF  }
0x155: {  	[tilespmem:s18], [sflag:$0x1] =	stream.indirect.gather [hbm4b:s3+s12], $0x10, s28, s12, $0xb8;
	[tilespmem:$0x17020] =	vst v63  }
0x156: {  	s13 =	simm.s32 $0xB4A0  }
0x157: {  	[tilespmem:s13], [sflag:$0x1] =	stream.indirect.gather [hbm4b:s3+s12], $0x10, s19, s12, $0xb8;
	[tilespmem:$0x17020] =	vst v63  }
0x158: {  	s19 =	simm.s32 $0xF320  }
0x159: {  	[tilespmem:s19], [sflag:$0x1] =	stream.indirect.gather [hbm4b:s3+s12], $0x10, s31, s12, $0xb8;
	[tilespmem:$0x17020] =	vst v63  }
0x15a: {  	_ =	swait.ge [sflag:s17], $0x3E80  }
0x15b: {  	[sflag:s17] =	ssyncset.done $0x0  }
0x15c: {  	[sflag:s17] =	ssyncadd.s32 $0xFFFFC180  }
0x15d: {  	[spmem:s30] =	stream.indirect.scatter.add.f32 [tilespmem:s18], [sflag:$0x2], $0x10, s11, s12, $0xb8;
	[tilespmem:$0x17020] =	vst v63  }
0x15e: {  	s11 =	simm.s32 $0x131A0  }
0x15f: {  	[tilespmem:s11], [sflag:$0x1] =	stream.indirect.gather [hbm4b:s3+s12], $0x10, s2, s12, $0xb8;
	[tilespmem:$0x17020] =	vst v63  }
0x160: {  	_ =	swait.ge [sflag:s17], $0x3E80  }
0x161: {  	[sflag:s17] =	ssyncset.done $0x0  }
0x162: {  	[sflag:s17] =	ssyncadd.s32 $0xFFFFC180  }
0x163: {  	[spmem:s30] =	stream.indirect.scatter.add.f32 [tilespmem:s13], [sflag:$0x3], $0x10, s9, s12, $0xb8;
	[tilespmem:$0x17020] =	vst v63  }
0x164: {  	_ =	swait.ge [sflag:s10], $0x3E80  }
0x165: {  	[sflag:s10] =	ssyncset.done $0x0  }
0x166: {  	[sflag:s10] =	ssyncadd.s32 $0xFFFFC180  }
0x167: {  	[tilespmem:s18], [sflag:$0x1] =	stream.indirect.gather [hbm4b:s3+s12], $0x10, s22, s12, $0xb8;
	[tilespmem:$0x17020] =	vst v63  }
0x168: {  	_ =	swait.ge [sflag:s17], $0x3E80  }
0x169: {  	[sflag:s17] =	ssyncset.done $0x0  }
0x16a: {  	[sflag:s17] =	ssyncadd.s32 $0xFFFFC180  }
0x16b: {  	[spmem:s30] =	stream.indirect.scatter.add.f32 [tilespmem:s19], [sflag:$0x4], $0x10, s0, s12, $0xb8;
	[tilespmem:$0x17020] =	vst v63  }
0x16c: {  	_ =	swait.ge [sflag:s7], $0x3E80  }
0x16d: {  	[sflag:s7] =	ssyncset.done $0x0  }
0x16e: {  	[sflag:s7] =	ssyncadd.s32 $0xFFFFC180  }
0x16f: {  	[tilespmem:s13], [sflag:$0x1] =	stream.indirect.gather [hbm4b:s3+s12], $0x10, s25, s12, $0xb8;
	[tilespmem:$0x17020] =	vst v63  }
0x170: {  	_ =	swait.ge [sflag:s17], $0x3E80  }
0x171: {  	[sflag:s17] =	ssyncset.done $0x0  }
0x172: {  	s25 =	simm.s32 $0x4;
	[sflag:s17] =	ssyncadd.s32 $0xFFFFC180  }
0x173: {  	[spmem:s30] =	stream.indirect.scatter.add.f32 [tilespmem:s11], [sflag:$0x5], $0x10, s4, s12, $0xb8;
	[tilespmem:$0x17020] =	vst v63  }
0x174: {  	_ =	swait.ge [sflag:s25], $0x3E80  }
0x175: {  	[sflag:s25] =	ssyncset.done $0x0  }
0x176: {  	[sflag:s25] =	ssyncadd.s32 $0xFFFFC180  }
0x177: {  	[tilespmem:s19], [sflag:$0x1] =	stream.indirect.gather [hbm4b:s3+s12], $0x10, s6, s12, $0xb8;
	[tilespmem:$0x17020] =	vst v63  }
0x178: {  	_ =	swait.ge [sflag:s17], $0x3E80  }
0x179: {  	[sflag:s17] =	ssyncset.done $0x0  }
0x17a: {  	s22 =	simm.s32 $0x5;
	[sflag:s17] =	ssyncadd.s32 $0xFFFFC180  }
0x17b: {  	[spmem:s30] =	stream.indirect.scatter.add.f32 [tilespmem:s18], [sflag:$0x2], $0x10, s8, s12, $0xb8;
	[tilespmem:$0x17020] =	vst v63  }
0x17c: {  	_ =	swait.ge [sflag:s22], $0x3E80  }
0x17d: {  	[sflag:s22] =	ssyncset.done $0x0  }
0x17e: {  	[sflag:s22] =	ssyncadd.s32 $0xFFFFC180  }
0x17f: {  	[tilespmem:s11], [sflag:$0x1] =	stream.indirect.gather [hbm4b:s3+s12], $0x10, s15, s12, $0xb8;
	[tilespmem:$0x17020] =	vst v63  }
0x180: {  	_ =	swait.ge [sflag:s17], $0x3E80  }
0x181: {  	[sflag:s17] =	ssyncset.done $0x0  }
0x182: {  	[sflag:s17] =	ssyncadd.s32 $0xFFFFC180  }
0x183: {  	[spmem:s30] =	stream.indirect.scatter.add.f32 [tilespmem:s13], [sflag:$0x3], $0x10, s20, s12, $0xb8;
	[tilespmem:$0x17020] =	vst v63  }
0x184: {  	_ =	swait.ge [sflag:s10], $0x3E80  }
0x185: {  	[sflag:s10] =	ssyncset.done $0x0  }
0x186: {  	s15 =	simm.s32 $0x7620;
	[sflag:s10] =	ssyncadd.s32 $0xFFFFC180  }
0x187: {  	[tilespmem:s15], [sflag:$0x1] =	stream.indirect.gather [hbm4b:s3+s12], $0x10, s16, s12, $0xb8;
	[tilespmem:$0x17020] =	vst v63  }
0x188: {  	_ =	swait.ge [sflag:s17], $0x3E80  }
0x189: {  	[sflag:s17] =	ssyncset.done $0x0  }
0x18a: {  	s24 =	simm.s32 $0x6680;
	[sflag:s17] =	ssyncadd.s32 $0xFFFFC180  }
0x18b: {  	[spmem:s30] =	stream.indirect.scatter.add.f32 [tilespmem:s19], [sflag:$0x4], $0x10, s24, s12, $0xb8;
	[tilespmem:$0x17020] =	vst v63  }
0x18c: {  	_ =	swait.ge [sflag:s7], $0x3E80  }
0x18d: {  	[sflag:s7] =	ssyncset.done $0x0  }
0x18e: {  	[sflag:s7] =	ssyncadd.s32 $0xFFFFC180  }
0x18f: {  	[tilespmem:s13], [sflag:$0x1] =	stream.indirect.gather [hbm4b:s3+s12], $0x10, s1, s12, $0xb8;
	[tilespmem:$0x17020] =	vst v63  }
0x190: {  	_ =	swait.ge [sflag:s17], $0x3E80  }
0x191: {  	[sflag:s17] =	ssyncset.done $0x0  }
0x192: {  	s1 =	simm.s32 $0x6A68;
	[sflag:s17] =	ssyncadd.s32 $0xFFFFC180  }
0x193: {  	[spmem:s30] =	stream.indirect.scatter.add.f32 [tilespmem:s11], [sflag:$0x5], $0x10, s1, s12, $0xb8;
	[tilespmem:$0x17020] =	vst v63  }
0x194: {  	_ =	swait.ge [sflag:s17], $0x3E80  }
0x195: {  	[sflag:s17] =	ssyncset.done $0x0  }
0x196: {  	s11 =	simm.s32 $0x6E50;
	[sflag:s17] =	ssyncadd.s32 $0xFFFFC180  }
0x197: {  	[spmem:s30] =	stream.indirect.scatter.add.f32 [tilespmem:s15], [sflag:$0x2], $0x10, s11, s12, $0xb8;
	[tilespmem:$0x17020] =	vst v63  }
0x198: {  	_ =	swait.ge [sflag:s17], $0x3E80  }
0x199: {  	[sflag:s17] =	ssyncset.done $0x0  }
0x19a: {  	s14 =	simm.s32 $0x7238;
	[sflag:s17] =	ssyncadd.s32 $0xFFFFC180  }
0x19b: {  	[spmem:s30] =	stream.indirect.scatter.add.f32 [tilespmem:s13], [sflag:$0x3], $0x10, s14, s12, $0xb8;
	[tilespmem:$0x17020] =	vst v63  }
0x19c: {  	_ =	swait.ge [sflag:s25], $0x3E80  }
0x19d: {  	[sflag:s25] =	ssyncset.done $0x0  }
0x19e: {  	[sflag:s25] =	ssyncadd.s32 $0xFFFFC180  }
0x19f: {  	_ =	swait.ge [sflag:s22], $0x3E80  }
0x1a0: {  	[sflag:s22] =	ssyncset.done $0x0  }
0x1a1: {  	[sflag:s22] =	ssyncadd.s32 $0xFFFFC180  }
0x1a2: {  	_ =	swait.ge [sflag:s10], $0x3E80  }
0x1a3: {  	[sflag:s10] =	ssyncset.done $0x0  }
0x1a4: {  	[sflag:s10] =	ssyncadd.s32 $0xFFFFC180  }
0x1a5: {  	_ =	swait.ge [sflag:s7], $0x3E80  }
0x1a6: {  	[sflag:s7] =	ssyncset.done $0x0  }
0x1a7: {  	p1 =	sne.s32 s23, $0x1;
	[sflag:s7] =	ssyncadd.s32 $0xFFFFC180  }
.Ltmp2:
0x1a8: {  	[bflag:$0x0] =	sbarrier.arrive $0xFFFF;
	(pc) =	sbr.rel @p1 .LBB2_4-.Ltmp2, $4  }
0x1a9: {  	s6 =	simm.s32 $0x7;
	s19 =	rddreg [dreg:$0x17]  }
0x1aa: {  	[hbm:s19], [sflag:s5] =	dma.local [spmem:s26], $0x500  }
0x1ab: {  	s23 =	sadd.s32 $0xFFFFFFFF, s23;
	_ =	swait.ge [sflag:s6], $0x500  }
0x1ac: {  	s31 =	smov.u32 s5;
	s24 =	rddreg [dreg:$0x16];
	[sflag:s6] =	ssyncset.done $0x0  }
0x1ad: {  	s4 =	rddreg [dreg:$0x19]  }
0x1ae: {  	s0 =	rddreg [dreg:$0x18]  }
0x1af: {  	s26 =	stileid.u32;
	s16 =	rddreg [dreg:$0x2];
	s28 =	simm.s32 $0x2800  }
.LBB2_6:
0x1b0: {  	[sflag:s6] =	ssyncadd.s32 @p0 $0xFFFFFB00  }
0x1b1: {  	[tilespmem:s28], [sflag:$0x6] =	stream.linear.gather [hbm4b:s0+s29], $0x3E8, $0x38;
	[tilespmem:$0x17020] =	vst v63  }
0x1b2: {  	s23 =	rddreg [dreg:$0x3];
	s28 =	simm.s32 $0x4F10  }
0x1b3: {  	[tilespmem:s28], [sflag:$0x6] =	stream.linear.gather [hbm4b:s23+s29], $0x3E8, $0x38;
	[tilespmem:$0x17020] =	vst v63  }
0x1b4: {  	s20 =	rddreg [dreg:$0x4];
	s1 =	simm.s32 $0x2BE8  }
0x1b5: {  	[tilespmem:s1], [sflag:$0x6] =	stream.linear.gather [hbm4b:s20+s29], $0x3E8, $0x38;
	[tilespmem:$0x17020] =	vst v63  }
0x1b6: {  	s2 =	rddreg [dreg:$0x5];
	s11 =	simm.s32 $0x52F8  }
0x1b7: {  	[tilespmem:s11], [sflag:$0x6] =	stream.linear.gather [hbm4b:s2+s29], $0x3E8, $0x38;
	[tilespmem:$0x17020] =	vst v63  }
0x1b8: {  	s8 =	rddreg [dreg:$0x6];
	s0 =	simm.s32 $0x2FD0  }
0x1b9: {  	[tilespmem:s0], [sflag:$0x6] =	stream.linear.gather [hbm4b:s8+s29], $0x3E8, $0x38;
	[tilespmem:$0x17020] =	vst v63  }
0x1ba: {  	s9 =	rddreg [dreg:$0x7];
	s2 =	simm.s32 $0x56E0  }
0x1bb: {  	[tilespmem:s2], [sflag:$0x6] =	stream.linear.gather [hbm4b:s9+s29], $0x3E8, $0x38;
	[tilespmem:$0x17020] =	vst v63  }
0x1bc: {  	s14 =	rddreg [dreg:$0x8];
	s8 =	simm.s32 $0x33B8  }
0x1bd: {  	[tilespmem:s8], [sflag:$0x6] =	stream.linear.gather [hbm4b:s14+s29], $0x3E8, $0x38;
	[tilespmem:$0x17020] =	vst v63  }
0x1be: {  	s18 =	rddreg [dreg:$0x9];
	s9 =	simm.s32 $0x5AC8  }
0x1bf: {  	[tilespmem:s9], [sflag:$0x6] =	stream.linear.gather [hbm4b:s18+s29], $0x3E8, $0x38;
	[tilespmem:$0x17020] =	vst v63  }
0x1c0: {  	s19 =	rddreg [dreg:$0xa];
	s9 =	simm.s32 $0x37A0  }
0x1c1: {  	[tilespmem:s9], [sflag:$0x6] =	stream.linear.gather [hbm4b:s19+s29], $0x3E8, $0x38;
	[tilespmem:$0x17020] =	vst v63  }
0x1c2: {  	s31 =	rddreg [dreg:$0xb];
	s14 =	simm.s32 $0x5EB0  }
0x1c3: {  	[tilespmem:s14], [sflag:$0x6] =	stream.linear.gather [hbm4b:s31+s29], $0x3E8, $0x38;
	[tilespmem:$0x17020] =	vst v63  }
0x1c4: {  	s18 =	rddreg [dreg:$0xc];
	s14 =	simm.s32 $0x3B88  }
0x1c5: {  	[tilespmem:s14], [sflag:$0x6] =	stream.linear.gather [hbm4b:s18+s29], $0x3E8, $0x38;
	[tilespmem:$0x17020] =	vst v63  }
0x1c6: {  	s19 =	rddreg [dreg:$0xd];
	s18 =	simm.s32 $0x6298  }
0x1c7: {  	[tilespmem:s18], [sflag:$0x6] =	stream.linear.gather [hbm4b:s19+s29], $0x3E8, $0x38;
	[tilespmem:$0x17020] =	vst v63  }
0x1c8: {  	s31 =	rddreg [dreg:$0xe];
	s19 =	simm.s32 $0x3F70  }
0x1c9: {  	[tilespmem:s19], [sflag:$0x6] =	stream.linear.gather [hbm4b:s31+s29], $0x3E8, $0x38;
	[tilespmem:$0x17020] =	vst v63  }
0x1ca: {  	s18 =	rddreg [dreg:$0xf];
	s31 =	simm.s32 $0x6680  }
0x1cb: {  	[tilespmem:s31], [sflag:$0x6] =	stream.linear.gather [hbm4b:s18+s29], $0x3E8, $0x38;
	[tilespmem:$0x17020] =	vst v63  }
0x1cc: {  	s20 =	rddreg [dreg:$0x10];
	s31 =	simm.s32 $0x4358  }
0x1cd: {  	[tilespmem:s31], [sflag:$0x6] =	stream.linear.gather [hbm4b:s20+s29], $0x3E8, $0x38;
	[tilespmem:$0x17020] =	vst v63  }
0x1ce: {  	s23 =	rddreg [dreg:$0x11];
	s18 =	simm.s32 $0x6A68  }
0x1cf: {  	[tilespmem:s18], [sflag:$0x6] =	stream.linear.gather [hbm4b:s23+s29], $0x3E8, $0x38;
	[tilespmem:$0x17020] =	vst v63  }
0x1d0: {  	s20 =	rddreg [dreg:$0x12];
	s18 =	simm.s32 $0x4740  }
0x1d1: {  	[tilespmem:s18], [sflag:$0x6] =	stream.linear.gather [hbm4b:s20+s29], $0x3E8, $0x38;
	[tilespmem:$0x17020] =	vst v63  }
0x1d2: {  	s23 =	rddreg [dreg:$0x13];
	s18 =	simm.s32 $0x6E50  }
0x1d3: {  	[tilespmem:s18], [sflag:$0x6] =	stream.linear.gather [hbm4b:s23+s29], $0x3E8, $0x38;
	[tilespmem:$0x17020] =	vst v63  }
0x1d4: {  	s20 =	rddreg [dreg:$0x14];
	s18 =	simm.s32 $0x4B28  }
0x1d5: {  	[tilespmem:s18], [sflag:$0x6] =	stream.linear.gather [hbm4b:s20+s29], $0x3E8, $0x38;
	[tilespmem:$0x17020] =	vst v63  }
0x1d6: {  	s23 =	rddreg [dreg:$0x15];
	s20 =	simm.s32 $0x7238  }
0x1d7: {  	[tilespmem:s20], [sflag:$0x6] =	stream.linear.gather [hbm4b:s23+s29], $0x3E8, $0x38;
	[tilespmem:$0x17020] =	vst v63  }
0x1d8: {  	[spmem:s4], [sflag:s5] =	dma.local [hbm:s24], $0x500  }
0x1d9: {  	_ =	swait.ge [sflag:s6], $0x500  }
0x1da: {  	[sflag:s6] =	ssyncset.done $0x0  }
0x1db: {  	[sflag:s6] =	ssyncadd.s32 $0xFFFFFB00  }
0x1dc: {  	_ =	swait.ge [sflag:s21], $0x3E8  }
0x1dd: {  	[sflag:s21] =	ssyncset.done $0x0  }
0x1de: {  	[sflag:s21] =	ssyncadd.s32 $0xFFFFFC18  }
0x1df: {  	_ =	swait.ge [sflag:s21], $0x3E8  }
0x1e0: {  	[sflag:s21] =	ssyncset.done $0x0  }
0x1e1: {  	[sflag:s21] =	ssyncadd.s32 $0xFFFFFC18  }
0x1e2: {  	_ =	swait.ge [sflag:s21], $0x3E8  }
0x1e3: {  	[sflag:s21] =	ssyncset.done $0x0  }
0x1e4: {  	[sflag:s21] =	ssyncadd.s32 $0xFFFFFC18  }
0x1e5: {  	_ =	swait.ge [sflag:s21], $0x3E8  }
0x1e6: {  	[sflag:s21] =	ssyncset.done $0x0  }
0x1e7: {  	[sflag:s21] =	ssyncadd.s32 $0xFFFFFC18  }
0x1e8: {  	_ =	swait.ge [sflag:s21], $0x3E8  }
0x1e9: {  	[sflag:s21] =	ssyncset.done $0x0  }
0x1ea: {  	[sflag:s21] =	ssyncadd.s32 $0xFFFFFC18  }
0x1eb: {  	_ =	swait.ge [sflag:s21], $0x3E8  }
0x1ec: {  	[sflag:s21] =	ssyncset.done $0x0  }
0x1ed: {  	[sflag:s21] =	ssyncadd.s32 $0xFFFFFC18  }
0x1ee: {  	_ =	swait.ge [sflag:s21], $0x3E8  }
0x1ef: {  	[sflag:s21] =	ssyncset.done $0x0  }
0x1f0: {  	[sflag:s21] =	ssyncadd.s32 $0xFFFFFC18  }
0x1f1: {  	_ =	swait.ge [sflag:s21], $0x3E8  }
0x1f2: {  	[sflag:s21] =	ssyncset.done $0x0  }
0x1f3: {  	[sflag:s21] =	ssyncadd.s32 $0xFFFFFC18  }
0x1f4: {  	_ =	swait.ge [sflag:s21], $0x3E8  }
0x1f5: {  	[sflag:s21] =	ssyncset.done $0x0  }
0x1f6: {  	[sflag:s21] =	ssyncadd.s32 $0xFFFFFC18  }
0x1f7: {  	_ =	swait.ge [sflag:s21], $0x3E8  }
0x1f8: {  	[sflag:s21] =	ssyncset.done $0x0  }
0x1f9: {  	[sflag:s21] =	ssyncadd.s32 $0xFFFFFC18  }
0x1fa: {  	_ =	swait.ge [sflag:s21], $0x3E8  }
0x1fb: {  	[sflag:s21] =	ssyncset.done $0x0  }
0x1fc: {  	[sflag:s21] =	ssyncadd.s32 $0xFFFFFC18  }
0x1fd: {  	_ =	swait.ge [sflag:s21], $0x3E8  }
0x1fe: {  	[sflag:s21] =	ssyncset.done $0x0  }
0x1ff: {  	[sflag:s21] =	ssyncadd.s32 $0xFFFFFC18  }
0x200: {  	_ =	swait.ge [sflag:s21], $0x3E8  }
0x201: {  	[sflag:s21] =	ssyncset.done $0x0  }
0x202: {  	[sflag:s21] =	ssyncadd.s32 $0xFFFFFC18  }
0x203: {  	_ =	swait.ge [sflag:s21], $0x3E8  }
0x204: {  	[sflag:s21] =	ssyncset.done $0x0  }
0x205: {  	[sflag:s21] =	ssyncadd.s32 $0xFFFFFC18  }
0x206: {  	_ =	swait.ge [sflag:s21], $0x3E8  }
0x207: {  	[sflag:s21] =	ssyncset.done $0x0  }
0x208: {  	[sflag:s21] =	ssyncadd.s32 $0xFFFFFC18  }
0x209: {  	_ =	swait.ge [sflag:s21], $0x3E8  }
0x20a: {  	[sflag:s21] =	ssyncset.done $0x0  }
0x20b: {  	[sflag:s21] =	ssyncadd.s32 $0xFFFFFC18  }
0x20c: {  	_ =	swait.ge [sflag:s21], $0x3E8  }
0x20d: {  	[sflag:s21] =	ssyncset.done $0x0  }
0x20e: {  	[sflag:s21] =	ssyncadd.s32 $0xFFFFFC18  }
0x20f: {  	_ =	swait.ge [sflag:s21], $0x3E8  }
0x210: {  	[sflag:s21] =	ssyncset.done $0x0  }
0x211: {  	[sflag:s21] =	ssyncadd.s32 $0xFFFFFC18  }
0x212: {  	_ =	swait.ge [sflag:s21], $0x3E8  }
0x213: {  	[sflag:s21] =	ssyncset.done $0x0  }
0x214: {  	[sflag:s21] =	ssyncadd.s32 $0xFFFFFC18  }
0x215: {  	_ =	swait.ge [sflag:s21], $0x3E8  }
0x216: {  	[sflag:s21] =	ssyncset.done $0x0  }
0x217: {  	[sflag:s21] =	ssyncadd.s32 $0xFFFFFC18  }
0x218: {  	s24 =	simm.s32 $0x2800;
	[bflag:$0x0] =	sbarrier.arrive $0xFFFF  }
0x219: {  	[tilespmem:s15], [sflag:$0x1] =	stream.indirect.gather [hbm4b:s3+s12], $0x10, s24, s12, $0xb8;
	[tilespmem:$0x17020] =	vst v63  }
0x21a: {  	_ = 	snop  }
0x21b: {  	[tilespmem:s13], [sflag:$0x1] =	stream.indirect.gather [hbm4b:s3+s12], $0x10, s1, s12, $0xb8;
	[tilespmem:$0x17020] =	vst v63  }
0x21c: {  	s1 =	simm.s32 $0xF320  }
0x21d: {  	[tilespmem:s1], [sflag:$0x1] =	stream.indirect.gather [hbm4b:s3+s12], $0x10, s0, s12, $0xb8;
	[tilespmem:$0x17020] =	vst v63  }
0x21e: {  	_ =	swait.ge [sflag:s17], $0x3E80  }
0x21f: {  	[sflag:s17] =	ssyncset.done $0x0  }
0x220: {  	[sflag:s17] =	ssyncadd.s32 $0xFFFFC180  }
0x221: {  	[spmem:s30] =	stream.indirect.scatter.add.f32 [tilespmem:s15], [sflag:$0x2], $0x10, s28, s12, $0xb8;
	[tilespmem:$0x17020] =	vst v63  }
0x222: {  	s29 =	simm.s32 $0x131A0  }
0x223: {  	[tilespmem:s29], [sflag:$0x1] =	stream.indirect.gather [hbm4b:s3+s12], $0x10, s8, s12, $0xb8;
	[tilespmem:$0x17020] =	vst v63  }
0x224: {  	_ =	swait.ge [sflag:s17], $0x3E80  }
0x225: {  	[sflag:s17] =	ssyncset.done $0x0  }
0x226: {  	[sflag:s17] =	ssyncadd.s32 $0xFFFFC180  }
0x227: {  	[spmem:s30] =	stream.indirect.scatter.add.f32 [tilespmem:s13], [sflag:$0x3], $0x10, s11, s12, $0xb8;
	[tilespmem:$0x17020] =	vst v63  }
0x228: {  	_ =	swait.ge [sflag:s10], $0x3E80  }
0x229: {  	[sflag:s10] =	ssyncset.done $0x0  }
0x22a: {  	[sflag:s10] =	ssyncadd.s32 $0xFFFFC180  }
0x22b: {  	[tilespmem:s15], [sflag:$0x1] =	stream.indirect.gather [hbm4b:s3+s12], $0x10, s9, s12, $0xb8;
	[tilespmem:$0x17020] =	vst v63  }
0x22c: {  	_ =	swait.ge [sflag:s17], $0x3E80  }
0x22d: {  	[sflag:s17] =	ssyncset.done $0x0  }
0x22e: {  	[sflag:s17] =	ssyncadd.s32 $0xFFFFC180  }
0x22f: {  	[spmem:s30] =	stream.indirect.scatter.add.f32 [tilespmem:s1], [sflag:$0x4], $0x10, s2, s12, $0xb8;
	[tilespmem:$0x17020] =	vst v63  }
0x230: {  	_ =	swait.ge [sflag:s7], $0x3E80  }
0x231: {  	[sflag:s7] =	ssyncset.done $0x0  }
0x232: {  	[sflag:s7] =	ssyncadd.s32 $0xFFFFC180  }
0x233: {  	[tilespmem:s13], [sflag:$0x1] =	stream.indirect.gather [hbm4b:s3+s12], $0x10, s14, s12, $0xb8;
	[tilespmem:$0x17020] =	vst v63  }
0x234: {  	_ =	swait.ge [sflag:s17], $0x3E80  }
0x235: {  	[sflag:s17] =	ssyncset.done $0x0  }
0x236: {  	s14 =	simm.s32 $0x5AC8;
	[sflag:s17] =	ssyncadd.s32 $0xFFFFC180  }
0x237: {  	[spmem:s30] =	stream.indirect.scatter.add.f32 [tilespmem:s29], [sflag:$0x5], $0x10, s14, s12, $0xb8;
	[tilespmem:$0x17020] =	vst v63  }
0x238: {  	_ =	swait.ge [sflag:s25], $0x3E80  }
0x239: {  	[sflag:s25] =	ssyncset.done $0x0  }
0x23a: {  	[sflag:s25] =	ssyncadd.s32 $0xFFFFC180  }
0x23b: {  	[tilespmem:s1], [sflag:$0x1] =	stream.indirect.gather [hbm4b:s3+s12], $0x10, s19, s12, $0xb8;
	[tilespmem:$0x17020] =	vst v63  }
0x23c: {  	_ =	swait.ge [sflag:s17], $0x3E80  }
0x23d: {  	[sflag:s17] =	ssyncset.done $0x0  }
0x23e: {  	s19 =	simm.s32 $0x5EB0;
	[sflag:s17] =	ssyncadd.s32 $0xFFFFC180  }
0x23f: {  	[spmem:s30] =	stream.indirect.scatter.add.f32 [tilespmem:s15], [sflag:$0x2], $0x10, s19, s12, $0xb8;
	[tilespmem:$0x17020] =	vst v63  }
0x240: {  	_ =	swait.ge [sflag:s22], $0x3E80  }
0x241: {  	[sflag:s22] =	ssyncset.done $0x0  }
0x242: {  	[sflag:s22] =	ssyncadd.s32 $0xFFFFC180  }
0x243: {  	[tilespmem:s29], [sflag:$0x1] =	stream.indirect.gather [hbm4b:s3+s12], $0x10, s31, s12, $0xb8;
	[tilespmem:$0x17020] =	vst v63  }
0x244: {  	_ =	swait.ge [sflag:s17], $0x3E80  }
0x245: {  	[sflag:s17] =	ssyncset.done $0x0  }
0x246: {  	s21 =	simm.s32 $0x6298;
	[sflag:s17] =	ssyncadd.s32 $0xFFFFC180  }
0x247: {  	[spmem:s30] =	stream.indirect.scatter.add.f32 [tilespmem:s13], [sflag:$0x3], $0x10, s21, s12, $0xb8;
	[tilespmem:$0x17020] =	vst v63  }
0x248: {  	_ =	swait.ge [sflag:s10], $0x3E80  }
0x249: {  	[sflag:s10] =	ssyncset.done $0x0  }
0x24a: {  	s23 =	simm.s32 $0x4740;
	[sflag:s10] =	ssyncadd.s32 $0xFFFFC180  }
0x24b: {  	[tilespmem:s15], [sflag:$0x1] =	stream.indirect.gather [hbm4b:s3+s12], $0x10, s23, s12, $0xb8;
	[tilespmem:$0x17020] =	vst v63  }
0x24c: {  	_ =	swait.ge [sflag:s17], $0x3E80  }
0x24d: {  	[sflag:s17] =	ssyncset.done $0x0  }
0x24e: {  	s24 =	simm.s32 $0x6680;
	[sflag:s17] =	ssyncadd.s32 $0xFFFFC180  }
0x24f: {  	[spmem:s30] =	stream.indirect.scatter.add.f32 [tilespmem:s1], [sflag:$0x4], $0x10, s24, s12, $0xb8;
	[tilespmem:$0x17020] =	vst v63  }
0x250: {  	_ =	swait.ge [sflag:s7], $0x3E80  }
0x251: {  	[sflag:s7] =	ssyncset.done $0x0  }
0x252: {  	s18 =	simm.s32 $0x4B28;
	[sflag:s7] =	ssyncadd.s32 $0xFFFFC180  }
0x253: {  	[tilespmem:s13], [sflag:$0x1] =	stream.indirect.gather [hbm4b:s3+s12], $0x10, s18, s12, $0xb8;
	[tilespmem:$0x17020] =	vst v63  }
0x254: {  	_ =	swait.ge [sflag:s17], $0x3E80  }
0x255: {  	[sflag:s17] =	ssyncset.done $0x0  }
0x256: {  	s28 =	simm.s32 $0x6A68;
	[sflag:s17] =	ssyncadd.s32 $0xFFFFC180  }
0x257: {  	[spmem:s30] =	stream.indirect.scatter.add.f32 [tilespmem:s29], [sflag:$0x5], $0x10, s28, s12, $0xb8;
	[tilespmem:$0x17020] =	vst v63  }
0x258: {  	_ =	swait.ge [sflag:s17], $0x3E80  }
0x259: {  	[sflag:s17] =	ssyncset.done $0x0  }
0x25a: {  	s29 =	simm.s32 $0x6E50;
	[sflag:s17] =	ssyncadd.s32 $0xFFFFC180  }
0x25b: {  	[spmem:s30] =	stream.indirect.scatter.add.f32 [tilespmem:s15], [sflag:$0x2], $0x10, s29, s12, $0xb8;
	[tilespmem:$0x17020] =	vst v63  }
0x25c: {  	_ =	swait.ge [sflag:s17], $0x3E80  }
0x25d: {  	[sflag:s17] =	ssyncset.done $0x0  }
0x25e: {  	[sflag:s17] =	ssyncadd.s32 $0xFFFFC180  }
0x25f: {  	[spmem:s30] =	stream.indirect.scatter.add.f32 [tilespmem:s13], [sflag:$0x3], $0x10, s20, s12, $0xb8;
	[tilespmem:$0x17020] =	vst v63  }
0x260: {  	_ =	swait.ge [sflag:s25], $0x3E80  }
0x261: {  	[sflag:s25] =	ssyncset.done $0x0  }
0x262: {  	[sflag:s25] =	ssyncadd.s32 $0xFFFFC180  }
0x263: {  	_ =	swait.ge [sflag:s22], $0x3E80  }
0x264: {  	[sflag:s22] =	ssyncset.done $0x0  }
0x265: {  	[sflag:s22] =	ssyncadd.s32 $0xFFFFC180  }
0x266: {  	_ =	swait.ge [sflag:s10], $0x3E80  }
0x267: {  	[sflag:s10] =	ssyncset.done $0x0  }
0x268: {  	[sflag:s10] =	ssyncadd.s32 $0xFFFFC180  }
0x269: {  	_ =	swait.ge [sflag:s7], $0x3E80  }
0x26a: {  	[sflag:s7] =	ssyncset.done $0x0  }
0x26b: {  	[sflag:s7] =	ssyncadd.s32 $0xFFFFC180  }
0x26c: {  	[bflag:$0x0] =	sbarrier.arrive $0xFFFF  }
0x26d: {  	s31 =	rddreg [dreg:$0x17]  }
0x26e: {  	[hbm:s31], [sflag:s5] =	dma.local [spmem:s4], $0x500  }
0x26f: {  	_ =	swait.ge [sflag:s6], $0x500  }
0x270: {  	[sflag:s6] =	ssyncset.done $0x0  }
0x271: {  	[sflag:s6] =	ssyncadd.s32 $0xFFFFFB00  }
0x272: {  	_ =	sfence.sel $0x180000  }
0x273: {  	[bflag:$0x0] =	sbarrier.arrive $0xFFFF  }
0x274: {  	p0 =	sne.s32 s26, $0x0;
	_ =	strace $0x9000004A  }
0x275: {  	s0 =	sadd.s32 @!p0 $0x100000, s16;
	[bflag:$0x2] =	sbarrier.arrive $0xFFFF  }
0x276: {  	[sflag:s0] =	ssyncadd.tile.s32 @!p0 $0x1;
	_ =	shalt  }
.LBB2_1:
.Ltmp3:
0x277: {  	(pc) =	sbr.rel .LBB2_6-.Ltmp3, $2  }
0x278: {  	_ =	sdelay $0x2  }
0x279: {  	s4 =	smov.u32 s5;
	s5 =	smov.u32 s31;
	s0 =	rddreg [dreg:$0x18]  }
.LBB2_7:
.Ltmp4:
0x27a: {  	(pc) =	sbr.rel .LBB2_6-.Ltmp4, $4  }
0x27b: {  	_ = 	snop  }
0x27c: {  	s4 =	rddreg [dreg:$0x19]  }
0x27d: {  	s5 =	smov.u32 s31;
	s0 =	rddreg [dreg:$0x18]  }
0x27e: {  	s26 =	stileid.u32;
	s16 =	rddreg [dreg:$0x2];
	s28 =	simm.s32 $0x2800  }
.Lfunc_end2:
_tile_overlayer_lowered:
.L_overlay_start_2:
0x27f: {  	(tag) =	ssettag $0x2  }
0x280: {  	s0 =	rddreg [dreg:$0x0];
	s2 =	stileid.u32  }
0x281: {  	s1 =	rddreg [dreg:$0x1];
	p0 =	sne.s32 s2, $0x0  }
0x282: {  	s3 =	rddreg [dreg:$0x2];
	[bflag:$0x3] =	sbarrier.arrive $0xFFFF;
	s2 =	simm.s32 @!p0 $0x1C07  }
0x283: {  	[timem:s3], [sflag:s2] =	dma.local @!p0 [hbm:s0], s1  }
0x284: {  	s0 =	simm.s32 @!p0 $0x7  }
0x285: {  	_ =	swait.ge @!p0 [sflag:s0], s1  }
0x286: {  	s1 =	ssub.s32 @!p0 $0x0, s1;
	[sflag:s0] =	ssyncset.done @!p0 $0x0  }
0x287: {  	[sflag:s0] =	ssyncadd.s32 @!p0 s1  }
0x288: {  	[bflag:$0x3] =	sbarrier.arrive $0xFFFF  }
0x289: {  	_ =	shalt  }

// kernel: kernel.7.cloned.1.call-start
scs
__scs_entry_jumppad:
0x0: {  	(pc) =	sbr.rel $0x88, $3  }
0x1: {  	(tag) =	ssettag $0x0;
	lr =	simm.s32 $0x1  }
0x2: {  	[smem:$0x3F9B] =	sst lr;
	_ =	strace $0xD0000000  }
0x3: {  	_ = 	snop  }
0x4: {  	_ = 	snop  }
0x5: {  	_ = 	snop  }
0x6: {  	_ = 	snop  }
0x7: {  	_ = 	snop  }
__scs_overlays_trampoline_lowered:
0x8: {  	[smem:$0x3FAA] =	sst s0  }
0x9: {  	[smem:$0x3FAB] =	sst s1  }
0xa: {  	[smem:$0x3FAC] =	sst s2  }
0xb: {  	[smem:$0x3FAD] =	sst s3  }
0xc: {  	[smem:$0x3FAE] =	sst s4  }
0xd: {  	[smem:$0x3FAF] =	sst s5  }
0xe: {  	[smem:$0x3FB0] =	sst s6  }
0xf: {  	[smem:$0x3FB1] =	sst s7  }
0x10: {  	[smem:$0x3FB2] =	sst s8  }
0x11: {  	[smem:$0x3FB3] =	sst s9;
	s0 =	simm.s32 @!p0 $0x0  }
0x12: {  	s1 =	sld [smem:$0x3F99];
	s0 =	simm.s32 @p0 $0x1  }
0x13: {  	[smem:$0x3FB4] =	sst s0;
	s0 =	simm.s32 @!p1 $0x0  }
0x14: {  	s2 =	sld [smem:$0x3F98];
	s0 =	simm.s32 @p1 $0x1  }
0x15: {  	[smem:$0x3FB5] =	sst s0;
	s0 =	simm.s32 @!p2 $0x0  }
0x16: {  	s3 =	sld [smem:$0x3FDB];
	s0 =	simm.s32 @p2 $0x1  }
0x17: {  	s4 =	simm.s32 $0x1BF5;
	[smem:$0x3FB7] =	sst s0  }
0x18: {  	s0 =	sld [smem:$0x3F9A];
	_ =	swait.ge [sflag:s4], $0x0  }
0x19: {  	s7 =	sld [smem:$0x3F9B]  }
0x1a: {  	s8 =	sadd.s32 $0xFFFFE003, lr  }
0x1b: {  	s9 =	sadd.s32 $0xFFFFFEF7, lr;
	s5 =	simm.s32 $0xFFFFFFFF;
	p2 =	slt.u32 s8, $0xFFFFF086  }
0x1c: {  	p1 =	slt.u32 s9, $0xF7A;
	s5 =	simm.s32 @!p2 $0x0  }
0x1d: {  	s5 =	simm.s32 @p1 $0x1;
	p0 =	seq.s32 s7, s2  }
0x1e: {  	s7 =	smul.u32 @!p0 $0xF7A, s2;
	p2 =	seq.s32 @!p0 s5, $0x0  }
0x1f: {  	s9 =	smul.u32 $0xF7A, s1;
	s8 =	simm.s32 @!p0 $0x1BF5;
	p2 =	por !p2, p0  }
0x20: {  	[sflag:s8] =	ssyncset.s32 @!p0 $0xFFFFF086;
	s6 =	sadd.s32 @!p0 s3, s7;
	s7 =	simm.s32 @!p0 $0x108  }
0x21: {  	s3 =	sadd.s32 s3, s9;
	s6 =	sadd.s32 @!p0 $0x88, s6;
	s7 =	simm.s32 @p2 $0x1082  }
0x22: {  	[simem:s7], [sflag:s8] =	dma.local @!p0 [hbm:s6], $0xF7A  }
0x23: {  	s9 =	sor.u32 $0xD0000000, s2;
	s6 =	simm.s32 $0x108;
	_ =	swait.ge @!p0 [sflag:s8], $0x0  }
0x24: {  	s3 =	sadd.s32 $0x88, s3;
	s6 =	simm.s32 @!p1 $0x1082;
	[sflag:s4] =	ssyncset.s32 $0xFFFFF086  }
0x25: {  	[simem:s6], [sflag:s4] =	dma.local [hbm:s3], $0xF7A  }
0x26: {  	[smem:$0x3F9B] =	sst s1;
	(tag) =	ssettag s2;
	_ =	strace s9  }
0x27: {  	s1 =	sld [smem:$0x3FAB]  }
0x28: {  	s2 =	sld [smem:$0x3FAC]  }
0x29: {  	s4 =	sld [smem:$0x3FAE]  }
0x2a: {  	p0 =	seq.s32 s5, $0x0;
	s5 =	sld [smem:$0x3FAF]  }
0x2b: {  	s6 =	sld [smem:$0x3FB0]  }
0x2c: {  	s7 =	sld [smem:$0x3FB1]  }
0x2d: {  	s3 =	simm.s32 $0x108;
	s8 =	sld [smem:$0x3FB2]  }
0x2e: {  	s3 =	simm.s32 @!p0 $0x1082;
	s9 =	sld [smem:$0x3FB3]  }
0x2f: {  	lr =	sadd.s32 s0, s3;
	s0 =	sld [smem:$0x3FAA]  }
0x30: {  	s3 =	sld [smem:$0x3FAD]  }
0x31: {  	[smem:$0x3FB6] =	sst s10  }
0x32: {  	s10 =	sld [smem:$0x3FB4];
	_ =	sdelay $0x3  }
0x33: {  	p0 =	seq.s32 s10, $0x1;
	s10 =	sld [smem:$0x3FB6];
	_ =	sdelay $0x3  }
0x34: {  	[smem:$0x3FB6] =	sst s10  }
0x35: {  	s10 =	sld [smem:$0x3FB5];
	_ =	sdelay $0x3  }
0x36: {  	p1 =	seq.s32 s10, $0x1;
	s10 =	sld [smem:$0x3FB6];
	_ =	sdelay $0x3  }
0x37: {  	[smem:$0x3FB6] =	sst s10  }
0x38: {  	s10 =	sld [smem:$0x3FB7]  }
0x39: {  	_ = 	snop;
	(pc) =	sbr.ind lr, $3  }
0x3a: {  	_ = 	snop  }
0x3b: {  	_ = 	snop  }
0x3c: {  	p2 =	seq.s32 s10, $0x1;
	s10 =	sld [smem:$0x3FB6]  }
0x3d: {  	_ =	shalt  }
0x3e: {  	_ =	shalt  }
0x3f: {  	_ =	shalt  }
0x40: {  	_ =	shalt  }
0x41: {  	_ =	shalt  }
0x42: {  	_ =	shalt  }
0x43: {  	_ =	shalt  }
0x44: {  	_ =	shalt  }
0x45: {  	_ =	shalt  }
0x46: {  	_ =	shalt  }
0x47: {  	_ =	shalt  }
0x48: {  	_ =	shalt  }
0x49: {  	_ =	shalt  }
0x4a: {  	_ =	shalt  }
0x4b: {  	_ =	shalt  }
0x4c: {  	_ =	shalt  }
0x4d: {  	_ =	shalt  }
0x4e: {  	_ =	shalt  }
0x4f: {  	_ =	shalt  }
0x50: {  	_ =	shalt  }
0x51: {  	_ =	shalt  }
0x52: {  	_ =	shalt  }
0x53: {  	_ =	shalt  }
0x54: {  	_ =	shalt  }
0x55: {  	_ =	shalt  }
0x56: {  	_ =	shalt  }
0x57: {  	_ =	shalt  }
0x58: {  	_ =	shalt  }
0x59: {  	_ =	shalt  }
0x5a: {  	_ =	shalt  }
0x5b: {  	_ =	shalt  }
0x5c: {  	_ =	shalt  }
0x5d: {  	_ =	shalt  }
0x5e: {  	_ =	shalt  }
0x5f: {  	_ =	shalt  }
0x60: {  	_ =	shalt  }
0x61: {  	_ =	shalt  }
0x62: {  	_ =	shalt  }
0x63: {  	_ =	shalt  }
0x64: {  	_ =	shalt  }
0x65: {  	_ =	shalt  }
0x66: {  	_ =	shalt  }
0x67: {  	_ =	shalt  }
0x68: {  	_ =	shalt  }
0x69: {  	_ =	shalt  }
0x6a: {  	_ =	shalt  }
0x6b: {  	_ =	shalt  }
0x6c: {  	_ =	shalt  }
0x6d: {  	_ =	shalt  }
0x6e: {  	_ =	shalt  }
0x6f: {  	_ =	shalt  }
0x70: {  	_ =	shalt  }
0x71: {  	_ =	shalt  }
0x72: {  	_ =	shalt  }
0x73: {  	_ =	shalt  }
0x74: {  	_ =	shalt  }
0x75: {  	_ =	shalt  }
0x76: {  	_ =	shalt  }
0x77: {  	_ =	shalt  }
0x78: {  	_ =	shalt  }
0x79: {  	_ =	shalt  }
0x7a: {  	_ =	shalt  }
0x7b: {  	_ =	shalt  }
0x7c: {  	_ =	shalt  }
0x7d: {  	_ =	shalt  }
0x7e: {  	_ =	shalt  }
0x7f: {  	_ =	shalt  }
0x80: {  	_ =	shalt  }
0x81: {  	_ =	shalt  }
0x82: {  	_ =	shalt  }
0x83: {  	_ =	shalt  }
0x84: {  	_ =	shalt  }
0x85: {  	_ =	shalt  }
0x86: {  	_ =	shalt  }
0x87: {  	_ =	shalt  }
.Lfunc_end0:
.L_simem_size_0:
called_computation_lowered:
.L_overlay_start_0:
0x88: {  	s2 =	sld [smem:$0x3FD9]  }
0x89: {  	s3 =	sld [smem:$0x3FFE];
	_ =	sdelay $0x1  }
0x8a: {  	s1 =	srdreg.scid  }
0x8b: {  	s0 =	sand.u32 $0x1, s1  }
0x8c: {  	s16 =	sshll.u32 s0, $0xA;
	s2 =	sadd.s32 s3, s2  }
0x8d: {  	s2 =	sadd.s32 s2, s16  }
0x8e: {  	[smem:$0x3FC2] =	sst s2  }
0x8f: {  	_ = 	snop  }
0x90: {  	(tm) =	ssettm $0x1  }
0x91: {  	s17 =	sld [smem:$0x3FFB];
	_ =	sdelay $0x3  }
0x92: {  	_ =	strace s17  }
0x93: {  	s2 =	sld [smem:$0x3FFC];
	_ =	sdelay $0x3  }
0x94: {  	_ =	strace s2  }
0x95: {  	s2 =	sld [smem:$0x3FFD];
	_ =	sdelay $0x3  }
0x96: {  	_ =	strace s2  }
0x97: {  	_ =	strace $0x8FFFFFFF  }
0x98: {  	s18 =	sld [smem:$0x3FDB];
	_ =	sdelay $0x1  }
0x99: {  	s19 =	simm.s32 $_scs_section_size  }
0x9a: {  	s4 =	simm.s32 $_size__tile_overlayer_lowered;
	s5 =	simm.s32 $_tile_overlayer_lowered  }
0x9b: {  	s22 =	simm.s32 $0x1BFF;
	s21 =	sshll.u32 s5, $0x1;
	s2 =	sadd.s32 s19, s18  }
0x9c: {  	s6 =	simm.s32 $0x0;
	s20 =	sshll.u32 s4, $0x1;
	s4 =	sadd.s32 s21, s2  }
0x9d: {  	[timem:s6], [sflag:s22] =	dma.local [hbm:s4], s20  }
0x9e: {  	_ =	swait.ge [sflag:s22], s20  }
0x9f: {  	s3 =	ssub.s32 $0x0, s20;
	[sflag:s22] =	ssyncset.done $0x0  }
0xa0: {  	[sflag:s22] =	ssyncadd.s32 s3;
	_ =	sdelay $0x1  }
0xa1: {  	s23 =	simm.s32 $0x1B8B  }
0xa2: {  	_ =	swait.ge [sflag:s23], $0x1  }
0xa3: {  	[sflag:s23] =	ssyncset.done $0x0  }
0xa4: {  	s25 =	simm.s32 $0x1B8E;
	s24 =	sld [smem:$0x3FFE];
	[sflag:s23] =	ssyncadd.s32 $0xFFFFFFFF  }
0xa5: {  	s26 =	simm.s32 $execute0_lowered;
	[smem:$0x3FD2] =	sst s25  }
0xa6: {  	s4 =	sshll.u32 s26, $0x1;
	_ =	strace $0x80000046;
	[dreg:$0x1] =	wrdreg $0xFFFFFFFF  }
0xa7: {  	s28 =	simm.s32 $_size_execute0_lowered;
	s2 =	sadd.s32 s2, s4;
	[dreg:$0x0] =	wrdreg $0x0  }
0xa8: {  	s4 =	sshll.u32 s28, $0x1;
	[dreg:$0x2] =	wrdreg s2  }
0xa9: {  	[dreg:$0x3] =	wrdreg s4  }
0xaa: {  	[dreg:$0x4] =	wrdreg $0xC0  }
0xab: {  	_ =	task [dreg:s6], $0x5FFFF  }
0xac: {  	[dreg:$0x1] =	wrdreg $0xFFFFFFFF  }
0xad: {  	[dreg:$0x0] =	wrdreg $0x60  }
0xae: {  	[dreg:$0x2] =	wrdreg s24  }
0xaf: {  	[dreg:$0x3] =	wrdreg $0x0  }
0xb0: {  	[dreg:$0x4] =	wrdreg $0x9  }
0xb1: {  	_ =	task.clear_ibuf [dreg:s6], $0x5FFFF;
	_ =	strace $0x90000046  }
0xb2: {  	s29 =	simm.s32 $0x9;
	_ =	strace $0x80000048  }
0xb3: {  	_ =	swait.ge [sflag:s29], $0x1  }
0xb4: {  	[sflag:s29] =	ssyncadd.s32 $0xFFFFFFFF  }
0xb5: {  	_ =	strace $0x90000048  }
0xb6: {  	_ =	sfence  }
0xb7: {  	s30 =	sld [smem:$0x0];
	_ =	sdelay $0x2  }
0xb8: {  	s31 =	sshll.u32 s1, $0xD;
	s1 =	sshrl.u32 s1, $0x2  }
0xb9: {  	s3 =	sand.u32 $0x4000, s31;
	s1 =	sadd.s32 s1, s30  }
0xba: {  	s0 =	sor.u32 s3, s0;
	s1 =	sshll.u32 s1, $0x11  }
0xbb: {  	s0 =	sor.u32 s1, s0  }
0xbc: {  	s0 =	sadd.s32 $0x8F2B, s0  }
0xbd: {  	[sflag:s0] =	ssyncadd.remote.s32 $0x1  }
0xbe: {  	_ =	sfence.sel $0xFFFF  }
0xbf: {  	[dreg:$0x0] =	wrdreg $0xFFFFFFFF;
	(pc) =	sbr.abs _section_cstart, $3  }
0xc0: {  	[dreg:$0x1] =	wrdreg $0xFFFFFFFF  }
0xc1: {  	_ =	task.clear_ibuf [dreg:s6], $0x2FFFF;
	_ =	strace $0x9FFFFFFF  }
0xc2: {  	(tm) =	ssettm $0x7FFFFFFF  }
0xc3: {  	_ =	shalt  }
tec
execute0_lowered:
.L_overlay_start_1:
0x0: {  	(tag) =	ssettag $0x1  }
0x1: {  	s26 =	stileid.u32  }
0x2: {  	s0 =	srdreg.scid;
	s30 =	rddreg [dreg:$0x1]  }
0x3: {  	s16 =	rddreg [dreg:$0x2];
	s4 =	sand.u32 $0x1, s0;
	s1 =	sshll.u32 s26, $0x1  }
0x4: {  	s29 =	simm.s32 $0x0;
	s28 =	simm.s32 $0x2800;
	s1 =	sor.u32 s4, s1  }
0x5: {  	p0 =	por $0x0, $0x0;
	[smem:$0x7FF] =	sst s29;
	s5 =	smul.u32 $0x2710, s1  }
0x6: {  	s0 =	rddreg [dreg:$0x0];
	_ =	strace $0x80000047;
	s2 =	smul.u32 $0x28000, s4  }
0x7: {  	s4 =	ssub.s32 $0x2, s4;
	s1 =	sadd.s32 $0x1A00, s0;
	s3 =	sshrl.u32 s5, $0x3  }
0x8: {  	s9 =	sadd.s32 $0x3E8, s5;
	s7 =	sadd.s32 $0x4E5E8, s5;
	s14 =	sadd.s32 $0xBB8, s5  }
0x9: {  	s17 =	sadd.s32 $0x4EDB8, s5;
	s20 =	sadd.s32 $0x1388, s5;
	s12 =	sadd.s32 s1, s3  }
0xa: {  	s3 =	sshrl.u32 s9, $0x3;
	s10 =	sshrl.u32 s7, $0x3;
	s18 =	sshrl.u32 s17, $0x3  }
0xb: {  	s7 =	smul.u32 $0x2800, s26;
	s6 =	sadd.s32 $0x9C40, s12;
	[dreg:$0x18] =	wrdreg s12  }
0xc: {  	s9 =	sadd.s32 $0x4F588, s5;
	s3 =	sadd.s32 s1, s3;
	[dreg:$0x3] =	wrdreg s6  }
0xd: {  	s11 =	sadd.s32 s1, s10;
	s13 =	sadd.s32 $0xFA, s12;
	[dreg:$0x4] =	wrdreg s3  }
0xe: {  	s15 =	sadd.s32 $0x9D3A, s12;
	s19 =	sadd.s32 $0x1F4, s12;
	[dreg:$0x5] =	wrdreg s11  }
0xf: {  	s8 =	sadd.s32 $0x9E34, s12;
	s21 =	sshrl.u32 s9, $0x3;
	[dreg:$0x6] =	wrdreg s13  }
0x10: {  	s25 =	sadd.s32 $0x2EE, s12;
	s10 =	sadd.s32 $0x9F2E, s12;
	[dreg:$0x7] =	wrdreg s15  }
0x11: {  	s17 =	sadd.s32 $0x3E8, s12;
	s3 =	sshrl.u32 s14, $0x3;
	[dreg:$0xa] =	wrdreg s19  }
0x12: {  	s6 =	sadd.s32 s1, s18;
	[dreg:$0xb] =	wrdreg s8;
	s22 =	sshrl.u32 s7, $0x3  }
0x13: {  	s23 =	sadd.s32 s1, s21;
	[dreg:$0xe] =	wrdreg s25;
	s13 =	sadd.s32 $0x1B58, s5  }
0x14: {  	s11 =	sadd.s32 $0x4FD58, s5;
	[dreg:$0xf] =	wrdreg s10;
	s9 =	sadd.s32 s7, s2  }
0x15: {  	[dreg:$0x12] =	wrdreg s17;
	s18 =	sadd.s32 $0x2328, s5;
	s19 =	sadd.s32 $0xA028, s12  }
0x16: {  	s5 =	sadd.s32 $0x50528, s5;
	s12 =	simm.s32 $0x3E8;
	s17 =	simm.s32 $0x1  }
0x17: {  	s10 =	simm.s32 $0x2;
	s3 =	sadd.s32 s1, s3;
	[dreg:$0x9] =	wrdreg s6  }
0x18: {  	s6 =	sshrl.u32 s20, $0x3;
	s24 =	sadd.s32 s22, s0;
	[dreg:$0xd] =	wrdreg s23  }
0x19: {  	s14 =	sshrl.u32 s11, $0x3;
	s9 =	sshrl.u32 s9, $0x3;
	[dreg:$0x13] =	wrdreg s19  }
0x1a: {  	s5 =	sshrl.u32 s5, $0x3;
	s20 =	sshrl.u32 s4, $0x1;
	s22 =	sadd.s32 s7, s30  }
0x1b: {  	s7 =	simm.s32 $0x3;
	[dreg:$0x8] =	wrdreg s3;
	s3 =	sadd.s32 $0x15400, s0  }
0x1c: {  	s6 =	sadd.s32 s1, s6;
	s15 =	sadd.s32 s1, s14;
	s0 =	sadd.s32 s9, s0  }
0x1d: {  	s21 =	ssub.s32 s4, s20;
	s23 =	sadd.s32 $0x1A400, s24;
	[dreg:$0xc] =	wrdreg s6  }
0x1e: {  	s24 =	sshll.u32 s26, $0x6;
	s4 =	simm.s32 $0x33B8;
	[dreg:$0x11] =	wrdreg s15  }
0x1f: {  	s6 =	sshrl.u32 s13, $0x3;
	[dreg:$0x16] =	wrdreg s23;
	s31 =	sor.u32 $0x1C07, s24  }
0x20: {  	s0 =	sadd.s32 $0x1F400, s0;
	s25 =	smax.u32 s21, $0x1;
	s21 =	simm.s32 $0x6  }
0x21: {  	s6 =	sadd.s32 s1, s6;
	[dreg:$0x17] =	wrdreg s0;
	p1 =	sne.s32 s25, $0x1  }
.Ltmp0:
0x22: {  	[dreg:$0x10] =	wrdreg s6;
	s6 =	sshrl.u32 s18, $0x3;
	(pc) =	sbr.rel @!p1 .LBB2_1-.Ltmp0, $4  }
0x23: {  	s15 =	simm.s32 $0x7620;
	s24 =	rddreg [dreg:$0x16];
	s6 =	sadd.s32 s1, s6  }
0x24: {  	s13 =	simm.s32 $0xB4A0;
	s1 =	sadd.s32 s1, s5;
	[dreg:$0x14] =	wrdreg s6  }
0x25: {  	s5 =	sshrl.u32 s22, $0x3;
	s22 =	simm.s32 $0x5;
	[dreg:$0x15] =	wrdreg s1  }
0x26: {  	s1 =	sadd.s32 $0xFFFFFFFF, s25;
	s6 =	simm.s32 $0x7;
	s25 =	simm.s32 $0x4  }
0x27: {  	s0 =	rddreg [dreg:$0x18]  }
0x28: {  	[tilespmem:s28], [sflag:$0x6] =	stream.linear.gather [hbm4b:s0+s29], $0x3E8, $0x38;
	[tilespmem:$0x17020] =	vst v63  }
0x29: {  	s23 =	rddreg [dreg:$0x3];
	s11 =	simm.s32 $0x4F10  }
0x2a: {  	[tilespmem:s11], [sflag:$0x6] =	stream.linear.gather [hbm4b:s23+s29], $0x3E8, $0x38;
	[tilespmem:$0x17020] =	vst v63  }
0x2b: {  	s18 =	rddreg [dreg:$0x4];
	s19 =	simm.s32 $0x2BE8  }
0x2c: {  	[tilespmem:s19], [sflag:$0x6] =	stream.linear.gather [hbm4b:s18+s29], $0x3E8, $0x38;
	[tilespmem:$0x17020] =	vst v63  }
0x2d: {  	s20 =	rddreg [dreg:$0x5];
	s9 =	simm.s32 $0x52F8  }
0x2e: {  	[tilespmem:s9], [sflag:$0x6] =	stream.linear.gather [hbm4b:s20+s29], $0x3E8, $0x38;
	[tilespmem:$0x17020] =	vst v63  }
0x2f: {  	s22 =	rddreg [dreg:$0x6];
	s2 =	simm.s32 $0x2FD0  }
0x30: {  	[tilespmem:s2], [sflag:$0x6] =	stream.linear.gather [hbm4b:s22+s29], $0x3E8, $0x38;
	[tilespmem:$0x17020] =	vst v63  }
0x31: {  	s25 =	rddreg [dreg:$0x7];
	s0 =	simm.s32 $0x56E0  }
0x32: {  	[tilespmem:s0], [sflag:$0x6] =	stream.linear.gather [hbm4b:s25+s29], $0x3E8, $0x38;
	[tilespmem:$0x17020] =	vst v63  }
0x33: {  	s6 =	rddreg [dreg:$0x8]  }
0x34: {  	[tilespmem:s4], [sflag:$0x6] =	stream.linear.gather [hbm4b:s6+s29], $0x3E8, $0x38;
	[tilespmem:$0x17020] =	vst v63  }
0x35: {  	s26 =	rddreg [dreg:$0x9];
	s4 =	simm.s32 $0x5AC8  }
0x36: {  	[tilespmem:s4], [sflag:$0x6] =	stream.linear.gather [hbm4b:s26+s29], $0x3E8, $0x38;
	[tilespmem:$0x17020] =	vst v63  }
0x37: {  	s8 =	rddreg [dreg:$0xa];
	s22 =	simm.s32 $0x37A0  }
0x38: {  	[tilespmem:s22], [sflag:$0x6] =	stream.linear.gather [hbm4b:s8+s29], $0x3E8, $0x38;
	[tilespmem:$0x17020] =	vst v63  }
0x39: {  	s13 =	rddreg [dreg:$0xb];
	s14 =	simm.s32 $0x5EB0  }
0x3a: {  	[tilespmem:s14], [sflag:$0x6] =	stream.linear.gather [hbm4b:s13+s29], $0x3E8, $0x38;
	[tilespmem:$0x17020] =	vst v63  }
0x3b: {  	s15 =	rddreg [dreg:$0xc];
	s25 =	simm.s32 $0x3B88  }
0x3c: {  	[tilespmem:s25], [sflag:$0x6] =	stream.linear.gather [hbm4b:s15+s29], $0x3E8, $0x38;
	[tilespmem:$0x17020] =	vst v63  }
0x3d: {  	s16 =	rddreg [dreg:$0xd];
	s20 =	simm.s32 $0x6298  }
0x3e: {  	[tilespmem:s20], [sflag:$0x6] =	stream.linear.gather [hbm4b:s16+s29], $0x3E8, $0x38;
	[tilespmem:$0x17020] =	vst v63  }
0x3f: {  	s6 =	simm.s32 $0x3F70;
	s8 =	rddreg [dreg:$0xe]  }
0x40: {  	[tilespmem:s6], [sflag:$0x6] =	stream.linear.gather [hbm4b:s8+s29], $0x3E8, $0x38;
	[tilespmem:$0x17020] =	vst v63  }
0x41: {  	s18 =	rddreg [dreg:$0xf];
	s26 =	simm.s32 $0x6680  }
0x42: {  	[tilespmem:s26], [sflag:$0x6] =	stream.linear.gather [hbm4b:s18+s29], $0x3E8, $0x38;
	[tilespmem:$0x17020] =	vst v63  }
0x43: {  	s15 =	simm.s32 $0x4358;
	s16 =	rddreg [dreg:$0x10]  }
0x44: {  	[tilespmem:s15], [sflag:$0x6] =	stream.linear.gather [hbm4b:s16+s29], $0x3E8, $0x38;
	[tilespmem:$0x17020] =	vst v63  }
0x45: {  	s8 =	rddreg [dreg:$0x11];
	s16 =	simm.s32 $0x6A68  }
0x46: {  	[tilespmem:s16], [sflag:$0x6] =	stream.linear.gather [hbm4b:s8+s29], $0x3E8, $0x38;
	[tilespmem:$0x17020] =	vst v63  }
0x47: {  	s26 =	rddreg [dreg:$0x12];
	s16 =	simm.s32 $0x4740  }
0x48: {  	[tilespmem:s16], [sflag:$0x6] =	stream.linear.gather [hbm4b:s26+s29], $0x3E8, $0x38;
	[tilespmem:$0x17020] =	vst v63  }
0x49: {  	s23 =	rddreg [dreg:$0x13];
	s8 =	simm.s32 $0x6E50  }
0x4a: {  	[tilespmem:s8], [sflag:$0x6] =	stream.linear.gather [hbm4b:s23+s29], $0x3E8, $0x38;
	[tilespmem:$0x17020] =	vst v63  }
0x4b: {  	s26 =	rddreg [dreg:$0x14];
	s8 =	simm.s32 $0x4B28  }
0x4c: {  	[tilespmem:s8], [sflag:$0x6] =	stream.linear.gather [hbm4b:s26+s29], $0x3E8, $0x38;
	[tilespmem:$0x17020] =	vst v63  }
0x4d: {  	s13 =	simm.s32 $0x7;
	s23 =	rddreg [dreg:$0x15];
	s26 =	simm.s32 $0x7238  }
0x4e: {  	[tilespmem:s26], [sflag:$0x6] =	stream.linear.gather [hbm4b:s23+s29], $0x3E8, $0x38;
	[tilespmem:$0x17020] =	vst v63  }
0x4f: {  	[spmem:s5], [sflag:s31] =	dma.local [hbm:s24], $0x500  }
0x50: {  	_ =	swait.ge [sflag:s13], $0x500  }
0x51: {  	[sflag:s13] =	ssyncset.done $0x0  }
0x52: {  	[sflag:s13] =	ssyncadd.s32 $0xFFFFFB00  }
0x53: {  	_ =	swait.ge [sflag:s21], $0x3E8  }
0x54: {  	[sflag:s21] =	ssyncset.done $0x0  }
0x55: {  	[sflag:s21] =	ssyncadd.s32 $0xFFFFFC18  }
0x56: {  	_ =	swait.ge [sflag:s21], $0x3E8  }
0x57: {  	[sflag:s21] =	ssyncset.done $0x0  }
0x58: {  	[sflag:s21] =	ssyncadd.s32 $0xFFFFFC18  }
0x59: {  	_ =	swait.ge [sflag:s21], $0x3E8  }
0x5a: {  	[sflag:s21] =	ssyncset.done $0x0  }
0x5b: {  	[sflag:s21] =	ssyncadd.s32 $0xFFFFFC18  }
0x5c: {  	_ =	swait.ge [sflag:s21], $0x3E8  }
0x5d: {  	[sflag:s21] =	ssyncset.done $0x0  }
0x5e: {  	[sflag:s21] =	ssyncadd.s32 $0xFFFFFC18  }
0x5f: {  	_ =	swait.ge [sflag:s21], $0x3E8  }
0x60: {  	[sflag:s21] =	ssyncset.done $0x0  }
0x61: {  	[sflag:s21] =	ssyncadd.s32 $0xFFFFFC18  }
0x62: {  	_ =	swait.ge [sflag:s21], $0x3E8  }
0x63: {  	[sflag:s21] =	ssyncset.done $0x0  }
0x64: {  	[sflag:s21] =	ssyncadd.s32 $0xFFFFFC18  }
0x65: {  	_ =	swait.ge [sflag:s21], $0x3E8  }
0x66: {  	[sflag:s21] =	ssyncset.done $0x0  }
0x67: {  	[sflag:s21] =	ssyncadd.s32 $0xFFFFFC18  }
0x68: {  	_ =	swait.ge [sflag:s21], $0x3E8  }
0x69: {  	[sflag:s21] =	ssyncset.done $0x0  }
0x6a: {  	[sflag:s21] =	ssyncadd.s32 $0xFFFFFC18  }
0x6b: {  	_ =	swait.ge [sflag:s21], $0x3E8  }
0x6c: {  	[sflag:s21] =	ssyncset.done $0x0  }
0x6d: {  	[sflag:s21] =	ssyncadd.s32 $0xFFFFFC18  }
0x6e: {  	_ =	swait.ge [sflag:s21], $0x3E8  }
0x6f: {  	[sflag:s21] =	ssyncset.done $0x0  }
0x70: {  	[sflag:s21] =	ssyncadd.s32 $0xFFFFFC18  }
0x71: {  	_ =	swait.ge [sflag:s21], $0x3E8  }
0x72: {  	[sflag:s21] =	ssyncset.done $0x0  }
0x73: {  	[sflag:s21] =	ssyncadd.s32 $0xFFFFFC18  }
0x74: {  	_ =	swait.ge [sflag:s21], $0x3E8  }
0x75: {  	[sflag:s21] =	ssyncset.done $0x0  }
0x76: {  	[sflag:s21] =	ssyncadd.s32 $0xFFFFFC18  }
0x77: {  	_ =	swait.ge [sflag:s21], $0x3E8  }
0x78: {  	[sflag:s21] =	ssyncset.done $0x0  }
0x79: {  	[sflag:s21] =	ssyncadd.s32 $0xFFFFFC18  }
0x7a: {  	_ =	swait.ge [sflag:s21], $0x3E8  }
0x7b: {  	[sflag:s21] =	ssyncset.done $0x0  }
0x7c: {  	[sflag:s21] =	ssyncadd.s32 $0xFFFFFC18  }
0x7d: {  	_ =	swait.ge [sflag:s21], $0x3E8  }
0x7e: {  	[sflag:s21] =	ssyncset.done $0x0  }
0x7f: {  	[sflag:s21] =	ssyncadd.s32 $0xFFFFFC18  }
0x80: {  	_ =	swait.ge [sflag:s21], $0x3E8  }
0x81: {  	[sflag:s21] =	ssyncset.done $0x0  }
0x82: {  	[sflag:s21] =	ssyncadd.s32 $0xFFFFFC18  }
0x83: {  	_ =	swait.ge [sflag:s21], $0x3E8  }
0x84: {  	[sflag:s21] =	ssyncset.done $0x0  }
0x85: {  	[sflag:s21] =	ssyncadd.s32 $0xFFFFFC18  }
0x86: {  	_ =	swait.ge [sflag:s21], $0x3E8  }
0x87: {  	[sflag:s21] =	ssyncset.done $0x0  }
0x88: {  	[sflag:s21] =	ssyncadd.s32 $0xFFFFFC18  }
0x89: {  	_ =	swait.ge [sflag:s21], $0x3E8  }
0x8a: {  	[sflag:s21] =	ssyncset.done $0x0  }
0x8b: {  	[sflag:s21] =	ssyncadd.s32 $0xFFFFFC18  }
0x8c: {  	_ =	swait.ge [sflag:s21], $0x3E8  }
0x8d: {  	[sflag:s21] =	ssyncset.done $0x0  }
0x8e: {  	[sflag:s21] =	ssyncadd.s32 $0xFFFFFC18  }
0x8f: {  	s18 =	simm.s32 $0x7620;
	[bflag:$0x0] =	sbarrier.arrive $0xFFFF  }
0x90: {  	[tilespmem:s18], [sflag:$0x1] =	stream.indirect.gather [hbm4b:s3+s12], $0x10, s28, s12, $0xb8;
	[tilespmem:$0x17020] =	vst v63  }
0x91: {  	s13 =	simm.s32 $0xB4A0  }
0x92: {  	[tilespmem:s13], [sflag:$0x1] =	stream.indirect.gather [hbm4b:s3+s12], $0x10, s19, s12, $0xb8;
	[tilespmem:$0x17020] =	vst v63  }
0x93: {  	s19 =	simm.s32 $0xF320  }
0x94: {  	[tilespmem:s19], [sflag:$0x1] =	stream.indirect.gather [hbm4b:s3+s12], $0x10, s2, s12, $0xb8;
	[tilespmem:$0x17020] =	vst v63  }
0x95: {  	_ =	swait.ge [sflag:s17], $0x3E80  }
0x96: {  	[sflag:s17] =	ssyncset.done $0x0  }
0x97: {  	[sflag:s17] =	ssyncadd.s32 $0xFFFFC180  }
0x98: {  	[spmem:s30] =	stream.indirect.scatter.add.f32 [tilespmem:s18], [sflag:$0x2], $0x10, s11, s12, $0xb8;
	[tilespmem:$0x17020] =	vst v63  }
0x99: {  	s26 =	simm.s32 $0x33B8;
	s24 =	simm.s32 $0x131A0  }
0x9a: {  	[tilespmem:s24], [sflag:$0x1] =	stream.indirect.gather [hbm4b:s3+s12], $0x10, s26, s12, $0xb8;
	[tilespmem:$0x17020] =	vst v63  }
0x9b: {  	_ =	swait.ge [sflag:s17], $0x3E80  }
0x9c: {  	[sflag:s17] =	ssyncset.done $0x0  }
0x9d: {  	[sflag:s17] =	ssyncadd.s32 $0xFFFFC180  }
0x9e: {  	[spmem:s30] =	stream.indirect.scatter.add.f32 [tilespmem:s13], [sflag:$0x3], $0x10, s9, s12, $0xb8;
	[tilespmem:$0x17020] =	vst v63  }
0x9f: {  	_ =	swait.ge [sflag:s10], $0x3E80  }
0xa0: {  	[sflag:s10] =	ssyncset.done $0x0  }
0xa1: {  	[sflag:s10] =	ssyncadd.s32 $0xFFFFC180  }
0xa2: {  	[tilespmem:s18], [sflag:$0x1] =	stream.indirect.gather [hbm4b:s3+s12], $0x10, s22, s12, $0xb8;
	[tilespmem:$0x17020] =	vst v63  }
0xa3: {  	_ =	swait.ge [sflag:s17], $0x3E80  }
0xa4: {  	[sflag:s17] =	ssyncset.done $0x0  }
0xa5: {  	[sflag:s17] =	ssyncadd.s32 $0xFFFFC180  }
0xa6: {  	[spmem:s30] =	stream.indirect.scatter.add.f32 [tilespmem:s19], [sflag:$0x4], $0x10, s0, s12, $0xb8;
	[tilespmem:$0x17020] =	vst v63  }
0xa7: {  	_ =	swait.ge [sflag:s7], $0x3E80  }
0xa8: {  	[sflag:s7] =	ssyncset.done $0x0  }
0xa9: {  	[sflag:s7] =	ssyncadd.s32 $0xFFFFC180  }
0xaa: {  	[tilespmem:s13], [sflag:$0x1] =	stream.indirect.gather [hbm4b:s3+s12], $0x10, s25, s12, $0xb8;
	[tilespmem:$0x17020] =	vst v63  }
0xab: {  	_ =	swait.ge [sflag:s17], $0x3E80  }
0xac: {  	[sflag:s17] =	ssyncset.done $0x0  }
0xad: {  	s25 =	simm.s32 $0x4;
	[sflag:s17] =	ssyncadd.s32 $0xFFFFC180  }
0xae: {  	[spmem:s30] =	stream.indirect.scatter.add.f32 [tilespmem:s24], [sflag:$0x5], $0x10, s4, s12, $0xb8;
	[tilespmem:$0x17020] =	vst v63  }
0xaf: {  	_ =	swait.ge [sflag:s25], $0x3E80  }
0xb0: {  	[sflag:s25] =	ssyncset.done $0x0  }
0xb1: {  	[sflag:s25] =	ssyncadd.s32 $0xFFFFC180  }
0xb2: {  	[tilespmem:s19], [sflag:$0x1] =	stream.indirect.gather [hbm4b:s3+s12], $0x10, s6, s12, $0xb8;
	[tilespmem:$0x17020] =	vst v63  }
0xb3: {  	_ =	swait.ge [sflag:s17], $0x3E80  }
0xb4: {  	[sflag:s17] =	ssyncset.done $0x0  }
0xb5: {  	s22 =	simm.s32 $0x5;
	[sflag:s17] =	ssyncadd.s32 $0xFFFFC180  }
0xb6: {  	[spmem:s30] =	stream.indirect.scatter.add.f32 [tilespmem:s18], [sflag:$0x2], $0x10, s14, s12, $0xb8;
	[tilespmem:$0x17020] =	vst v63  }
0xb7: {  	_ =	swait.ge [sflag:s22], $0x3E80  }
0xb8: {  	[sflag:s22] =	ssyncset.done $0x0  }
0xb9: {  	[sflag:s22] =	ssyncadd.s32 $0xFFFFC180  }
0xba: {  	[tilespmem:s24], [sflag:$0x1] =	stream.indirect.gather [hbm4b:s3+s12], $0x10, s15, s12, $0xb8;
	[tilespmem:$0x17020] =	vst v63  }
0xbb: {  	_ =	swait.ge [sflag:s17], $0x3E80  }
0xbc: {  	[sflag:s17] =	ssyncset.done $0x0  }
0xbd: {  	[sflag:s17] =	ssyncadd.s32 $0xFFFFC180  }
0xbe: {  	[spmem:s30] =	stream.indirect.scatter.add.f32 [tilespmem:s13], [sflag:$0x3], $0x10, s20, s12, $0xb8;
	[tilespmem:$0x17020] =	vst v63  }
0xbf: {  	_ =	swait.ge [sflag:s10], $0x3E80  }
0xc0: {  	[sflag:s10] =	ssyncset.done $0x0  }
0xc1: {  	s15 =	simm.s32 $0x7620;
	[sflag:s10] =	ssyncadd.s32 $0xFFFFC180  }
0xc2: {  	[tilespmem:s15], [sflag:$0x1] =	stream.indirect.gather [hbm4b:s3+s12], $0x10, s16, s12, $0xb8;
	[tilespmem:$0x17020] =	vst v63  }
0xc3: {  	_ =	swait.ge [sflag:s17], $0x3E80  }
0xc4: {  	[sflag:s17] =	ssyncset.done $0x0  }
0xc5: {  	s18 =	simm.s32 $0x6680;
	[sflag:s17] =	ssyncadd.s32 $0xFFFFC180  }
0xc6: {  	[spmem:s30] =	stream.indirect.scatter.add.f32 [tilespmem:s19], [sflag:$0x4], $0x10, s18, s12, $0xb8;
	[tilespmem:$0x17020] =	vst v63  }
0xc7: {  	_ =	swait.ge [sflag:s7], $0x3E80  }
0xc8: {  	[sflag:s7] =	ssyncset.done $0x0  }
0xc9: {  	[sflag:s7] =	ssyncadd.s32 $0xFFFFC180  }
0xca: {  	[tilespmem:s13], [sflag:$0x1] =	stream.indirect.gather [hbm4b:s3+s12], $0x10, s8, s12, $0xb8;
	[tilespmem:$0x17020] =	vst v63  }
0xcb: {  	_ =	swait.ge [sflag:s17], $0x3E80  }
0xcc: {  	[sflag:s17] =	ssyncset.done $0x0  }
0xcd: {  	s20 =	simm.s32 $0x6A68;
	[sflag:s17] =	ssyncadd.s32 $0xFFFFC180  }
0xce: {  	[spmem:s30] =	stream.indirect.scatter.add.f32 [tilespmem:s24], [sflag:$0x5], $0x10, s20, s12, $0xb8;
	[tilespmem:$0x17020] =	vst v63  }
0xcf: {  	_ =	swait.ge [sflag:s17], $0x3E80  }
0xd0: {  	[sflag:s17] =	ssyncset.done $0x0  }
0xd1: {  	s24 =	simm.s32 $0x6E50;
	[sflag:s17] =	ssyncadd.s32 $0xFFFFC180  }
0xd2: {  	[spmem:s30] =	stream.indirect.scatter.add.f32 [tilespmem:s15], [sflag:$0x2], $0x10, s24, s12, $0xb8;
	[tilespmem:$0x17020] =	vst v63  }
0xd3: {  	_ =	swait.ge [sflag:s17], $0x3E80  }
0xd4: {  	[sflag:s17] =	ssyncset.done $0x0  }
0xd5: {  	s23 =	simm.s32 $0x7238;
	[sflag:s17] =	ssyncadd.s32 $0xFFFFC180  }
0xd6: {  	[spmem:s30] =	stream.indirect.scatter.add.f32 [tilespmem:s13], [sflag:$0x3], $0x10, s23, s12, $0xb8;
	[tilespmem:$0x17020] =	vst v63  }
0xd7: {  	_ =	swait.ge [sflag:s25], $0x3E80  }
0xd8: {  	[sflag:s25] =	ssyncset.done $0x0  }
0xd9: {  	[sflag:s25] =	ssyncadd.s32 $0xFFFFC180  }
0xda: {  	_ =	swait.ge [sflag:s22], $0x3E80  }
0xdb: {  	[sflag:s22] =	ssyncset.done $0x0  }
0xdc: {  	[sflag:s22] =	ssyncadd.s32 $0xFFFFC180  }
0xdd: {  	_ =	swait.ge [sflag:s10], $0x3E80  }
0xde: {  	[sflag:s10] =	ssyncset.done $0x0  }
0xdf: {  	[sflag:s10] =	ssyncadd.s32 $0xFFFFC180  }
0xe0: {  	_ =	swait.ge [sflag:s7], $0x3E80  }
0xe1: {  	[sflag:s7] =	ssyncset.done $0x0  }
0xe2: {  	p1 =	sne.s32 s1, $0x1;
	[sflag:s7] =	ssyncadd.s32 $0xFFFFC180  }
.Ltmp1:
0xe3: {  	[bflag:$0x0] =	sbarrier.arrive $0xFFFF;
	(pc) =	sbr.rel @!p1 .LBB2_7-.Ltmp1, $4  }
0xe4: {  	s6 =	simm.s32 $0x7;
	s26 =	rddreg [dreg:$0x17]  }
0xe5: {  	[hbm:s26], [sflag:s31] =	dma.local [spmem:s5], $0x500  }
0xe6: {  	p0 =	por $0x1, $0x1;
	_ =	swait.ge [sflag:s6], $0x500;
	[dreg:$0x19] =	wrdreg s5  }
0xe7: {  	s23 =	sadd.s32 $0xFFFFFFFF, s1;
	s24 =	rddreg [dreg:$0x16];
	[sflag:s6] =	ssyncset.done $0x0  }
0xe8: {  	s9 =	simm.s32 $0x52F8  }
0xe9: {  	s2 =	simm.s32 $0x33B8;
	s4 =	simm.s32 $0x5AC8;
	s8 =	simm.s32 $0x5EB0  }
0xea: {  	s20 =	simm.s32 $0x6298;
	s18 =	simm.s32 $0x7620;
	s16 =	simm.s32 $0x4740  }
.LBB2_4:
0xeb: {  	[sflag:s6] =	ssyncadd.s32 $0xFFFFFB00;
	s0 =	rddreg [dreg:$0x18]  }
0xec: {  	[tilespmem:s28], [sflag:$0x6] =	stream.linear.gather [hbm4b:s0+s29], $0x3E8, $0x38;
	[tilespmem:$0x17020] =	vst v63  }
0xed: {  	s26 =	rddreg [dreg:$0x3];
	s11 =	simm.s32 $0x4F10  }
0xee: {  	[tilespmem:s11], [sflag:$0x6] =	stream.linear.gather [hbm4b:s26+s29], $0x3E8, $0x38;
	[tilespmem:$0x17020] =	vst v63  }
0xef: {  	s19 =	simm.s32 $0x2BE8;
	s28 =	rddreg [dreg:$0x4]  }
0xf0: {  	[tilespmem:s19], [sflag:$0x6] =	stream.linear.gather [hbm4b:s28+s29], $0x3E8, $0x38;
	[tilespmem:$0x17020] =	vst v63  }
0xf1: {  	s0 =	rddreg [dreg:$0x5]  }
0xf2: {  	[tilespmem:s9], [sflag:$0x6] =	stream.linear.gather [hbm4b:s0+s29], $0x3E8, $0x38;
	[tilespmem:$0x17020] =	vst v63  }
0xf3: {  	s5 =	smov.u32 s31;
	s31 =	simm.s32 $0x2FD0;
	s28 =	rddreg [dreg:$0x6]  }
0xf4: {  	[tilespmem:s31], [sflag:$0x6] =	stream.linear.gather [hbm4b:s28+s29], $0x3E8, $0x38;
	[tilespmem:$0x17020] =	vst v63  }
0xf5: {  	s1 =	rddreg [dreg:$0x7];
	s0 =	simm.s32 $0x56E0  }
0xf6: {  	[tilespmem:s0], [sflag:$0x6] =	stream.linear.gather [hbm4b:s1+s29], $0x3E8, $0x38;
	[tilespmem:$0x17020] =	vst v63  }
0xf7: {  	s28 =	rddreg [dreg:$0x8]  }
0xf8: {  	[tilespmem:s2], [sflag:$0x6] =	stream.linear.gather [hbm4b:s28+s29], $0x3E8, $0x38;
	[tilespmem:$0x17020] =	vst v63  }
0xf9: {  	s6 =	rddreg [dreg:$0x9]  }
0xfa: {  	[tilespmem:s4], [sflag:$0x6] =	stream.linear.gather [hbm4b:s6+s29], $0x3E8, $0x38;
	[tilespmem:$0x17020] =	vst v63  }
0xfb: {  	s22 =	simm.s32 $0x37A0;
	s28 =	rddreg [dreg:$0xa]  }
0xfc: {  	[tilespmem:s22], [sflag:$0x6] =	stream.linear.gather [hbm4b:s28+s29], $0x3E8, $0x38;
	[tilespmem:$0x17020] =	vst v63  }
0xfd: {  	s13 =	rddreg [dreg:$0xb]  }
0xfe: {  	[tilespmem:s8], [sflag:$0x6] =	stream.linear.gather [hbm4b:s13+s29], $0x3E8, $0x38;
	[tilespmem:$0x17020] =	vst v63  }
0xff: {  	s25 =	simm.s32 $0x3B88;
	s28 =	rddreg [dreg:$0xc]  }
0x100: {  	[tilespmem:s25], [sflag:$0x6] =	stream.linear.gather [hbm4b:s28+s29], $0x3E8, $0x38;
	[tilespmem:$0x17020] =	vst v63  }
0x101: {  	s14 =	rddreg [dreg:$0xd]  }
0x102: {  	[tilespmem:s20], [sflag:$0x6] =	stream.linear.gather [hbm4b:s14+s29], $0x3E8, $0x38;
	[tilespmem:$0x17020] =	vst v63  }
0x103: {  	s6 =	simm.s32 $0x3F70;
	s28 =	rddreg [dreg:$0xe]  }
0x104: {  	[tilespmem:s6], [sflag:$0x6] =	stream.linear.gather [hbm4b:s28+s29], $0x3E8, $0x38;
	[tilespmem:$0x17020] =	vst v63  }
0x105: {  	s15 =	rddreg [dreg:$0xf];
	s1 =	simm.s32 $0x6680  }
0x106: {  	[tilespmem:s1], [sflag:$0x6] =	stream.linear.gather [hbm4b:s15+s29], $0x3E8, $0x38;
	[tilespmem:$0x17020] =	vst v63  }
0x107: {  	s28 =	rddreg [dreg:$0x10];
	s15 =	simm.s32 $0x4358  }
0x108: {  	[tilespmem:s15], [sflag:$0x6] =	stream.linear.gather [hbm4b:s28+s29], $0x3E8, $0x38;
	[tilespmem:$0x17020] =	vst v63  }
0x109: {  	s14 =	simm.s32 $0x6A68;
	s1 =	rddreg [dreg:$0x11]  }
0x10a: {  	[tilespmem:s14], [sflag:$0x6] =	stream.linear.gather [hbm4b:s1+s29], $0x3E8, $0x38;
	[tilespmem:$0x17020] =	vst v63  }
0x10b: {  	s28 =	rddreg [dreg:$0x12]  }
0x10c: {  	[tilespmem:s16], [sflag:$0x6] =	stream.linear.gather [hbm4b:s28+s29], $0x3E8, $0x38;
	[tilespmem:$0x17020] =	vst v63  }
0x10d: {  	s1 =	rddreg [dreg:$0x13];
	s14 =	simm.s32 $0x6E50  }
0x10e: {  	[tilespmem:s14], [sflag:$0x6] =	stream.linear.gather [hbm4b:s1+s29], $0x3E8, $0x38;
	[tilespmem:$0x17020] =	vst v63  }
0x10f: {  	s28 =	rddreg [dreg:$0x14];
	s1 =	simm.s32 $0x4B28  }
0x110: {  	[tilespmem:s1], [sflag:$0x6] =	stream.linear.gather [hbm4b:s28+s29], $0x3E8, $0x38;
	[tilespmem:$0x17020] =	vst v63  }
0x111: {  	s26 =	rddreg [dreg:$0x15];
	s14 =	simm.s32 $0x7238  }
0x112: {  	[tilespmem:s14], [sflag:$0x6] =	stream.linear.gather [hbm4b:s26+s29], $0x3E8, $0x38;
	[tilespmem:$0x17020] =	vst v63  }
0x113: {  	s13 =	simm.s32 $0x7;
	s26 =	rddreg [dreg:$0x19]  }
0x114: {  	[spmem:s26], [sflag:s5] =	dma.local [hbm:s24], $0x500  }
0x115: {  	_ =	swait.ge [sflag:s13], $0x500  }
0x116: {  	[sflag:s13] =	ssyncset.done $0x0  }
0x117: {  	[sflag:s13] =	ssyncadd.s32 $0xFFFFFB00  }
0x118: {  	_ =	swait.ge [sflag:s21], $0x3E8  }
0x119: {  	[sflag:s21] =	ssyncset.done $0x0  }
0x11a: {  	[sflag:s21] =	ssyncadd.s32 $0xFFFFFC18  }
0x11b: {  	_ =	swait.ge [sflag:s21], $0x3E8  }
0x11c: {  	[sflag:s21] =	ssyncset.done $0x0  }
0x11d: {  	[sflag:s21] =	ssyncadd.s32 $0xFFFFFC18  }
0x11e: {  	_ =	swait.ge [sflag:s21], $0x3E8  }
0x11f: {  	[sflag:s21] =	ssyncset.done $0x0  }
0x120: {  	[sflag:s21] =	ssyncadd.s32 $0xFFFFFC18  }
0x121: {  	_ =	swait.ge [sflag:s21], $0x3E8  }
0x122: {  	[sflag:s21] =	ssyncset.done $0x0  }
0x123: {  	[sflag:s21] =	ssyncadd.s32 $0xFFFFFC18  }
0x124: {  	_ =	swait.ge [sflag:s21], $0x3E8  }
0x125: {  	[sflag:s21] =	ssyncset.done $0x0  }
0x126: {  	[sflag:s21] =	ssyncadd.s32 $0xFFFFFC18  }
0x127: {  	_ =	swait.ge [sflag:s21], $0x3E8  }
0x128: {  	[sflag:s21] =	ssyncset.done $0x0  }
0x129: {  	[sflag:s21] =	ssyncadd.s32 $0xFFFFFC18  }
0x12a: {  	_ =	swait.ge [sflag:s21], $0x3E8  }
0x12b: {  	[sflag:s21] =	ssyncset.done $0x0  }
0x12c: {  	[sflag:s21] =	ssyncadd.s32 $0xFFFFFC18  }
0x12d: {  	_ =	swait.ge [sflag:s21], $0x3E8  }
0x12e: {  	[sflag:s21] =	ssyncset.done $0x0  }
0x12f: {  	[sflag:s21] =	ssyncadd.s32 $0xFFFFFC18  }
0x130: {  	_ =	swait.ge [sflag:s21], $0x3E8  }
0x131: {  	[sflag:s21] =	ssyncset.done $0x0  }
0x132: {  	[sflag:s21] =	ssyncadd.s32 $0xFFFFFC18  }
0x133: {  	_ =	swait.ge [sflag:s21], $0x3E8  }
0x134: {  	[sflag:s21] =	ssyncset.done $0x0  }
0x135: {  	[sflag:s21] =	ssyncadd.s32 $0xFFFFFC18  }
0x136: {  	_ =	swait.ge [sflag:s21], $0x3E8  }
0x137: {  	[sflag:s21] =	ssyncset.done $0x0  }
0x138: {  	[sflag:s21] =	ssyncadd.s32 $0xFFFFFC18  }
0x139: {  	_ =	swait.ge [sflag:s21], $0x3E8  }
0x13a: {  	[sflag:s21] =	ssyncset.done $0x0  }
0x13b: {  	[sflag:s21] =	ssyncadd.s32 $0xFFFFFC18  }
0x13c: {  	_ =	swait.ge [sflag:s21], $0x3E8  }
0x13d: {  	[sflag:s21] =	ssyncset.done $0x0  }
0x13e: {  	[sflag:s21] =	ssyncadd.s32 $0xFFFFFC18  }
0x13f: {  	_ =	swait.ge [sflag:s21], $0x3E8  }
0x140: {  	[sflag:s21] =	ssyncset.done $0x0  }
0x141: {  	[sflag:s21] =	ssyncadd.s32 $0xFFFFFC18  }
0x142: {  	_ =	swait.ge [sflag:s21], $0x3E8  }
0x143: {  	[sflag:s21] =	ssyncset.done $0x0  }
0x144: {  	[sflag:s21] =	ssyncadd.s32 $0xFFFFFC18  }
0x145: {  	_ =	swait.ge [sflag:s21], $0x3E8  }
0x146: {  	[sflag:s21] =	ssyncset.done $0x0  }
0x147: {  	[sflag:s21] =	ssyncadd.s32 $0xFFFFFC18  }
0x148: {  	_ =	swait.ge [sflag:s21], $0x3E8  }
0x149: {  	[sflag:s21] =	ssyncset.done $0x0  }
0x14a: {  	[sflag:s21] =	ssyncadd.s32 $0xFFFFFC18  }
0x14b: {  	_ =	swait.ge [sflag:s21], $0x3E8  }
0x14c: {  	[sflag:s21] =	ssyncset.done $0x0  }
0x14d: {  	[sflag:s21] =	ssyncadd.s32 $0xFFFFFC18  }
0x14e: {  	_ =	swait.ge [sflag:s21], $0x3E8  }
0x14f: {  	[sflag:s21] =	ssyncset.done $0x0  }
0x150: {  	[sflag:s21] =	ssyncadd.s32 $0xFFFFFC18  }
0x151: {  	_ =	swait.ge [sflag:s21], $0x3E8  }
0x152: {  	[sflag:s21] =	ssyncset.done $0x0  }
0x153: {  	[sflag:s21] =	ssyncadd.s32 $0xFFFFFC18  }
0x154: {  	s28 =	simm.s32 $0x2800;
	[bflag:$0x0] =	sbarrier.arrive $0xFFFF  }
0x155: {  	[tilespmem:s18], [sflag:$0x1] =	stream.indirect.gather [hbm4b:s3+s12], $0x10, s28, s12, $0xb8;
	[tilespmem:$0x17020] =	vst v63  }
0x156: {  	s13 =	simm.s32 $0xB4A0  }
0x157: {  	[tilespmem:s13], [sflag:$0x1] =	stream.indirect.gather [hbm4b:s3+s12], $0x10, s19, s12, $0xb8;
	[tilespmem:$0x17020] =	vst v63  }
0x158: {  	s19 =	simm.s32 $0xF320  }
0x159: {  	[tilespmem:s19], [sflag:$0x1] =	stream.indirect.gather [hbm4b:s3+s12], $0x10, s31, s12, $0xb8;
	[tilespmem:$0x17020] =	vst v63  }
0x15a: {  	_ =	swait.ge [sflag:s17], $0x3E80  }
0x15b: {  	[sflag:s17] =	ssyncset.done $0x0  }
0x15c: {  	[sflag:s17] =	ssyncadd.s32 $0xFFFFC180  }
0x15d: {  	[spmem:s30] =	stream.indirect.scatter.add.f32 [tilespmem:s18], [sflag:$0x2], $0x10, s11, s12, $0xb8;
	[tilespmem:$0x17020] =	vst v63  }
0x15e: {  	s11 =	simm.s32 $0x131A0  }
0x15f: {  	[tilespmem:s11], [sflag:$0x1] =	stream.indirect.gather [hbm4b:s3+s12], $0x10, s2, s12, $0xb8;
	[tilespmem:$0x17020] =	vst v63  }
0x160: {  	_ =	swait.ge [sflag:s17], $0x3E80  }
0x161: {  	[sflag:s17] =	ssyncset.done $0x0  }
0x162: {  	[sflag:s17] =	ssyncadd.s32 $0xFFFFC180  }
0x163: {  	[spmem:s30] =	stream.indirect.scatter.add.f32 [tilespmem:s13], [sflag:$0x3], $0x10, s9, s12, $0xb8;
	[tilespmem:$0x17020] =	vst v63  }
0x164: {  	_ =	swait.ge [sflag:s10], $0x3E80  }
0x165: {  	[sflag:s10] =	ssyncset.done $0x0  }
0x166: {  	[sflag:s10] =	ssyncadd.s32 $0xFFFFC180  }
0x167: {  	[tilespmem:s18], [sflag:$0x1] =	stream.indirect.gather [hbm4b:s3+s12], $0x10, s22, s12, $0xb8;
	[tilespmem:$0x17020] =	vst v63  }
0x168: {  	_ =	swait.ge [sflag:s17], $0x3E80  }
0x169: {  	[sflag:s17] =	ssyncset.done $0x0  }
0x16a: {  	[sflag:s17] =	ssyncadd.s32 $0xFFFFC180  }
0x16b: {  	[spmem:s30] =	stream.indirect.scatter.add.f32 [tilespmem:s19], [sflag:$0x4], $0x10, s0, s12, $0xb8;
	[tilespmem:$0x17020] =	vst v63  }
0x16c: {  	_ =	swait.ge [sflag:s7], $0x3E80  }
0x16d: {  	[sflag:s7] =	ssyncset.done $0x0  }
0x16e: {  	[sflag:s7] =	ssyncadd.s32 $0xFFFFC180  }
0x16f: {  	[tilespmem:s13], [sflag:$0x1] =	stream.indirect.gather [hbm4b:s3+s12], $0x10, s25, s12, $0xb8;
	[tilespmem:$0x17020] =	vst v63  }
0x170: {  	_ =	swait.ge [sflag:s17], $0x3E80  }
0x171: {  	[sflag:s17] =	ssyncset.done $0x0  }
0x172: {  	s25 =	simm.s32 $0x4;
	[sflag:s17] =	ssyncadd.s32 $0xFFFFC180  }
0x173: {  	[spmem:s30] =	stream.indirect.scatter.add.f32 [tilespmem:s11], [sflag:$0x5], $0x10, s4, s12, $0xb8;
	[tilespmem:$0x17020] =	vst v63  }
0x174: {  	_ =	swait.ge [sflag:s25], $0x3E80  }
0x175: {  	[sflag:s25] =	ssyncset.done $0x0  }
0x176: {  	[sflag:s25] =	ssyncadd.s32 $0xFFFFC180  }
0x177: {  	[tilespmem:s19], [sflag:$0x1] =	stream.indirect.gather [hbm4b:s3+s12], $0x10, s6, s12, $0xb8;
	[tilespmem:$0x17020] =	vst v63  }
0x178: {  	_ =	swait.ge [sflag:s17], $0x3E80  }
0x179: {  	[sflag:s17] =	ssyncset.done $0x0  }
0x17a: {  	s22 =	simm.s32 $0x5;
	[sflag:s17] =	ssyncadd.s32 $0xFFFFC180  }
0x17b: {  	[spmem:s30] =	stream.indirect.scatter.add.f32 [tilespmem:s18], [sflag:$0x2], $0x10, s8, s12, $0xb8;
	[tilespmem:$0x17020] =	vst v63  }
0x17c: {  	_ =	swait.ge [sflag:s22], $0x3E80  }
0x17d: {  	[sflag:s22] =	ssyncset.done $0x0  }
0x17e: {  	[sflag:s22] =	ssyncadd.s32 $0xFFFFC180  }
0x17f: {  	[tilespmem:s11], [sflag:$0x1] =	stream.indirect.gather [hbm4b:s3+s12], $0x10, s15, s12, $0xb8;
	[tilespmem:$0x17020] =	vst v63  }
0x180: {  	_ =	swait.ge [sflag:s17], $0x3E80  }
0x181: {  	[sflag:s17] =	ssyncset.done $0x0  }
0x182: {  	[sflag:s17] =	ssyncadd.s32 $0xFFFFC180  }
0x183: {  	[spmem:s30] =	stream.indirect.scatter.add.f32 [tilespmem:s13], [sflag:$0x3], $0x10, s20, s12, $0xb8;
	[tilespmem:$0x17020] =	vst v63  }
0x184: {  	_ =	swait.ge [sflag:s10], $0x3E80  }
0x185: {  	[sflag:s10] =	ssyncset.done $0x0  }
0x186: {  	s15 =	simm.s32 $0x7620;
	[sflag:s10] =	ssyncadd.s32 $0xFFFFC180  }
0x187: {  	[tilespmem:s15], [sflag:$0x1] =	stream.indirect.gather [hbm4b:s3+s12], $0x10, s16, s12, $0xb8;
	[tilespmem:$0x17020] =	vst v63  }
0x188: {  	_ =	swait.ge [sflag:s17], $0x3E80  }
0x189: {  	[sflag:s17] =	ssyncset.done $0x0  }
0x18a: {  	s24 =	simm.s32 $0x6680;
	[sflag:s17] =	ssyncadd.s32 $0xFFFFC180  }
0x18b: {  	[spmem:s30] =	stream.indirect.scatter.add.f32 [tilespmem:s19], [sflag:$0x4], $0x10, s24, s12, $0xb8;
	[tilespmem:$0x17020] =	vst v63  }
0x18c: {  	_ =	swait.ge [sflag:s7], $0x3E80  }
0x18d: {  	[sflag:s7] =	ssyncset.done $0x0  }
0x18e: {  	[sflag:s7] =	ssyncadd.s32 $0xFFFFC180  }
0x18f: {  	[tilespmem:s13], [sflag:$0x1] =	stream.indirect.gather [hbm4b:s3+s12], $0x10, s1, s12, $0xb8;
	[tilespmem:$0x17020] =	vst v63  }
0x190: {  	_ =	swait.ge [sflag:s17], $0x3E80  }
0x191: {  	[sflag:s17] =	ssyncset.done $0x0  }
0x192: {  	s1 =	simm.s32 $0x6A68;
	[sflag:s17] =	ssyncadd.s32 $0xFFFFC180  }
0x193: {  	[spmem:s30] =	stream.indirect.scatter.add.f32 [tilespmem:s11], [sflag:$0x5], $0x10, s1, s12, $0xb8;
	[tilespmem:$0x17020] =	vst v63  }
0x194: {  	_ =	swait.ge [sflag:s17], $0x3E80  }
0x195: {  	[sflag:s17] =	ssyncset.done $0x0  }
0x196: {  	s11 =	simm.s32 $0x6E50;
	[sflag:s17] =	ssyncadd.s32 $0xFFFFC180  }
0x197: {  	[spmem:s30] =	stream.indirect.scatter.add.f32 [tilespmem:s15], [sflag:$0x2], $0x10, s11, s12, $0xb8;
	[tilespmem:$0x17020] =	vst v63  }
0x198: {  	_ =	swait.ge [sflag:s17], $0x3E80  }
0x199: {  	[sflag:s17] =	ssyncset.done $0x0  }
0x19a: {  	s14 =	simm.s32 $0x7238;
	[sflag:s17] =	ssyncadd.s32 $0xFFFFC180  }
0x19b: {  	[spmem:s30] =	stream.indirect.scatter.add.f32 [tilespmem:s13], [sflag:$0x3], $0x10, s14, s12, $0xb8;
	[tilespmem:$0x17020] =	vst v63  }
0x19c: {  	_ =	swait.ge [sflag:s25], $0x3E80  }
0x19d: {  	[sflag:s25] =	ssyncset.done $0x0  }
0x19e: {  	[sflag:s25] =	ssyncadd.s32 $0xFFFFC180  }
0x19f: {  	_ =	swait.ge [sflag:s22], $0x3E80  }
0x1a0: {  	[sflag:s22] =	ssyncset.done $0x0  }
0x1a1: {  	[sflag:s22] =	ssyncadd.s32 $0xFFFFC180  }
0x1a2: {  	_ =	swait.ge [sflag:s10], $0x3E80  }
0x1a3: {  	[sflag:s10] =	ssyncset.done $0x0  }
0x1a4: {  	[sflag:s10] =	ssyncadd.s32 $0xFFFFC180  }
0x1a5: {  	_ =	swait.ge [sflag:s7], $0x3E80  }
0x1a6: {  	[sflag:s7] =	ssyncset.done $0x0  }
0x1a7: {  	p1 =	sne.s32 s23, $0x1;
	[sflag:s7] =	ssyncadd.s32 $0xFFFFC180  }
.Ltmp2:
0x1a8: {  	[bflag:$0x0] =	sbarrier.arrive $0xFFFF;
	(pc) =	sbr.rel @p1 .LBB2_4-.Ltmp2, $4  }
0x1a9: {  	s6 =	simm.s32 $0x7;
	s19 =	rddreg [dreg:$0x17]  }
0x1aa: {  	[hbm:s19], [sflag:s5] =	dma.local [spmem:s26], $0x500  }
0x1ab: {  	s23 =	sadd.s32 $0xFFFFFFFF, s23;
	_ =	swait.ge [sflag:s6], $0x500  }
0x1ac: {  	s31 =	smov.u32 s5;
	s24 =	rddreg [dreg:$0x16];
	[sflag:s6] =	ssyncset.done $0x0  }
0x1ad: {  	s4 =	rddreg [dreg:$0x19]  }
0x1ae: {  	s0 =	rddreg [dreg:$0x18]  }
0x1af: {  	s26 =	stileid.u32;
	s16 =	rddreg [dreg:$0x2];
	s28 =	simm.s32 $0x2800  }
.LBB2_6:
0x1b0: {  	[sflag:s6] =	ssyncadd.s32 @p0 $0xFFFFFB00  }
0x1b1: {  	[tilespmem:s28], [sflag:$0x6] =	stream.linear.gather [hbm4b:s0+s29], $0x3E8, $0x38;
	[tilespmem:$0x17020] =	vst v63  }
0x1b2: {  	s23 =	rddreg [dreg:$0x3];
	s28 =	simm.s32 $0x4F10  }
0x1b3: {  	[tilespmem:s28], [sflag:$0x6] =	stream.linear.gather [hbm4b:s23+s29], $0x3E8, $0x38;
	[tilespmem:$0x17020] =	vst v63  }
0x1b4: {  	s20 =	rddreg [dreg:$0x4];
	s1 =	simm.s32 $0x2BE8  }
0x1b5: {  	[tilespmem:s1], [sflag:$0x6] =	stream.linear.gather [hbm4b:s20+s29], $0x3E8, $0x38;
	[tilespmem:$0x17020] =	vst v63  }
0x1b6: {  	s2 =	rddreg [dreg:$0x5];
	s11 =	simm.s32 $0x52F8  }
0x1b7: {  	[tilespmem:s11], [sflag:$0x6] =	stream.linear.gather [hbm4b:s2+s29], $0x3E8, $0x38;
	[tilespmem:$0x17020] =	vst v63  }
0x1b8: {  	s8 =	rddreg [dreg:$0x6];
	s0 =	simm.s32 $0x2FD0  }
0x1b9: {  	[tilespmem:s0], [sflag:$0x6] =	stream.linear.gather [hbm4b:s8+s29], $0x3E8, $0x38;
	[tilespmem:$0x17020] =	vst v63  }
0x1ba: {  	s9 =	rddreg [dreg:$0x7];
	s2 =	simm.s32 $0x56E0  }
0x1bb: {  	[tilespmem:s2], [sflag:$0x6] =	stream.linear.gather [hbm4b:s9+s29], $0x3E8, $0x38;
	[tilespmem:$0x17020] =	vst v63  }
0x1bc: {  	s14 =	rddreg [dreg:$0x8];
	s8 =	simm.s32 $0x33B8  }
0x1bd: {  	[tilespmem:s8], [sflag:$0x6] =	stream.linear.gather [hbm4b:s14+s29], $0x3E8, $0x38;
	[tilespmem:$0x17020] =	vst v63  }
0x1be: {  	s18 =	rddreg [dreg:$0x9];
	s9 =	simm.s32 $0x5AC8  }
0x1bf: {  	[tilespmem:s9], [sflag:$0x6] =	stream.linear.gather [hbm4b:s18+s29], $0x3E8, $0x38;
	[tilespmem:$0x17020] =	vst v63  }
0x1c0: {  	s19 =	rddreg [dreg:$0xa];
	s9 =	simm.s32 $0x37A0  }
0x1c1: {  	[tilespmem:s9], [sflag:$0x6] =	stream.linear.gather [hbm4b:s19+s29], $0x3E8, $0x38;
	[tilespmem:$0x17020] =	vst v63  }
0x1c2: {  	s31 =	rddreg [dreg:$0xb];
	s14 =	simm.s32 $0x5EB0  }
0x1c3: {  	[tilespmem:s14], [sflag:$0x6] =	stream.linear.gather [hbm4b:s31+s29], $0x3E8, $0x38;
	[tilespmem:$0x17020] =	vst v63  }
0x1c4: {  	s18 =	rddreg [dreg:$0xc];
	s14 =	simm.s32 $0x3B88  }
0x1c5: {  	[tilespmem:s14], [sflag:$0x6] =	stream.linear.gather [hbm4b:s18+s29], $0x3E8, $0x38;
	[tilespmem:$0x17020] =	vst v63  }
0x1c6: {  	s19 =	rddreg [dreg:$0xd];
	s18 =	simm.s32 $0x6298  }
0x1c7: {  	[tilespmem:s18], [sflag:$0x6] =	stream.linear.gather [hbm4b:s19+s29], $0x3E8, $0x38;
	[tilespmem:$0x17020] =	vst v63  }
0x1c8: {  	s31 =	rddreg [dreg:$0xe];
	s19 =	simm.s32 $0x3F70  }
0x1c9: {  	[tilespmem:s19], [sflag:$0x6] =	stream.linear.gather [hbm4b:s31+s29], $0x3E8, $0x38;
	[tilespmem:$0x17020] =	vst v63  }
0x1ca: {  	s18 =	rddreg [dreg:$0xf];
	s31 =	simm.s32 $0x6680  }
0x1cb: {  	[tilespmem:s31], [sflag:$0x6] =	stream.linear.gather [hbm4b:s18+s29], $0x3E8, $0x38;
	[tilespmem:$0x17020] =	vst v63  }
0x1cc: {  	s20 =	rddreg [dreg:$0x10];
	s31 =	simm.s32 $0x4358  }
0x1cd: {  	[tilespmem:s31], [sflag:$0x6] =	stream.linear.gather [hbm4b:s20+s29], $0x3E8, $0x38;
	[tilespmem:$0x17020] =	vst v63  }
0x1ce: {  	s23 =	rddreg [dreg:$0x11];
	s18 =	simm.s32 $0x6A68  }
0x1cf: {  	[tilespmem:s18], [sflag:$0x6] =	stream.linear.gather [hbm4b:s23+s29], $0x3E8, $0x38;
	[tilespmem:$0x17020] =	vst v63  }
0x1d0: {  	s20 =	rddreg [dreg:$0x12];
	s18 =	simm.s32 $0x4740  }
0x1d1: {  	[tilespmem:s18], [sflag:$0x6] =	stream.linear.gather [hbm4b:s20+s29], $0x3E8, $0x38;
	[tilespmem:$0x17020] =	vst v63  }
0x1d2: {  	s23 =	rddreg [dreg:$0x13];
	s18 =	simm.s32 $0x6E50  }
0x1d3: {  	[tilespmem:s18], [sflag:$0x6] =	stream.linear.gather [hbm4b:s23+s29], $0x3E8, $0x38;
	[tilespmem:$0x17020] =	vst v63  }
0x1d4: {  	s20 =	rddreg [dreg:$0x14];
	s18 =	simm.s32 $0x4B28  }
0x1d5: {  	[tilespmem:s18], [sflag:$0x6] =	stream.linear.gather [hbm4b:s20+s29], $0x3E8, $0x38;
	[tilespmem:$0x17020] =	vst v63  }
0x1d6: {  	s23 =	rddreg [dreg:$0x15];
	s20 =	simm.s32 $0x7238  }
0x1d7: {  	[tilespmem:s20], [sflag:$0x6] =	stream.linear.gather [hbm4b:s23+s29], $0x3E8, $0x38;
	[tilespmem:$0x17020] =	vst v63  }
0x1d8: {  	[spmem:s4], [sflag:s5] =	dma.local [hbm:s24], $0x500  }
0x1d9: {  	_ =	swait.ge [sflag:s6], $0x500  }
0x1da: {  	[sflag:s6] =	ssyncset.done $0x0  }
0x1db: {  	[sflag:s6] =	ssyncadd.s32 $0xFFFFFB00  }
0x1dc: {  	_ =	swait.ge [sflag:s21], $0x3E8  }
0x1dd: {  	[sflag:s21] =	ssyncset.done $0x0  }
0x1de: {  	[sflag:s21] =	ssyncadd.s32 $0xFFFFFC18  }
0x1df: {  	_ =	swait.ge [sflag:s21], $0x3E8  }
0x1e0: {  	[sflag:s21] =	ssyncset.done $0x0  }
0x1e1: {  	[sflag:s21] =	ssyncadd.s32 $0xFFFFFC18  }
0x1e2: {  	_ =	swait.ge [sflag:s21], $0x3E8  }
0x1e3: {  	[sflag:s21] =	ssyncset.done $0x0  }
0x1e4: {  	[sflag:s21] =	ssyncadd.s32 $0xFFFFFC18  }
0x1e5: {  	_ =	swait.ge [sflag:s21], $0x3E8  }
0x1e6: {  	[sflag:s21] =	ssyncset.done $0x0  }
0x1e7: {  	[sflag:s21] =	ssyncadd.s32 $0xFFFFFC18  }
0x1e8: {  	_ =	swait.ge [sflag:s21], $0x3E8  }
0x1e9: {  	[sflag:s21] =	ssyncset.done $0x0  }
0x1ea: {  	[sflag:s21] =	ssyncadd.s32 $0xFFFFFC18  }
0x1eb: {  	_ =	swait.ge [sflag:s21], $0x3E8  }
0x1ec: {  	[sflag:s21] =	ssyncset.done $0x0  }
0x1ed: {  	[sflag:s21] =	ssyncadd.s32 $0xFFFFFC18  }
0x1ee: {  	_ =	swait.ge [sflag:s21], $0x3E8  }
0x1ef: {  	[sflag:s21] =	ssyncset.done $0x0  }
0x1f0: {  	[sflag:s21] =	ssyncadd.s32 $0xFFFFFC18  }
0x1f1: {  	_ =	swait.ge [sflag:s21], $0x3E8  }
0x1f2: {  	[sflag:s21] =	ssyncset.done $0x0  }
0x1f3: {  	[sflag:s21] =	ssyncadd.s32 $0xFFFFFC18  }
0x1f4: {  	_ =	swait.ge [sflag:s21], $0x3E8  }
0x1f5: {  	[sflag:s21] =	ssyncset.done $0x0  }
0x1f6: {  	[sflag:s21] =	ssyncadd.s32 $0xFFFFFC18  }
0x1f7: {  	_ =	swait.ge [sflag:s21], $0x3E8  }
0x1f8: {  	[sflag:s21] =	ssyncset.done $0x0  }
0x1f9: {  	[sflag:s21] =	ssyncadd.s32 $0xFFFFFC18  }
0x1fa: {  	_ =	swait.ge [sflag:s21], $0x3E8  }
0x1fb: {  	[sflag:s21] =	ssyncset.done $0x0  }
0x1fc: {  	[sflag:s21] =	ssyncadd.s32 $0xFFFFFC18  }
0x1fd: {  	_ =	swait.ge [sflag:s21], $0x3E8  }
0x1fe: {  	[sflag:s21] =	ssyncset.done $0x0  }
0x1ff: {  	[sflag:s21] =	ssyncadd.s32 $0xFFFFFC18  }
0x200: {  	_ =	swait.ge [sflag:s21], $0x3E8  }
0x201: {  	[sflag:s21] =	ssyncset.done $0x0  }
0x202: {  	[sflag:s21] =	ssyncadd.s32 $0xFFFFFC18  }
0x203: {  	_ =	swait.ge [sflag:s21], $0x3E8  }
0x204: {  	[sflag:s21] =	ssyncset.done $0x0  }
0x205: {  	[sflag:s21] =	ssyncadd.s32 $0xFFFFFC18  }
0x206: {  	_ =	swait.ge [sflag:s21], $0x3E8  }
0x207: {  	[sflag:s21] =	ssyncset.done $0x0  }
0x208: {  	[sflag:s21] =	ssyncadd.s32 $0xFFFFFC18  }
0x209: {  	_ =	swait.ge [sflag:s21], $0x3E8  }
0x20a: {  	[sflag:s21] =	ssyncset.done $0x0  }
0x20b: {  	[sflag:s21] =	ssyncadd.s32 $0xFFFFFC18  }
0x20c: {  	_ =	swait.ge [sflag:s21], $0x3E8  }
0x20d: {  	[sflag:s21] =	ssyncset.done $0x0  }
0x20e: {  	[sflag:s21] =	ssyncadd.s32 $0xFFFFFC18  }
0x20f: {  	_ =	swait.ge [sflag:s21], $0x3E8  }
0x210: {  	[sflag:s21] =	ssyncset.done $0x0  }
0x211: {  	[sflag:s21] =	ssyncadd.s32 $0xFFFFFC18  }
0x212: {  	_ =	swait.ge [sflag:s21], $0x3E8  }
0x213: {  	[sflag:s21] =	ssyncset.done $0x0  }
0x214: {  	[sflag:s21] =	ssyncadd.s32 $0xFFFFFC18  }
0x215: {  	_ =	swait.ge [sflag:s21], $0x3E8  }
0x216: {  	[sflag:s21] =	ssyncset.done $0x0  }
0x217: {  	[sflag:s21] =	ssyncadd.s32 $0xFFFFFC18  }
0x218: {  	s24 =	simm.s32 $0x2800;
	[bflag:$0x0] =	sbarrier.arrive $0xFFFF  }
0x219: {  	[tilespmem:s15], [sflag:$0x1] =	stream.indirect.gather [hbm4b:s3+s12], $0x10, s24, s12, $0xb8;
	[tilespmem:$0x17020] =	vst v63  }
0x21a: {  	_ = 	snop  }
0x21b: {  	[tilespmem:s13], [sflag:$0x1] =	stream.indirect.gather [hbm4b:s3+s12], $0x10, s1, s12, $0xb8;
	[tilespmem:$0x17020] =	vst v63  }
0x21c: {  	s1 =	simm.s32 $0xF320  }
0x21d: {  	[tilespmem:s1], [sflag:$0x1] =	stream.indirect.gather [hbm4b:s3+s12], $0x10, s0, s12, $0xb8;
	[tilespmem:$0x17020] =	vst v63  }
0x21e: {  	_ =	swait.ge [sflag:s17], $0x3E80  }
0x21f: {  	[sflag:s17] =	ssyncset.done $0x0  }
0x220: {  	[sflag:s17] =	ssyncadd.s32 $0xFFFFC180  }
0x221: {  	[spmem:s30] =	stream.indirect.scatter.add.f32 [tilespmem:s15], [sflag:$0x2], $0x10, s28, s12, $0xb8;
	[tilespmem:$0x17020] =	vst v63  }
0x222: {  	s29 =	simm.s32 $0x131A0  }
0x223: {  	[tilespmem:s29], [sflag:$0x1] =	stream.indirect.gather [hbm4b:s3+s12], $0x10, s8, s12, $0xb8;
	[tilespmem:$0x17020] =	vst v63  }
0x224: {  	_ =	swait.ge [sflag:s17], $0x3E80  }
0x225: {  	[sflag:s17] =	ssyncset.done $0x0  }
0x226: {  	[sflag:s17] =	ssyncadd.s32 $0xFFFFC180  }
0x227: {  	[spmem:s30] =	stream.indirect.scatter.add.f32 [tilespmem:s13], [sflag:$0x3], $0x10, s11, s12, $0xb8;
	[tilespmem:$0x17020] =	vst v63  }
0x228: {  	_ =	swait.ge [sflag:s10], $0x3E80  }
0x229: {  	[sflag:s10] =	ssyncset.done $0x0  }
0x22a: {  	[sflag:s10] =	ssyncadd.s32 $0xFFFFC180  }
0x22b: {  	[tilespmem:s15], [sflag:$0x1] =	stream.indirect.gather [hbm4b:s3+s12], $0x10, s9, s12, $0xb8;
	[tilespmem:$0x17020] =	vst v63  }
0x22c: {  	_ =	swait.ge [sflag:s17], $0x3E80  }
0x22d: {  	[sflag:s17] =	ssyncset.done $0x0  }
0x22e: {  	[sflag:s17] =	ssyncadd.s32 $0xFFFFC180  }
0x22f: {  	[spmem:s30] =	stream.indirect.scatter.add.f32 [tilespmem:s1], [sflag:$0x4], $0x10, s2, s12, $0xb8;
	[tilespmem:$0x17020] =	vst v63  }
0x230: {  	_ =	swait.ge [sflag:s7], $0x3E80  }
0x231: {  	[sflag:s7] =	ssyncset.done $0x0  }
0x232: {  	[sflag:s7] =	ssyncadd.s32 $0xFFFFC180  }
0x233: {  	[tilespmem:s13], [sflag:$0x1] =	stream.indirect.gather [hbm4b:s3+s12], $0x10, s14, s12, $0xb8;
	[tilespmem:$0x17020] =	vst v63  }
0x234: {  	_ =	swait.ge [sflag:s17], $0x3E80  }
0x235: {  	[sflag:s17] =	ssyncset.done $0x0  }
0x236: {  	s14 =	simm.s32 $0x5AC8;
	[sflag:s17] =	ssyncadd.s32 $0xFFFFC180  }
0x237: {  	[spmem:s30] =	stream.indirect.scatter.add.f32 [tilespmem:s29], [sflag:$0x5], $0x10, s14, s12, $0xb8;
	[tilespmem:$0x17020] =	vst v63  }
0x238: {  	_ =	swait.ge [sflag:s25], $0x3E80  }
0x239: {  	[sflag:s25] =	ssyncset.done $0x0  }
0x23a: {  	[sflag:s25] =	ssyncadd.s32 $0xFFFFC180  }
0x23b: {  	[tilespmem:s1], [sflag:$0x1] =	stream.indirect.gather [hbm4b:s3+s12], $0x10, s19, s12, $0xb8;
	[tilespmem:$0x17020] =	vst v63  }
0x23c: {  	_ =	swait.ge [sflag:s17], $0x3E80  }
0x23d: {  	[sflag:s17] =	ssyncset.done $0x0  }
0x23e: {  	s19 =	simm.s32 $0x5EB0;
	[sflag:s17] =	ssyncadd.s32 $0xFFFFC180  }
0x23f: {  	[spmem:s30] =	stream.indirect.scatter.add.f32 [tilespmem:s15], [sflag:$0x2], $0x10, s19, s12, $0xb8;
	[tilespmem:$0x17020] =	vst v63  }
0x240: {  	_ =	swait.ge [sflag:s22], $0x3E80  }
0x241: {  	[sflag:s22] =	ssyncset.done $0x0  }
0x242: {  	[sflag:s22] =	ssyncadd.s32 $0xFFFFC180  }
0x243: {  	[tilespmem:s29], [sflag:$0x1] =	stream.indirect.gather [hbm4b:s3+s12], $0x10, s31, s12, $0xb8;
	[tilespmem:$0x17020] =	vst v63  }
0x244: {  	_ =	swait.ge [sflag:s17], $0x3E80  }
0x245: {  	[sflag:s17] =	ssyncset.done $0x0  }
0x246: {  	s21 =	simm.s32 $0x6298;
	[sflag:s17] =	ssyncadd.s32 $0xFFFFC180  }
0x247: {  	[spmem:s30] =	stream.indirect.scatter.add.f32 [tilespmem:s13], [sflag:$0x3], $0x10, s21, s12, $0xb8;
	[tilespmem:$0x17020] =	vst v63  }
0x248: {  	_ =	swait.ge [sflag:s10], $0x3E80  }
0x249: {  	[sflag:s10] =	ssyncset.done $0x0  }
0x24a: {  	s23 =	simm.s32 $0x4740;
	[sflag:s10] =	ssyncadd.s32 $0xFFFFC180  }
0x24b: {  	[tilespmem:s15], [sflag:$0x1] =	stream.indirect.gather [hbm4b:s3+s12], $0x10, s23, s12, $0xb8;
	[tilespmem:$0x17020] =	vst v63  }
0x24c: {  	_ =	swait.ge [sflag:s17], $0x3E80  }
0x24d: {  	[sflag:s17] =	ssyncset.done $0x0  }
0x24e: {  	s24 =	simm.s32 $0x6680;
	[sflag:s17] =	ssyncadd.s32 $0xFFFFC180  }
0x24f: {  	[spmem:s30] =	stream.indirect.scatter.add.f32 [tilespmem:s1], [sflag:$0x4], $0x10, s24, s12, $0xb8;
	[tilespmem:$0x17020] =	vst v63  }
0x250: {  	_ =	swait.ge [sflag:s7], $0x3E80  }
0x251: {  	[sflag:s7] =	ssyncset.done $0x0  }
0x252: {  	s18 =	simm.s32 $0x4B28;
	[sflag:s7] =	ssyncadd.s32 $0xFFFFC180  }
0x253: {  	[tilespmem:s13], [sflag:$0x1] =	stream.indirect.gather [hbm4b:s3+s12], $0x10, s18, s12, $0xb8;
	[tilespmem:$0x17020] =	vst v63  }
0x254: {  	_ =	swait.ge [sflag:s17], $0x3E80  }
0x255: {  	[sflag:s17] =	ssyncset.done $0x0  }
0x256: {  	s28 =	simm.s32 $0x6A68;
	[sflag:s17] =	ssyncadd.s32 $0xFFFFC180  }
0x257: {  	[spmem:s30] =	stream.indirect.scatter.add.f32 [tilespmem:s29], [sflag:$0x5], $0x10, s28, s12, $0xb8;
	[tilespmem:$0x17020] =	vst v63  }
0x258: {  	_ =	swait.ge [sflag:s17], $0x3E80  }
0x259: {  	[sflag:s17] =	ssyncset.done $0x0  }
0x25a: {  	s29 =	simm.s32 $0x6E50;
	[sflag:s17] =	ssyncadd.s32 $0xFFFFC180  }
0x25b: {  	[spmem:s30] =	stream.indirect.scatter.add.f32 [tilespmem:s15], [sflag:$0x2], $0x10, s29, s12, $0xb8;
	[tilespmem:$0x17020] =	vst v63  }
0x25c: {  	_ =	swait.ge [sflag:s17], $0x3E80  }
0x25d: {  	[sflag:s17] =	ssyncset.done $0x0  }
0x25e: {  	[sflag:s17] =	ssyncadd.s32 $0xFFFFC180  }
0x25f: {  	[spmem:s30] =	stream.indirect.scatter.add.f32 [tilespmem:s13], [sflag:$0x3], $0x10, s20, s12, $0xb8;
	[tilespmem:$0x17020] =	vst v63  }
0x260: {  	_ =	swait.ge [sflag:s25], $0x3E80  }
0x261: {  	[sflag:s25] =	ssyncset.done $0x0  }
0x262: {  	[sflag:s25] =	ssyncadd.s32 $0xFFFFC180  }
0x263: {  	_ =	swait.ge [sflag:s22], $0x3E80  }
0x264: {  	[sflag:s22] =	ssyncset.done $0x0  }
0x265: {  	[sflag:s22] =	ssyncadd.s32 $0xFFFFC180  }
0x266: {  	_ =	swait.ge [sflag:s10], $0x3E80  }
0x267: {  	[sflag:s10] =	ssyncset.done $0x0  }
0x268: {  	[sflag:s10] =	ssyncadd.s32 $0xFFFFC180  }
0x269: {  	_ =	swait.ge [sflag:s7], $0x3E80  }
0x26a: {  	[sflag:s7] =	ssyncset.done $0x0  }
0x26b: {  	[sflag:s7] =	ssyncadd.s32 $0xFFFFC180  }
0x26c: {  	[bflag:$0x0] =	sbarrier.arrive $0xFFFF  }
0x26d: {  	s31 =	rddreg [dreg:$0x17]  }
0x26e: {  	[hbm:s31], [sflag:s5] =	dma.local [spmem:s4], $0x500  }
0x26f: {  	_ =	swait.ge [sflag:s6], $0x500  }
0x270: {  	[sflag:s6] =	ssyncset.done $0x0  }
0x271: {  	[sflag:s6] =	ssyncadd.s32 $0xFFFFFB00  }
0x272: {  	_ =	sfence.sel $0x180000  }
0x273: {  	[bflag:$0x0] =	sbarrier.arrive $0xFFFF  }
0x274: {  	p0 =	sne.s32 s26, $0x0;
	_ =	strace $0x90000047  }
0x275: {  	s0 =	sadd.s32 @!p0 $0x100000, s16;
	[bflag:$0x2] =	sbarrier.arrive $0xFFFF  }
0x276: {  	[sflag:s0] =	ssyncadd.tile.s32 @!p0 $0x1;
	_ =	shalt  }
.LBB2_1:
.Ltmp3:
0x277: {  	(pc) =	sbr.rel .LBB2_6-.Ltmp3, $2  }
0x278: {  	_ =	sdelay $0x2  }
0x279: {  	s4 =	smov.u32 s5;
	s5 =	smov.u32 s31;
	s0 =	rddreg [dreg:$0x18]  }
.LBB2_7:
.Ltmp4:
0x27a: {  	(pc) =	sbr.rel .LBB2_6-.Ltmp4, $4  }
0x27b: {  	_ = 	snop  }
0x27c: {  	s4 =	rddreg [dreg:$0x19]  }
0x27d: {  	s5 =	smov.u32 s31;
	s0 =	rddreg [dreg:$0x18]  }
0x27e: {  	s26 =	stileid.u32;
	s16 =	rddreg [dreg:$0x2];
	s28 =	simm.s32 $0x2800  }
.Lfunc_end2:
_tile_overlayer_lowered:
.L_overlay_start_2:
0x27f: {  	(tag) =	ssettag $0x2  }
0x280: {  	s0 =	rddreg [dreg:$0x0];
	s2 =	stileid.u32  }
0x281: {  	s1 =	rddreg [dreg:$0x1];
	p0 =	sne.s32 s2, $0x0  }
0x282: {  	s3 =	rddreg [dreg:$0x2];
	[bflag:$0x3] =	sbarrier.arrive $0xFFFF;
	s2 =	simm.s32 @!p0 $0x1C07  }
0x283: {  	[timem:s3], [sflag:s2] =	dma.local @!p0 [hbm:s0], s1  }
0x284: {  	s0 =	simm.s32 @!p0 $0x7  }
0x285: {  	_ =	swait.ge @!p0 [sflag:s0], s1  }
0x286: {  	s1 =	ssub.s32 @!p0 $0x0, s1;
	[sflag:s0] =	ssyncset.done @!p0 $0x0  }
0x287: {  	[sflag:s0] =	ssyncadd.s32 @!p0 s1  }
0x288: {  	[bflag:$0x3] =	sbarrier.arrive $0xFFFF  }
0x289: {  	_ =	shalt  }

</sc_bundles>
